<compile_context>
chip_gen: v7x
topology: tpu7x:2x2x1
jax: 0.10.2.dev20260603
libtpu: 0.0.44.dev20260713+nightly
codegen_flags: <defaults>
</compile_context>

<pallas_src>
import functools

import jax
import jax.numpy as jnp
from jax import lax
from jax.experimental import pallas as pl
from jax.experimental.pallas import tpu as pltpu
from jax.experimental.pallas import tpu_sc as plsc

T = 512
N = 32
NR = 256
KA = 5
STEP = NR * KA
RING = 4
LN2 = 0.6931471805599453


def _sc_logz(scores_flat):
    info = plsc.get_sparse_core_info()
    nc, ns = info.num_cores, info.num_subcores
    assert nc * ns == N, (nc, ns)
    mesh = plsc.VectorSubcoreMesh(core_axis_name="c", subcore_axis_name="s")

    @functools.partial(
        pl.kernel,
        out_type=jax.ShapeDtypeStruct((N, 16), jnp.float32),
        mesh=mesh,
        compiler_params=pltpu.CompilerParams(needs_layout_passes=False),
        scratch_types=[
            pltpu.VMEM((RING * STEP,), jnp.float32),
            pltpu.VMEM((NR,), jnp.float32),
            pltpu.VMEM((NR,), jnp.float32),
            pltpu.VMEM((16,), jnp.float32),
            pltpu.SemaphoreType.DMA,
            pltpu.SemaphoreType.DMA,
            pltpu.SemaphoreType.DMA,
            pltpu.SemaphoreType.DMA,
        ],
    )
    def body(scores_hbm, out_hbm, buf, aA, aB, ovec, *sems):
        sems = list(sems)
        wid = lax.axis_index("c") * ns + lax.axis_index("s")
        lane = lax.broadcasted_iota(jnp.int32, (16,), 0)

        def step_copy(t, j):
            return pltpu.make_async_copy(
                scores_hbm.at[t, wid],
                buf.at[pl.ds(j * STEP, STEP)],
                sems[j],
            )

        for j in range(RING):
            step_copy(jnp.int32(j), j).start()

        lane4 = lane * 4
        lane20 = lane * 20
        ones = jnp.ones((16,), jnp.float32)
        mvecs = [[lane20 + (5 * r + k) for k in range(KA)] for r in range(4)]
        svecs = [lane4 + r for r in range(4)]

        for g in range(NR // 16):
            aA[pl.ds(g * 16, 16)] = ones

        def one_step(j, E, accs):
            ar = aA if j % 2 == 0 else aB
            aw = aB if j % 2 == 0 else aA
            amov = [[ar[pl.ds(64 * aa + 16 * u, 16)] for u in range(4)]
                    for aa in range(4)]
            out_accs = []
            i = 0
            for r in range(4):
                for u in range(4):
                    bu = buf.at[pl.ds(j * STEP + 320 * u, 320)]
                    acc = jnp.exp(
                        plsc.load_gather(bu, [mvecs[r][0]])) * accs[i]
                    for aa in range(4):
                        ev = jnp.exp(
                            plsc.load_gather(bu, [mvecs[r][aa + 1]]))
                        acc = acc + ev * amov[aa][u]
                    out_accs.append(acc)
                    i += 1
            if j == RING - 1:
                vm = out_accs[0]
                for i in range(1, 16):
                    vm = jnp.maximum(vm, out_accs[i])
                ebits = lax.shift_right_logical(
                    lax.bitcast_convert_type(vm, jnp.int32), 23)
                e = jnp.max(ebits)
                scale = lax.bitcast_convert_type(
                    jnp.broadcast_to(lax.shift_left(254 - e, 23), (16,)),
                    jnp.float32)
                out_accs = [a * scale for a in out_accs]
                E = E + (e - 127)
            i = 0
            for r in range(4):
                for u in range(4):
                    plsc.store_scatter(aw.at[pl.ds(64 * u, 64)],
                                       [svecs[r]], out_accs[i])
                    i += 1
            return E, tuple(out_accs)

        def outer(i, carry):
            E, accs = carry
            for j in range(RING):
                t = i * RING + j
                step_copy(t, j).wait()
                E, accs = one_step(j, E, accs)

                @pl.when(t + RING < T)
                def _(t=t, j=j):
                    step_copy(t + RING, j).start()
            return E, accs

        E, accs = lax.fori_loop(0, T // RING, outer,
                                (jnp.int32(0), tuple([ones] * 16)))

        sv = accs[0]
        for i in range(1, 16):
            sv = sv + accs[i]
        tot = jnp.broadcast_to(jnp.sum(sv), (16,))
        bits = lax.bitcast_convert_type(tot, jnp.int32)
        e2 = lax.shift_right_logical(bits, 23) - 127
        m = lax.bitcast_convert_type(
            jnp.bitwise_or(jnp.bitwise_and(bits, 0x007FFFFF), 0x3F800000),
            jnp.float32)
        big = m > jnp.float32(1.4142135623730951)
        m = jnp.where(big, m * jnp.float32(0.5), m)
        e2 = e2 + jnp.where(big, jnp.int32(1), jnp.int32(0))
        z = (m - 1.0) / (m + 1.0)
        z2 = z * z
        lnm = z * (2.0 + z2 * (2.0 / 3.0 + z2 * (2.0 / 5.0 + z2 * (
            2.0 / 7.0 + z2 * (2.0 / 9.0)))))
        etot = (e2 + jnp.broadcast_to(E, (16,))).astype(jnp.float32)
        ovec[...] = lnm + etot * jnp.float32(LN2)
        out_copy = pltpu.make_async_copy(ovec, out_hbm.at[wid], sems[0])
        out_copy.start()
        out_copy.wait()

    return body(scores_flat)


def kernel(scores, idx):
    del idx
    out = _sc_logz(scores)
    return out[:, 0]

# --- scband reference (transcript-rebuilt; emitter-appended) ---
"""Pipeline reference for scband-model-38508676775941 (READ-ONLY COPY).

The authoritative reference and input builder live on the scoring server;
editing this copy changes nothing except your own understanding.
"""

import jax, jax.numpy as jnp
import numpy as np

N_BASE = 4
STATE_LEN = 4
NUM_ROWS = N_BASE ** STATE_LEN  # 256
N_ALPHA = N_BASE + 1  # 5

def make_idx():
    # Faithful reproduction of CTC_CRF.__init__ self.idx buffer (without batch dim):
    # idx = cat([arange(NR)[:,None], arange(NR).repeat_interleave(n_base).reshape(n_base,-1).T], dim=1)
    col0 = np.arange(NUM_ROWS)[:, None]
    rest = np.repeat(np.arange(NUM_ROWS), N_BASE).reshape(N_BASE, -1).T
    return np.concatenate([col0, rest], axis=1).astype(np.int32)  # (NUM_ROWS, N_BASE+1)

def setup_inputs(seed: int = 0) -> dict:
    key = jax.random.key(seed)
    scores = jax.random.normal(key, (512, 32, NUM_ROWS * N_ALPHA), dtype=jnp.float32)
    idx = jnp.asarray(make_idx())
    return {"scores": scores, "idx": idx}

def reference(scores, idx):
    # CTC_CRF.logZ with Log semiring: sparse CRF forward recursion.
    # Ms[t, n, row, k] is the score of entering state `row` at time t via its k-th
    # predecessor state idx[row, k]; alpha recursion uses gather + logsumexp.
    T, N, C = scores.shape
    Ms = scores.reshape(T, N, NUM_ROWS, N_ALPHA)
    alpha0 = jnp.zeros((N, NUM_ROWS), dtype=scores.dtype)  # S.one = 0 in log space

    def step(alpha, M_t):
        gathered = jnp.take(alpha, idx, axis=1)  # (N, NUM_ROWS, N_BASE+1) sparse gather
        alpha_new = jax.nn.logsumexp(M_t + gathered, axis=-1)
        return alpha_new, None

    alpha_T, _ = jax.lax.scan(step, alpha0, Ms)
    logZ = jax.nn.logsumexp(alpha_T, axis=-1)  # (N,) per-sequence partition function
    return logZ

if __name__ == "__main__":
    import jax
    _d = setup_inputs()
    print(jax.jit(kernel)(*tuple(_d.values())))

</pallas_src>

<mosaic_0001>
#map = affine_map<(d0, d1) -> (0, 0, 0)>
#map1 = affine_map<(d0, d1) -> (0, 0)>
module attributes {stable_mosaic.version = 14 : i64} {
  func.func @body(%arg0: i32, %arg1: i32, %arg2: memref<512x32x1280xf32, #tpu.memory_space<hbm>>, %arg3: memref<32x16xf32, #tpu.memory_space<hbm>>, %arg4: memref<5120xf32, #tpu.memory_space<vmem>>, %arg5: memref<256xf32, #tpu.memory_space<vmem>>, %arg6: memref<256xf32, #tpu.memory_space<vmem>>, %arg7: memref<16xf32, #tpu.memory_space<vmem>>, %arg8: memref<!tpu.dma_semaphore, #tpu.memory_space<semaphore_mem>>, %arg9: memref<!tpu.dma_semaphore, #tpu.memory_space<semaphore_mem>>, %arg10: memref<!tpu.dma_semaphore, #tpu.memory_space<semaphore_mem>>, %arg11: memref<!tpu.dma_semaphore, #tpu.memory_space<semaphore_mem>>) attributes {dimension_semantics = [#tpu.dimension_semantics<core_parallel>, #tpu.dimension_semantics<subcore_parallel>], iteration_bounds = array<i64: 2, 16>, scalar_prefetch = 0 : i64, scratch_operands = 8 : i64, tpu.core_type = #tpu.core_type<sc_vector_subcore>, window_params = [{transform_indices = #map}, {transform_indices = #map1}]} {
    %mul3A = arith.constant 16 : i32
    %mul3A_0 = arith.muli %arg0, %mul3A : i32
    %add3A = arith.addi %mul3A_0, %arg1 : i32
    %iota3A = tpu.iota {dimensions = array<i32: 0>} : vector<16xi32>
    %dma_start3A = arith.constant 0 : i32
    %dma_start3A_1 = arith.constant 0 : i32
    %dma_start3A_2 = tpu.memref_slice %arg4[%dma_start3A_1] : memref<5120xf32, #tpu.memory_space<vmem>> -> memref<1280xf32, #tpu.memory_space<vmem>>
    %dma_start3A_3 = arith.constant 0 : i32
    %dma_start3A_4 = tpu.memref_slice %arg2[%dma_start3A, %add3A, %dma_start3A_3] : memref<512x32x1280xf32, #tpu.memory_space<hbm>> -> memref<1x1x1280xf32, #tpu.memory_space<hbm>>
    %dma_start3A_5 = tpu.memref_squeeze %dma_start3A_4 : memref<1x1x1280xf32, #tpu.memory_space<hbm>> -> memref<1280xf32, #tpu.memory_space<hbm>>
    %dma_start3A_6 = arith.constant 0 : i32
    %dma_start3A_7 = tpu.memref_slice %arg4[%dma_start3A_6] : memref<5120xf32, #tpu.memory_space<vmem>> -> memref<1280xf32, #tpu.memory_space<vmem>>
    %dma_start3A_8 = arith.constant 0 : i32
    %dma_start3A_9 = tpu.memref_slice %arg2[%dma_start3A, %add3A, %dma_start3A_8] : memref<512x32x1280xf32, #tpu.memory_space<hbm>> -> memref<1x1x1280xf32, #tpu.memory_space<hbm>>
    %dma_start3A_10 = tpu.memref_squeeze %dma_start3A_9 : memref<1x1x1280xf32, #tpu.memory_space<hbm>> -> memref<1280xf32, #tpu.memory_space<hbm>>
    tpu.enqueue_dma source(%dma_start3A_10 : memref<1280xf32, #tpu.memory_space<hbm>>) target(%dma_start3A_7 : memref<1280xf32, #tpu.memory_space<vmem>>) target_semaphore(%arg8 : memref<!tpu.dma_semaphore, #tpu.memory_space<semaphore_mem>>)
    %dma_start3A_11 = arith.constant 1 : i32
    %dma_start3A_12 = arith.constant 1280 : i32
    %dma_start3A_13 = tpu.memref_slice %arg4[%dma_start3A_12] : memref<5120xf32, #tpu.memory_space<vmem>> -> memref<1280xf32, #tpu.memory_space<vmem>>
    %dma_start3A_14 = arith.constant 0 : i32
    %dma_start3A_15 = tpu.memref_slice %arg2[%dma_start3A_11, %add3A, %dma_start3A_14] : memref<512x32x1280xf32, #tpu.memory_space<hbm>> -> memref<1x1x1280xf32, #tpu.memory_space<hbm>>
    %dma_start3A_16 = tpu.memref_squeeze %dma_start3A_15 : memref<1x1x1280xf32, #tpu.memory_space<hbm>> -> memref<1280xf32, #tpu.memory_space<hbm>>
    %dma_start3A_17 = arith.constant 1280 : i32
    %dma_start3A_18 = tpu.memref_slice %arg4[%dma_start3A_17] : memref<5120xf32, #tpu.memory_space<vmem>> -> memref<1280xf32, #tpu.memory_space<vmem>>
    %dma_start3A_19 = arith.constant 0 : i32
    %dma_start3A_20 = tpu.memref_slice %arg2[%dma_start3A_11, %add3A, %dma_start3A_19] : memref<512x32x1280xf32, #tpu.memory_space<hbm>> -> memref<1x1x1280xf32, #tpu.memory_space<hbm>>
    %dma_start3A_21 = tpu.memref_squeeze %dma_start3A_20 : memref<1x1x1280xf32, #tpu.memory_space<hbm>> -> memref<1280xf32, #tpu.memory_space<hbm>>
    tpu.enqueue_dma source(%dma_start3A_21 : memref<1280xf32, #tpu.memory_space<hbm>>) target(%dma_start3A_18 : memref<1280xf32, #tpu.memory_space<vmem>>) target_semaphore(%arg9 : memref<!tpu.dma_semaphore, #tpu.memory_space<semaphore_mem>>)
    %dma_start3A_22 = arith.constant 2 : i32
    %dma_start3A_23 = arith.constant 2560 : i32
    %dma_start3A_24 = tpu.memref_slice %arg4[%dma_start3A_23] : memref<5120xf32, #tpu.memory_space<vmem>> -> memref<1280xf32, #tpu.memory_space<vmem>>
    %dma_start3A_25 = arith.constant 0 : i32
    %dma_start3A_26 = tpu.memref_slice %arg2[%dma_start3A_22, %add3A, %dma_start3A_25] : memref<512x32x1280xf32, #tpu.memory_space<hbm>> -> memref<1x1x1280xf32, #tpu.memory_space<hbm>>
    %dma_start3A_27 = tpu.memref_squeeze %dma_start3A_26 : memref<1x1x1280xf32, #tpu.memory_space<hbm>> -> memref<1280xf32, #tpu.memory_space<hbm>>
    %dma_start3A_28 = arith.constant 2560 : i32
    %dma_start3A_29 = tpu.memref_slice %arg4[%dma_start3A_28] : memref<5120xf32, #tpu.memory_space<vmem>> -> memref<1280xf32, #tpu.memory_space<vmem>>
    %dma_start3A_30 = arith.constant 0 : i32
    %dma_start3A_31 = tpu.memref_slice %arg2[%dma_start3A_22, %add3A, %dma_start3A_30] : memref<512x32x1280xf32, #tpu.memory_space<hbm>> -> memref<1x1x1280xf32, #tpu.memory_space<hbm>>
    %dma_start3A_32 = tpu.memref_squeeze %dma_start3A_31 : memref<1x1x1280xf32, #tpu.memory_space<hbm>> -> memref<1280xf32, #tpu.memory_space<hbm>>
    tpu.enqueue_dma source(%dma_start3A_32 : memref<1280xf32, #tpu.memory_space<hbm>>) target(%dma_start3A_29 : memref<1280xf32, #tpu.memory_space<vmem>>) target_semaphore(%arg10 : memref<!tpu.dma_semaphore, #tpu.memory_space<semaphore_mem>>)
    %dma_start3A_33 = arith.constant 3 : i32
    %dma_start3A_34 = arith.constant 3840 : i32
    %dma_start3A_35 = tpu.memref_slice %arg4[%dma_start3A_34] : memref<5120xf32, #tpu.memory_space<vmem>> -> memref<1280xf32, #tpu.memory_space<vmem>>
    %dma_start3A_36 = arith.constant 0 : i32
    %dma_start3A_37 = tpu.memref_slice %arg2[%dma_start3A_33, %add3A, %dma_start3A_36] : memref<512x32x1280xf32, #tpu.memory_space<hbm>> -> memref<1x1x1280xf32, #tpu.memory_space<hbm>>
    %dma_start3A_38 = tpu.memref_squeeze %dma_start3A_37 : memref<1x1x1280xf32, #tpu.memory_space<hbm>> -> memref<1280xf32, #tpu.memory_space<hbm>>
    %dma_start3A_39 = arith.constant 3840 : i32
    %dma_start3A_40 = tpu.memref_slice %arg4[%dma_start3A_39] : memref<5120xf32, #tpu.memory_space<vmem>> -> memref<1280xf32, #tpu.memory_space<vmem>>
    %dma_start3A_41 = arith.constant 0 : i32
    %dma_start3A_42 = tpu.memref_slice %arg2[%dma_start3A_33, %add3A, %dma_start3A_41] : memref<512x32x1280xf32, #tpu.memory_space<hbm>> -> memref<1x1x1280xf32, #tpu.memory_space<hbm>>
    %dma_start3A_43 = tpu.memref_squeeze %dma_start3A_42 : memref<1x1x1280xf32, #tpu.memory_space<hbm>> -> memref<1280xf32, #tpu.memory_space<hbm>>
    tpu.enqueue_dma source(%dma_start3A_43 : memref<1280xf32, #tpu.memory_space<hbm>>) target(%dma_start3A_40 : memref<1280xf32, #tpu.memory_space<vmem>>) target_semaphore(%arg11 : memref<!tpu.dma_semaphore, #tpu.memory_space<semaphore_mem>>)
    %mul3A_44 = arith.constant 4 : i32
    %mul3A_45 = vector.broadcast %mul3A_44 : i32 to vector<16xi32>
    %mul3A_46 = arith.muli %iota3A, %mul3A_45 : vector<16xi32>
    %mul3A_47 = arith.constant 20 : i32
    %mul3A_48 = vector.broadcast %mul3A_47 : i32 to vector<16xi32>
    %mul3A_49 = arith.muli %iota3A, %mul3A_48 : vector<16xi32>
    %broadcast_in_dim3A = arith.constant 1.000000e+00 : f32
    %broadcast_in_dim3A_50 = vector.broadcast %broadcast_in_dim3A : f32 to vector<16xf32>
    %add3A_51 = arith.constant 0 : i32
    %add3A_52 = vector.broadcast %add3A_51 : i32 to vector<16xi32>
    %add3A_53 = arith.addi %mul3A_49, %add3A_52 : vector<16xi32>
    %add3A_54 = arith.constant 1 : i32
    %add3A_55 = vector.broadcast %add3A_54 : i32 to vector<16xi32>
    %add3A_56 = arith.addi %mul3A_49, %add3A_55 : vector<16xi32>
    %add3A_57 = arith.constant 2 : i32
    %add3A_58 = vector.broadcast %add3A_57 : i32 to vector<16xi32>
    %add3A_59 = arith.addi %mul3A_49, %add3A_58 : vector<16xi32>
    %add3A_60 = arith.constant 3 : i32
    %add3A_61 = vector.broadcast %add3A_60 : i32 to vector<16xi32>
    %add3A_62 = arith.addi %mul3A_49, %add3A_61 : vector<16xi32>
    %add3A_63 = arith.constant 4 : i32
    %add3A_64 = vector.broadcast %add3A_63 : i32 to vector<16xi32>
    %add3A_65 = arith.addi %mul3A_49, %add3A_64 : vector<16xi32>
    %add3A_66 = arith.constant 5 : i32
    %add3A_67 = vector.broadcast %add3A_66 : i32 to vector<16xi32>
    %add3A_68 = arith.addi %mul3A_49, %add3A_67 : vector<16xi32>
    %add3A_69 = arith.constant 6 : i32
    %add3A_70 = vector.broadcast %add3A_69 : i32 to vector<16xi32>
    %add3A_71 = arith.addi %mul3A_49, %add3A_70 : vector<16xi32>
    %add3A_72 = arith.constant 7 : i32
    %add3A_73 = vector.broadcast %add3A_72 : i32 to vector<16xi32>
    %add3A_74 = arith.addi %mul3A_49, %add3A_73 : vector<16xi32>
    %add3A_75 = arith.constant 8 : i32
    %add3A_76 = vector.broadcast %add3A_75 : i32 to vector<16xi32>
    %add3A_77 = arith.addi %mul3A_49, %add3A_76 : vector<16xi32>
    %add3A_78 = arith.constant 9 : i32
    %add3A_79 = vector.broadcast %add3A_78 : i32 to vector<16xi32>
    %add3A_80 = arith.addi %mul3A_49, %add3A_79 : vector<16xi32>
    %add3A_81 = arith.constant 10 : i32
    %add3A_82 = vector.broadcast %add3A_81 : i32 to vector<16xi32>
    %add3A_83 = arith.addi %mul3A_49, %add3A_82 : vector<16xi32>
    %add3A_84 = arith.constant 11 : i32
    %add3A_85 = vector.broadcast %add3A_84 : i32 to vector<16xi32>
    %add3A_86 = arith.addi %mul3A_49, %add3A_85 : vector<16xi32>
    %add3A_87 = arith.constant 12 : i32
    %add3A_88 = vector.broadcast %add3A_87 : i32 to vector<16xi32>
    %add3A_89 = arith.addi %mul3A_49, %add3A_88 : vector<16xi32>
    %add3A_90 = arith.constant 13 : i32
    %add3A_91 = vector.broadcast %add3A_90 : i32 to vector<16xi32>
    %add3A_92 = arith.addi %mul3A_49, %add3A_91 : vector<16xi32>
    %add3A_93 = arith.constant 14 : i32
    %add3A_94 = vector.broadcast %add3A_93 : i32 to vector<16xi32>
    %add3A_95 = arith.addi %mul3A_49, %add3A_94 : vector<16xi32>
    %add3A_96 = arith.constant 15 : i32
    %add3A_97 = vector.broadcast %add3A_96 : i32 to vector<16xi32>
    %add3A_98 = arith.addi %mul3A_49, %add3A_97 : vector<16xi32>
    %add3A_99 = arith.constant 16 : i32
    %add3A_100 = vector.broadcast %add3A_99 : i32 to vector<16xi32>
    %add3A_101 = arith.addi %mul3A_49, %add3A_100 : vector<16xi32>
    %add3A_102 = arith.constant 17 : i32
    %add3A_103 = vector.broadcast %add3A_102 : i32 to vector<16xi32>
    %add3A_104 = arith.addi %mul3A_49, %add3A_103 : vector<16xi32>
    %add3A_105 = arith.constant 18 : i32
    %add3A_106 = vector.broadcast %add3A_105 : i32 to vector<16xi32>
    %add3A_107 = arith.addi %mul3A_49, %add3A_106 : vector<16xi32>
    %add3A_108 = arith.constant 19 : i32
    %add3A_109 = vector.broadcast %add3A_108 : i32 to vector<16xi32>
    %add3A_110 = arith.addi %mul3A_49, %add3A_109 : vector<16xi32>
    %add3A_111 = arith.constant 0 : i32
    %add3A_112 = vector.broadcast %add3A_111 : i32 to vector<16xi32>
    %add3A_113 = arith.addi %mul3A_46, %add3A_112 : vector<16xi32>
    %add3A_114 = arith.constant 1 : i32
    %add3A_115 = vector.broadcast %add3A_114 : i32 to vector<16xi32>
    %add3A_116 = arith.addi %mul3A_46, %add3A_115 : vector<16xi32>
    %add3A_117 = arith.constant 2 : i32
    %add3A_118 = vector.broadcast %add3A_117 : i32 to vector<16xi32>
    %add3A_119 = arith.addi %mul3A_46, %add3A_118 : vector<16xi32>
    %add3A_120 = arith.constant 3 : i32
    %add3A_121 = vector.broadcast %add3A_120 : i32 to vector<16xi32>
    %add3A_122 = arith.addi %mul3A_46, %add3A_121 : vector<16xi32>
    %swap3A = arith.constant 0 : index
    %swap3A_123 = tpu.vector_load %arg5[%swap3A] {strides = array<i32>} : memref<256xf32, #tpu.memory_space<vmem>>, vector<16xf32>,
    tpu.vector_store %arg5[%swap3A], %broadcast_in_dim3A_50 {strides = array<i32>} : memref<256xf32, #tpu.memory_space<vmem>>, vector<16xf32>,
    %swap3A_124 = arith.constant 16 : index
    %swap3A_125 = tpu.vector_load %arg5[%swap3A_124] {strides = array<i32>} : memref<256xf32, #tpu.memory_space<vmem>>, vector<16xf32>,
    tpu.vector_store %arg5[%swap3A_124], %broadcast_in_dim3A_50 {strides = array<i32>} : memref<256xf32, #tpu.memory_space<vmem>>, vector<16xf32>,
    %swap3A_126 = arith.constant 32 : index
    %swap3A_127 = tpu.vector_load %arg5[%swap3A_126] {strides = array<i32>} : memref<256xf32, #tpu.memory_space<vmem>>, vector<16xf32>,
    tpu.vector_store %arg5[%swap3A_126], %broadcast_in_dim3A_50 {strides = array<i32>} : memref<256xf32, #tpu.memory_space<vmem>>, vector<16xf32>,
    %swap3A_128 = arith.constant 48 : index
    %swap3A_129 = tpu.vector_load %arg5[%swap3A_128] {strides = array<i32>} : memref<256xf32, #tpu.memory_space<vmem>>, vector<16xf32>,
    tpu.vector_store %arg5[%swap3A_128], %broadcast_in_dim3A_50 {strides = array<i32>} : memref<256xf32, #tpu.memory_space<vmem>>, vector<16xf32>,
    %swap3A_130 = arith.constant 64 : index
    %swap3A_131 = tpu.vector_load %arg5[%swap3A_130] {strides = array<i32>} : memref<256xf32, #tpu.memory_space<vmem>>, vector<16xf32>,
    tpu.vector_store %arg5[%swap3A_130], %broadcast_in_dim3A_50 {strides = array<i32>} : memref<256xf32, #tpu.memory_space<vmem>>, vector<16xf32>,
    %swap3A_132 = arith.constant 80 : index
    %swap3A_133 = tpu.vector_load %arg5[%swap3A_132] {strides = array<i32>} : memref<256xf32, #tpu.memory_space<vmem>>, vector<16xf32>,
    tpu.vector_store %arg5[%swap3A_132], %broadcast_in_dim3A_50 {strides = array<i32>} : memref<256xf32, #tpu.memory_space<vmem>>, vector<16xf32>,
    %swap3A_134 = arith.constant 96 : index
    %swap3A_135 = tpu.vector_load %arg5[%swap3A_134] {strides = array<i32>} : memref<256xf32, #tpu.memory_space<vmem>>, vector<16xf32>,
    tpu.vector_store %arg5[%swap3A_134], %broadcast_in_dim3A_50 {strides = array<i32>} : memref<256xf32, #tpu.memory_space<vmem>>, vector<16xf32>,
    %swap3A_136 = arith.constant 112 : index
    %swap3A_137 = tpu.vector_load %arg5[%swap3A_136] {strides = array<i32>} : memref<256xf32, #tpu.memory_space<vmem>>, vector<16xf32>,
    tpu.vector_store %arg5[%swap3A_136], %broadcast_in_dim3A_50 {strides = array<i32>} : memref<256xf32, #tpu.memory_space<vmem>>, vector<16xf32>,
    %swap3A_138 = arith.constant 128 : index
    %swap3A_139 = tpu.vector_load %arg5[%swap3A_138] {strides = array<i32>} : memref<256xf32, #tpu.memory_space<vmem>>, vector<16xf32>,
    tpu.vector_store %arg5[%swap3A_138], %broadcast_in_dim3A_50 {strides = array<i32>} : memref<256xf32, #tpu.memory_space<vmem>>, vector<16xf32>,
    %swap3A_140 = arith.constant 144 : index
    %swap3A_141 = tpu.vector_load %arg5[%swap3A_140] {strides = array<i32>} : memref<256xf32, #tpu.memory_space<vmem>>, vector<16xf32>,
    tpu.vector_store %arg5[%swap3A_140], %broadcast_in_dim3A_50 {strides = array<i32>} : memref<256xf32, #tpu.memory_space<vmem>>, vector<16xf32>,
    %swap3A_142 = arith.constant 160 : index
    %swap3A_143 = tpu.vector_load %arg5[%swap3A_142] {strides = array<i32>} : memref<256xf32, #tpu.memory_space<vmem>>, vector<16xf32>,
    tpu.vector_store %arg5[%swap3A_142], %broadcast_in_dim3A_50 {strides = array<i32>} : memref<256xf32, #tpu.memory_space<vmem>>, vector<16xf32>,
    %swap3A_144 = arith.constant 176 : index
    %swap3A_145 = tpu.vector_load %arg5[%swap3A_144] {strides = array<i32>} : memref<256xf32, #tpu.memory_space<vmem>>, vector<16xf32>,
    tpu.vector_store %arg5[%swap3A_144], %broadcast_in_dim3A_50 {strides = array<i32>} : memref<256xf32, #tpu.memory_space<vmem>>, vector<16xf32>,
    %swap3A_146 = arith.constant 192 : index
    %swap3A_147 = tpu.vector_load %arg5[%swap3A_146] {strides = array<i32>} : memref<256xf32, #tpu.memory_space<vmem>>, vector<16xf32>,
    tpu.vector_store %arg5[%swap3A_146], %broadcast_in_dim3A_50 {strides = array<i32>} : memref<256xf32, #tpu.memory_space<vmem>>, vector<16xf32>,
    %swap3A_148 = arith.constant 208 : index
    %swap3A_149 = tpu.vector_load %arg5[%swap3A_148] {strides = array<i32>} : memref<256xf32, #tpu.memory_space<vmem>>, vector<16xf32>,
    tpu.vector_store %arg5[%swap3A_148], %broadcast_in_dim3A_50 {strides = array<i32>} : memref<256xf32, #tpu.memory_space<vmem>>, vector<16xf32>,
    %swap3A_150 = arith.constant 224 : index
    %swap3A_151 = tpu.vector_load %arg5[%swap3A_150] {strides = array<i32>} : memref<256xf32, #tpu.memory_space<vmem>>, vector<16xf32>,
    tpu.vector_store %arg5[%swap3A_150], %broadcast_in_dim3A_50 {strides = array<i32>} : memref<256xf32, #tpu.memory_space<vmem>>, vector<16xf32>,
    %swap3A_152 = arith.constant 240 : index
    %swap3A_153 = tpu.vector_load %arg5[%swap3A_152] {strides = array<i32>} : memref<256xf32, #tpu.memory_space<vmem>>, vector<16xf32>,
    tpu.vector_store %arg5[%swap3A_152], %broadcast_in_dim3A_50 {strides = array<i32>} : memref<256xf32, #tpu.memory_space<vmem>>, vector<16xf32>,
    %scan3A = arith.constant 0 : i32
    %scan3A_154 = arith.constant 0 : i32
    %scan3A_155 = arith.constant 128 : i32
    %scan3A_156 = arith.addi %scan3A_154, %scan3A_155 : i32
    %scan3A_157 = arith.constant 1 : i32
    %scan3A_158:17 = scf.for %scan3A_243 = %scan3A_154 to %scan3A_156 step %scan3A_157 iter_args(%scan3A_244 = %scan3A, %scan3A_245 = %broadcast_in_dim3A_50, %scan3A_246 = %broadcast_in_dim3A_50, %scan3A_247 = %broadcast_in_dim3A_50, %scan3A_248 = %broadcast_in_dim3A_50, %scan3A_249 = %broadcast_in_dim3A_50, %scan3A_250 = %broadcast_in_dim3A_50, %scan3A_251 = %broadcast_in_dim3A_50, %scan3A_252 = %broadcast_in_dim3A_50, %scan3A_253 = %broadcast_in_dim3A_50, %scan3A_254 = %broadcast_in_dim3A_50, %scan3A_255 = %broadcast_in_dim3A_50, %scan3A_256 = %broadcast_in_dim3A_50, %scan3A_257 = %broadcast_in_dim3A_50, %scan3A_258 = %broadcast_in_dim3A_50, %scan3A_259 = %broadcast_in_dim3A_50, %scan3A_260 = %broadcast_in_dim3A_50) -> (i32, vector<16xf32>, vector<16xf32>, vector<16xf32>, vector<16xf32>, vector<16xf32>, vector<16xf32>, vector<16xf32>, vector<16xf32>, vector<16xf32>, vector<16xf32>, vector<16xf32>, vector<16xf32>, vector<16xf32>, vector<16xf32>, vector<16xf32>, vector<16xf32>)  : i32 {
      %mul3A_261 = arith.constant 4 : i32
      %mul3A_262 = arith.muli %scan3A_243, %mul3A_261 : i32
      %add3A_263 = arith.constant 0 : i32
      %add3A_264 = arith.addi %mul3A_262, %add3A_263 : i32
      %dma_wait3A_265 = arith.constant 0 : i32
      %dma_wait3A_266 = tpu.memref_slice %arg4[%dma_wait3A_265] : memref<5120xf32, #tpu.memory_space<vmem>> -> memref<1280xf32, #tpu.memory_space<vmem>>
      %dma_wait3A_267 = arith.constant 0 : i32
      %dma_wait3A_268 = tpu.memref_slice %arg2[%add3A_264, %add3A, %dma_wait3A_267] : memref<512x32x1280xf32, #tpu.memory_space<hbm>> -> memref<1x1x1280xf32, #tpu.memory_space<hbm>>
      %dma_wait3A_269 = tpu.memref_squeeze %dma_wait3A_268 : memref<1x1x1280xf32, #tpu.memory_space<hbm>> -> memref<1280xf32, #tpu.memory_space<hbm>>
      %dma_wait3A_270 = arith.constant 0 : i32
      %dma_wait3A_271 = tpu.memref_slice %arg4[%dma_wait3A_270] : memref<5120xf32, #tpu.memory_space<vmem>> -> memref<1280xf32, #tpu.memory_space<vmem>>
      %dma_wait3A_272 = arith.constant 0 : i32
      %dma_wait3A_273 = tpu.memref_slice %arg2[%add3A_264, %add3A, %dma_wait3A_272] : memref<512x32x1280xf32, #tpu.memory_space<hbm>> -> memref<1x1x1280xf32, #tpu.memory_space<hbm>>
      %dma_wait3A_274 = tpu.memref_squeeze %dma_wait3A_273 : memref<1x1x1280xf32, #tpu.memory_space<hbm>> -> memref<1280xf32, #tpu.memory_space<hbm>>
      tpu.wait_dma2 semaphore(%arg8 : memref<!tpu.dma_semaphore, #tpu.memory_space<semaphore_mem>>) src(%dma_wait3A_274 : memref<1280xf32, #tpu.memory_space<hbm>>) dst(%dma_wait3A_271 : memref<1280xf32, #tpu.memory_space<vmem>>)
      %get3A = arith.constant 0 : index
      %get3A_275 = tpu.vector_load %arg5[%get3A] {strides = array<i32>} : memref<256xf32, #tpu.memory_space<vmem>>, vector<16xf32>,
      %get3A_276 = arith.constant 16 : index
      %get3A_277 = tpu.vector_load %arg5[%get3A_276] {strides = array<i32>} : memref<256xf32, #tpu.memory_space<vmem>>, vector<16xf32>,
      %get3A_278 = arith.constant 32 : index
      %get3A_279 = tpu.vector_load %arg5[%get3A_278] {strides = array<i32>} : memref<256xf32, #tpu.memory_space<vmem>>, vector<16xf32>,
      %get3A_280 = arith.constant 48 : index
      %get3A_281 = tpu.vector_load %arg5[%get3A_280] {strides = array<i32>} : memref<256xf32, #tpu.memory_space<vmem>>, vector<16xf32>,
      %get3A_282 = arith.constant 64 : index
      %get3A_283 = tpu.vector_load %arg5[%get3A_282] {strides = array<i32>} : memref<256xf32, #tpu.memory_space<vmem>>, vector<16xf32>,
      %get3A_284 = arith.constant 80 : index
      %get3A_285 = tpu.vector_load %arg5[%get3A_284] {strides = array<i32>} : memref<256xf32, #tpu.memory_space<vmem>>, vector<16xf32>,
      %get3A_286 = arith.constant 96 : index
      %get3A_287 = tpu.vector_load %arg5[%get3A_286] {strides = array<i32>} : memref<256xf32, #tpu.memory_space<vmem>>, vector<16xf32>,
      %get3A_288 = arith.constant 112 : index
      %get3A_289 = tpu.vector_load %arg5[%get3A_288] {strides = array<i32>} : memref<256xf32, #tpu.memory_space<vmem>>, vector<16xf32>,
      %get3A_290 = arith.constant 128 : index
      %get3A_291 = tpu.vector_load %arg5[%get3A_290] {strides = array<i32>} : memref<256xf32, #tpu.memory_space<vmem>>, vector<16xf32>,
      %get3A_292 = arith.constant 144 : index
      %get3A_293 = tpu.vector_load %arg5[%get3A_292] {strides = array<i32>} : memref<256xf32, #tpu.memory_space<vmem>>, vector<16xf32>,
      %get3A_294 = arith.constant 160 : index
      %get3A_295 = tpu.vector_load %arg5[%get3A_294] {strides = array<i32>} : memref<256xf32, #tpu.memory_space<vmem>>, vector<16xf32>,
      %get3A_296 = arith.constant 176 : index
      %get3A_297 = tpu.vector_load %arg5[%get3A_296] {strides = array<i32>} : memref<256xf32, #tpu.memory_space<vmem>>, vector<16xf32>,
      %get3A_298 = arith.constant 192 : index
      %get3A_299 = tpu.vector_load %arg5[%get3A_298] {strides = array<i32>} : memref<256xf32, #tpu.memory_space<vmem>>, vector<16xf32>,
      %get3A_300 = arith.constant 208 : index
      %get3A_301 = tpu.vector_load %arg5[%get3A_300] {strides = array<i32>} : memref<256xf32, #tpu.memory_space<vmem>>, vector<16xf32>,
      %get3A_302 = arith.constant 224 : index
      %get3A_303 = tpu.vector_load %arg5[%get3A_302] {strides = array<i32>} : memref<256xf32, #tpu.memory_space<vmem>>, vector<16xf32>,
      %get3A_304 = arith.constant 240 : index
      %get3A_305 = tpu.vector_load %arg5[%get3A_304] {strides = array<i32>} : memref<256xf32, #tpu.memory_space<vmem>>, vector<16xf32>,
      %gather3A = arith.constant 0 : i32
      %gather3A_306 = tpu.memref_slice %arg4[%gather3A] : memref<5120xf32, #tpu.memory_space<vmem>> -> memref<320xf32, #tpu.memory_space<vmem>>
      %gather3A_307 = tpu.vector_load_idx %gather3A_306[%add3A_53] : memref<320xf32, #tpu.memory_space<vmem>>[vector<16xi32>], vector<16xf32>,
      %exp3A = math.exp %gather3A_307 : vector<16xf32>
      %mul3A_308 = arith.mulf %exp3A, %scan3A_245 : vector<16xf32>
      %gather3A_309 = arith.constant 0 : i32
      %gather3A_310 = tpu.memref_slice %arg4[%gather3A_309] : memref<5120xf32, #tpu.memory_space<vmem>> -> memref<320xf32, #tpu.memory_space<vmem>>
      %gather3A_311 = tpu.vector_load_idx %gather3A_310[%add3A_56] : memref<320xf32, #tpu.memory_space<vmem>>[vector<16xi32>], vector<16xf32>,
      %exp3A_312 = math.exp %gather3A_311 : vector<16xf32>
      %mul3A_313 = arith.mulf %exp3A_312, %get3A_275 : vector<16xf32>
      %add3A_314 = arith.addf %mul3A_308, %mul3A_313 : vector<16xf32>
      %gather3A_315 = arith.constant 0 : i32
      %gather3A_316 = tpu.memref_slice %arg4[%gather3A_315] : memref<5120xf32, #tpu.memory_space<vmem>> -> memref<320xf32, #tpu.memory_space<vmem>>
      %gather3A_317 = tpu.vector_load_idx %gather3A_316[%add3A_59] : memref<320xf32, #tpu.memory_space<vmem>>[vector<16xi32>], vector<16xf32>,
      %exp3A_318 = math.exp %gather3A_317 : vector<16xf32>
      %mul3A_319 = arith.mulf %exp3A_318, %get3A_283 : vector<16xf32>
      %add3A_320 = arith.addf %add3A_314, %mul3A_319 : vector<16xf32>
      %gather3A_321 = arith.constant 0 : i32
      %gather3A_322 = tpu.memref_slice %arg4[%gather3A_321] : memref<5120xf32, #tpu.memory_space<vmem>> -> memref<320xf32, #tpu.memory_space<vmem>>
      %gather3A_323 = tpu.vector_load_idx %gather3A_322[%add3A_62] : memref<320xf32, #tpu.memory_space<vmem>>[vector<16xi32>], vector<16xf32>,
      %exp3A_324 = math.exp %gather3A_323 : vector<16xf32>
      %mul3A_325 = arith.mulf %exp3A_324, %get3A_291 : vector<16xf32>
      %add3A_326 = arith.addf %add3A_320, %mul3A_325 : vector<16xf32>
      %gather3A_327 = arith.constant 0 : i32
      %gather3A_328 = tpu.memref_slice %arg4[%gather3A_327] : memref<5120xf32, #tpu.memory_space<vmem>> -> memref<320xf32, #tpu.memory_space<vmem>>
      %gather3A_329 = tpu.vector_load_idx %gather3A_328[%add3A_65] : memref<320xf32, #tpu.memory_space<vmem>>[vector<16xi32>], vector<16xf32>,
      %exp3A_330 = math.exp %gather3A_329 : vector<16xf32>
      %mul3A_331 = arith.mulf %exp3A_330, %get3A_299 : vector<16xf32>
      %add3A_332 = arith.addf %add3A_326, %mul3A_331 : vector<16xf32>
      %gather3A_333 = arith.constant 320 : i32
      %gather3A_334 = tpu.memref_slice %arg4[%gather3A_333] : memref<5120xf32, #tpu.memory_space<vmem>> -> memref<320xf32, #tpu.memory_space<vmem>>
      %gather3A_335 = tpu.vector_load_idx %gather3A_334[%add3A_53] : memref<320xf32, #tpu.memory_space<vmem>>[vector<16xi32>], vector<16xf32>,
      %exp3A_336 = math.exp %gather3A_335 : vector<16xf32>
      %mul3A_337 = arith.mulf %exp3A_336, %scan3A_246 : vector<16xf32>
      %gather3A_338 = arith.constant 320 : i32
      %gather3A_339 = tpu.memref_slice %arg4[%gather3A_338] : memref<5120xf32, #tpu.memory_space<vmem>> -> memref<320xf32, #tpu.memory_space<vmem>>
      %gather3A_340 = tpu.vector_load_idx %gather3A_339[%add3A_56] : memref<320xf32, #tpu.memory_space<vmem>>[vector<16xi32>], vector<16xf32>,
      %exp3A_341 = math.exp %gather3A_340 : vector<16xf32>
      %mul3A_342 = arith.mulf %exp3A_341, %get3A_277 : vector<16xf32>
      %add3A_343 = arith.addf %mul3A_337, %mul3A_342 : vector<16xf32>
      %gather3A_344 = arith.constant 320 : i32
      %gather3A_345 = tpu.memref_slice %arg4[%gather3A_344] : memref<5120xf32, #tpu.memory_space<vmem>> -> memref<320xf32, #tpu.memory_space<vmem>>
      %gather3A_346 = tpu.vector_load_idx %gather3A_345[%add3A_59] : memref<320xf32, #tpu.memory_space<vmem>>[vector<16xi32>], vector<16xf32>,
      %exp3A_347 = math.exp %gather3A_346 : vector<16xf32>
      %mul3A_348 = arith.mulf %exp3A_347, %get3A_285 : vector<16xf32>
      %add3A_349 = arith.addf %add3A_343, %mul3A_348 : vector<16xf32>
      %gather3A_350 = arith.constant 320 : i32
      %gather3A_351 = tpu.memref_slice %arg4[%gather3A_350] : memref<5120xf32, #tpu.memory_space<vmem>> -> memref<320xf32, #tpu.memory_space<vmem>>
      %gather3A_352 = tpu.vector_load_idx %gather3A_351[%add3A_62] : memref<320xf32, #tpu.memory_space<vmem>>[vector<16xi32>], vector<16xf32>,
      %exp3A_353 = math.exp %gather3A_352 : vector<16xf32>
      %mul3A_354 = arith.mulf %exp3A_353, %get3A_293 : vector<16xf32>
      %add3A_355 = arith.addf %add3A_349, %mul3A_354 : vector<16xf32>
      %gather3A_356 = arith.constant 320 : i32
      %gather3A_357 = tpu.memref_slice %arg4[%gather3A_356] : memref<5120xf32, #tpu.memory_space<vmem>> -> memref<320xf32, #tpu.memory_space<vmem>>
      %gather3A_358 = tpu.vector_load_idx %gather3A_357[%add3A_65] : memref<320xf32, #tpu.memory_space<vmem>>[vector<16xi32>], vector<16xf32>,
      %exp3A_359 = math.exp %gather3A_358 : vector<16xf32>
      %mul3A_360 = arith.mulf %exp3A_359, %get3A_301 : vector<16xf32>
      %add3A_361 = arith.addf %add3A_355, %mul3A_360 : vector<16xf32>
      %gather3A_362 = arith.constant 640 : i32
      %gather3A_363 = tpu.memref_slice %arg4[%gather3A_362] : memref<5120xf32, #tpu.memory_space<vmem>> -> memref<320xf32, #tpu.memory_space<vmem>>
      %gather3A_364 = tpu.vector_load_idx %gather3A_363[%add3A_53] : memref<320xf32, #tpu.memory_space<vmem>>[vector<16xi32>], vector<16xf32>,
      %exp3A_365 = math.exp %gather3A_364 : vector<16xf32>
      %mul3A_366 = arith.mulf %exp3A_365, %scan3A_247 : vector<16xf32>
      %gather3A_367 = arith.constant 640 : i32
      %gather3A_368 = tpu.memref_slice %arg4[%gather3A_367] : memref<5120xf32, #tpu.memory_space<vmem>> -> memref<320xf32, #tpu.memory_space<vmem>>
      %gather3A_369 = tpu.vector_load_idx %gather3A_368[%add3A_56] : memref<320xf32, #tpu.memory_space<vmem>>[vector<16xi32>], vector<16xf32>,
      %exp3A_370 = math.exp %gather3A_369 : vector<16xf32>
      %mul3A_371 = arith.mulf %exp3A_370, %get3A_279 : vector<16xf32>
      %add3A_372 = arith.addf %mul3A_366, %mul3A_371 : vector<16xf32>
      %gather3A_373 = arith.constant 640 : i32
      %gather3A_374 = tpu.memref_slice %arg4[%gather3A_373] : memref<5120xf32, #tpu.memory_space<vmem>> -> memref<320xf32, #tpu.memory_space<vmem>>
      %gather3A_375 = tpu.vector_load_idx %gather3A_374[%add3A_59] : memref<320xf32, #tpu.memory_space<vmem>>[vector<16xi32>], vector<16xf32>,
      %exp3A_376 = math.exp %gather3A_375 : vector<16xf32>
      %mul3A_377 = arith.mulf %exp3A_376, %get3A_287 : vector<16xf32>
      %add3A_378 = arith.addf %add3A_372, %mul3A_377 : vector<16xf32>
      %gather3A_379 = arith.constant 640 : i32
      %gather3A_380 = tpu.memref_slice %arg4[%gather3A_379] : memref<5120xf32, #tpu.memory_space<vmem>> -> memref<320xf32, #tpu.memory_space<vmem>>
      %gather3A_381 = tpu.vector_load_idx %gather3A_380[%add3A_62] : memref<320xf32, #tpu.memory_space<vmem>>[vector<16xi32>], vector<16xf32>,
      %exp3A_382 = math.exp %gather3A_381 : vector<16xf32>
      %mul3A_383 = arith.mulf %exp3A_382, %get3A_295 : vector<16xf32>
      %add3A_384 = arith.addf %add3A_378, %mul3A_383 : vector<16xf32>
      %gather3A_385 = arith.constant 640 : i32
      %gather3A_386 = tpu.memref_slice %arg4[%gather3A_385] : memref<5120xf32, #tpu.memory_space<vmem>> -> memref<320xf32, #tpu.memory_space<vmem>>
      %gather3A_387 = tpu.vector_load_idx %gather3A_386[%add3A_65] : memref<320xf32, #tpu.memory_space<vmem>>[vector<16xi32>], vector<16xf32>,
      %exp3A_388 = math.exp %gather3A_387 : vector<16xf32>
      %mul3A_389 = arith.mulf %exp3A_388, %get3A_303 : vector<16xf32>
      %add3A_390 = arith.addf %add3A_384, %mul3A_389 : vector<16xf32>
      %gather3A_391 = arith.constant 960 : i32
      %gather3A_392 = tpu.memref_slice %arg4[%gather3A_391] : memref<5120xf32, #tpu.memory_space<vmem>> -> memref<320xf32, #tpu.memory_space<vmem>>
      %gather3A_393 = tpu.vector_load_idx %gather3A_392[%add3A_53] : memref<320xf32, #tpu.memory_space<vmem>>[vector<16xi32>], vector<16xf32>,
      %exp3A_394 = math.exp %gather3A_393 : vector<16xf32>
      %mul3A_395 = arith.mulf %exp3A_394, %scan3A_248 : vector<16xf32>
      %gather3A_396 = arith.constant 960 : i32
      %gather3A_397 = tpu.memref_slice %arg4[%gather3A_396] : memref<5120xf32, #tpu.memory_space<vmem>> -> memref<320xf32, #tpu.memory_space<vmem>>
      %gather3A_398 = tpu.vector_load_idx %gather3A_397[%add3A_56] : memref<320xf32, #tpu.memory_space<vmem>>[vector<16xi32>], vector<16xf32>,
      %exp3A_399 = math.exp %gather3A_398 : vector<16xf32>
      %mul3A_400 = arith.mulf %exp3A_399, %get3A_281 : vector<16xf32>
      %add3A_401 = arith.addf %mul3A_395, %mul3A_400 : vector<16xf32>
      %gather3A_402 = arith.constant 960 : i32
      %gather3A_403 = tpu.memref_slice %arg4[%gather3A_402] : memref<5120xf32, #tpu.memory_space<vmem>> -> memref<320xf32, #tpu.memory_space<vmem>>
      %gather3A_404 = tpu.vector_load_idx %gather3A_403[%add3A_59] : memref<320xf32, #tpu.memory_space<vmem>>[vector<16xi32>], vector<16xf32>,
      %exp3A_405 = math.exp %gather3A_404 : vector<16xf32>
      %mul3A_406 = arith.mulf %exp3A_405, %get3A_289 : vector<16xf32>
      %add3A_407 = arith.addf %add3A_401, %mul3A_406 : vector<16xf32>
      %gather3A_408 = arith.constant 960 : i32
      %gather3A_409 = tpu.memref_slice %arg4[%gather3A_408] : memref<5120xf32, #tpu.memory_space<vmem>> -> memref<320xf32, #tpu.memory_space<vmem>>
      %gather3A_410 = tpu.vector_load_idx %gather3A_409[%add3A_62] : memref<320xf32, #tpu.memory_space<vmem>>[vector<16xi32>], vector<16xf32>,
      %exp3A_411 = math.exp %gather3A_410 : vector<16xf32>
      %mul3A_412 = arith.mulf %exp3A_411, %get3A_297 : vector<16xf32>
      %add3A_413 = arith.addf %add3A_407, %mul3A_412 : vector<16xf32>
      %gather3A_414 = arith.constant 960 : i32
      %gather3A_415 = tpu.memref_slice %arg4[%gather3A_414] : memref<5120xf32, #tpu.memory_space<vmem>> -> memref<320xf32, #tpu.memory_space<vmem>>
      %gather3A_416 = tpu.vector_load_idx %gather3A_415[%add3A_65] : memref<320xf32, #tpu.memory_space<vmem>>[vector<16xi32>], vector<16xf32>,
      %exp3A_417 = math.exp %gather3A_416 : vector<16xf32>
      %mul3A_418 = arith.mulf %exp3A_417, %get3A_305 : vector<16xf32>
      %add3A_419 = arith.addf %add3A_413, %mul3A_418 : vector<16xf32>
      %gather3A_420 = arith.constant 0 : i32
      %gather3A_421 = tpu.memref_slice %arg4[%gather3A_420] : memref<5120xf32, #tpu.memory_space<vmem>> -> memref<320xf32, #tpu.memory_space<vmem>>
      %gather3A_422 = tpu.vector_load_idx %gather3A_421[%add3A_68] : memref<320xf32, #tpu.memory_space<vmem>>[vector<16xi32>], vector<16xf32>,
      %exp3A_423 = math.exp %gather3A_422 : vector<16xf32>
      %mul3A_424 = arith.mulf %exp3A_423, %scan3A_249 : vector<16xf32>
      %gather3A_425 = arith.constant 0 : i32
      %gather3A_426 = tpu.memref_slice %arg4[%gather3A_425] : memref<5120xf32, #tpu.memory_space<vmem>> -> memref<320xf32, #tpu.memory_space<vmem>>
      %gather3A_427 = tpu.vector_load_idx %gather3A_426[%add3A_71] : memref<320xf32, #tpu.memory_space<vmem>>[vector<16xi32>], vector<16xf32>,
      %exp3A_428 = math.exp %gather3A_427 : vector<16xf32>
      %mul3A_429 = arith.mulf %exp3A_428, %get3A_275 : vector<16xf32>
      %add3A_430 = arith.addf %mul3A_424, %mul3A_429 : vector<16xf32>
      %gather3A_431 = arith.constant 0 : i32
      %gather3A_432 = tpu.memref_slice %arg4[%gather3A_431] : memref<5120xf32, #tpu.memory_space<vmem>> -> memref<320xf32, #tpu.memory_space<vmem>>
      %gather3A_433 = tpu.vector_load_idx %gather3A_432[%add3A_74] : memref<320xf32, #tpu.memory_space<vmem>>[vector<16xi32>], vector<16xf32>,
      %exp3A_434 = math.exp %gather3A_433 : vector<16xf32>
      %mul3A_435 = arith.mulf %exp3A_434, %get3A_283 : vector<16xf32>
      %add3A_436 = arith.addf %add3A_430, %mul3A_435 : vector<16xf32>
      %gather3A_437 = arith.constant 0 : i32
      %gather3A_438 = tpu.memref_slice %arg4[%gather3A_437] : memref<5120xf32, #tpu.memory_space<vmem>> -> memref<320xf32, #tpu.memory_space<vmem>>
      %gather3A_439 = tpu.vector_load_idx %gather3A_438[%add3A_77] : memref<320xf32, #tpu.memory_space<vmem>>[vector<16xi32>], vector<16xf32>,
      %exp3A_440 = math.exp %gather3A_439 : vector<16xf32>
      %mul3A_441 = arith.mulf %exp3A_440, %get3A_291 : vector<16xf32>
      %add3A_442 = arith.addf %add3A_436, %mul3A_441 : vector<16xf32>
      %gather3A_443 = arith.constant 0 : i32
      %gather3A_444 = tpu.memref_slice %arg4[%gather3A_443] : memref<5120xf32, #tpu.memory_space<vmem>> -> memref<320xf32, #tpu.memory_space<vmem>>
      %gather3A_445 = tpu.vector_load_idx %gather3A_444[%add3A_80] : memref<320xf32, #tpu.memory_space<vmem>>[vector<16xi32>], vector<16xf32>,
      %exp3A_446 = math.exp %gather3A_445 : vector<16xf32>
      %mul3A_447 = arith.mulf %exp3A_446, %get3A_299 : vector<16xf32>
      %add3A_448 = arith.addf %add3A_442, %mul3A_447 : vector<16xf32>
      %gather3A_449 = arith.constant 320 : i32
      %gather3A_450 = tpu.memref_slice %arg4[%gather3A_449] : memref<5120xf32, #tpu.memory_space<vmem>> -> memref<320xf32, #tpu.memory_space<vmem>>
      %gather3A_451 = tpu.vector_load_idx %gather3A_450[%add3A_68] : memref<320xf32, #tpu.memory_space<vmem>>[vector<16xi32>], vector<16xf32>,
      %exp3A_452 = math.exp %gather3A_451 : vector<16xf32>
      %mul3A_453 = arith.mulf %exp3A_452, %scan3A_250 : vector<16xf32>
      %gather3A_454 = arith.constant 320 : i32
      %gather3A_455 = tpu.memref_slice %arg4[%gather3A_454] : memref<5120xf32, #tpu.memory_space<vmem>> -> memref<320xf32, #tpu.memory_space<vmem>>
      %gather3A_456 = tpu.vector_load_idx %gather3A_455[%add3A_71] : memref<320xf32, #tpu.memory_space<vmem>>[vector<16xi32>], vector<16xf32>,
      %exp3A_457 = math.exp %gather3A_456 : vector<16xf32>
      %mul3A_458 = arith.mulf %exp3A_457, %get3A_277 : vector<16xf32>
      %add3A_459 = arith.addf %mul3A_453, %mul3A_458 : vector<16xf32>
      %gather3A_460 = arith.constant 320 : i32
      %gather3A_461 = tpu.memref_slice %arg4[%gather3A_460] : memref<5120xf32, #tpu.memory_space<vmem>> -> memref<320xf32, #tpu.memory_space<vmem>>
      %gather3A_462 = tpu.vector_load_idx %gather3A_461[%add3A_74] : memref<320xf32, #tpu.memory_space<vmem>>[vector<16xi32>], vector<16xf32>,
      %exp3A_463 = math.exp %gather3A_462 : vector<16xf32>
      %mul3A_464 = arith.mulf %exp3A_463, %get3A_285 : vector<16xf32>
      %add3A_465 = arith.addf %add3A_459, %mul3A_464 : vector<16xf32>
      %gather3A_466 = arith.constant 320 : i32
      %gather3A_467 = tpu.memref_slice %arg4[%gather3A_466] : memref<5120xf32, #tpu.memory_space<vmem>> -> memref<320xf32, #tpu.memory_space<vmem>>
      %gather3A_468 = tpu.vector_load_idx %gather3A_467[%add3A_77] : memref<320xf32, #tpu.memory_space<vmem>>[vector<16xi32>], vector<16xf32>,
      %exp3A_469 = math.exp %gather3A_468 : vector<16xf32>
      %mul3A_470 = arith.mulf %exp3A_469, %get3A_293 : vector<16xf32>
      %add3A_471 = arith.addf %add3A_465, %mul3A_470 : vector<16xf32>
      %gather3A_472 = arith.constant 320 : i32
      %gather3A_473 = tpu.memref_slice %arg4[%gather3A_472] : memref<5120xf32, #tpu.memory_space<vmem>> -> memref<320xf32, #tpu.memory_space<vmem>>
      %gather3A_474 = tpu.vector_load_idx %gather3A_473[%add3A_80] : memref<320xf32, #tpu.memory_space<vmem>>[vector<16xi32>], vector<16xf32>,
      %exp3A_475 = math.exp %gather3A_474 : vector<16xf32>
      %mul3A_476 = arith.mulf %exp3A_475, %get3A_301 : vector<16xf32>
      %add3A_477 = arith.addf %add3A_471, %mul3A_476 : vector<16xf32>
      %gather3A_478 = arith.constant 640 : i32
      %gather3A_479 = tpu.memref_slice %arg4[%gather3A_478] : memref<5120xf32, #tpu.memory_space<vmem>> -> memref<320xf32, #tpu.memory_space<vmem>>
      %gather3A_480 = tpu.vector_load_idx %gather3A_479[%add3A_68] : memref<320xf32, #tpu.memory_space<vmem>>[vector<16xi32>], vector<16xf32>,
      %exp3A_481 = math.exp %gather3A_480 : vector<16xf32>
      %mul3A_482 = arith.mulf %exp3A_481, %scan3A_251 : vector<16xf32>
      %gather3A_483 = arith.constant 640 : i32
      %gather3A_484 = tpu.memref_slice %arg4[%gather3A_483] : memref<5120xf32, #tpu.memory_space<vmem>> -> memref<320xf32, #tpu.memory_space<vmem>>
      %gather3A_485 = tpu.vector_load_idx %gather3A_484[%add3A_71] : memref<320xf32, #tpu.memory_space<vmem>>[vector<16xi32>], vector<16xf32>,
      %exp3A_486 = math.exp %gather3A_485 : vector<16xf32>
      %mul3A_487 = arith.mulf %exp3A_486, %get3A_279 : vector<16xf32>
      %add3A_488 = arith.addf %mul3A_482, %mul3A_487 : vector<16xf32>
      %gather3A_489 = arith.constant 640 : i32
      %gather3A_490 = tpu.memref_slice %arg4[%gather3A_489] : memref<5120xf32, #tpu.memory_space<vmem>> -> memref<320xf32, #tpu.memory_space<vmem>>
      %gather3A_491 = tpu.vector_load_idx %gather3A_490[%add3A_74] : memref<320xf32, #tpu.memory_space<vmem>>[vector<16xi32>], vector<16xf32>,
      %exp3A_492 = math.exp %gather3A_491 : vector<16xf32>
      %mul3A_493 = arith.mulf %exp3A_492, %get3A_287 : vector<16xf32>
      %add3A_494 = arith.addf %add3A_488, %mul3A_493 : vector<16xf32>
      %gather3A_495 = arith.constant 640 : i32
      %gather3A_496 = tpu.memref_slice %arg4[%gather3A_495] : memref<5120xf32, #tpu.memory_space<vmem>> -> memref<320xf32, #tpu.memory_space<vmem>>
      %gather3A_497 = tpu.vector_load_idx %gather3A_496[%add3A_77] : memref<320xf32, #tpu.memory_space<vmem>>[vector<16xi32>], vector<16xf32>,
      %exp3A_498 = math.exp %gather3A_497 : vector<16xf32>
      %mul3A_499 = arith.mulf %exp3A_498, %get3A_295 : vector<16xf32>
      %add3A_500 = arith.addf %add3A_494, %mul3A_499 : vector<16xf32>
      %gather3A_501 = arith.constant 640 : i32
      %gather3A_502 = tpu.memref_slice %arg4[%gather3A_501] : memref<5120xf32, #tpu.memory_space<vmem>> -> memref<320xf32, #tpu.memory_space<vmem>>
      %gather3A_503 = tpu.vector_load_idx %gather3A_502[%add3A_80] : memref<320xf32, #tpu.memory_space<vmem>>[vector<16xi32>], vector<16xf32>,
      %exp3A_504 = math.exp %gather3A_503 : vector<16xf32>
      %mul3A_505 = arith.mulf %exp3A_504, %get3A_303 : vector<16xf32>
      %add3A_506 = arith.addf %add3A_500, %mul3A_505 : vector<16xf32>
      %gather3A_507 = arith.constant 960 : i32
      %gather3A_508 = tpu.memref_slice %arg4[%gather3A_507] : memref<5120xf32, #tpu.memory_space<vmem>> -> memref<320xf32, #tpu.memory_space<vmem>>
      %gather3A_509 = tpu.vector_load_idx %gather3A_508[%add3A_68] : memref<320xf32, #tpu.memory_space<vmem>>[vector<16xi32>], vector<16xf32>,
      %exp3A_510 = math.exp %gather3A_509 : vector<16xf32>
      %mul3A_511 = arith.mulf %exp3A_510, %scan3A_252 : vector<16xf32>
      %gather3A_512 = arith.constant 960 : i32
      %gather3A_513 = tpu.memref_slice %arg4[%gather3A_512] : memref<5120xf32, #tpu.memory_space<vmem>> -> memref<320xf32, #tpu.memory_space<vmem>>
      %gather3A_514 = tpu.vector_load_idx %gather3A_513[%add3A_71] : memref<320xf32, #tpu.memory_space<vmem>>[vector<16xi32>], vector<16xf32>,
      %exp3A_515 = math.exp %gather3A_514 : vector<16xf32>
      %mul3A_516 = arith.mulf %exp3A_515, %get3A_281 : vector<16xf32>
      %add3A_517 = arith.addf %mul3A_511, %mul3A_516 : vector<16xf32>
      %gather3A_518 = arith.constant 960 : i32
      %gather3A_519 = tpu.memref_slice %arg4[%gather3A_518] : memref<5120xf32, #tpu.memory_space<vmem>> -> memref<320xf32, #tpu.memory_space<vmem>>
      %gather3A_520 = tpu.vector_load_idx %gather3A_519[%add3A_74] : memref<320xf32, #tpu.memory_space<vmem>>[vector<16xi32>], vector<16xf32>,
      %exp3A_521 = math.exp %gather3A_520 : vector<16xf32>
      %mul3A_522 = arith.mulf %exp3A_521, %get3A_289 : vector<16xf32>
      %add3A_523 = arith.addf %add3A_517, %mul3A_522 : vector<16xf32>
      %gather3A_524 = arith.constant 960 : i32
      %gather3A_525 = tpu.memref_slice %arg4[%gather3A_524] : memref<5120xf32, #tpu.memory_space<vmem>> -> memref<320xf32, #tpu.memory_space<vmem>>
      %gather3A_526 = tpu.vector_load_idx %gather3A_525[%add3A_77] : memref<320xf32, #tpu.memory_space<vmem>>[vector<16xi32>], vector<16xf32>,
      %exp3A_527 = math.exp %gather3A_526 : vector<16xf32>
      %mul3A_528 = arith.mulf %exp3A_527, %get3A_297 : vector<16xf32>
      %add3A_529 = arith.addf %add3A_523, %mul3A_528 : vector<16xf32>
      %gather3A_530 = arith.constant 960 : i32
      %gather3A_531 = tpu.memref_slice %arg4[%gather3A_530] : memref<5120xf32, #tpu.memory_space<vmem>> -> memref<320xf32, #tpu.memory_space<vmem>>
      %gather3A_532 = tpu.vector_load_idx %gather3A_531[%add3A_80] : memref<320xf32, #tpu.memory_space<vmem>>[vector<16xi32>], vector<16xf32>,
      %exp3A_533 = math.exp %gather3A_532 : vector<16xf32>
      %mul3A_534 = arith.mulf %exp3A_533, %get3A_305 : vector<16xf32>
      %add3A_535 = arith.addf %add3A_529, %mul3A_534 : vector<16xf32>
      %gather3A_536 = arith.constant 0 : i32
      %gather3A_537 = tpu.memref_slice %arg4[%gather3A_536] : memref<5120xf32, #tpu.memory_space<vmem>> -> memref<320xf32, #tpu.memory_space<vmem>>
      %gather3A_538 = tpu.vector_load_idx %gather3A_537[%add3A_83] : memref<320xf32, #tpu.memory_space<vmem>>[vector<16xi32>], vector<16xf32>,
      %exp3A_539 = math.exp %gather3A_538 : vector<16xf32>
      %mul3A_540 = arith.mulf %exp3A_539, %scan3A_253 : vector<16xf32>
      %gather3A_541 = arith.constant 0 : i32
      %gather3A_542 = tpu.memref_slice %arg4[%gather3A_541] : memref<5120xf32, #tpu.memory_space<vmem>> -> memref<320xf32, #tpu.memory_space<vmem>>
      %gather3A_543 = tpu.vector_load_idx %gather3A_542[%add3A_86] : memref<320xf32, #tpu.memory_space<vmem>>[vector<16xi32>], vector<16xf32>,
      %exp3A_544 = math.exp %gather3A_543 : vector<16xf32>
      %mul3A_545 = arith.mulf %exp3A_544, %get3A_275 : vector<16xf32>
      %add3A_546 = arith.addf %mul3A_540, %mul3A_545 : vector<16xf32>
      %gather3A_547 = arith.constant 0 : i32
      %gather3A_548 = tpu.memref_slice %arg4[%gather3A_547] : memref<5120xf32, #tpu.memory_space<vmem>> -> memref<320xf32, #tpu.memory_space<vmem>>
      %gather3A_549 = tpu.vector_load_idx %gather3A_548[%add3A_89] : memref<320xf32, #tpu.memory_space<vmem>>[vector<16xi32>], vector<16xf32>,
      %exp3A_550 = math.exp %gather3A_549 : vector<16xf32>
      %mul3A_551 = arith.mulf %exp3A_550, %get3A_283 : vector<16xf32>
      %add3A_552 = arith.addf %add3A_546, %mul3A_551 : vector<16xf32>
      %gather3A_553 = arith.constant 0 : i32
      %gather3A_554 = tpu.memref_slice %arg4[%gather3A_553] : memref<5120xf32, #tpu.memory_space<vmem>> -> memref<320xf32, #tpu.memory_space<vmem>>
      %gather3A_555 = tpu.vector_load_idx %gather3A_554[%add3A_92] : memref<320xf32, #tpu.memory_space<vmem>>[vector<16xi32>], vector<16xf32>,
      %exp3A_556 = math.exp %gather3A_555 : vector<16xf32>
      %mul3A_557 = arith.mulf %exp3A_556, %get3A_291 : vector<16xf32>
      %add3A_558 = arith.addf %add3A_552, %mul3A_557 : vector<16xf32>
      %gather3A_559 = arith.constant 0 : i32
      %gather3A_560 = tpu.memref_slice %arg4[%gather3A_559] : memref<5120xf32, #tpu.memory_space<vmem>> -> memref<320xf32, #tpu.memory_space<vmem>>
      %gather3A_561 = tpu.vector_load_idx %gather3A_560[%add3A_95] : memref<320xf32, #tpu.memory_space<vmem>>[vector<16xi32>], vector<16xf32>,
      %exp3A_562 = math.exp %gather3A_561 : vector<16xf32>
      %mul3A_563 = arith.mulf %exp3A_562, %get3A_299 : vector<16xf32>
      %add3A_564 = arith.addf %add3A_558, %mul3A_563 : vector<16xf32>
      %gather3A_565 = arith.constant 320 : i32
      %gather3A_566 = tpu.memref_slice %arg4[%gather3A_565] : memref<5120xf32, #tpu.memory_space<vmem>> -> memref<320xf32, #tpu.memory_space<vmem>>
      %gather3A_567 = tpu.vector_load_idx %gather3A_566[%add3A_83] : memref<320xf32, #tpu.memory_space<vmem>>[vector<16xi32>], vector<16xf32>,
      %exp3A_568 = math.exp %gather3A_567 : vector<16xf32>
      %mul3A_569 = arith.mulf %exp3A_568, %scan3A_254 : vector<16xf32>
      %gather3A_570 = arith.constant 320 : i32
      %gather3A_571 = tpu.memref_slice %arg4[%gather3A_570] : memref<5120xf32, #tpu.memory_space<vmem>> -> memref<320xf32, #tpu.memory_space<vmem>>
      %gather3A_572 = tpu.vector_load_idx %gather3A_571[%add3A_86] : memref<320xf32, #tpu.memory_space<vmem>>[vector<16xi32>], vector<16xf32>,
      %exp3A_573 = math.exp %gather3A_572 : vector<16xf32>
      %mul3A_574 = arith.mulf %exp3A_573, %get3A_277 : vector<16xf32>
      %add3A_575 = arith.addf %mul3A_569, %mul3A_574 : vector<16xf32>
      %gather3A_576 = arith.constant 320 : i32
      %gather3A_577 = tpu.memref_slice %arg4[%gather3A_576] : memref<5120xf32, #tpu.memory_space<vmem>> -> memref<320xf32, #tpu.memory_space<vmem>>
      %gather3A_578 = tpu.vector_load_idx %gather3A_577[%add3A_89] : memref<320xf32, #tpu.memory_space<vmem>>[vector<16xi32>], vector<16xf32>,
      %exp3A_579 = math.exp %gather3A_578 : vector<16xf32>
      %mul3A_580 = arith.mulf %exp3A_579, %get3A_285 : vector<16xf32>
      %add3A_581 = arith.addf %add3A_575, %mul3A_580 : vector<16xf32>
      %gather3A_582 = arith.constant 320 : i32
      %gather3A_583 = tpu.memref_slice %arg4[%gather3A_582] : memref<5120xf32, #tpu.memory_space<vmem>> -> memref<320xf32, #tpu.memory_space<vmem>>
      %gather3A_584 = tpu.vector_load_idx %gather3A_583[%add3A_92] : memref<320xf32, #tpu.memory_space<vmem>>[vector<16xi32>], vector<16xf32>,
      %exp3A_585 = math.exp %gather3A_584 : vector<16xf32>
      %mul3A_586 = arith.mulf %exp3A_585, %get3A_293 : vector<16xf32>
      %add3A_587 = arith.addf %add3A_581, %mul3A_586 : vector<16xf32>
      %gather3A_588 = arith.constant 320 : i32
      %gather3A_589 = tpu.memref_slice %arg4[%gather3A_588] : memref<5120xf32, #tpu.memory_space<vmem>> -> memref<320xf32, #tpu.memory_space<vmem>>
      %gather3A_590 = tpu.vector_load_idx %gather3A_589[%add3A_95] : memref<320xf32, #tpu.memory_space<vmem>>[vector<16xi32>], vector<16xf32>,
      %exp3A_591 = math.exp %gather3A_590 : vector<16xf32>
      %mul3A_592 = arith.mulf %exp3A_591, %get3A_301 : vector<16xf32>
      %add3A_593 = arith.addf %add3A_587, %mul3A_592 : vector<16xf32>
      %gather3A_594 = arith.constant 640 : i32
      %gather3A_595 = tpu.memref_slice %arg4[%gather3A_594] : memref<5120xf32, #tpu.memory_space<vmem>> -> memref<320xf32, #tpu.memory_space<vmem>>
      %gather3A_596 = tpu.vector_load_idx %gather3A_595[%add3A_83] : memref<320xf32, #tpu.memory_space<vmem>>[vector<16xi32>], vector<16xf32>,
      %exp3A_597 = math.exp %gather3A_596 : vector<16xf32>
      %mul3A_598 = arith.mulf %exp3A_597, %scan3A_255 : vector<16xf32>
      %gather3A_599 = arith.constant 640 : i32
      %gather3A_600 = tpu.memref_slice %arg4[%gather3A_599] : memref<5120xf32, #tpu.memory_space<vmem>> -> memref<320xf32, #tpu.memory_space<vmem>>
      %gather3A_601 = tpu.vector_load_idx %gather3A_600[%add3A_86] : memref<320xf32, #tpu.memory_space<vmem>>[vector<16xi32>], vector<16xf32>,
      %exp3A_602 = math.exp %gather3A_601 : vector<16xf32>
      %mul3A_603 = arith.mulf %exp3A_602, %get3A_279 : vector<16xf32>
      %add3A_604 = arith.addf %mul3A_598, %mul3A_603 : vector<16xf32>
      %gather3A_605 = arith.constant 640 : i32
      %gather3A_606 = tpu.memref_slice %arg4[%gather3A_605] : memref<5120xf32, #tpu.memory_space<vmem>> -> memref<320xf32, #tpu.memory_space<vmem>>
      %gather3A_607 = tpu.vector_load_idx %gather3A_606[%add3A_89] : memref<320xf32, #tpu.memory_space<vmem>>[vector<16xi32>], vector<16xf32>,
      %exp3A_608 = math.exp %gather3A_607 : vector<16xf32>
      %mul3A_609 = arith.mulf %exp3A_608, %get3A_287 : vector<16xf32>
      %add3A_610 = arith.addf %add3A_604, %mul3A_609 : vector<16xf32>
      %gather3A_611 = arith.constant 640 : i32
      %gather3A_612 = tpu.memref_slice %arg4[%gather3A_611] : memref<5120xf32, #tpu.memory_space<vmem>> -> memref<320xf32, #tpu.memory_space<vmem>>
      %gather3A_613 = tpu.vector_load_idx %gather3A_612[%add3A_92] : memref<320xf32, #tpu.memory_space<vmem>>[vector<16xi32>], vector<16xf32>,
      %exp3A_614 = math.exp %gather3A_613 : vector<16xf32>
      %mul3A_615 = arith.mulf %exp3A_614, %get3A_295 : vector<16xf32>
      %add3A_616 = arith.addf %add3A_610, %mul3A_615 : vector<16xf32>
      %gather3A_617 = arith.constant 640 : i32
      %gather3A_618 = tpu.memref_slice %arg4[%gather3A_617] : memref<5120xf32, #tpu.memory_space<vmem>> -> memref<320xf32, #tpu.memory_space<vmem>>
      %gather3A_619 = tpu.vector_load_idx %gather3A_618[%add3A_95] : memref<320xf32, #tpu.memory_space<vmem>>[vector<16xi32>], vector<16xf32>,
      %exp3A_620 = math.exp %gather3A_619 : vector<16xf32>
      %mul3A_621 = arith.mulf %exp3A_620, %get3A_303 : vector<16xf32>
      %add3A_622 = arith.addf %add3A_616, %mul3A_621 : vector<16xf32>
      %gather3A_623 = arith.constant 960 : i32
      %gather3A_624 = tpu.memref_slice %arg4[%gather3A_623] : memref<5120xf32, #tpu.memory_space<vmem>> -> memref<320xf32, #tpu.memory_space<vmem>>
      %gather3A_625 = tpu.vector_load_idx %gather3A_624[%add3A_83] : memref<320xf32, #tpu.memory_space<vmem>>[vector<16xi32>], vector<16xf32>,
      %exp3A_626 = math.exp %gather3A_625 : vector<16xf32>
      %mul3A_627 = arith.mulf %exp3A_626, %scan3A_256 : vector<16xf32>
      %gather3A_628 = arith.constant 960 : i32
      %gather3A_629 = tpu.memref_slice %arg4[%gather3A_628] : memref<5120xf32, #tpu.memory_space<vmem>> -> memref<320xf32, #tpu.memory_space<vmem>>
      %gather3A_630 = tpu.vector_load_idx %gather3A_629[%add3A_86] : memref<320xf32, #tpu.memory_space<vmem>>[vector<16xi32>], vector<16xf32>,
      %exp3A_631 = math.exp %gather3A_630 : vector<16xf32>
      %mul3A_632 = arith.mulf %exp3A_631, %get3A_281 : vector<16xf32>
      %add3A_633 = arith.addf %mul3A_627, %mul3A_632 : vector<16xf32>
      %gather3A_634 = arith.constant 960 : i32
      %gather3A_635 = tpu.memref_slice %arg4[%gather3A_634] : memref<5120xf32, #tpu.memory_space<vmem>> -> memref<320xf32, #tpu.memory_space<vmem>>
      %gather3A_636 = tpu.vector_load_idx %gather3A_635[%add3A_89] : memref<320xf32, #tpu.memory_space<vmem>>[vector<16xi32>], vector<16xf32>,
      %exp3A_637 = math.exp %gather3A_636 : vector<16xf32>
      %mul3A_638 = arith.mulf %exp3A_637, %get3A_289 : vector<16xf32>
      %add3A_639 = arith.addf %add3A_633, %mul3A_638 : vector<16xf32>
      %gather3A_640 = arith.constant 960 : i32
      %gather3A_641 = tpu.memref_slice %arg4[%gather3A_640] : memref<5120xf32, #tpu.memory_space<vmem>> -> memref<320xf32, #tpu.memory_space<vmem>>
      %gather3A_642 = tpu.vector_load_idx %gather3A_641[%add3A_92] : memref<320xf32, #tpu.memory_space<vmem>>[vector<16xi32>], vector<16xf32>,
      %exp3A_643 = math.exp %gather3A_642 : vector<16xf32>
      %mul3A_644 = arith.mulf %exp3A_643, %get3A_297 : vector<16xf32>
      %add3A_645 = arith.addf %add3A_639, %mul3A_644 : vector<16xf32>
      %gather3A_646 = arith.constant 960 : i32
      %gather3A_647 = tpu.memref_slice %arg4[%gather3A_646] : memref<5120xf32, #tpu.memory_space<vmem>> -> memref<320xf32, #tpu.memory_space<vmem>>
      %gather3A_648 = tpu.vector_load_idx %gather3A_647[%add3A_95] : memref<320xf32, #tpu.memory_space<vmem>>[vector<16xi32>], vector<16xf32>,
      %exp3A_649 = math.exp %gather3A_648 : vector<16xf32>
      %mul3A_650 = arith.mulf %exp3A_649, %get3A_305 : vector<16xf32>
      %add3A_651 = arith.addf %add3A_645, %mul3A_650 : vector<16xf32>
      %gather3A_652 = arith.constant 0 : i32
      %gather3A_653 = tpu.memref_slice %arg4[%gather3A_652] : memref<5120xf32, #tpu.memory_space<vmem>> -> memref<320xf32, #tpu.memory_space<vmem>>
      %gather3A_654 = tpu.vector_load_idx %gather3A_653[%add3A_98] : memref<320xf32, #tpu.memory_space<vmem>>[vector<16xi32>], vector<16xf32>,
      %exp3A_655 = math.exp %gather3A_654 : vector<16xf32>
      %mul3A_656 = arith.mulf %exp3A_655, %scan3A_257 : vector<16xf32>
      %gather3A_657 = arith.constant 0 : i32
      %gather3A_658 = tpu.memref_slice %arg4[%gather3A_657] : memref<5120xf32, #tpu.memory_space<vmem>> -> memref<320xf32, #tpu.memory_space<vmem>>
      %gather3A_659 = tpu.vector_load_idx %gather3A_658[%add3A_101] : memref<320xf32, #tpu.memory_space<vmem>>[vector<16xi32>], vector<16xf32>,
      %exp3A_660 = math.exp %gather3A_659 : vector<16xf32>
      %mul3A_661 = arith.mulf %exp3A_660, %get3A_275 : vector<16xf32>
      %add3A_662 = arith.addf %mul3A_656, %mul3A_661 : vector<16xf32>
      %gather3A_663 = arith.constant 0 : i32
      %gather3A_664 = tpu.memref_slice %arg4[%gather3A_663] : memref<5120xf32, #tpu.memory_space<vmem>> -> memref<320xf32, #tpu.memory_space<vmem>>
      %gather3A_665 = tpu.vector_load_idx %gather3A_664[%add3A_104] : memref<320xf32, #tpu.memory_space<vmem>>[vector<16xi32>], vector<16xf32>,
      %exp3A_666 = math.exp %gather3A_665 : vector<16xf32>
      %mul3A_667 = arith.mulf %exp3A_666, %get3A_283 : vector<16xf32>
      %add3A_668 = arith.addf %add3A_662, %mul3A_667 : vector<16xf32>
      %gather3A_669 = arith.constant 0 : i32
      %gather3A_670 = tpu.memref_slice %arg4[%gather3A_669] : memref<5120xf32, #tpu.memory_space<vmem>> -> memref<320xf32, #tpu.memory_space<vmem>>
      %gather3A_671 = tpu.vector_load_idx %gather3A_670[%add3A_107] : memref<320xf32, #tpu.memory_space<vmem>>[vector<16xi32>], vector<16xf32>,
      %exp3A_672 = math.exp %gather3A_671 : vector<16xf32>
      %mul3A_673 = arith.mulf %exp3A_672, %get3A_291 : vector<16xf32>
      %add3A_674 = arith.addf %add3A_668, %mul3A_673 : vector<16xf32>
      %gather3A_675 = arith.constant 0 : i32
      %gather3A_676 = tpu.memref_slice %arg4[%gather3A_675] : memref<5120xf32, #tpu.memory_space<vmem>> -> memref<320xf32, #tpu.memory_space<vmem>>
      %gather3A_677 = tpu.vector_load_idx %gather3A_676[%add3A_110] : memref<320xf32, #tpu.memory_space<vmem>>[vector<16xi32>], vector<16xf32>,
      %exp3A_678 = math.exp %gather3A_677 : vector<16xf32>
      %mul3A_679 = arith.mulf %exp3A_678, %get3A_299 : vector<16xf32>
      %add3A_680 = arith.addf %add3A_674, %mul3A_679 : vector<16xf32>
      %gather3A_681 = arith.constant 320 : i32
      %gather3A_682 = tpu.memref_slice %arg4[%gather3A_681] : memref<5120xf32, #tpu.memory_space<vmem>> -> memref<320xf32, #tpu.memory_space<vmem>>
      %gather3A_683 = tpu.vector_load_idx %gather3A_682[%add3A_98] : memref<320xf32, #tpu.memory_space<vmem>>[vector<16xi32>], vector<16xf32>,
      %exp3A_684 = math.exp %gather3A_683 : vector<16xf32>
      %mul3A_685 = arith.mulf %exp3A_684, %scan3A_258 : vector<16xf32>
      %gather3A_686 = arith.constant 320 : i32
      %gather3A_687 = tpu.memref_slice %arg4[%gather3A_686] : memref<5120xf32, #tpu.memory_space<vmem>> -> memref<320xf32, #tpu.memory_space<vmem>>
      %gather3A_688 = tpu.vector_load_idx %gather3A_687[%add3A_101] : memref<320xf32, #tpu.memory_space<vmem>>[vector<16xi32>], vector<16xf32>,
      %exp3A_689 = math.exp %gather3A_688 : vector<16xf32>
      %mul3A_690 = arith.mulf %exp3A_689, %get3A_277 : vector<16xf32>
      %add3A_691 = arith.addf %mul3A_685, %mul3A_690 : vector<16xf32>
      %gather3A_692 = arith.constant 320 : i32
      %gather3A_693 = tpu.memref_slice %arg4[%gather3A_692] : memref<5120xf32, #tpu.memory_space<vmem>> -> memref<320xf32, #tpu.memory_space<vmem>>
      %gather3A_694 = tpu.vector_load_idx %gather3A_693[%add3A_104] : memref<320xf32, #tpu.memory_space<vmem>>[vector<16xi32>], vector<16xf32>,
      %exp3A_695 = math.exp %gather3A_694 : vector<16xf32>
      %mul3A_696 = arith.mulf %exp3A_695, %get3A_285 : vector<16xf32>
      %add3A_697 = arith.addf %add3A_691, %mul3A_696 : vector<16xf32>
      %gather3A_698 = arith.constant 320 : i32
      %gather3A_699 = tpu.memref_slice %arg4[%gather3A_698] : memref<5120xf32, #tpu.memory_space<vmem>> -> memref<320xf32, #tpu.memory_space<vmem>>
      %gather3A_700 = tpu.vector_load_idx %gather3A_699[%add3A_107] : memref<320xf32, #tpu.memory_space<vmem>>[vector<16xi32>], vector<16xf32>,
      %exp3A_701 = math.exp %gather3A_700 : vector<16xf32>
      %mul3A_702 = arith.mulf %exp3A_701, %get3A_293 : vector<16xf32>
      %add3A_703 = arith.addf %add3A_697, %mul3A_702 : vector<16xf32>
      %gather3A_704 = arith.constant 320 : i32
      %gather3A_705 = tpu.memref_slice %arg4[%gather3A_704] : memref<5120xf32, #tpu.memory_space<vmem>> -> memref<320xf32, #tpu.memory_space<vmem>>
      %gather3A_706 = tpu.vector_load_idx %gather3A_705[%add3A_110] : memref<320xf32, #tpu.memory_space<vmem>>[vector<16xi32>], vector<16xf32>,
      %exp3A_707 = math.exp %gather3A_706 : vector<16xf32>
      %mul3A_708 = arith.mulf %exp3A_707, %get3A_301 : vector<16xf32>
      %add3A_709 = arith.addf %add3A_703, %mul3A_708 : vector<16xf32>
      %gather3A_710 = arith.constant 640 : i32
      %gather3A_711 = tpu.memref_slice %arg4[%gather3A_710] : memref<5120xf32, #tpu.memory_space<vmem>> -> memref<320xf32, #tpu.memory_space<vmem>>
      %gather3A_712 = tpu.vector_load_idx %gather3A_711[%add3A_98] : memref<320xf32, #tpu.memory_space<vmem>>[vector<16xi32>], vector<16xf32>,
      %exp3A_713 = math.exp %gather3A_712 : vector<16xf32>
      %mul3A_714 = arith.mulf %exp3A_713, %scan3A_259 : vector<16xf32>
      %gather3A_715 = arith.constant 640 : i32
      %gather3A_716 = tpu.memref_slice %arg4[%gather3A_715] : memref<5120xf32, #tpu.memory_space<vmem>> -> memref<320xf32, #tpu.memory_space<vmem>>
      %gather3A_717 = tpu.vector_load_idx %gather3A_716[%add3A_101] : memref<320xf32, #tpu.memory_space<vmem>>[vector<16xi32>], vector<16xf32>,
      %exp3A_718 = math.exp %gather3A_717 : vector<16xf32>
      %mul3A_719 = arith.mulf %exp3A_718, %get3A_279 : vector<16xf32>
      %add3A_720 = arith.addf %mul3A_714, %mul3A_719 : vector<16xf32>
      %gather3A_721 = arith.constant 640 : i32
      %gather3A_722 = tpu.memref_slice %arg4[%gather3A_721] : memref<5120xf32, #tpu.memory_space<vmem>> -> memref<320xf32, #tpu.memory_space<vmem>>
      %gather3A_723 = tpu.vector_load_idx %gather3A_722[%add3A_104] : memref<320xf32, #tpu.memory_space<vmem>>[vector<16xi32>], vector<16xf32>,
      %exp3A_724 = math.exp %gather3A_723 : vector<16xf32>
      %mul3A_725 = arith.mulf %exp3A_724, %get3A_287 : vector<16xf32>
      %add3A_726 = arith.addf %add3A_720, %mul3A_725 : vector<16xf32>
      %gather3A_727 = arith.constant 640 : i32
      %gather3A_728 = tpu.memref_slice %arg4[%gather3A_727] : memref<5120xf32, #tpu.memory_space<vmem>> -> memref<320xf32, #tpu.memory_space<vmem>>
      %gather3A_729 = tpu.vector_load_idx %gather3A_728[%add3A_107] : memref<320xf32, #tpu.memory_space<vmem>>[vector<16xi32>], vector<16xf32>,
      %exp3A_730 = math.exp %gather3A_729 : vector<16xf32>
      %mul3A_731 = arith.mulf %exp3A_730, %get3A_295 : vector<16xf32>
      %add3A_732 = arith.addf %add3A_726, %mul3A_731 : vector<16xf32>
      %gather3A_733 = arith.constant 640 : i32
      %gather3A_734 = tpu.memref_slice %arg4[%gather3A_733] : memref<5120xf32, #tpu.memory_space<vmem>> -> memref<320xf32, #tpu.memory_space<vmem>>
      %gather3A_735 = tpu.vector_load_idx %gather3A_734[%add3A_110] : memref<320xf32, #tpu.memory_space<vmem>>[vector<16xi32>], vector<16xf32>,
      %exp3A_736 = math.exp %gather3A_735 : vector<16xf32>
      %mul3A_737 = arith.mulf %exp3A_736, %get3A_303 : vector<16xf32>
      %add3A_738 = arith.addf %add3A_732, %mul3A_737 : vector<16xf32>
      %gather3A_739 = arith.constant 960 : i32
      %gather3A_740 = tpu.memref_slice %arg4[%gather3A_739] : memref<5120xf32, #tpu.memory_space<vmem>> -> memref<320xf32, #tpu.memory_space<vmem>>
      %gather3A_741 = tpu.vector_load_idx %gather3A_740[%add3A_98] : memref<320xf32, #tpu.memory_space<vmem>>[vector<16xi32>], vector<16xf32>,
      %exp3A_742 = math.exp %gather3A_741 : vector<16xf32>
      %mul3A_743 = arith.mulf %exp3A_742, %scan3A_260 : vector<16xf32>
      %gather3A_744 = arith.constant 960 : i32
      %gather3A_745 = tpu.memref_slice %arg4[%gather3A_744] : memref<5120xf32, #tpu.memory_space<vmem>> -> memref<320xf32, #tpu.memory_space<vmem>>
      %gather3A_746 = tpu.vector_load_idx %gather3A_745[%add3A_101] : memref<320xf32, #tpu.memory_space<vmem>>[vector<16xi32>], vector<16xf32>,
      %exp3A_747 = math.exp %gather3A_746 : vector<16xf32>
      %mul3A_748 = arith.mulf %exp3A_747, %get3A_281 : vector<16xf32>
      %add3A_749 = arith.addf %mul3A_743, %mul3A_748 : vector<16xf32>
      %gather3A_750 = arith.constant 960 : i32
      %gather3A_751 = tpu.memref_slice %arg4[%gather3A_750] : memref<5120xf32, #tpu.memory_space<vmem>> -> memref<320xf32, #tpu.memory_space<vmem>>
      %gather3A_752 = tpu.vector_load_idx %gather3A_751[%add3A_104] : memref<320xf32, #tpu.memory_space<vmem>>[vector<16xi32>], vector<16xf32>,
      %exp3A_753 = math.exp %gather3A_752 : vector<16xf32>
      %mul3A_754 = arith.mulf %exp3A_753, %get3A_289 : vector<16xf32>
      %add3A_755 = arith.addf %add3A_749, %mul3A_754 : vector<16xf32>
      %gather3A_756 = arith.constant 960 : i32
      %gather3A_757 = tpu.memref_slice %arg4[%gather3A_756] : memref<5120xf32, #tpu.memory_space<vmem>> -> memref<320xf32, #tpu.memory_space<vmem>>
      %gather3A_758 = tpu.vector_load_idx %gather3A_757[%add3A_107] : memref<320xf32, #tpu.memory_space<vmem>>[vector<16xi32>], vector<16xf32>,
      %exp3A_759 = math.exp %gather3A_758 : vector<16xf32>
      %mul3A_760 = arith.mulf %exp3A_759, %get3A_297 : vector<16xf32>
      %add3A_761 = arith.addf %add3A_755, %mul3A_760 : vector<16xf32>
      %gather3A_762 = arith.constant 960 : i32
      %gather3A_763 = tpu.memref_slice %arg4[%gather3A_762] : memref<5120xf32, #tpu.memory_space<vmem>> -> memref<320xf32, #tpu.memory_space<vmem>>
      %gather3A_764 = tpu.vector_load_idx %gather3A_763[%add3A_110] : memref<320xf32, #tpu.memory_space<vmem>>[vector<16xi32>], vector<16xf32>,
      %exp3A_765 = math.exp %gather3A_764 : vector<16xf32>
      %mul3A_766 = arith.mulf %exp3A_765, %get3A_305 : vector<16xf32>
      %add3A_767 = arith.addf %add3A_761, %mul3A_766 : vector<16xf32>
      %scatter3A = arith.constant 0 : i32
      %scatter3A_768 = tpu.memref_slice %arg6[%scatter3A] : memref<256xf32, #tpu.memory_space<vmem>> -> memref<64xf32, #tpu.memory_space<vmem>>
      tpu.vector_store_idx %scatter3A_768[%add3A_113], %add3A_332 : memref<64xf32, #tpu.memory_space<vmem>>[vector<16xi32>], vector<16xf32>,
      %scatter3A_769 = arith.constant 64 : i32
      %scatter3A_770 = tpu.memref_slice %arg6[%scatter3A_769] : memref<256xf32, #tpu.memory_space<vmem>> -> memref<64xf32, #tpu.memory_space<vmem>>
      tpu.vector_store_idx %scatter3A_770[%add3A_113], %add3A_361 : memref<64xf32, #tpu.memory_space<vmem>>[vector<16xi32>], vector<16xf32>,
      %scatter3A_771 = arith.constant 128 : i32
      %scatter3A_772 = tpu.memref_slice %arg6[%scatter3A_771] : memref<256xf32, #tpu.memory_space<vmem>> -> memref<64xf32, #tpu.memory_space<vmem>>
      tpu.vector_store_idx %scatter3A_772[%add3A_113], %add3A_390 : memref<64xf32, #tpu.memory_space<vmem>>[vector<16xi32>], vector<16xf32>,
      %scatter3A_773 = arith.constant 192 : i32
      %scatter3A_774 = tpu.memref_slice %arg6[%scatter3A_773] : memref<256xf32, #tpu.memory_space<vmem>> -> memref<64xf32, #tpu.memory_space<vmem>>
      tpu.vector_store_idx %scatter3A_774[%add3A_113], %add3A_419 : memref<64xf32, #tpu.memory_space<vmem>>[vector<16xi32>], vector<16xf32>,
      %scatter3A_775 = arith.constant 0 : i32
      %scatter3A_776 = tpu.memref_slice %arg6[%scatter3A_775] : memref<256xf32, #tpu.memory_space<vmem>> -> memref<64xf32, #tpu.memory_space<vmem>>
      tpu.vector_store_idx %scatter3A_776[%add3A_116], %add3A_448 : memref<64xf32, #tpu.memory_space<vmem>>[vector<16xi32>], vector<16xf32>,
      %scatter3A_777 = arith.constant 64 : i32
      %scatter3A_778 = tpu.memref_slice %arg6[%scatter3A_777] : memref<256xf32, #tpu.memory_space<vmem>> -> memref<64xf32, #tpu.memory_space<vmem>>
      tpu.vector_store_idx %scatter3A_778[%add3A_116], %add3A_477 : memref<64xf32, #tpu.memory_space<vmem>>[vector<16xi32>], vector<16xf32>,
      %scatter3A_779 = arith.constant 128 : i32
      %scatter3A_780 = tpu.memref_slice %arg6[%scatter3A_779] : memref<256xf32, #tpu.memory_space<vmem>> -> memref<64xf32, #tpu.memory_space<vmem>>
      tpu.vector_store_idx %scatter3A_780[%add3A_116], %add3A_506 : memref<64xf32, #tpu.memory_space<vmem>>[vector<16xi32>], vector<16xf32>,
      %scatter3A_781 = arith.constant 192 : i32
      %scatter3A_782 = tpu.memref_slice %arg6[%scatter3A_781] : memref<256xf32, #tpu.memory_space<vmem>> -> memref<64xf32, #tpu.memory_space<vmem>>
      tpu.vector_store_idx %scatter3A_782[%add3A_116], %add3A_535 : memref<64xf32, #tpu.memory_space<vmem>>[vector<16xi32>], vector<16xf32>,
      %scatter3A_783 = arith.constant 0 : i32
      %scatter3A_784 = tpu.memref_slice %arg6[%scatter3A_783] : memref<256xf32, #tpu.memory_space<vmem>> -> memref<64xf32, #tpu.memory_space<vmem>>
      tpu.vector_store_idx %scatter3A_784[%add3A_119], %add3A_564 : memref<64xf32, #tpu.memory_space<vmem>>[vector<16xi32>], vector<16xf32>,
      %scatter3A_785 = arith.constant 64 : i32
      %scatter3A_786 = tpu.memref_slice %arg6[%scatter3A_785] : memref<256xf32, #tpu.memory_space<vmem>> -> memref<64xf32, #tpu.memory_space<vmem>>
      tpu.vector_store_idx %scatter3A_786[%add3A_119], %add3A_593 : memref<64xf32, #tpu.memory_space<vmem>>[vector<16xi32>], vector<16xf32>,
      %scatter3A_787 = arith.constant 128 : i32
      %scatter3A_788 = tpu.memref_slice %arg6[%scatter3A_787] : memref<256xf32, #tpu.memory_space<vmem>> -> memref<64xf32, #tpu.memory_space<vmem>>
      tpu.vector_store_idx %scatter3A_788[%add3A_119], %add3A_622 : memref<64xf32, #tpu.memory_space<vmem>>[vector<16xi32>], vector<16xf32>,
      %scatter3A_789 = arith.constant 192 : i32
      %scatter3A_790 = tpu.memref_slice %arg6[%scatter3A_789] : memref<256xf32, #tpu.memory_space<vmem>> -> memref<64xf32, #tpu.memory_space<vmem>>
      tpu.vector_store_idx %scatter3A_790[%add3A_119], %add3A_651 : memref<64xf32, #tpu.memory_space<vmem>>[vector<16xi32>], vector<16xf32>,
      %scatter3A_791 = arith.constant 0 : i32
      %scatter3A_792 = tpu.memref_slice %arg6[%scatter3A_791] : memref<256xf32, #tpu.memory_space<vmem>> -> memref<64xf32, #tpu.memory_space<vmem>>
      tpu.vector_store_idx %scatter3A_792[%add3A_122], %add3A_680 : memref<64xf32, #tpu.memory_space<vmem>>[vector<16xi32>], vector<16xf32>,
      %scatter3A_793 = arith.constant 64 : i32
      %scatter3A_794 = tpu.memref_slice %arg6[%scatter3A_793] : memref<256xf32, #tpu.memory_space<vmem>> -> memref<64xf32, #tpu.memory_space<vmem>>
      tpu.vector_store_idx %scatter3A_794[%add3A_122], %add3A_709 : memref<64xf32, #tpu.memory_space<vmem>>[vector<16xi32>], vector<16xf32>,
      %scatter3A_795 = arith.constant 128 : i32
      %scatter3A_796 = tpu.memref_slice %arg6[%scatter3A_795] : memref<256xf32, #tpu.memory_space<vmem>> -> memref<64xf32, #tpu.memory_space<vmem>>
      tpu.vector_store_idx %scatter3A_796[%add3A_122], %add3A_738 : memref<64xf32, #tpu.memory_space<vmem>>[vector<16xi32>], vector<16xf32>,
      %scatter3A_797 = arith.constant 192 : i32
      %scatter3A_798 = tpu.memref_slice %arg6[%scatter3A_797] : memref<256xf32, #tpu.memory_space<vmem>> -> memref<64xf32, #tpu.memory_space<vmem>>
      tpu.vector_store_idx %scatter3A_798[%add3A_122], %add3A_767 : memref<64xf32, #tpu.memory_space<vmem>>[vector<16xi32>], vector<16xf32>,
      %add3A_799 = arith.constant 4 : i32
      %add3A_800 = arith.addi %add3A_264, %add3A_799 : i32
      %lt3A = arith.constant 512 : i32
      %lt3A_801 = arith.cmpi slt, %add3A_800, %lt3A : i32
      %convert_element_type3A_802 = arith.extui %lt3A_801 : i1 to i32
      %cond3A = arith.constant 0 : i32
      %cond3A_803 = arith.cmpi ne, %convert_element_type3A_802, %cond3A : i32
      scf.if %cond3A_803 {
        %add3A_2500 = arith.constant 4 : i32
        %add3A_2501 = arith.addi %add3A_264, %add3A_2500 : i32
        %dma_start3A_2502 = arith.constant 0 : i32
        %dma_start3A_2503 = tpu.memref_slice %arg4[%dma_start3A_2502] : memref<5120xf32, #tpu.memory_space<vmem>> -> memref<1280xf32, #tpu.memory_space<vmem>>
        %dma_start3A_2504 = arith.constant 0 : i32
        %dma_start3A_2505 = tpu.memref_slice %arg2[%add3A_2501, %add3A, %dma_start3A_2504] : memref<512x32x1280xf32, #tpu.memory_space<hbm>> -> memref<1x1x1280xf32, #tpu.memory_space<hbm>>
        %dma_start3A_2506 = tpu.memref_squeeze %dma_start3A_2505 : memref<1x1x1280xf32, #tpu.memory_space<hbm>> -> memref<1280xf32, #tpu.memory_space<hbm>>
        %dma_start3A_2507 = arith.constant 0 : i32
        %dma_start3A_2508 = tpu.memref_slice %arg4[%dma_start3A_2507] : memref<5120xf32, #tpu.memory_space<vmem>> -> memref<1280xf32, #tpu.memory_space<vmem>>
        %dma_start3A_2509 = arith.constant 0 : i32
        %dma_start3A_2510 = tpu.memref_slice %arg2[%add3A_2501, %add3A, %dma_start3A_2509] : memref<512x32x1280xf32, #tpu.memory_space<hbm>> -> memref<1x1x1280xf32, #tpu.memory_space<hbm>>
        %dma_start3A_2511 = tpu.memref_squeeze %dma_start3A_2510 : memref<1x1x1280xf32, #tpu.memory_space<hbm>> -> memref<1280xf32, #tpu.memory_space<hbm>>
        tpu.enqueue_dma source(%dma_start3A_2511 : memref<1280xf32, #tpu.memory_space<hbm>>) target(%dma_start3A_2508 : memref<1280xf32, #tpu.memory_space<vmem>>) target_semaphore(%arg8 : memref<!tpu.dma_semaphore, #tpu.memory_space<semaphore_mem>>)
      } else {
      }
      %mul3A_804 = arith.constant 4 : i32
      %mul3A_805 = arith.muli %scan3A_243, %mul3A_804 : i32
      %add3A_806 = arith.constant 1 : i32
      %add3A_807 = arith.addi %mul3A_805, %add3A_806 : i32
      %dma_wait3A_808 = arith.constant 1280 : i32
      %dma_wait3A_809 = tpu.memref_slice %arg4[%dma_wait3A_808] : memref<5120xf32, #tpu.memory_space<vmem>> -> memref<1280xf32, #tpu.memory_space<vmem>>
      %dma_wait3A_810 = arith.constant 0 : i32
      %dma_wait3A_811 = tpu.memref_slice %arg2[%add3A_807, %add3A, %dma_wait3A_810] : memref<512x32x1280xf32, #tpu.memory_space<hbm>> -> memref<1x1x1280xf32, #tpu.memory_space<hbm>>
      %dma_wait3A_812 = tpu.memref_squeeze %dma_wait3A_811 : memref<1x1x1280xf32, #tpu.memory_space<hbm>> -> memref<1280xf32, #tpu.memory_space<hbm>>
      %dma_wait3A_813 = arith.constant 1280 : i32
      %dma_wait3A_814 = tpu.memref_slice %arg4[%dma_wait3A_813] : memref<5120xf32, #tpu.memory_space<vmem>> -> memref<1280xf32, #tpu.memory_space<vmem>>
      %dma_wait3A_815 = arith.constant 0 : i32
      %dma_wait3A_816 = tpu.memref_slice %arg2[%add3A_807, %add3A, %dma_wait3A_815] : memref<512x32x1280xf32, #tpu.memory_space<hbm>> -> memref<1x1x1280xf32, #tpu.memory_space<hbm>>
      %dma_wait3A_817 = tpu.memref_squeeze %dma_wait3A_816 : memref<1x1x1280xf32, #tpu.memory_space<hbm>> -> memref<1280xf32, #tpu.memory_space<hbm>>
      tpu.wait_dma2 semaphore(%arg9 : memref<!tpu.dma_semaphore, #tpu.memory_space<semaphore_mem>>) src(%dma_wait3A_817 : memref<1280xf32, #tpu.memory_space<hbm>>) dst(%dma_wait3A_814 : memref<1280xf32, #tpu.memory_space<vmem>>)
      %get3A_818 = arith.constant 0 : index
      %get3A_819 = tpu.vector_load %arg6[%get3A_818] {strides = array<i32>} : memref<256xf32, #tpu.memory_space<vmem>>, vector<16xf32>,
      %get3A_820 = arith.constant 16 : index
      %get3A_821 = tpu.vector_load %arg6[%get3A_820] {strides = array<i32>} : memref<256xf32, #tpu.memory_space<vmem>>, vector<16xf32>,
      %get3A_822 = arith.constant 32 : index
      %get3A_823 = tpu.vector_load %arg6[%get3A_822] {strides = array<i32>} : memref<256xf32, #tpu.memory_space<vmem>>, vector<16xf32>,
      %get3A_824 = arith.constant 48 : index
      %get3A_825 = tpu.vector_load %arg6[%get3A_824] {strides = array<i32>} : memref<256xf32, #tpu.memory_space<vmem>>, vector<16xf32>,
      %get3A_826 = arith.constant 64 : index
      %get3A_827 = tpu.vector_load %arg6[%get3A_826] {strides = array<i32>} : memref<256xf32, #tpu.memory_space<vmem>>, vector<16xf32>,
      %get3A_828 = arith.constant 80 : index
      %get3A_829 = tpu.vector_load %arg6[%get3A_828] {strides = array<i32>} : memref<256xf32, #tpu.memory_space<vmem>>, vector<16xf32>,
      %get3A_830 = arith.constant 96 : index
      %get3A_831 = tpu.vector_load %arg6[%get3A_830] {strides = array<i32>} : memref<256xf32, #tpu.memory_space<vmem>>, vector<16xf32>,
      %get3A_832 = arith.constant 112 : index
      %get3A_833 = tpu.vector_load %arg6[%get3A_832] {strides = array<i32>} : memref<256xf32, #tpu.memory_space<vmem>>, vector<16xf32>,
      %get3A_834 = arith.constant 128 : index
      %get3A_835 = tpu.vector_load %arg6[%get3A_834] {strides = array<i32>} : memref<256xf32, #tpu.memory_space<vmem>>, vector<16xf32>,
      %get3A_836 = arith.constant 144 : index
      %get3A_837 = tpu.vector_load %arg6[%get3A_836] {strides = array<i32>} : memref<256xf32, #tpu.memory_space<vmem>>, vector<16xf32>,
      %get3A_838 = arith.constant 160 : index
      %get3A_839 = tpu.vector_load %arg6[%get3A_838] {strides = array<i32>} : memref<256xf32, #tpu.memory_space<vmem>>, vector<16xf32>,
      %get3A_840 = arith.constant 176 : index
      %get3A_841 = tpu.vector_load %arg6[%get3A_840] {strides = array<i32>} : memref<256xf32, #tpu.memory_space<vmem>>, vector<16xf32>,
      %get3A_842 = arith.constant 192 : index
      %get3A_843 = tpu.vector_load %arg6[%get3A_842] {strides = array<i32>} : memref<256xf32, #tpu.memory_space<vmem>>, vector<16xf32>,
      %get3A_844 = arith.constant 208 : index
      %get3A_845 = tpu.vector_load %arg6[%get3A_844] {strides = array<i32>} : memref<256xf32, #tpu.memory_space<vmem>>, vector<16xf32>,
      %get3A_846 = arith.constant 224 : index
      %get3A_847 = tpu.vector_load %arg6[%get3A_846] {strides = array<i32>} : memref<256xf32, #tpu.memory_space<vmem>>, vector<16xf32>,
      %get3A_848 = arith.constant 240 : index
      %get3A_849 = tpu.vector_load %arg6[%get3A_848] {strides = array<i32>} : memref<256xf32, #tpu.memory_space<vmem>>, vector<16xf32>,
      %gather3A_850 = arith.constant 1280 : i32
      %gather3A_851 = tpu.memref_slice %arg4[%gather3A_850] : memref<5120xf32, #tpu.memory_space<vmem>> -> memref<320xf32, #tpu.memory_space<vmem>>
      %gather3A_852 = tpu.vector_load_idx %gather3A_851[%add3A_53] : memref<320xf32, #tpu.memory_space<vmem>>[vector<16xi32>], vector<16xf32>,
      %exp3A_853 = math.exp %gather3A_852 : vector<16xf32>
      %mul3A_854 = arith.mulf %exp3A_853, %add3A_332 : vector<16xf32>
      %gather3A_855 = arith.constant 1280 : i32
      %gather3A_856 = tpu.memref_slice %arg4[%gather3A_855] : memref<5120xf32, #tpu.memory_space<vmem>> -> memref<320xf32, #tpu.memory_space<vmem>>
      %gather3A_857 = tpu.vector_load_idx %gather3A_856[%add3A_56] : memref<320xf32, #tpu.memory_space<vmem>>[vector<16xi32>], vector<16xf32>,
      %exp3A_858 = math.exp %gather3A_857 : vector<16xf32>
      %mul3A_859 = arith.mulf %exp3A_858, %get3A_819 : vector<16xf32>
      %add3A_860 = arith.addf %mul3A_854, %mul3A_859 : vector<16xf32>
      %gather3A_861 = arith.constant 1280 : i32
      %gather3A_862 = tpu.memref_slice %arg4[%gather3A_861] : memref<5120xf32, #tpu.memory_space<vmem>> -> memref<320xf32, #tpu.memory_space<vmem>>
      %gather3A_863 = tpu.vector_load_idx %gather3A_862[%add3A_59] : memref<320xf32, #tpu.memory_space<vmem>>[vector<16xi32>], vector<16xf32>,
      %exp3A_864 = math.exp %gather3A_863 : vector<16xf32>
      %mul3A_865 = arith.mulf %exp3A_864, %get3A_827 : vector<16xf32>
      %add3A_866 = arith.addf %add3A_860, %mul3A_865 : vector<16xf32>
      %gather3A_867 = arith.constant 1280 : i32
      %gather3A_868 = tpu.memref_slice %arg4[%gather3A_867] : memref<5120xf32, #tpu.memory_space<vmem>> -> memref<320xf32, #tpu.memory_space<vmem>>
      %gather3A_869 = tpu.vector_load_idx %gather3A_868[%add3A_62] : memref<320xf32, #tpu.memory_space<vmem>>[vector<16xi32>], vector<16xf32>,
      %exp3A_870 = math.exp %gather3A_869 : vector<16xf32>
      %mul3A_871 = arith.mulf %exp3A_870, %get3A_835 : vector<16xf32>
      %add3A_872 = arith.addf %add3A_866, %mul3A_871 : vector<16xf32>
      %gather3A_873 = arith.constant 1280 : i32
      %gather3A_874 = tpu.memref_slice %arg4[%gather3A_873] : memref<5120xf32, #tpu.memory_space<vmem>> -> memref<320xf32, #tpu.memory_space<vmem>>
      %gather3A_875 = tpu.vector_load_idx %gather3A_874[%add3A_65] : memref<320xf32, #tpu.memory_space<vmem>>[vector<16xi32>], vector<16xf32>,
      %exp3A_876 = math.exp %gather3A_875 : vector<16xf32>
      %mul3A_877 = arith.mulf %exp3A_876, %get3A_843 : vector<16xf32>
      %add3A_878 = arith.addf %add3A_872, %mul3A_877 : vector<16xf32>
      %gather3A_879 = arith.constant 1600 : i32
      %gather3A_880 = tpu.memref_slice %arg4[%gather3A_879] : memref<5120xf32, #tpu.memory_space<vmem>> -> memref<320xf32, #tpu.memory_space<vmem>>
      %gather3A_881 = tpu.vector_load_idx %gather3A_880[%add3A_53] : memref<320xf32, #tpu.memory_space<vmem>>[vector<16xi32>], vector<16xf32>,
      %exp3A_882 = math.exp %gather3A_881 : vector<16xf32>
      %mul3A_883 = arith.mulf %exp3A_882, %add3A_361 : vector<16xf32>
      %gather3A_884 = arith.constant 1600 : i32
      %gather3A_885 = tpu.memref_slice %arg4[%gather3A_884] : memref<5120xf32, #tpu.memory_space<vmem>> -> memref<320xf32, #tpu.memory_space<vmem>>
      %gather3A_886 = tpu.vector_load_idx %gather3A_885[%add3A_56] : memref<320xf32, #tpu.memory_space<vmem>>[vector<16xi32>], vector<16xf32>,
      %exp3A_887 = math.exp %gather3A_886 : vector<16xf32>
      %mul3A_888 = arith.mulf %exp3A_887, %get3A_821 : vector<16xf32>
      %add3A_889 = arith.addf %mul3A_883, %mul3A_888 : vector<16xf32>
      %gather3A_890 = arith.constant 1600 : i32
      %gather3A_891 = tpu.memref_slice %arg4[%gather3A_890] : memref<5120xf32, #tpu.memory_space<vmem>> -> memref<320xf32, #tpu.memory_space<vmem>>
      %gather3A_892 = tpu.vector_load_idx %gather3A_891[%add3A_59] : memref<320xf32, #tpu.memory_space<vmem>>[vector<16xi32>], vector<16xf32>,
      %exp3A_893 = math.exp %gather3A_892 : vector<16xf32>
      %mul3A_894 = arith.mulf %exp3A_893, %get3A_829 : vector<16xf32>
      %add3A_895 = arith.addf %add3A_889, %mul3A_894 : vector<16xf32>
      %gather3A_896 = arith.constant 1600 : i32
      %gather3A_897 = tpu.memref_slice %arg4[%gather3A_896] : memref<5120xf32, #tpu.memory_space<vmem>> -> memref<320xf32, #tpu.memory_space<vmem>>
      %gather3A_898 = tpu.vector_load_idx %gather3A_897[%add3A_62] : memref<320xf32, #tpu.memory_space<vmem>>[vector<16xi32>], vector<16xf32>,
      %exp3A_899 = math.exp %gather3A_898 : vector<16xf32>
      %mul3A_900 = arith.mulf %exp3A_899, %get3A_837 : vector<16xf32>
      %add3A_901 = arith.addf %add3A_895, %mul3A_900 : vector<16xf32>
      %gather3A_902 = arith.constant 1600 : i32
      %gather3A_903 = tpu.memref_slice %arg4[%gather3A_902] : memref<5120xf32, #tpu.memory_space<vmem>> -> memref<320xf32, #tpu.memory_space<vmem>>
      %gather3A_904 = tpu.vector_load_idx %gather3A_903[%add3A_65] : memref<320xf32, #tpu.memory_space<vmem>>[vector<16xi32>], vector<16xf32>,
      %exp3A_905 = math.exp %gather3A_904 : vector<16xf32>
      %mul3A_906 = arith.mulf %exp3A_905, %get3A_845 : vector<16xf32>
      %add3A_907 = arith.addf %add3A_901, %mul3A_906 : vector<16xf32>
      %gather3A_908 = arith.constant 1920 : i32
      %gather3A_909 = tpu.memref_slice %arg4[%gather3A_908] : memref<5120xf32, #tpu.memory_space<vmem>> -> memref<320xf32, #tpu.memory_space<vmem>>
      %gather3A_910 = tpu.vector_load_idx %gather3A_909[%add3A_53] : memref<320xf32, #tpu.memory_space<vmem>>[vector<16xi32>], vector<16xf32>,
      %exp3A_911 = math.exp %gather3A_910 : vector<16xf32>
      %mul3A_912 = arith.mulf %exp3A_911, %add3A_390 : vector<16xf32>
      %gather3A_913 = arith.constant 1920 : i32
      %gather3A_914 = tpu.memref_slice %arg4[%gather3A_913] : memref<5120xf32, #tpu.memory_space<vmem>> -> memref<320xf32, #tpu.memory_space<vmem>>
      %gather3A_915 = tpu.vector_load_idx %gather3A_914[%add3A_56] : memref<320xf32, #tpu.memory_space<vmem>>[vector<16xi32>], vector<16xf32>,
      %exp3A_916 = math.exp %gather3A_915 : vector<16xf32>
      %mul3A_917 = arith.mulf %exp3A_916, %get3A_823 : vector<16xf32>
      %add3A_918 = arith.addf %mul3A_912, %mul3A_917 : vector<16xf32>
      %gather3A_919 = arith.constant 1920 : i32
      %gather3A_920 = tpu.memref_slice %arg4[%gather3A_919] : memref<5120xf32, #tpu.memory_space<vmem>> -> memref<320xf32, #tpu.memory_space<vmem>>
      %gather3A_921 = tpu.vector_load_idx %gather3A_920[%add3A_59] : memref<320xf32, #tpu.memory_space<vmem>>[vector<16xi32>], vector<16xf32>,
      %exp3A_922 = math.exp %gather3A_921 : vector<16xf32>
      %mul3A_923 = arith.mulf %exp3A_922, %get3A_831 : vector<16xf32>
      %add3A_924 = arith.addf %add3A_918, %mul3A_923 : vector<16xf32>
      %gather3A_925 = arith.constant 1920 : i32
      %gather3A_926 = tpu.memref_slice %arg4[%gather3A_925] : memref<5120xf32, #tpu.memory_space<vmem>> -> memref<320xf32, #tpu.memory_space<vmem>>
      %gather3A_927 = tpu.vector_load_idx %gather3A_926[%add3A_62] : memref<320xf32, #tpu.memory_space<vmem>>[vector<16xi32>], vector<16xf32>,
      %exp3A_928 = math.exp %gather3A_927 : vector<16xf32>
      %mul3A_929 = arith.mulf %exp3A_928, %get3A_839 : vector<16xf32>
      %add3A_930 = arith.addf %add3A_924, %mul3A_929 : vector<16xf32>
      %gather3A_931 = arith.constant 1920 : i32
      %gather3A_932 = tpu.memref_slice %arg4[%gather3A_931] : memref<5120xf32, #tpu.memory_space<vmem>> -> memref<320xf32, #tpu.memory_space<vmem>>
      %gather3A_933 = tpu.vector_load_idx %gather3A_932[%add3A_65] : memref<320xf32, #tpu.memory_space<vmem>>[vector<16xi32>], vector<16xf32>,
      %exp3A_934 = math.exp %gather3A_933 : vector<16xf32>
      %mul3A_935 = arith.mulf %exp3A_934, %get3A_847 : vector<16xf32>
      %add3A_936 = arith.addf %add3A_930, %mul3A_935 : vector<16xf32>
      %gather3A_937 = arith.constant 2240 : i32
      %gather3A_938 = tpu.memref_slice %arg4[%gather3A_937] : memref<5120xf32, #tpu.memory_space<vmem>> -> memref<320xf32, #tpu.memory_space<vmem>>
      %gather3A_939 = tpu.vector_load_idx %gather3A_938[%add3A_53] : memref<320xf32, #tpu.memory_space<vmem>>[vector<16xi32>], vector<16xf32>,
      %exp3A_940 = math.exp %gather3A_939 : vector<16xf32>
      %mul3A_941 = arith.mulf %exp3A_940, %add3A_419 : vector<16xf32>
      %gather3A_942 = arith.constant 2240 : i32
      %gather3A_943 = tpu.memref_slice %arg4[%gather3A_942] : memref<5120xf32, #tpu.memory_space<vmem>> -> memref<320xf32, #tpu.memory_space<vmem>>
      %gather3A_944 = tpu.vector_load_idx %gather3A_943[%add3A_56] : memref<320xf32, #tpu.memory_space<vmem>>[vector<16xi32>], vector<16xf32>,
      %exp3A_945 = math.exp %gather3A_944 : vector<16xf32>
      %mul3A_946 = arith.mulf %exp3A_945, %get3A_825 : vector<16xf32>
      %add3A_947 = arith.addf %mul3A_941, %mul3A_946 : vector<16xf32>
      %gather3A_948 = arith.constant 2240 : i32
      %gather3A_949 = tpu.memref_slice %arg4[%gather3A_948] : memref<5120xf32, #tpu.memory_space<vmem>> -> memref<320xf32, #tpu.memory_space<vmem>>
      %gather3A_950 = tpu.vector_load_idx %gather3A_949[%add3A_59] : memref<320xf32, #tpu.memory_space<vmem>>[vector<16xi32>], vector<16xf32>,
      %exp3A_951 = math.exp %gather3A_950 : vector<16xf32>
      %mul3A_952 = arith.mulf %exp3A_951, %get3A_833 : vector<16xf32>
      %add3A_953 = arith.addf %add3A_947, %mul3A_952 : vector<16xf32>
      %gather3A_954 = arith.constant 2240 : i32
      %gather3A_955 = tpu.memref_slice %arg4[%gather3A_954] : memref<5120xf32, #tpu.memory_space<vmem>> -> memref<320xf32, #tpu.memory_space<vmem>>
      %gather3A_956 = tpu.vector_load_idx %gather3A_955[%add3A_62] : memref<320xf32, #tpu.memory_space<vmem>>[vector<16xi32>], vector<16xf32>,
      %exp3A_957 = math.exp %gather3A_956 : vector<16xf32>
      %mul3A_958 = arith.mulf %exp3A_957, %get3A_841 : vector<16xf32>
      %add3A_959 = arith.addf %add3A_953, %mul3A_958 : vector<16xf32>
      %gather3A_960 = arith.constant 2240 : i32
      %gather3A_961 = tpu.memref_slice %arg4[%gather3A_960] : memref<5120xf32, #tpu.memory_space<vmem>> -> memref<320xf32, #tpu.memory_space<vmem>>
      %gather3A_962 = tpu.vector_load_idx %gather3A_961[%add3A_65] : memref<320xf32, #tpu.memory_space<vmem>>[vector<16xi32>], vector<16xf32>,
      %exp3A_963 = math.exp %gather3A_962 : vector<16xf32>
      %mul3A_964 = arith.mulf %exp3A_963, %get3A_849 : vector<16xf32>
      %add3A_965 = arith.addf %add3A_959, %mul3A_964 : vector<16xf32>
      %gather3A_966 = arith.constant 1280 : i32
      %gather3A_967 = tpu.memref_slice %arg4[%gather3A_966] : memref<5120xf32, #tpu.memory_space<vmem>> -> memref<320xf32, #tpu.memory_space<vmem>>
      %gather3A_968 = tpu.vector_load_idx %gather3A_967[%add3A_68] : memref<320xf32, #tpu.memory_space<vmem>>[vector<16xi32>], vector<16xf32>,
      %exp3A_969 = math.exp %gather3A_968 : vector<16xf32>
      %mul3A_970 = arith.mulf %exp3A_969, %add3A_448 : vector<16xf32>
      %gather3A_971 = arith.constant 1280 : i32
      %gather3A_972 = tpu.memref_slice %arg4[%gather3A_971] : memref<5120xf32, #tpu.memory_space<vmem>> -> memref<320xf32, #tpu.memory_space<vmem>>
      %gather3A_973 = tpu.vector_load_idx %gather3A_972[%add3A_71] : memref<320xf32, #tpu.memory_space<vmem>>[vector<16xi32>], vector<16xf32>,
      %exp3A_974 = math.exp %gather3A_973 : vector<16xf32>
      %mul3A_975 = arith.mulf %exp3A_974, %get3A_819 : vector<16xf32>
      %add3A_976 = arith.addf %mul3A_970, %mul3A_975 : vector<16xf32>
      %gather3A_977 = arith.constant 1280 : i32
      %gather3A_978 = tpu.memref_slice %arg4[%gather3A_977] : memref<5120xf32, #tpu.memory_space<vmem>> -> memref<320xf32, #tpu.memory_space<vmem>>
      %gather3A_979 = tpu.vector_load_idx %gather3A_978[%add3A_74] : memref<320xf32, #tpu.memory_space<vmem>>[vector<16xi32>], vector<16xf32>,
      %exp3A_980 = math.exp %gather3A_979 : vector<16xf32>
      %mul3A_981 = arith.mulf %exp3A_980, %get3A_827 : vector<16xf32>
      %add3A_982 = arith.addf %add3A_976, %mul3A_981 : vector<16xf32>
      %gather3A_983 = arith.constant 1280 : i32
      %gather3A_984 = tpu.memref_slice %arg4[%gather3A_983] : memref<5120xf32, #tpu.memory_space<vmem>> -> memref<320xf32, #tpu.memory_space<vmem>>
      %gather3A_985 = tpu.vector_load_idx %gather3A_984[%add3A_77] : memref<320xf32, #tpu.memory_space<vmem>>[vector<16xi32>], vector<16xf32>,
      %exp3A_986 = math.exp %gather3A_985 : vector<16xf32>
      %mul3A_987 = arith.mulf %exp3A_986, %get3A_835 : vector<16xf32>
      %add3A_988 = arith.addf %add3A_982, %mul3A_987 : vector<16xf32>
      %gather3A_989 = arith.constant 1280 : i32
      %gather3A_990 = tpu.memref_slice %arg4[%gather3A_989] : memref<5120xf32, #tpu.memory_space<vmem>> -> memref<320xf32, #tpu.memory_space<vmem>>
      %gather3A_991 = tpu.vector_load_idx %gather3A_990[%add3A_80] : memref<320xf32, #tpu.memory_space<vmem>>[vector<16xi32>], vector<16xf32>,
      %exp3A_992 = math.exp %gather3A_991 : vector<16xf32>
      %mul3A_993 = arith.mulf %exp3A_992, %get3A_843 : vector<16xf32>
      %add3A_994 = arith.addf %add3A_988, %mul3A_993 : vector<16xf32>
      %gather3A_995 = arith.constant 1600 : i32
      %gather3A_996 = tpu.memref_slice %arg4[%gather3A_995] : memref<5120xf32, #tpu.memory_space<vmem>> -> memref<320xf32, #tpu.memory_space<vmem>>
      %gather3A_997 = tpu.vector_load_idx %gather3A_996[%add3A_68] : memref<320xf32, #tpu.memory_space<vmem>>[vector<16xi32>], vector<16xf32>,
      %exp3A_998 = math.exp %gather3A_997 : vector<16xf32>
      %mul3A_999 = arith.mulf %exp3A_998, %add3A_477 : vector<16xf32>
      %gather3A_1000 = arith.constant 1600 : i32
      %gather3A_1001 = tpu.memref_slice %arg4[%gather3A_1000] : memref<5120xf32, #tpu.memory_space<vmem>> -> memref<320xf32, #tpu.memory_space<vmem>>
      %gather3A_1002 = tpu.vector_load_idx %gather3A_1001[%add3A_71] : memref<320xf32, #tpu.memory_space<vmem>>[vector<16xi32>], vector<16xf32>,
      %exp3A_1003 = math.exp %gather3A_1002 : vector<16xf32>
      %mul3A_1004 = arith.mulf %exp3A_1003, %get3A_821 : vector<16xf32>
      %add3A_1005 = arith.addf %mul3A_999, %mul3A_1004 : vector<16xf32>
      %gather3A_1006 = arith.constant 1600 : i32
      %gather3A_1007 = tpu.memref_slice %arg4[%gather3A_1006] : memref<5120xf32, #tpu.memory_space<vmem>> -> memref<320xf32, #tpu.memory_space<vmem>>
      %gather3A_1008 = tpu.vector_load_idx %gather3A_1007[%add3A_74] : memref<320xf32, #tpu.memory_space<vmem>>[vector<16xi32>], vector<16xf32>,
      %exp3A_1009 = math.exp %gather3A_1008 : vector<16xf32>
      %mul3A_1010 = arith.mulf %exp3A_1009, %get3A_829 : vector<16xf32>
      %add3A_1011 = arith.addf %add3A_1005, %mul3A_1010 : vector<16xf32>
      %gather3A_1012 = arith.constant 1600 : i32
      %gather3A_1013 = tpu.memref_slice %arg4[%gather3A_1012] : memref<5120xf32, #tpu.memory_space<vmem>> -> memref<320xf32, #tpu.memory_space<vmem>>
      %gather3A_1014 = tpu.vector_load_idx %gather3A_1013[%add3A_77] : memref<320xf32, #tpu.memory_space<vmem>>[vector<16xi32>], vector<16xf32>,
      %exp3A_1015 = math.exp %gather3A_1014 : vector<16xf32>
      %mul3A_1016 = arith.mulf %exp3A_1015, %get3A_837 : vector<16xf32>
      %add3A_1017 = arith.addf %add3A_1011, %mul3A_1016 : vector<16xf32>
      %gather3A_1018 = arith.constant 1600 : i32
      %gather3A_1019 = tpu.memref_slice %arg4[%gather3A_1018] : memref<5120xf32, #tpu.memory_space<vmem>> -> memref<320xf32, #tpu.memory_space<vmem>>
      %gather3A_1020 = tpu.vector_load_idx %gather3A_1019[%add3A_80] : memref<320xf32, #tpu.memory_space<vmem>>[vector<16xi32>], vector<16xf32>,
      %exp3A_1021 = math.exp %gather3A_1020 : vector<16xf32>
      %mul3A_1022 = arith.mulf %exp3A_1021, %get3A_845 : vector<16xf32>
      %add3A_1023 = arith.addf %add3A_1017, %mul3A_1022 : vector<16xf32>
      %gather3A_1024 = arith.constant 1920 : i32
      %gather3A_1025 = tpu.memref_slice %arg4[%gather3A_1024] : memref<5120xf32, #tpu.memory_space<vmem>> -> memref<320xf32, #tpu.memory_space<vmem>>
      %gather3A_1026 = tpu.vector_load_idx %gather3A_1025[%add3A_68] : memref<320xf32, #tpu.memory_space<vmem>>[vector<16xi32>], vector<16xf32>,
      %exp3A_1027 = math.exp %gather3A_1026 : vector<16xf32>
      %mul3A_1028 = arith.mulf %exp3A_1027, %add3A_506 : vector<16xf32>
      %gather3A_1029 = arith.constant 1920 : i32
      %gather3A_1030 = tpu.memref_slice %arg4[%gather3A_1029] : memref<5120xf32, #tpu.memory_space<vmem>> -> memref<320xf32, #tpu.memory_space<vmem>>
      %gather3A_1031 = tpu.vector_load_idx %gather3A_1030[%add3A_71] : memref<320xf32, #tpu.memory_space<vmem>>[vector<16xi32>], vector<16xf32>,
      %exp3A_1032 = math.exp %gather3A_1031 : vector<16xf32>
      %mul3A_1033 = arith.mulf %exp3A_1032, %get3A_823 : vector<16xf32>
      %add3A_1034 = arith.addf %mul3A_1028, %mul3A_1033 : vector<16xf32>
      %gather3A_1035 = arith.constant 1920 : i32
      %gather3A_1036 = tpu.memref_slice %arg4[%gather3A_1035] : memref<5120xf32, #tpu.memory_space<vmem>> -> memref<320xf32, #tpu.memory_space<vmem>>
      %gather3A_1037 = tpu.vector_load_idx %gather3A_1036[%add3A_74] : memref<320xf32, #tpu.memory_space<vmem>>[vector<16xi32>], vector<16xf32>,
      %exp3A_1038 = math.exp %gather3A_1037 : vector<16xf32>
      %mul3A_1039 = arith.mulf %exp3A_1038, %get3A_831 : vector<16xf32>
      %add3A_1040 = arith.addf %add3A_1034, %mul3A_1039 : vector<16xf32>
      %gather3A_1041 = arith.constant 1920 : i32
      %gather3A_1042 = tpu.memref_slice %arg4[%gather3A_1041] : memref<5120xf32, #tpu.memory_space<vmem>> -> memref<320xf32, #tpu.memory_space<vmem>>
      %gather3A_1043 = tpu.vector_load_idx %gather3A_1042[%add3A_77] : memref<320xf32, #tpu.memory_space<vmem>>[vector<16xi32>], vector<16xf32>,
      %exp3A_1044 = math.exp %gather3A_1043 : vector<16xf32>
      %mul3A_1045 = arith.mulf %exp3A_1044, %get3A_839 : vector<16xf32>
      %add3A_1046 = arith.addf %add3A_1040, %mul3A_1045 : vector<16xf32>
      %gather3A_1047 = arith.constant 1920 : i32
      %gather3A_1048 = tpu.memref_slice %arg4[%gather3A_1047] : memref<5120xf32, #tpu.memory_space<vmem>> -> memref<320xf32, #tpu.memory_space<vmem>>
      %gather3A_1049 = tpu.vector_load_idx %gather3A_1048[%add3A_80] : memref<320xf32, #tpu.memory_space<vmem>>[vector<16xi32>], vector<16xf32>,
      %exp3A_1050 = math.exp %gather3A_1049 : vector<16xf32>
      %mul3A_1051 = arith.mulf %exp3A_1050, %get3A_847 : vector<16xf32>
      %add3A_1052 = arith.addf %add3A_1046, %mul3A_1051 : vector<16xf32>
      %gather3A_1053 = arith.constant 2240 : i32
      %gather3A_1054 = tpu.memref_slice %arg4[%gather3A_1053] : memref<5120xf32, #tpu.memory_space<vmem>> -> memref<320xf32, #tpu.memory_space<vmem>>
      %gather3A_1055 = tpu.vector_load_idx %gather3A_1054[%add3A_68] : memref<320xf32, #tpu.memory_space<vmem>>[vector<16xi32>], vector<16xf32>,
      %exp3A_1056 = math.exp %gather3A_1055 : vector<16xf32>
      %mul3A_1057 = arith.mulf %exp3A_1056, %add3A_535 : vector<16xf32>
      %gather3A_1058 = arith.constant 2240 : i32
      %gather3A_1059 = tpu.memref_slice %arg4[%gather3A_1058] : memref<5120xf32, #tpu.memory_space<vmem>> -> memref<320xf32, #tpu.memory_space<vmem>>
      %gather3A_1060 = tpu.vector_load_idx %gather3A_1059[%add3A_71] : memref<320xf32, #tpu.memory_space<vmem>>[vector<16xi32>], vector<16xf32>,
      %exp3A_1061 = math.exp %gather3A_1060 : vector<16xf32>
      %mul3A_1062 = arith.mulf %exp3A_1061, %get3A_825 : vector<16xf32>
      %add3A_1063 = arith.addf %mul3A_1057, %mul3A_1062 : vector<16xf32>
      %gather3A_1064 = arith.constant 2240 : i32
      %gather3A_1065 = tpu.memref_slice %arg4[%gather3A_1064] : memref<5120xf32, #tpu.memory_space<vmem>> -> memref<320xf32, #tpu.memory_space<vmem>>
      %gather3A_1066 = tpu.vector_load_idx %gather3A_1065[%add3A_74] : memref<320xf32, #tpu.memory_space<vmem>>[vector<16xi32>], vector<16xf32>,
      %exp3A_1067 = math.exp %gather3A_1066 : vector<16xf32>
      %mul3A_1068 = arith.mulf %exp3A_1067, %get3A_833 : vector<16xf32>
      %add3A_1069 = arith.addf %add3A_1063, %mul3A_1068 : vector<16xf32>
      %gather3A_1070 = arith.constant 2240 : i32
      %gather3A_1071 = tpu.memref_slice %arg4[%gather3A_1070] : memref<5120xf32, #tpu.memory_space<vmem>> -> memref<320xf32, #tpu.memory_space<vmem>>
      %gather3A_1072 = tpu.vector_load_idx %gather3A_1071[%add3A_77] : memref<320xf32, #tpu.memory_space<vmem>>[vector<16xi32>], vector<16xf32>,
      %exp3A_1073 = math.exp %gather3A_1072 : vector<16xf32>
      %mul3A_1074 = arith.mulf %exp3A_1073, %get3A_841 : vector<16xf32>
      %add3A_1075 = arith.addf %add3A_1069, %mul3A_1074 : vector<16xf32>
      %gather3A_1076 = arith.constant 2240 : i32
      %gather3A_1077 = tpu.memref_slice %arg4[%gather3A_1076] : memref<5120xf32, #tpu.memory_space<vmem>> -> memref<320xf32, #tpu.memory_space<vmem>>
      %gather3A_1078 = tpu.vector_load_idx %gather3A_1077[%add3A_80] : memref<320xf32, #tpu.memory_space<vmem>>[vector<16xi32>], vector<16xf32>,
      %exp3A_1079 = math.exp %gather3A_1078 : vector<16xf32>
      %mul3A_1080 = arith.mulf %exp3A_1079, %get3A_849 : vector<16xf32>
      %add3A_1081 = arith.addf %add3A_1075, %mul3A_1080 : vector<16xf32>
      %gather3A_1082 = arith.constant 1280 : i32
      %gather3A_1083 = tpu.memref_slice %arg4[%gather3A_1082] : memref<5120xf32, #tpu.memory_space<vmem>> -> memref<320xf32, #tpu.memory_space<vmem>>
      %gather3A_1084 = tpu.vector_load_idx %gather3A_1083[%add3A_83] : memref<320xf32, #tpu.memory_space<vmem>>[vector<16xi32>], vector<16xf32>,
      %exp3A_1085 = math.exp %gather3A_1084 : vector<16xf32>
      %mul3A_1086 = arith.mulf %exp3A_1085, %add3A_564 : vector<16xf32>
      %gather3A_1087 = arith.constant 1280 : i32
      %gather3A_1088 = tpu.memref_slice %arg4[%gather3A_1087] : memref<5120xf32, #tpu.memory_space<vmem>> -> memref<320xf32, #tpu.memory_space<vmem>>
      %gather3A_1089 = tpu.vector_load_idx %gather3A_1088[%add3A_86] : memref<320xf32, #tpu.memory_space<vmem>>[vector<16xi32>], vector<16xf32>,
      %exp3A_1090 = math.exp %gather3A_1089 : vector<16xf32>
      %mul3A_1091 = arith.mulf %exp3A_1090, %get3A_819 : vector<16xf32>
      %add3A_1092 = arith.addf %mul3A_1086, %mul3A_1091 : vector<16xf32>
      %gather3A_1093 = arith.constant 1280 : i32
      %gather3A_1094 = tpu.memref_slice %arg4[%gather3A_1093] : memref<5120xf32, #tpu.memory_space<vmem>> -> memref<320xf32, #tpu.memory_space<vmem>>
      %gather3A_1095 = tpu.vector_load_idx %gather3A_1094[%add3A_89] : memref<320xf32, #tpu.memory_space<vmem>>[vector<16xi32>], vector<16xf32>,
      %exp3A_1096 = math.exp %gather3A_1095 : vector<16xf32>
      %mul3A_1097 = arith.mulf %exp3A_1096, %get3A_827 : vector<16xf32>
      %add3A_1098 = arith.addf %add3A_1092, %mul3A_1097 : vector<16xf32>
      %gather3A_1099 = arith.constant 1280 : i32
      %gather3A_1100 = tpu.memref_slice %arg4[%gather3A_1099] : memref<5120xf32, #tpu.memory_space<vmem>> -> memref<320xf32, #tpu.memory_space<vmem>>
      %gather3A_1101 = tpu.vector_load_idx %gather3A_1100[%add3A_92] : memref<320xf32, #tpu.memory_space<vmem>>[vector<16xi32>], vector<16xf32>,
      %exp3A_1102 = math.exp %gather3A_1101 : vector<16xf32>
      %mul3A_1103 = arith.mulf %exp3A_1102, %get3A_835 : vector<16xf32>
      %add3A_1104 = arith.addf %add3A_1098, %mul3A_1103 : vector<16xf32>
      %gather3A_1105 = arith.constant 1280 : i32
      %gather3A_1106 = tpu.memref_slice %arg4[%gather3A_1105] : memref<5120xf32, #tpu.memory_space<vmem>> -> memref<320xf32, #tpu.memory_space<vmem>>
      %gather3A_1107 = tpu.vector_load_idx %gather3A_1106[%add3A_95] : memref<320xf32, #tpu.memory_space<vmem>>[vector<16xi32>], vector<16xf32>,
      %exp3A_1108 = math.exp %gather3A_1107 : vector<16xf32>
      %mul3A_1109 = arith.mulf %exp3A_1108, %get3A_843 : vector<16xf32>
      %add3A_1110 = arith.addf %add3A_1104, %mul3A_1109 : vector<16xf32>
      %gather3A_1111 = arith.constant 1600 : i32
      %gather3A_1112 = tpu.memref_slice %arg4[%gather3A_1111] : memref<5120xf32, #tpu.memory_space<vmem>> -> memref<320xf32, #tpu.memory_space<vmem>>
      %gather3A_1113 = tpu.vector_load_idx %gather3A_1112[%add3A_83] : memref<320xf32, #tpu.memory_space<vmem>>[vector<16xi32>], vector<16xf32>,
      %exp3A_1114 = math.exp %gather3A_1113 : vector<16xf32>
      %mul3A_1115 = arith.mulf %exp3A_1114, %add3A_593 : vector<16xf32>
      %gather3A_1116 = arith.constant 1600 : i32
      %gather3A_1117 = tpu.memref_slice %arg4[%gather3A_1116] : memref<5120xf32, #tpu.memory_space<vmem>> -> memref<320xf32, #tpu.memory_space<vmem>>
      %gather3A_1118 = tpu.vector_load_idx %gather3A_1117[%add3A_86] : memref<320xf32, #tpu.memory_space<vmem>>[vector<16xi32>], vector<16xf32>,
      %exp3A_1119 = math.exp %gather3A_1118 : vector<16xf32>
      %mul3A_1120 = arith.mulf %exp3A_1119, %get3A_821 : vector<16xf32>
      %add3A_1121 = arith.addf %mul3A_1115, %mul3A_1120 : vector<16xf32>
      %gather3A_1122 = arith.constant 1600 : i32
      %gather3A_1123 = tpu.memref_slice %arg4[%gather3A_1122] : memref<5120xf32, #tpu.memory_space<vmem>> -> memref<320xf32, #tpu.memory_space<vmem>>
      %gather3A_1124 = tpu.vector_load_idx %gather3A_1123[%add3A_89] : memref<320xf32, #tpu.memory_space<vmem>>[vector<16xi32>], vector<16xf32>,
      %exp3A_1125 = math.exp %gather3A_1124 : vector<16xf32>
      %mul3A_1126 = arith.mulf %exp3A_1125, %get3A_829 : vector<16xf32>
      %add3A_1127 = arith.addf %add3A_1121, %mul3A_1126 : vector<16xf32>
      %gather3A_1128 = arith.constant 1600 : i32
      %gather3A_1129 = tpu.memref_slice %arg4[%gather3A_1128] : memref<5120xf32, #tpu.memory_space<vmem>> -> memref<320xf32, #tpu.memory_space<vmem>>
      %gather3A_1130 = tpu.vector_load_idx %gather3A_1129[%add3A_92] : memref<320xf32, #tpu.memory_space<vmem>>[vector<16xi32>], vector<16xf32>,
      %exp3A_1131 = math.exp %gather3A_1130 : vector<16xf32>
      %mul3A_1132 = arith.mulf %exp3A_1131, %get3A_837 : vector<16xf32>
      %add3A_1133 = arith.addf %add3A_1127, %mul3A_1132 : vector<16xf32>
      %gather3A_1134 = arith.constant 1600 : i32
      %gather3A_1135 = tpu.memref_slice %arg4[%gather3A_1134] : memref<5120xf32, #tpu.memory_space<vmem>> -> memref<320xf32, #tpu.memory_space<vmem>>
      %gather3A_1136 = tpu.vector_load_idx %gather3A_1135[%add3A_95] : memref<320xf32, #tpu.memory_space<vmem>>[vector<16xi32>], vector<16xf32>,
      %exp3A_1137 = math.exp %gather3A_1136 : vector<16xf32>
      %mul3A_1138 = arith.mulf %exp3A_1137, %get3A_845 : vector<16xf32>
      %add3A_1139 = arith.addf %add3A_1133, %mul3A_1138 : vector<16xf32>
      %gather3A_1140 = arith.constant 1920 : i32
      %gather3A_1141 = tpu.memref_slice %arg4[%gather3A_1140] : memref<5120xf32, #tpu.memory_space<vmem>> -> memref<320xf32, #tpu.memory_space<vmem>>
      %gather3A_1142 = tpu.vector_load_idx %gather3A_1141[%add3A_83] : memref<320xf32, #tpu.memory_space<vmem>>[vector<16xi32>], vector<16xf32>,
      %exp3A_1143 = math.exp %gather3A_1142 : vector<16xf32>
      %mul3A_1144 = arith.mulf %exp3A_1143, %add3A_622 : vector<16xf32>
      %gather3A_1145 = arith.constant 1920 : i32
      %gather3A_1146 = tpu.memref_slice %arg4[%gather3A_1145] : memref<5120xf32, #tpu.memory_space<vmem>> -> memref<320xf32, #tpu.memory_space<vmem>>
      %gather3A_1147 = tpu.vector_load_idx %gather3A_1146[%add3A_86] : memref<320xf32, #tpu.memory_space<vmem>>[vector<16xi32>], vector<16xf32>,
      %exp3A_1148 = math.exp %gather3A_1147 : vector<16xf32>
      %mul3A_1149 = arith.mulf %exp3A_1148, %get3A_823 : vector<16xf32>
      %add3A_1150 = arith.addf %mul3A_1144, %mul3A_1149 : vector<16xf32>
      %gather3A_1151 = arith.constant 1920 : i32
      %gather3A_1152 = tpu.memref_slice %arg4[%gather3A_1151] : memref<5120xf32, #tpu.memory_space<vmem>> -> memref<320xf32, #tpu.memory_space<vmem>>
      %gather3A_1153 = tpu.vector_load_idx %gather3A_1152[%add3A_89] : memref<320xf32, #tpu.memory_space<vmem>>[vector<16xi32>], vector<16xf32>,
      %exp3A_1154 = math.exp %gather3A_1153 : vector<16xf32>
      %mul3A_1155 = arith.mulf %exp3A_1154, %get3A_831 : vector<16xf32>
      %add3A_1156 = arith.addf %add3A_1150, %mul3A_1155 : vector<16xf32>
      %gather3A_1157 = arith.constant 1920 : i32
      %gather3A_1158 = tpu.memref_slice %arg4[%gather3A_1157] : memref<5120xf32, #tpu.memory_space<vmem>> -> memref<320xf32, #tpu.memory_space<vmem>>
      %gather3A_1159 = tpu.vector_load_idx %gather3A_1158[%add3A_92] : memref<320xf32, #tpu.memory_space<vmem>>[vector<16xi32>], vector<16xf32>,
      %exp3A_1160 = math.exp %gather3A_1159 : vector<16xf32>
      %mul3A_1161 = arith.mulf %exp3A_1160, %get3A_839 : vector<16xf32>
      %add3A_1162 = arith.addf %add3A_1156, %mul3A_1161 : vector<16xf32>
      %gather3A_1163 = arith.constant 1920 : i32
      %gather3A_1164 = tpu.memref_slice %arg4[%gather3A_1163] : memref<5120xf32, #tpu.memory_space<vmem>> -> memref<320xf32, #tpu.memory_space<vmem>>
      %gather3A_1165 = tpu.vector_load_idx %gather3A_1164[%add3A_95] : memref<320xf32, #tpu.memory_space<vmem>>[vector<16xi32>], vector<16xf32>,
      %exp3A_1166 = math.exp %gather3A_1165 : vector<16xf32>
      %mul3A_1167 = arith.mulf %exp3A_1166, %get3A_847 : vector<16xf32>
      %add3A_1168 = arith.addf %add3A_1162, %mul3A_1167 : vector<16xf32>
      %gather3A_1169 = arith.constant 2240 : i32
      %gather3A_1170 = tpu.memref_slice %arg4[%gather3A_1169] : memref<5120xf32, #tpu.memory_space<vmem>> -> memref<320xf32, #tpu.memory_space<vmem>>
      %gather3A_1171 = tpu.vector_load_idx %gather3A_1170[%add3A_83] : memref<320xf32, #tpu.memory_space<vmem>>[vector<16xi32>], vector<16xf32>,
      %exp3A_1172 = math.exp %gather3A_1171 : vector<16xf32>
      %mul3A_1173 = arith.mulf %exp3A_1172, %add3A_651 : vector<16xf32>
      %gather3A_1174 = arith.constant 2240 : i32
      %gather3A_1175 = tpu.memref_slice %arg4[%gather3A_1174] : memref<5120xf32, #tpu.memory_space<vmem>> -> memref<320xf32, #tpu.memory_space<vmem>>
      %gather3A_1176 = tpu.vector_load_idx %gather3A_1175[%add3A_86] : memref<320xf32, #tpu.memory_space<vmem>>[vector<16xi32>], vector<16xf32>,
      %exp3A_1177 = math.exp %gather3A_1176 : vector<16xf32>
      %mul3A_1178 = arith.mulf %exp3A_1177, %get3A_825 : vector<16xf32>
      %add3A_1179 = arith.addf %mul3A_1173, %mul3A_1178 : vector<16xf32>
      %gather3A_1180 = arith.constant 2240 : i32
      %gather3A_1181 = tpu.memref_slice %arg4[%gather3A_1180] : memref<5120xf32, #tpu.memory_space<vmem>> -> memref<320xf32, #tpu.memory_space<vmem>>
      %gather3A_1182 = tpu.vector_load_idx %gather3A_1181[%add3A_89] : memref<320xf32, #tpu.memory_space<vmem>>[vector<16xi32>], vector<16xf32>,
      %exp3A_1183 = math.exp %gather3A_1182 : vector<16xf32>
      %mul3A_1184 = arith.mulf %exp3A_1183, %get3A_833 : vector<16xf32>
      %add3A_1185 = arith.addf %add3A_1179, %mul3A_1184 : vector<16xf32>
      %gather3A_1186 = arith.constant 2240 : i32
      %gather3A_1187 = tpu.memref_slice %arg4[%gather3A_1186] : memref<5120xf32, #tpu.memory_space<vmem>> -> memref<320xf32, #tpu.memory_space<vmem>>
      %gather3A_1188 = tpu.vector_load_idx %gather3A_1187[%add3A_92] : memref<320xf32, #tpu.memory_space<vmem>>[vector<16xi32>], vector<16xf32>,
      %exp3A_1189 = math.exp %gather3A_1188 : vector<16xf32>
      %mul3A_1190 = arith.mulf %exp3A_1189, %get3A_841 : vector<16xf32>
      %add3A_1191 = arith.addf %add3A_1185, %mul3A_1190 : vector<16xf32>
      %gather3A_1192 = arith.constant 2240 : i32
      %gather3A_1193 = tpu.memref_slice %arg4[%gather3A_1192] : memref<5120xf32, #tpu.memory_space<vmem>> -> memref<320xf32, #tpu.memory_space<vmem>>
      %gather3A_1194 = tpu.vector_load_idx %gather3A_1193[%add3A_95] : memref<320xf32, #tpu.memory_space<vmem>>[vector<16xi32>], vector<16xf32>,
      %exp3A_1195 = math.exp %gather3A_1194 : vector<16xf32>
      %mul3A_1196 = arith.mulf %exp3A_1195, %get3A_849 : vector<16xf32>
      %add3A_1197 = arith.addf %add3A_1191, %mul3A_1196 : vector<16xf32>
      %gather3A_1198 = arith.constant 1280 : i32
      %gather3A_1199 = tpu.memref_slice %arg4[%gather3A_1198] : memref<5120xf32, #tpu.memory_space<vmem>> -> memref<320xf32, #tpu.memory_space<vmem>>
      %gather3A_1200 = tpu.vector_load_idx %gather3A_1199[%add3A_98] : memref<320xf32, #tpu.memory_space<vmem>>[vector<16xi32>], vector<16xf32>,
      %exp3A_1201 = math.exp %gather3A_1200 : vector<16xf32>
      %mul3A_1202 = arith.mulf %exp3A_1201, %add3A_680 : vector<16xf32>
      %gather3A_1203 = arith.constant 1280 : i32
      %gather3A_1204 = tpu.memref_slice %arg4[%gather3A_1203] : memref<5120xf32, #tpu.memory_space<vmem>> -> memref<320xf32, #tpu.memory_space<vmem>>
      %gather3A_1205 = tpu.vector_load_idx %gather3A_1204[%add3A_101] : memref<320xf32, #tpu.memory_space<vmem>>[vector<16xi32>], vector<16xf32>,
      %exp3A_1206 = math.exp %gather3A_1205 : vector<16xf32>
      %mul3A_1207 = arith.mulf %exp3A_1206, %get3A_819 : vector<16xf32>
      %add3A_1208 = arith.addf %mul3A_1202, %mul3A_1207 : vector<16xf32>
      %gather3A_1209 = arith.constant 1280 : i32
      %gather3A_1210 = tpu.memref_slice %arg4[%gather3A_1209] : memref<5120xf32, #tpu.memory_space<vmem>> -> memref<320xf32, #tpu.memory_space<vmem>>
      %gather3A_1211 = tpu.vector_load_idx %gather3A_1210[%add3A_104] : memref<320xf32, #tpu.memory_space<vmem>>[vector<16xi32>], vector<16xf32>,
      %exp3A_1212 = math.exp %gather3A_1211 : vector<16xf32>
      %mul3A_1213 = arith.mulf %exp3A_1212, %get3A_827 : vector<16xf32>
      %add3A_1214 = arith.addf %add3A_1208, %mul3A_1213 : vector<16xf32>
      %gather3A_1215 = arith.constant 1280 : i32
      %gather3A_1216 = tpu.memref_slice %arg4[%gather3A_1215] : memref<5120xf32, #tpu.memory_space<vmem>> -> memref<320xf32, #tpu.memory_space<vmem>>
      %gather3A_1217 = tpu.vector_load_idx %gather3A_1216[%add3A_107] : memref<320xf32, #tpu.memory_space<vmem>>[vector<16xi32>], vector<16xf32>,
      %exp3A_1218 = math.exp %gather3A_1217 : vector<16xf32>
      %mul3A_1219 = arith.mulf %exp3A_1218, %get3A_835 : vector<16xf32>
      %add3A_1220 = arith.addf %add3A_1214, %mul3A_1219 : vector<16xf32>
      %gather3A_1221 = arith.constant 1280 : i32
      %gather3A_1222 = tpu.memref_slice %arg4[%gather3A_1221] : memref<5120xf32, #tpu.memory_space<vmem>> -> memref<320xf32, #tpu.memory_space<vmem>>
      %gather3A_1223 = tpu.vector_load_idx %gather3A_1222[%add3A_110] : memref<320xf32, #tpu.memory_space<vmem>>[vector<16xi32>], vector<16xf32>,
      %exp3A_1224 = math.exp %gather3A_1223 : vector<16xf32>
      %mul3A_1225 = arith.mulf %exp3A_1224, %get3A_843 : vector<16xf32>
      %add3A_1226 = arith.addf %add3A_1220, %mul3A_1225 : vector<16xf32>
      %gather3A_1227 = arith.constant 1600 : i32
      %gather3A_1228 = tpu.memref_slice %arg4[%gather3A_1227] : memref<5120xf32, #tpu.memory_space<vmem>> -> memref<320xf32, #tpu.memory_space<vmem>>
      %gather3A_1229 = tpu.vector_load_idx %gather3A_1228[%add3A_98] : memref<320xf32, #tpu.memory_space<vmem>>[vector<16xi32>], vector<16xf32>,
      %exp3A_1230 = math.exp %gather3A_1229 : vector<16xf32>
      %mul3A_1231 = arith.mulf %exp3A_1230, %add3A_709 : vector<16xf32>
      %gather3A_1232 = arith.constant 1600 : i32
      %gather3A_1233 = tpu.memref_slice %arg4[%gather3A_1232] : memref<5120xf32, #tpu.memory_space<vmem>> -> memref<320xf32, #tpu.memory_space<vmem>>
      %gather3A_1234 = tpu.vector_load_idx %gather3A_1233[%add3A_101] : memref<320xf32, #tpu.memory_space<vmem>>[vector<16xi32>], vector<16xf32>,
      %exp3A_1235 = math.exp %gather3A_1234 : vector<16xf32>
      %mul3A_1236 = arith.mulf %exp3A_1235, %get3A_821 : vector<16xf32>
      %add3A_1237 = arith.addf %mul3A_1231, %mul3A_1236 : vector<16xf32>
      %gather3A_1238 = arith.constant 1600 : i32
      %gather3A_1239 = tpu.memref_slice %arg4[%gather3A_1238] : memref<5120xf32, #tpu.memory_space<vmem>> -> memref<320xf32, #tpu.memory_space<vmem>>
      %gather3A_1240 = tpu.vector_load_idx %gather3A_1239[%add3A_104] : memref<320xf32, #tpu.memory_space<vmem>>[vector<16xi32>], vector<16xf32>,
      %exp3A_1241 = math.exp %gather3A_1240 : vector<16xf32>
      %mul3A_1242 = arith.mulf %exp3A_1241, %get3A_829 : vector<16xf32>
      %add3A_1243 = arith.addf %add3A_1237, %mul3A_1242 : vector<16xf32>
      %gather3A_1244 = arith.constant 1600 : i32
      %gather3A_1245 = tpu.memref_slice %arg4[%gather3A_1244] : memref<5120xf32, #tpu.memory_space<vmem>> -> memref<320xf32, #tpu.memory_space<vmem>>
      %gather3A_1246 = tpu.vector_load_idx %gather3A_1245[%add3A_107] : memref<320xf32, #tpu.memory_space<vmem>>[vector<16xi32>], vector<16xf32>,
      %exp3A_1247 = math.exp %gather3A_1246 : vector<16xf32>
      %mul3A_1248 = arith.mulf %exp3A_1247, %get3A_837 : vector<16xf32>
      %add3A_1249 = arith.addf %add3A_1243, %mul3A_1248 : vector<16xf32>
      %gather3A_1250 = arith.constant 1600 : i32
      %gather3A_1251 = tpu.memref_slice %arg4[%gather3A_1250] : memref<5120xf32, #tpu.memory_space<vmem>> -> memref<320xf32, #tpu.memory_space<vmem>>
      %gather3A_1252 = tpu.vector_load_idx %gather3A_1251[%add3A_110] : memref<320xf32, #tpu.memory_space<vmem>>[vector<16xi32>], vector<16xf32>,
      %exp3A_1253 = math.exp %gather3A_1252 : vector<16xf32>
      %mul3A_1254 = arith.mulf %exp3A_1253, %get3A_845 : vector<16xf32>
      %add3A_1255 = arith.addf %add3A_1249, %mul3A_1254 : vector<16xf32>
      %gather3A_1256 = arith.constant 1920 : i32
      %gather3A_1257 = tpu.memref_slice %arg4[%gather3A_1256] : memref<5120xf32, #tpu.memory_space<vmem>> -> memref<320xf32, #tpu.memory_space<vmem>>
      %gather3A_1258 = tpu.vector_load_idx %gather3A_1257[%add3A_98] : memref<320xf32, #tpu.memory_space<vmem>>[vector<16xi32>], vector<16xf32>,
      %exp3A_1259 = math.exp %gather3A_1258 : vector<16xf32>
      %mul3A_1260 = arith.mulf %exp3A_1259, %add3A_738 : vector<16xf32>
      %gather3A_1261 = arith.constant 1920 : i32
      %gather3A_1262 = tpu.memref_slice %arg4[%gather3A_1261] : memref<5120xf32, #tpu.memory_space<vmem>> -> memref<320xf32, #tpu.memory_space<vmem>>
      %gather3A_1263 = tpu.vector_load_idx %gather3A_1262[%add3A_101] : memref<320xf32, #tpu.memory_space<vmem>>[vector<16xi32>], vector<16xf32>,
      %exp3A_1264 = math.exp %gather3A_1263 : vector<16xf32>
      %mul3A_1265 = arith.mulf %exp3A_1264, %get3A_823 : vector<16xf32>
      %add3A_1266 = arith.addf %mul3A_1260, %mul3A_1265 : vector<16xf32>
      %gather3A_1267 = arith.constant 1920 : i32
      %gather3A_1268 = tpu.memref_slice %arg4[%gather3A_1267] : memref<5120xf32, #tpu.memory_space<vmem>> -> memref<320xf32, #tpu.memory_space<vmem>>
      %gather3A_1269 = tpu.vector_load_idx %gather3A_1268[%add3A_104] : memref<320xf32, #tpu.memory_space<vmem>>[vector<16xi32>], vector<16xf32>,
      %exp3A_1270 = math.exp %gather3A_1269 : vector<16xf32>
      %mul3A_1271 = arith.mulf %exp3A_1270, %get3A_831 : vector<16xf32>
      %add3A_1272 = arith.addf %add3A_1266, %mul3A_1271 : vector<16xf32>
      %gather3A_1273 = arith.constant 1920 : i32
      %gather3A_1274 = tpu.memref_slice %arg4[%gather3A_1273] : memref<5120xf32, #tpu.memory_space<vmem>> -> memref<320xf32, #tpu.memory_space<vmem>>
      %gather3A_1275 = tpu.vector_load_idx %gather3A_1274[%add3A_107] : memref<320xf32, #tpu.memory_space<vmem>>[vector<16xi32>], vector<16xf32>,
      %exp3A_1276 = math.exp %gather3A_1275 : vector<16xf32>
      %mul3A_1277 = arith.mulf %exp3A_1276, %get3A_839 : vector<16xf32>
      %add3A_1278 = arith.addf %add3A_1272, %mul3A_1277 : vector<16xf32>
      %gather3A_1279 = arith.constant 1920 : i32
      %gather3A_1280 = tpu.memref_slice %arg4[%gather3A_1279] : memref<5120xf32, #tpu.memory_space<vmem>> -> memref<320xf32, #tpu.memory_space<vmem>>
      %gather3A_1281 = tpu.vector_load_idx %gather3A_1280[%add3A_110] : memref<320xf32, #tpu.memory_space<vmem>>[vector<16xi32>], vector<16xf32>,
      %exp3A_1282 = math.exp %gather3A_1281 : vector<16xf32>
      %mul3A_1283 = arith.mulf %exp3A_1282, %get3A_847 : vector<16xf32>
      %add3A_1284 = arith.addf %add3A_1278, %mul3A_1283 : vector<16xf32>
      %gather3A_1285 = arith.constant 2240 : i32
      %gather3A_1286 = tpu.memref_slice %arg4[%gather3A_1285] : memref<5120xf32, #tpu.memory_space<vmem>> -> memref<320xf32, #tpu.memory_space<vmem>>
      %gather3A_1287 = tpu.vector_load_idx %gather3A_1286[%add3A_98] : memref<320xf32, #tpu.memory_space<vmem>>[vector<16xi32>], vector<16xf32>,
      %exp3A_1288 = math.exp %gather3A_1287 : vector<16xf32>
      %mul3A_1289 = arith.mulf %exp3A_1288, %add3A_767 : vector<16xf32>
      %gather3A_1290 = arith.constant 2240 : i32
      %gather3A_1291 = tpu.memref_slice %arg4[%gather3A_1290] : memref<5120xf32, #tpu.memory_space<vmem>> -> memref<320xf32, #tpu.memory_space<vmem>>
      %gather3A_1292 = tpu.vector_load_idx %gather3A_1291[%add3A_101] : memref<320xf32, #tpu.memory_space<vmem>>[vector<16xi32>], vector<16xf32>,
      %exp3A_1293 = math.exp %gather3A_1292 : vector<16xf32>
      %mul3A_1294 = arith.mulf %exp3A_1293, %get3A_825 : vector<16xf32>
      %add3A_1295 = arith.addf %mul3A_1289, %mul3A_1294 : vector<16xf32>
      %gather3A_1296 = arith.constant 2240 : i32
      %gather3A_1297 = tpu.memref_slice %arg4[%gather3A_1296] : memref<5120xf32, #tpu.memory_space<vmem>> -> memref<320xf32, #tpu.memory_space<vmem>>
      %gather3A_1298 = tpu.vector_load_idx %gather3A_1297[%add3A_104] : memref<320xf32, #tpu.memory_space<vmem>>[vector<16xi32>], vector<16xf32>,
      %exp3A_1299 = math.exp %gather3A_1298 : vector<16xf32>
      %mul3A_1300 = arith.mulf %exp3A_1299, %get3A_833 : vector<16xf32>
      %add3A_1301 = arith.addf %add3A_1295, %mul3A_1300 : vector<16xf32>
      %gather3A_1302 = arith.constant 2240 : i32
      %gather3A_1303 = tpu.memref_slice %arg4[%gather3A_1302] : memref<5120xf32, #tpu.memory_space<vmem>> -> memref<320xf32, #tpu.memory_space<vmem>>
      %gather3A_1304 = tpu.vector_load_idx %gather3A_1303[%add3A_107] : memref<320xf32, #tpu.memory_space<vmem>>[vector<16xi32>], vector<16xf32>,
      %exp3A_1305 = math.exp %gather3A_1304 : vector<16xf32>
      %mul3A_1306 = arith.mulf %exp3A_1305, %get3A_841 : vector<16xf32>
      %add3A_1307 = arith.addf %add3A_1301, %mul3A_1306 : vector<16xf32>
      %gather3A_1308 = arith.constant 2240 : i32
      %gather3A_1309 = tpu.memref_slice %arg4[%gather3A_1308] : memref<5120xf32, #tpu.memory_space<vmem>> -> memref<320xf32, #tpu.memory_space<vmem>>
      %gather3A_1310 = tpu.vector_load_idx %gather3A_1309[%add3A_110] : memref<320xf32, #tpu.memory_space<vmem>>[vector<16xi32>], vector<16xf32>,
      %exp3A_1311 = math.exp %gather3A_1310 : vector<16xf32>
      %mul3A_1312 = arith.mulf %exp3A_1311, %get3A_849 : vector<16xf32>
      %add3A_1313 = arith.addf %add3A_1307, %mul3A_1312 : vector<16xf32>
      %scatter3A_1314 = arith.constant 0 : i32
      %scatter3A_1315 = tpu.memref_slice %arg5[%scatter3A_1314] : memref<256xf32, #tpu.memory_space<vmem>> -> memref<64xf32, #tpu.memory_space<vmem>>
      tpu.vector_store_idx %scatter3A_1315[%add3A_113], %add3A_878 : memref<64xf32, #tpu.memory_space<vmem>>[vector<16xi32>], vector<16xf32>,
      %scatter3A_1316 = arith.constant 64 : i32
      %scatter3A_1317 = tpu.memref_slice %arg5[%scatter3A_1316] : memref<256xf32, #tpu.memory_space<vmem>> -> memref<64xf32, #tpu.memory_space<vmem>>
      tpu.vector_store_idx %scatter3A_1317[%add3A_113], %add3A_907 : memref<64xf32, #tpu.memory_space<vmem>>[vector<16xi32>], vector<16xf32>,
      %scatter3A_1318 = arith.constant 128 : i32
      %scatter3A_1319 = tpu.memref_slice %arg5[%scatter3A_1318] : memref<256xf32, #tpu.memory_space<vmem>> -> memref<64xf32, #tpu.memory_space<vmem>>
      tpu.vector_store_idx %scatter3A_1319[%add3A_113], %add3A_936 : memref<64xf32, #tpu.memory_space<vmem>>[vector<16xi32>], vector<16xf32>,
      %scatter3A_1320 = arith.constant 192 : i32
      %scatter3A_1321 = tpu.memref_slice %arg5[%scatter3A_1320] : memref<256xf32, #tpu.memory_space<vmem>> -> memref<64xf32, #tpu.memory_space<vmem>>
      tpu.vector_store_idx %scatter3A_1321[%add3A_113], %add3A_965 : memref<64xf32, #tpu.memory_space<vmem>>[vector<16xi32>], vector<16xf32>,
      %scatter3A_1322 = arith.constant 0 : i32
      %scatter3A_1323 = tpu.memref_slice %arg5[%scatter3A_1322] : memref<256xf32, #tpu.memory_space<vmem>> -> memref<64xf32, #tpu.memory_space<vmem>>
      tpu.vector_store_idx %scatter3A_1323[%add3A_116], %add3A_994 : memref<64xf32, #tpu.memory_space<vmem>>[vector<16xi32>], vector<16xf32>,
      %scatter3A_1324 = arith.constant 64 : i32
      %scatter3A_1325 = tpu.memref_slice %arg5[%scatter3A_1324] : memref<256xf32, #tpu.memory_space<vmem>> -> memref<64xf32, #tpu.memory_space<vmem>>
      tpu.vector_store_idx %scatter3A_1325[%add3A_116], %add3A_1023 : memref<64xf32, #tpu.memory_space<vmem>>[vector<16xi32>], vector<16xf32>,
      %scatter3A_1326 = arith.constant 128 : i32
      %scatter3A_1327 = tpu.memref_slice %arg5[%scatter3A_1326] : memref<256xf32, #tpu.memory_space<vmem>> -> memref<64xf32, #tpu.memory_space<vmem>>
      tpu.vector_store_idx %scatter3A_1327[%add3A_116], %add3A_1052 : memref<64xf32, #tpu.memory_space<vmem>>[vector<16xi32>], vector<16xf32>,
      %scatter3A_1328 = arith.constant 192 : i32
      %scatter3A_1329 = tpu.memref_slice %arg5[%scatter3A_1328] : memref<256xf32, #tpu.memory_space<vmem>> -> memref<64xf32, #tpu.memory_space<vmem>>
      tpu.vector_store_idx %scatter3A_1329[%add3A_116], %add3A_1081 : memref<64xf32, #tpu.memory_space<vmem>>[vector<16xi32>], vector<16xf32>,
      %scatter3A_1330 = arith.constant 0 : i32
      %scatter3A_1331 = tpu.memref_slice %arg5[%scatter3A_1330] : memref<256xf32, #tpu.memory_space<vmem>> -> memref<64xf32, #tpu.memory_space<vmem>>
      tpu.vector_store_idx %scatter3A_1331[%add3A_119], %add3A_1110 : memref<64xf32, #tpu.memory_space<vmem>>[vector<16xi32>], vector<16xf32>,
      %scatter3A_1332 = arith.constant 64 : i32
      %scatter3A_1333 = tpu.memref_slice %arg5[%scatter3A_1332] : memref<256xf32, #tpu.memory_space<vmem>> -> memref<64xf32, #tpu.memory_space<vmem>>
      tpu.vector_store_idx %scatter3A_1333[%add3A_119], %add3A_1139 : memref<64xf32, #tpu.memory_space<vmem>>[vector<16xi32>], vector<16xf32>,
      %scatter3A_1334 = arith.constant 128 : i32
      %scatter3A_1335 = tpu.memref_slice %arg5[%scatter3A_1334] : memref<256xf32, #tpu.memory_space<vmem>> -> memref<64xf32, #tpu.memory_space<vmem>>
      tpu.vector_store_idx %scatter3A_1335[%add3A_119], %add3A_1168 : memref<64xf32, #tpu.memory_space<vmem>>[vector<16xi32>], vector<16xf32>,
      %scatter3A_1336 = arith.constant 192 : i32
      %scatter3A_1337 = tpu.memref_slice %arg5[%scatter3A_1336] : memref<256xf32, #tpu.memory_space<vmem>> -> memref<64xf32, #tpu.memory_space<vmem>>
      tpu.vector_store_idx %scatter3A_1337[%add3A_119], %add3A_1197 : memref<64xf32, #tpu.memory_space<vmem>>[vector<16xi32>], vector<16xf32>,
      %scatter3A_1338 = arith.constant 0 : i32
      %scatter3A_1339 = tpu.memref_slice %arg5[%scatter3A_1338] : memref<256xf32, #tpu.memory_space<vmem>> -> memref<64xf32, #tpu.memory_space<vmem>>
      tpu.vector_store_idx %scatter3A_1339[%add3A_122], %add3A_1226 : memref<64xf32, #tpu.memory_space<vmem>>[vector<16xi32>], vector<16xf32>,
      %scatter3A_1340 = arith.constant 64 : i32
      %scatter3A_1341 = tpu.memref_slice %arg5[%scatter3A_1340] : memref<256xf32, #tpu.memory_space<vmem>> -> memref<64xf32, #tpu.memory_space<vmem>>
      tpu.vector_store_idx %scatter3A_1341[%add3A_122], %add3A_1255 : memref<64xf32, #tpu.memory_space<vmem>>[vector<16xi32>], vector<16xf32>,
      %scatter3A_1342 = arith.constant 128 : i32
      %scatter3A_1343 = tpu.memref_slice %arg5[%scatter3A_1342] : memref<256xf32, #tpu.memory_space<vmem>> -> memref<64xf32, #tpu.memory_space<vmem>>
      tpu.vector_store_idx %scatter3A_1343[%add3A_122], %add3A_1284 : memref<64xf32, #tpu.memory_space<vmem>>[vector<16xi32>], vector<16xf32>,
      %scatter3A_1344 = arith.constant 192 : i32
      %scatter3A_1345 = tpu.memref_slice %arg5[%scatter3A_1344] : memref<256xf32, #tpu.memory_space<vmem>> -> memref<64xf32, #tpu.memory_space<vmem>>
      tpu.vector_store_idx %scatter3A_1345[%add3A_122], %add3A_1313 : memref<64xf32, #tpu.memory_space<vmem>>[vector<16xi32>], vector<16xf32>,
      %add3A_1346 = arith.constant 4 : i32
      %add3A_1347 = arith.addi %add3A_807, %add3A_1346 : i32
      %lt3A_1348 = arith.constant 512 : i32
      %lt3A_1349 = arith.cmpi slt, %add3A_1347, %lt3A_1348 : i32
      %convert_element_type3A_1350 = arith.extui %lt3A_1349 : i1 to i32
      %cond3A_1351 = arith.constant 0 : i32
      %cond3A_1352 = arith.cmpi ne, %convert_element_type3A_1350, %cond3A_1351 : i32
      scf.if %cond3A_1352 {
        %add3A_2500 = arith.constant 4 : i32
        %add3A_2501 = arith.addi %add3A_807, %add3A_2500 : i32
        %dma_start3A_2502 = arith.constant 1280 : i32
        %dma_start3A_2503 = tpu.memref_slice %arg4[%dma_start3A_2502] : memref<5120xf32, #tpu.memory_space<vmem>> -> memref<1280xf32, #tpu.memory_space<vmem>>
        %dma_start3A_2504 = arith.constant 0 : i32
        %dma_start3A_2505 = tpu.memref_slice %arg2[%add3A_2501, %add3A, %dma_start3A_2504] : memref<512x32x1280xf32, #tpu.memory_space<hbm>> -> memref<1x1x1280xf32, #tpu.memory_space<hbm>>
        %dma_start3A_2506 = tpu.memref_squeeze %dma_start3A_2505 : memref<1x1x1280xf32, #tpu.memory_space<hbm>> -> memref<1280xf32, #tpu.memory_space<hbm>>
        %dma_start3A_2507 = arith.constant 1280 : i32
        %dma_start3A_2508 = tpu.memref_slice %arg4[%dma_start3A_2507] : memref<5120xf32, #tpu.memory_space<vmem>> -> memref<1280xf32, #tpu.memory_space<vmem>>
        %dma_start3A_2509 = arith.constant 0 : i32
        %dma_start3A_2510 = tpu.memref_slice %arg2[%add3A_2501, %add3A, %dma_start3A_2509] : memref<512x32x1280xf32, #tpu.memory_space<hbm>> -> memref<1x1x1280xf32, #tpu.memory_space<hbm>>
        %dma_start3A_2511 = tpu.memref_squeeze %dma_start3A_2510 : memref<1x1x1280xf32, #tpu.memory_space<hbm>> -> memref<1280xf32, #tpu.memory_space<hbm>>
        tpu.enqueue_dma source(%dma_start3A_2511 : memref<1280xf32, #tpu.memory_space<hbm>>) target(%dma_start3A_2508 : memref<1280xf32, #tpu.memory_space<vmem>>) target_semaphore(%arg9 : memref<!tpu.dma_semaphore, #tpu.memory_space<semaphore_mem>>)
      } else {
      }
      %mul3A_1353 = arith.constant 4 : i32
      %mul3A_1354 = arith.muli %scan3A_243, %mul3A_1353 : i32
      %add3A_1355 = arith.constant 2 : i32
      %add3A_1356 = arith.addi %mul3A_1354, %add3A_1355 : i32
      %dma_wait3A_1357 = arith.constant 2560 : i32
      %dma_wait3A_1358 = tpu.memref_slice %arg4[%dma_wait3A_1357] : memref<5120xf32, #tpu.memory_space<vmem>> -> memref<1280xf32, #tpu.memory_space<vmem>>
      %dma_wait3A_1359 = arith.constant 0 : i32
      %dma_wait3A_1360 = tpu.memref_slice %arg2[%add3A_1356, %add3A, %dma_wait3A_1359] : memref<512x32x1280xf32, #tpu.memory_space<hbm>> -> memref<1x1x1280xf32, #tpu.memory_space<hbm>>
      %dma_wait3A_1361 = tpu.memref_squeeze %dma_wait3A_1360 : memref<1x1x1280xf32, #tpu.memory_space<hbm>> -> memref<1280xf32, #tpu.memory_space<hbm>>
      %dma_wait3A_1362 = arith.constant 2560 : i32
      %dma_wait3A_1363 = tpu.memref_slice %arg4[%dma_wait3A_1362] : memref<5120xf32, #tpu.memory_space<vmem>> -> memref<1280xf32, #tpu.memory_space<vmem>>
      %dma_wait3A_1364 = arith.constant 0 : i32
      %dma_wait3A_1365 = tpu.memref_slice %arg2[%add3A_1356, %add3A, %dma_wait3A_1364] : memref<512x32x1280xf32, #tpu.memory_space<hbm>> -> memref<1x1x1280xf32, #tpu.memory_space<hbm>>
      %dma_wait3A_1366 = tpu.memref_squeeze %dma_wait3A_1365 : memref<1x1x1280xf32, #tpu.memory_space<hbm>> -> memref<1280xf32, #tpu.memory_space<hbm>>
      tpu.wait_dma2 semaphore(%arg10 : memref<!tpu.dma_semaphore, #tpu.memory_space<semaphore_mem>>) src(%dma_wait3A_1366 : memref<1280xf32, #tpu.memory_space<hbm>>) dst(%dma_wait3A_1363 : memref<1280xf32, #tpu.memory_space<vmem>>)
      %get3A_1367 = arith.constant 0 : index
      %get3A_1368 = tpu.vector_load %arg5[%get3A_1367] {strides = array<i32>} : memref<256xf32, #tpu.memory_space<vmem>>, vector<16xf32>,
      %get3A_1369 = arith.constant 16 : index
      %get3A_1370 = tpu.vector_load %arg5[%get3A_1369] {strides = array<i32>} : memref<256xf32, #tpu.memory_space<vmem>>, vector<16xf32>,
      %get3A_1371 = arith.constant 32 : index
      %get3A_1372 = tpu.vector_load %arg5[%get3A_1371] {strides = array<i32>} : memref<256xf32, #tpu.memory_space<vmem>>, vector<16xf32>,
      %get3A_1373 = arith.constant 48 : index
      %get3A_1374 = tpu.vector_load %arg5[%get3A_1373] {strides = array<i32>} : memref<256xf32, #tpu.memory_space<vmem>>, vector<16xf32>,
      %get3A_1375 = arith.constant 64 : index
      %get3A_1376 = tpu.vector_load %arg5[%get3A_1375] {strides = array<i32>} : memref<256xf32, #tpu.memory_space<vmem>>, vector<16xf32>,
      %get3A_1377 = arith.constant 80 : index
      %get3A_1378 = tpu.vector_load %arg5[%get3A_1377] {strides = array<i32>} : memref<256xf32, #tpu.memory_space<vmem>>, vector<16xf32>,
      %get3A_1379 = arith.constant 96 : index
      %get3A_1380 = tpu.vector_load %arg5[%get3A_1379] {strides = array<i32>} : memref<256xf32, #tpu.memory_space<vmem>>, vector<16xf32>,
      %get3A_1381 = arith.constant 112 : index
      %get3A_1382 = tpu.vector_load %arg5[%get3A_1381] {strides = array<i32>} : memref<256xf32, #tpu.memory_space<vmem>>, vector<16xf32>,
      %get3A_1383 = arith.constant 128 : index
      %get3A_1384 = tpu.vector_load %arg5[%get3A_1383] {strides = array<i32>} : memref<256xf32, #tpu.memory_space<vmem>>, vector<16xf32>,
      %get3A_1385 = arith.constant 144 : index
      %get3A_1386 = tpu.vector_load %arg5[%get3A_1385] {strides = array<i32>} : memref<256xf32, #tpu.memory_space<vmem>>, vector<16xf32>,
      %get3A_1387 = arith.constant 160 : index
      %get3A_1388 = tpu.vector_load %arg5[%get3A_1387] {strides = array<i32>} : memref<256xf32, #tpu.memory_space<vmem>>, vector<16xf32>,
      %get3A_1389 = arith.constant 176 : index
      %get3A_1390 = tpu.vector_load %arg5[%get3A_1389] {strides = array<i32>} : memref<256xf32, #tpu.memory_space<vmem>>, vector<16xf32>,
      %get3A_1391 = arith.constant 192 : index
      %get3A_1392 = tpu.vector_load %arg5[%get3A_1391] {strides = array<i32>} : memref<256xf32, #tpu.memory_space<vmem>>, vector<16xf32>,
      %get3A_1393 = arith.constant 208 : index
      %get3A_1394 = tpu.vector_load %arg5[%get3A_1393] {strides = array<i32>} : memref<256xf32, #tpu.memory_space<vmem>>, vector<16xf32>,
      %get3A_1395 = arith.constant 224 : index
      %get3A_1396 = tpu.vector_load %arg5[%get3A_1395] {strides = array<i32>} : memref<256xf32, #tpu.memory_space<vmem>>, vector<16xf32>,
      %get3A_1397 = arith.constant 240 : index
      %get3A_1398 = tpu.vector_load %arg5[%get3A_1397] {strides = array<i32>} : memref<256xf32, #tpu.memory_space<vmem>>, vector<16xf32>,
      %gather3A_1399 = arith.constant 2560 : i32
      %gather3A_1400 = tpu.memref_slice %arg4[%gather3A_1399] : memref<5120xf32, #tpu.memory_space<vmem>> -> memref<320xf32, #tpu.memory_space<vmem>>
      %gather3A_1401 = tpu.vector_load_idx %gather3A_1400[%add3A_53] : memref<320xf32, #tpu.memory_space<vmem>>[vector<16xi32>], vector<16xf32>,
      %exp3A_1402 = math.exp %gather3A_1401 : vector<16xf32>
      %mul3A_1403 = arith.mulf %exp3A_1402, %add3A_878 : vector<16xf32>
      %gather3A_1404 = arith.constant 2560 : i32
      %gather3A_1405 = tpu.memref_slice %arg4[%gather3A_1404] : memref<5120xf32, #tpu.memory_space<vmem>> -> memref<320xf32, #tpu.memory_space<vmem>>
      %gather3A_1406 = tpu.vector_load_idx %gather3A_1405[%add3A_56] : memref<320xf32, #tpu.memory_space<vmem>>[vector<16xi32>], vector<16xf32>,
      %exp3A_1407 = math.exp %gather3A_1406 : vector<16xf32>
      %mul3A_1408 = arith.mulf %exp3A_1407, %get3A_1368 : vector<16xf32>
      %add3A_1409 = arith.addf %mul3A_1403, %mul3A_1408 : vector<16xf32>
      %gather3A_1410 = arith.constant 2560 : i32
      %gather3A_1411 = tpu.memref_slice %arg4[%gather3A_1410] : memref<5120xf32, #tpu.memory_space<vmem>> -> memref<320xf32, #tpu.memory_space<vmem>>
      %gather3A_1412 = tpu.vector_load_idx %gather3A_1411[%add3A_59] : memref<320xf32, #tpu.memory_space<vmem>>[vector<16xi32>], vector<16xf32>,
      %exp3A_1413 = math.exp %gather3A_1412 : vector<16xf32>
      %mul3A_1414 = arith.mulf %exp3A_1413, %get3A_1376 : vector<16xf32>
      %add3A_1415 = arith.addf %add3A_1409, %mul3A_1414 : vector<16xf32>
      %gather3A_1416 = arith.constant 2560 : i32
      %gather3A_1417 = tpu.memref_slice %arg4[%gather3A_1416] : memref<5120xf32, #tpu.memory_space<vmem>> -> memref<320xf32, #tpu.memory_space<vmem>>
      %gather3A_1418 = tpu.vector_load_idx %gather3A_1417[%add3A_62] : memref<320xf32, #tpu.memory_space<vmem>>[vector<16xi32>], vector<16xf32>,
      %exp3A_1419 = math.exp %gather3A_1418 : vector<16xf32>
      %mul3A_1420 = arith.mulf %exp3A_1419, %get3A_1384 : vector<16xf32>
      %add3A_1421 = arith.addf %add3A_1415, %mul3A_1420 : vector<16xf32>
      %gather3A_1422 = arith.constant 2560 : i32
      %gather3A_1423 = tpu.memref_slice %arg4[%gather3A_1422] : memref<5120xf32, #tpu.memory_space<vmem>> -> memref<320xf32, #tpu.memory_space<vmem>>
      %gather3A_1424 = tpu.vector_load_idx %gather3A_1423[%add3A_65] : memref<320xf32, #tpu.memory_space<vmem>>[vector<16xi32>], vector<16xf32>,
      %exp3A_1425 = math.exp %gather3A_1424 : vector<16xf32>
      %mul3A_1426 = arith.mulf %exp3A_1425, %get3A_1392 : vector<16xf32>
      %add3A_1427 = arith.addf %add3A_1421, %mul3A_1426 : vector<16xf32>
      %gather3A_1428 = arith.constant 2880 : i32
      %gather3A_1429 = tpu.memref_slice %arg4[%gather3A_1428] : memref<5120xf32, #tpu.memory_space<vmem>> -> memref<320xf32, #tpu.memory_space<vmem>>
      %gather3A_1430 = tpu.vector_load_idx %gather3A_1429[%add3A_53] : memref<320xf32, #tpu.memory_space<vmem>>[vector<16xi32>], vector<16xf32>,
      %exp3A_1431 = math.exp %gather3A_1430 : vector<16xf32>
      %mul3A_1432 = arith.mulf %exp3A_1431, %add3A_907 : vector<16xf32>
      %gather3A_1433 = arith.constant 2880 : i32
      %gather3A_1434 = tpu.memref_slice %arg4[%gather3A_1433] : memref<5120xf32, #tpu.memory_space<vmem>> -> memref<320xf32, #tpu.memory_space<vmem>>
      %gather3A_1435 = tpu.vector_load_idx %gather3A_1434[%add3A_56] : memref<320xf32, #tpu.memory_space<vmem>>[vector<16xi32>], vector<16xf32>,
      %exp3A_1436 = math.exp %gather3A_1435 : vector<16xf32>
      %mul3A_1437 = arith.mulf %exp3A_1436, %get3A_1370 : vector<16xf32>
      %add3A_1438 = arith.addf %mul3A_1432, %mul3A_1437 : vector<16xf32>
      %gather3A_1439 = arith.constant 2880 : i32
      %gather3A_1440 = tpu.memref_slice %arg4[%gather3A_1439] : memref<5120xf32, #tpu.memory_space<vmem>> -> memref<320xf32, #tpu.memory_space<vmem>>
      %gather3A_1441 = tpu.vector_load_idx %gather3A_1440[%add3A_59] : memref<320xf32, #tpu.memory_space<vmem>>[vector<16xi32>], vector<16xf32>,
      %exp3A_1442 = math.exp %gather3A_1441 : vector<16xf32>
      %mul3A_1443 = arith.mulf %exp3A_1442, %get3A_1378 : vector<16xf32>
      %add3A_1444 = arith.addf %add3A_1438, %mul3A_1443 : vector<16xf32>
      %gather3A_1445 = arith.constant 2880 : i32
      %gather3A_1446 = tpu.memref_slice %arg4[%gather3A_1445] : memref<5120xf32, #tpu.memory_space<vmem>> -> memref<320xf32, #tpu.memory_space<vmem>>
      %gather3A_1447 = tpu.vector_load_idx %gather3A_1446[%add3A_62] : memref<320xf32, #tpu.memory_space<vmem>>[vector<16xi32>], vector<16xf32>,
      %exp3A_1448 = math.exp %gather3A_1447 : vector<16xf32>
      %mul3A_1449 = arith.mulf %exp3A_1448, %get3A_1386 : vector<16xf32>
      %add3A_1450 = arith.addf %add3A_1444, %mul3A_1449 : vector<16xf32>
      %gather3A_1451 = arith.constant 2880 : i32
      %gather3A_1452 = tpu.memref_slice %arg4[%gather3A_1451] : memref<5120xf32, #tpu.memory_space<vmem>> -> memref<320xf32, #tpu.memory_space<vmem>>
      %gather3A_1453 = tpu.vector_load_idx %gather3A_1452[%add3A_65] : memref<320xf32, #tpu.memory_space<vmem>>[vector<16xi32>], vector<16xf32>,
      %exp3A_1454 = math.exp %gather3A_1453 : vector<16xf32>
      %mul3A_1455 = arith.mulf %exp3A_1454, %get3A_1394 : vector<16xf32>
      %add3A_1456 = arith.addf %add3A_1450, %mul3A_1455 : vector<16xf32>
      %gather3A_1457 = arith.constant 3200 : i32
      %gather3A_1458 = tpu.memref_slice %arg4[%gather3A_1457] : memref<5120xf32, #tpu.memory_space<vmem>> -> memref<320xf32, #tpu.memory_space<vmem>>
      %gather3A_1459 = tpu.vector_load_idx %gather3A_1458[%add3A_53] : memref<320xf32, #tpu.memory_space<vmem>>[vector<16xi32>], vector<16xf32>,
      %exp3A_1460 = math.exp %gather3A_1459 : vector<16xf32>
      %mul3A_1461 = arith.mulf %exp3A_1460, %add3A_936 : vector<16xf32>
      %gather3A_1462 = arith.constant 3200 : i32
      %gather3A_1463 = tpu.memref_slice %arg4[%gather3A_1462] : memref<5120xf32, #tpu.memory_space<vmem>> -> memref<320xf32, #tpu.memory_space<vmem>>
      %gather3A_1464 = tpu.vector_load_idx %gather3A_1463[%add3A_56] : memref<320xf32, #tpu.memory_space<vmem>>[vector<16xi32>], vector<16xf32>,
      %exp3A_1465 = math.exp %gather3A_1464 : vector<16xf32>
      %mul3A_1466 = arith.mulf %exp3A_1465, %get3A_1372 : vector<16xf32>
      %add3A_1467 = arith.addf %mul3A_1461, %mul3A_1466 : vector<16xf32>
      %gather3A_1468 = arith.constant 3200 : i32
      %gather3A_1469 = tpu.memref_slice %arg4[%gather3A_1468] : memref<5120xf32, #tpu.memory_space<vmem>> -> memref<320xf32, #tpu.memory_space<vmem>>
      %gather3A_1470 = tpu.vector_load_idx %gather3A_1469[%add3A_59] : memref<320xf32, #tpu.memory_space<vmem>>[vector<16xi32>], vector<16xf32>,
      %exp3A_1471 = math.exp %gather3A_1470 : vector<16xf32>
      %mul3A_1472 = arith.mulf %exp3A_1471, %get3A_1380 : vector<16xf32>
      %add3A_1473 = arith.addf %add3A_1467, %mul3A_1472 : vector<16xf32>
      %gather3A_1474 = arith.constant 3200 : i32
      %gather3A_1475 = tpu.memref_slice %arg4[%gather3A_1474] : memref<5120xf32, #tpu.memory_space<vmem>> -> memref<320xf32, #tpu.memory_space<vmem>>
      %gather3A_1476 = tpu.vector_load_idx %gather3A_1475[%add3A_62] : memref<320xf32, #tpu.memory_space<vmem>>[vector<16xi32>], vector<16xf32>,
      %exp3A_1477 = math.exp %gather3A_1476 : vector<16xf32>
      %mul3A_1478 = arith.mulf %exp3A_1477, %get3A_1388 : vector<16xf32>
      %add3A_1479 = arith.addf %add3A_1473, %mul3A_1478 : vector<16xf32>
      %gather3A_1480 = arith.constant 3200 : i32
      %gather3A_1481 = tpu.memref_slice %arg4[%gather3A_1480] : memref<5120xf32, #tpu.memory_space<vmem>> -> memref<320xf32, #tpu.memory_space<vmem>>
      %gather3A_1482 = tpu.vector_load_idx %gather3A_1481[%add3A_65] : memref<320xf32, #tpu.memory_space<vmem>>[vector<16xi32>], vector<16xf32>,
      %exp3A_1483 = math.exp %gather3A_1482 : vector<16xf32>
      %mul3A_1484 = arith.mulf %exp3A_1483, %get3A_1396 : vector<16xf32>
      %add3A_1485 = arith.addf %add3A_1479, %mul3A_1484 : vector<16xf32>
      %gather3A_1486 = arith.constant 3520 : i32
      %gather3A_1487 = tpu.memref_slice %arg4[%gather3A_1486] : memref<5120xf32, #tpu.memory_space<vmem>> -> memref<320xf32, #tpu.memory_space<vmem>>
      %gather3A_1488 = tpu.vector_load_idx %gather3A_1487[%add3A_53] : memref<320xf32, #tpu.memory_space<vmem>>[vector<16xi32>], vector<16xf32>,
      %exp3A_1489 = math.exp %gather3A_1488 : vector<16xf32>
      %mul3A_1490 = arith.mulf %exp3A_1489, %add3A_965 : vector<16xf32>
      %gather3A_1491 = arith.constant 3520 : i32
      %gather3A_1492 = tpu.memref_slice %arg4[%gather3A_1491] : memref<5120xf32, #tpu.memory_space<vmem>> -> memref<320xf32, #tpu.memory_space<vmem>>
      %gather3A_1493 = tpu.vector_load_idx %gather3A_1492[%add3A_56] : memref<320xf32, #tpu.memory_space<vmem>>[vector<16xi32>], vector<16xf32>,
      %exp3A_1494 = math.exp %gather3A_1493 : vector<16xf32>
      %mul3A_1495 = arith.mulf %exp3A_1494, %get3A_1374 : vector<16xf32>
      %add3A_1496 = arith.addf %mul3A_1490, %mul3A_1495 : vector<16xf32>
      %gather3A_1497 = arith.constant 3520 : i32
      %gather3A_1498 = tpu.memref_slice %arg4[%gather3A_1497] : memref<5120xf32, #tpu.memory_space<vmem>> -> memref<320xf32, #tpu.memory_space<vmem>>
      %gather3A_1499 = tpu.vector_load_idx %gather3A_1498[%add3A_59] : memref<320xf32, #tpu.memory_space<vmem>>[vector<16xi32>], vector<16xf32>,
      %exp3A_1500 = math.exp %gather3A_1499 : vector<16xf32>
      %mul3A_1501 = arith.mulf %exp3A_1500, %get3A_1382 : vector<16xf32>
      %add3A_1502 = arith.addf %add3A_1496, %mul3A_1501 : vector<16xf32>
      %gather3A_1503 = arith.constant 3520 : i32
      %gather3A_1504 = tpu.memref_slice %arg4[%gather3A_1503] : memref<5120xf32, #tpu.memory_space<vmem>> -> memref<320xf32, #tpu.memory_space<vmem>>
      %gather3A_1505 = tpu.vector_load_idx %gather3A_1504[%add3A_62] : memref<320xf32, #tpu.memory_space<vmem>>[vector<16xi32>], vector<16xf32>,
      %exp3A_1506 = math.exp %gather3A_1505 : vector<16xf32>
      %mul3A_1507 = arith.mulf %exp3A_1506, %get3A_1390 : vector<16xf32>
      %add3A_1508 = arith.addf %add3A_1502, %mul3A_1507 : vector<16xf32>
      %gather3A_1509 = arith.constant 3520 : i32
      %gather3A_1510 = tpu.memref_slice %arg4[%gather3A_1509] : memref<5120xf32, #tpu.memory_space<vmem>> -> memref<320xf32, #tpu.memory_space<vmem>>
      %gather3A_1511 = tpu.vector_load_idx %gather3A_1510[%add3A_65] : memref<320xf32, #tpu.memory_space<vmem>>[vector<16xi32>], vector<16xf32>,
      %exp3A_1512 = math.exp %gather3A_1511 : vector<16xf32>
      %mul3A_1513 = arith.mulf %exp3A_1512, %get3A_1398 : vector<16xf32>
      %add3A_1514 = arith.addf %add3A_1508, %mul3A_1513 : vector<16xf32>
      %gather3A_1515 = arith.constant 2560 : i32
      %gather3A_1516 = tpu.memref_slice %arg4[%gather3A_1515] : memref<5120xf32, #tpu.memory_space<vmem>> -> memref<320xf32, #tpu.memory_space<vmem>>
      %gather3A_1517 = tpu.vector_load_idx %gather3A_1516[%add3A_68] : memref<320xf32, #tpu.memory_space<vmem>>[vector<16xi32>], vector<16xf32>,
      %exp3A_1518 = math.exp %gather3A_1517 : vector<16xf32>
      %mul3A_1519 = arith.mulf %exp3A_1518, %add3A_994 : vector<16xf32>
      %gather3A_1520 = arith.constant 2560 : i32
      %gather3A_1521 = tpu.memref_slice %arg4[%gather3A_1520] : memref<5120xf32, #tpu.memory_space<vmem>> -> memref<320xf32, #tpu.memory_space<vmem>>
      %gather3A_1522 = tpu.vector_load_idx %gather3A_1521[%add3A_71] : memref<320xf32, #tpu.memory_space<vmem>>[vector<16xi32>], vector<16xf32>,
      %exp3A_1523 = math.exp %gather3A_1522 : vector<16xf32>
      %mul3A_1524 = arith.mulf %exp3A_1523, %get3A_1368 : vector<16xf32>
      %add3A_1525 = arith.addf %mul3A_1519, %mul3A_1524 : vector<16xf32>
      %gather3A_1526 = arith.constant 2560 : i32
      %gather3A_1527 = tpu.memref_slice %arg4[%gather3A_1526] : memref<5120xf32, #tpu.memory_space<vmem>> -> memref<320xf32, #tpu.memory_space<vmem>>
      %gather3A_1528 = tpu.vector_load_idx %gather3A_1527[%add3A_74] : memref<320xf32, #tpu.memory_space<vmem>>[vector<16xi32>], vector<16xf32>,
      %exp3A_1529 = math.exp %gather3A_1528 : vector<16xf32>
      %mul3A_1530 = arith.mulf %exp3A_1529, %get3A_1376 : vector<16xf32>
      %add3A_1531 = arith.addf %add3A_1525, %mul3A_1530 : vector<16xf32>
      %gather3A_1532 = arith.constant 2560 : i32
      %gather3A_1533 = tpu.memref_slice %arg4[%gather3A_1532] : memref<5120xf32, #tpu.memory_space<vmem>> -> memref<320xf32, #tpu.memory_space<vmem>>
      %gather3A_1534 = tpu.vector_load_idx %gather3A_1533[%add3A_77] : memref<320xf32, #tpu.memory_space<vmem>>[vector<16xi32>], vector<16xf32>,
      %exp3A_1535 = math.exp %gather3A_1534 : vector<16xf32>
      %mul3A_1536 = arith.mulf %exp3A_1535, %get3A_1384 : vector<16xf32>
      %add3A_1537 = arith.addf %add3A_1531, %mul3A_1536 : vector<16xf32>
      %gather3A_1538 = arith.constant 2560 : i32
      %gather3A_1539 = tpu.memref_slice %arg4[%gather3A_1538] : memref<5120xf32, #tpu.memory_space<vmem>> -> memref<320xf32, #tpu.memory_space<vmem>>
      %gather3A_1540 = tpu.vector_load_idx %gather3A_1539[%add3A_80] : memref<320xf32, #tpu.memory_space<vmem>>[vector<16xi32>], vector<16xf32>,
      %exp3A_1541 = math.exp %gather3A_1540 : vector<16xf32>
      %mul3A_1542 = arith.mulf %exp3A_1541, %get3A_1392 : vector<16xf32>
      %add3A_1543 = arith.addf %add3A_1537, %mul3A_1542 : vector<16xf32>
      %gather3A_1544 = arith.constant 2880 : i32
      %gather3A_1545 = tpu.memref_slice %arg4[%gather3A_1544] : memref<5120xf32, #tpu.memory_space<vmem>> -> memref<320xf32, #tpu.memory_space<vmem>>
      %gather3A_1546 = tpu.vector_load_idx %gather3A_1545[%add3A_68] : memref<320xf32, #tpu.memory_space<vmem>>[vector<16xi32>], vector<16xf32>,
      %exp3A_1547 = math.exp %gather3A_1546 : vector<16xf32>
      %mul3A_1548 = arith.mulf %exp3A_1547, %add3A_1023 : vector<16xf32>
      %gather3A_1549 = arith.constant 2880 : i32
      %gather3A_1550 = tpu.memref_slice %arg4[%gather3A_1549] : memref<5120xf32, #tpu.memory_space<vmem>> -> memref<320xf32, #tpu.memory_space<vmem>>
      %gather3A_1551 = tpu.vector_load_idx %gather3A_1550[%add3A_71] : memref<320xf32, #tpu.memory_space<vmem>>[vector<16xi32>], vector<16xf32>,
      %exp3A_1552 = math.exp %gather3A_1551 : vector<16xf32>
      %mul3A_1553 = arith.mulf %exp3A_1552, %get3A_1370 : vector<16xf32>
      %add3A_1554 = arith.addf %mul3A_1548, %mul3A_1553 : vector<16xf32>
      %gather3A_1555 = arith.constant 2880 : i32
      %gather3A_1556 = tpu.memref_slice %arg4[%gather3A_1555] : memref<5120xf32, #tpu.memory_space<vmem>> -> memref<320xf32, #tpu.memory_space<vmem>>
      %gather3A_1557 = tpu.vector_load_idx %gather3A_1556[%add3A_74] : memref<320xf32, #tpu.memory_space<vmem>>[vector<16xi32>], vector<16xf32>,
      %exp3A_1558 = math.exp %gather3A_1557 : vector<16xf32>
      %mul3A_1559 = arith.mulf %exp3A_1558, %get3A_1378 : vector<16xf32>
      %add3A_1560 = arith.addf %add3A_1554, %mul3A_1559 : vector<16xf32>
      %gather3A_1561 = arith.constant 2880 : i32
      %gather3A_1562 = tpu.memref_slice %arg4[%gather3A_1561] : memref<5120xf32, #tpu.memory_space<vmem>> -> memref<320xf32, #tpu.memory_space<vmem>>
      %gather3A_1563 = tpu.vector_load_idx %gather3A_1562[%add3A_77] : memref<320xf32, #tpu.memory_space<vmem>>[vector<16xi32>], vector<16xf32>,
      %exp3A_1564 = math.exp %gather3A_1563 : vector<16xf32>
      %mul3A_1565 = arith.mulf %exp3A_1564, %get3A_1386 : vector<16xf32>
      %add3A_1566 = arith.addf %add3A_1560, %mul3A_1565 : vector<16xf32>
      %gather3A_1567 = arith.constant 2880 : i32
      %gather3A_1568 = tpu.memref_slice %arg4[%gather3A_1567] : memref<5120xf32, #tpu.memory_space<vmem>> -> memref<320xf32, #tpu.memory_space<vmem>>
      %gather3A_1569 = tpu.vector_load_idx %gather3A_1568[%add3A_80] : memref<320xf32, #tpu.memory_space<vmem>>[vector<16xi32>], vector<16xf32>,
      %exp3A_1570 = math.exp %gather3A_1569 : vector<16xf32>
      %mul3A_1571 = arith.mulf %exp3A_1570, %get3A_1394 : vector<16xf32>
      %add3A_1572 = arith.addf %add3A_1566, %mul3A_1571 : vector<16xf32>
      %gather3A_1573 = arith.constant 3200 : i32
      %gather3A_1574 = tpu.memref_slice %arg4[%gather3A_1573] : memref<5120xf32, #tpu.memory_space<vmem>> -> memref<320xf32, #tpu.memory_space<vmem>>
      %gather3A_1575 = tpu.vector_load_idx %gather3A_1574[%add3A_68] : memref<320xf32, #tpu.memory_space<vmem>>[vector<16xi32>], vector<16xf32>,
      %exp3A_1576 = math.exp %gather3A_1575 : vector<16xf32>
      %mul3A_1577 = arith.mulf %exp3A_1576, %add3A_1052 : vector<16xf32>
      %gather3A_1578 = arith.constant 3200 : i32
      %gather3A_1579 = tpu.memref_slice %arg4[%gather3A_1578] : memref<5120xf32, #tpu.memory_space<vmem>> -> memref<320xf32, #tpu.memory_space<vmem>>
      %gather3A_1580 = tpu.vector_load_idx %gather3A_1579[%add3A_71] : memref<320xf32, #tpu.memory_space<vmem>>[vector<16xi32>], vector<16xf32>,
      %exp3A_1581 = math.exp %gather3A_1580 : vector<16xf32>
      %mul3A_1582 = arith.mulf %exp3A_1581, %get3A_1372 : vector<16xf32>
      %add3A_1583 = arith.addf %mul3A_1577, %mul3A_1582 : vector<16xf32>
      %gather3A_1584 = arith.constant 3200 : i32
      %gather3A_1585 = tpu.memref_slice %arg4[%gather3A_1584] : memref<5120xf32, #tpu.memory_space<vmem>> -> memref<320xf32, #tpu.memory_space<vmem>>
      %gather3A_1586 = tpu.vector_load_idx %gather3A_1585[%add3A_74] : memref<320xf32, #tpu.memory_space<vmem>>[vector<16xi32>], vector<16xf32>,
      %exp3A_1587 = math.exp %gather3A_1586 : vector<16xf32>
      %mul3A_1588 = arith.mulf %exp3A_1587, %get3A_1380 : vector<16xf32>
      %add3A_1589 = arith.addf %add3A_1583, %mul3A_1588 : vector<16xf32>
      %gather3A_1590 = arith.constant 3200 : i32
      %gather3A_1591 = tpu.memref_slice %arg4[%gather3A_1590] : memref<5120xf32, #tpu.memory_space<vmem>> -> memref<320xf32, #tpu.memory_space<vmem>>
      %gather3A_1592 = tpu.vector_load_idx %gather3A_1591[%add3A_77] : memref<320xf32, #tpu.memory_space<vmem>>[vector<16xi32>], vector<16xf32>,
      %exp3A_1593 = math.exp %gather3A_1592 : vector<16xf32>
      %mul3A_1594 = arith.mulf %exp3A_1593, %get3A_1388 : vector<16xf32>
      %add3A_1595 = arith.addf %add3A_1589, %mul3A_1594 : vector<16xf32>
      %gather3A_1596 = arith.constant 3200 : i32
      %gather3A_1597 = tpu.memref_slice %arg4[%gather3A_1596] : memref<5120xf32, #tpu.memory_space<vmem>> -> memref<320xf32, #tpu.memory_space<vmem>>
      %gather3A_1598 = tpu.vector_load_idx %gather3A_1597[%add3A_80] : memref<320xf32, #tpu.memory_space<vmem>>[vector<16xi32>], vector<16xf32>,
      %exp3A_1599 = math.exp %gather3A_1598 : vector<16xf32>
      %mul3A_1600 = arith.mulf %exp3A_1599, %get3A_1396 : vector<16xf32>
      %add3A_1601 = arith.addf %add3A_1595, %mul3A_1600 : vector<16xf32>
      %gather3A_1602 = arith.constant 3520 : i32
      %gather3A_1603 = tpu.memref_slice %arg4[%gather3A_1602] : memref<5120xf32, #tpu.memory_space<vmem>> -> memref<320xf32, #tpu.memory_space<vmem>>
      %gather3A_1604 = tpu.vector_load_idx %gather3A_1603[%add3A_68] : memref<320xf32, #tpu.memory_space<vmem>>[vector<16xi32>], vector<16xf32>,
      %exp3A_1605 = math.exp %gather3A_1604 : vector<16xf32>
      %mul3A_1606 = arith.mulf %exp3A_1605, %add3A_1081 : vector<16xf32>
      %gather3A_1607 = arith.constant 3520 : i32
      %gather3A_1608 = tpu.memref_slice %arg4[%gather3A_1607] : memref<5120xf32, #tpu.memory_space<vmem>> -> memref<320xf32, #tpu.memory_space<vmem>>
      %gather3A_1609 = tpu.vector_load_idx %gather3A_1608[%add3A_71] : memref<320xf32, #tpu.memory_space<vmem>>[vector<16xi32>], vector<16xf32>,
      %exp3A_1610 = math.exp %gather3A_1609 : vector<16xf32>
      %mul3A_1611 = arith.mulf %exp3A_1610, %get3A_1374 : vector<16xf32>
      %add3A_1612 = arith.addf %mul3A_1606, %mul3A_1611 : vector<16xf32>
      %gather3A_1613 = arith.constant 3520 : i32
      %gather3A_1614 = tpu.memref_slice %arg4[%gather3A_1613] : memref<5120xf32, #tpu.memory_space<vmem>> -> memref<320xf32, #tpu.memory_space<vmem>>
      %gather3A_1615 = tpu.vector_load_idx %gather3A_1614[%add3A_74] : memref<320xf32, #tpu.memory_space<vmem>>[vector<16xi32>], vector<16xf32>,
      %exp3A_1616 = math.exp %gather3A_1615 : vector<16xf32>
      %mul3A_1617 = arith.mulf %exp3A_1616, %get3A_1382 : vector<16xf32>
      %add3A_1618 = arith.addf %add3A_1612, %mul3A_1617 : vector<16xf32>
      %gather3A_1619 = arith.constant 3520 : i32
      %gather3A_1620 = tpu.memref_slice %arg4[%gather3A_1619] : memref<5120xf32, #tpu.memory_space<vmem>> -> memref<320xf32, #tpu.memory_space<vmem>>
      %gather3A_1621 = tpu.vector_load_idx %gather3A_1620[%add3A_77] : memref<320xf32, #tpu.memory_space<vmem>>[vector<16xi32>], vector<16xf32>,
      %exp3A_1622 = math.exp %gather3A_1621 : vector<16xf32>
      %mul3A_1623 = arith.mulf %exp3A_1622, %get3A_1390 : vector<16xf32>
      %add3A_1624 = arith.addf %add3A_1618, %mul3A_1623 : vector<16xf32>
      %gather3A_1625 = arith.constant 3520 : i32
      %gather3A_1626 = tpu.memref_slice %arg4[%gather3A_1625] : memref<5120xf32, #tpu.memory_space<vmem>> -> memref<320xf32, #tpu.memory_space<vmem>>
      %gather3A_1627 = tpu.vector_load_idx %gather3A_1626[%add3A_80] : memref<320xf32, #tpu.memory_space<vmem>>[vector<16xi32>], vector<16xf32>,
      %exp3A_1628 = math.exp %gather3A_1627 : vector<16xf32>
      %mul3A_1629 = arith.mulf %exp3A_1628, %get3A_1398 : vector<16xf32>
      %add3A_1630 = arith.addf %add3A_1624, %mul3A_1629 : vector<16xf32>
      %gather3A_1631 = arith.constant 2560 : i32
      %gather3A_1632 = tpu.memref_slice %arg4[%gather3A_1631] : memref<5120xf32, #tpu.memory_space<vmem>> -> memref<320xf32, #tpu.memory_space<vmem>>
      %gather3A_1633 = tpu.vector_load_idx %gather3A_1632[%add3A_83] : memref<320xf32, #tpu.memory_space<vmem>>[vector<16xi32>], vector<16xf32>,
      %exp3A_1634 = math.exp %gather3A_1633 : vector<16xf32>
      %mul3A_1635 = arith.mulf %exp3A_1634, %add3A_1110 : vector<16xf32>
      %gather3A_1636 = arith.constant 2560 : i32
      %gather3A_1637 = tpu.memref_slice %arg4[%gather3A_1636] : memref<5120xf32, #tpu.memory_space<vmem>> -> memref<320xf32, #tpu.memory_space<vmem>>
      %gather3A_1638 = tpu.vector_load_idx %gather3A_1637[%add3A_86] : memref<320xf32, #tpu.memory_space<vmem>>[vector<16xi32>], vector<16xf32>,
      %exp3A_1639 = math.exp %gather3A_1638 : vector<16xf32>
      %mul3A_1640 = arith.mulf %exp3A_1639, %get3A_1368 : vector<16xf32>
      %add3A_1641 = arith.addf %mul3A_1635, %mul3A_1640 : vector<16xf32>
      %gather3A_1642 = arith.constant 2560 : i32
      %gather3A_1643 = tpu.memref_slice %arg4[%gather3A_1642] : memref<5120xf32, #tpu.memory_space<vmem>> -> memref<320xf32, #tpu.memory_space<vmem>>
      %gather3A_1644 = tpu.vector_load_idx %gather3A_1643[%add3A_89] : memref<320xf32, #tpu.memory_space<vmem>>[vector<16xi32>], vector<16xf32>,
      %exp3A_1645 = math.exp %gather3A_1644 : vector<16xf32>
      %mul3A_1646 = arith.mulf %exp3A_1645, %get3A_1376 : vector<16xf32>
      %add3A_1647 = arith.addf %add3A_1641, %mul3A_1646 : vector<16xf32>
      %gather3A_1648 = arith.constant 2560 : i32
      %gather3A_1649 = tpu.memref_slice %arg4[%gather3A_1648] : memref<5120xf32, #tpu.memory_space<vmem>> -> memref<320xf32, #tpu.memory_space<vmem>>
      %gather3A_1650 = tpu.vector_load_idx %gather3A_1649[%add3A_92] : memref<320xf32, #tpu.memory_space<vmem>>[vector<16xi32>], vector<16xf32>,
      %exp3A_1651 = math.exp %gather3A_1650 : vector<16xf32>
      %mul3A_1652 = arith.mulf %exp3A_1651, %get3A_1384 : vector<16xf32>
      %add3A_1653 = arith.addf %add3A_1647, %mul3A_1652 : vector<16xf32>
      %gather3A_1654 = arith.constant 2560 : i32
      %gather3A_1655 = tpu.memref_slice %arg4[%gather3A_1654] : memref<5120xf32, #tpu.memory_space<vmem>> -> memref<320xf32, #tpu.memory_space<vmem>>
      %gather3A_1656 = tpu.vector_load_idx %gather3A_1655[%add3A_95] : memref<320xf32, #tpu.memory_space<vmem>>[vector<16xi32>], vector<16xf32>,
      %exp3A_1657 = math.exp %gather3A_1656 : vector<16xf32>
      %mul3A_1658 = arith.mulf %exp3A_1657, %get3A_1392 : vector<16xf32>
      %add3A_1659 = arith.addf %add3A_1653, %mul3A_1658 : vector<16xf32>
      %gather3A_1660 = arith.constant 2880 : i32
      %gather3A_1661 = tpu.memref_slice %arg4[%gather3A_1660] : memref<5120xf32, #tpu.memory_space<vmem>> -> memref<320xf32, #tpu.memory_space<vmem>>
      %gather3A_1662 = tpu.vector_load_idx %gather3A_1661[%add3A_83] : memref<320xf32, #tpu.memory_space<vmem>>[vector<16xi32>], vector<16xf32>,
      %exp3A_1663 = math.exp %gather3A_1662 : vector<16xf32>
      %mul3A_1664 = arith.mulf %exp3A_1663, %add3A_1139 : vector<16xf32>
      %gather3A_1665 = arith.constant 2880 : i32
      %gather3A_1666 = tpu.memref_slice %arg4[%gather3A_1665] : memref<5120xf32, #tpu.memory_space<vmem>> -> memref<320xf32, #tpu.memory_space<vmem>>
      %gather3A_1667 = tpu.vector_load_idx %gather3A_1666[%add3A_86] : memref<320xf32, #tpu.memory_space<vmem>>[vector<16xi32>], vector<16xf32>,
      %exp3A_1668 = math.exp %gather3A_1667 : vector<16xf32>
      %mul3A_1669 = arith.mulf %exp3A_1668, %get3A_1370 : vector<16xf32>
      %add3A_1670 = arith.addf %mul3A_1664, %mul3A_1669 : vector<16xf32>
      %gather3A_1671 = arith.constant 2880 : i32
      %gather3A_1672 = tpu.memref_slice %arg4[%gather3A_1671] : memref<5120xf32, #tpu.memory_space<vmem>> -> memref<320xf32, #tpu.memory_space<vmem>>
      %gather3A_1673 = tpu.vector_load_idx %gather3A_1672[%add3A_89] : memref<320xf32, #tpu.memory_space<vmem>>[vector<16xi32>], vector<16xf32>,
      %exp3A_1674 = math.exp %gather3A_1673 : vector<16xf32>
      %mul3A_1675 = arith.mulf %exp3A_1674, %get3A_1378 : vector<16xf32>
      %add3A_1676 = arith.addf %add3A_1670, %mul3A_1675 : vector<16xf32>
      %gather3A_1677 = arith.constant 2880 : i32
      %gather3A_1678 = tpu.memref_slice %arg4[%gather3A_1677] : memref<5120xf32, #tpu.memory_space<vmem>> -> memref<320xf32, #tpu.memory_space<vmem>>
      %gather3A_1679 = tpu.vector_load_idx %gather3A_1678[%add3A_92] : memref<320xf32, #tpu.memory_space<vmem>>[vector<16xi32>], vector<16xf32>,
      %exp3A_1680 = math.exp %gather3A_1679 : vector<16xf32>
      %mul3A_1681 = arith.mulf %exp3A_1680, %get3A_1386 : vector<16xf32>
      %add3A_1682 = arith.addf %add3A_1676, %mul3A_1681 : vector<16xf32>
      %gather3A_1683 = arith.constant 2880 : i32
      %gather3A_1684 = tpu.memref_slice %arg4[%gather3A_1683] : memref<5120xf32, #tpu.memory_space<vmem>> -> memref<320xf32, #tpu.memory_space<vmem>>
      %gather3A_1685 = tpu.vector_load_idx %gather3A_1684[%add3A_95] : memref<320xf32, #tpu.memory_space<vmem>>[vector<16xi32>], vector<16xf32>,
      %exp3A_1686 = math.exp %gather3A_1685 : vector<16xf32>
      %mul3A_1687 = arith.mulf %exp3A_1686, %get3A_1394 : vector<16xf32>
      %add3A_1688 = arith.addf %add3A_1682, %mul3A_1687 : vector<16xf32>
      %gather3A_1689 = arith.constant 3200 : i32
      %gather3A_1690 = tpu.memref_slice %arg4[%gather3A_1689] : memref<5120xf32, #tpu.memory_space<vmem>> -> memref<320xf32, #tpu.memory_space<vmem>>
      %gather3A_1691 = tpu.vector_load_idx %gather3A_1690[%add3A_83] : memref<320xf32, #tpu.memory_space<vmem>>[vector<16xi32>], vector<16xf32>,
      %exp3A_1692 = math.exp %gather3A_1691 : vector<16xf32>
      %mul3A_1693 = arith.mulf %exp3A_1692, %add3A_1168 : vector<16xf32>
      %gather3A_1694 = arith.constant 3200 : i32
      %gather3A_1695 = tpu.memref_slice %arg4[%gather3A_1694] : memref<5120xf32, #tpu.memory_space<vmem>> -> memref<320xf32, #tpu.memory_space<vmem>>
      %gather3A_1696 = tpu.vector_load_idx %gather3A_1695[%add3A_86] : memref<320xf32, #tpu.memory_space<vmem>>[vector<16xi32>], vector<16xf32>,
      %exp3A_1697 = math.exp %gather3A_1696 : vector<16xf32>
      %mul3A_1698 = arith.mulf %exp3A_1697, %get3A_1372 : vector<16xf32>
      %add3A_1699 = arith.addf %mul3A_1693, %mul3A_1698 : vector<16xf32>
      %gather3A_1700 = arith.constant 3200 : i32
      %gather3A_1701 = tpu.memref_slice %arg4[%gather3A_1700] : memref<5120xf32, #tpu.memory_space<vmem>> -> memref<320xf32, #tpu.memory_space<vmem>>
      %gather3A_1702 = tpu.vector_load_idx %gather3A_1701[%add3A_89] : memref<320xf32, #tpu.memory_space<vmem>>[vector<16xi32>], vector<16xf32>,
      %exp3A_1703 = math.exp %gather3A_1702 : vector<16xf32>
      %mul3A_1704 = arith.mulf %exp3A_1703, %get3A_1380 : vector<16xf32>
      %add3A_1705 = arith.addf %add3A_1699, %mul3A_1704 : vector<16xf32>
      %gather3A_1706 = arith.constant 3200 : i32
      %gather3A_1707 = tpu.memref_slice %arg4[%gather3A_1706] : memref<5120xf32, #tpu.memory_space<vmem>> -> memref<320xf32, #tpu.memory_space<vmem>>
      %gather3A_1708 = tpu.vector_load_idx %gather3A_1707[%add3A_92] : memref<320xf32, #tpu.memory_space<vmem>>[vector<16xi32>], vector<16xf32>,
      %exp3A_1709 = math.exp %gather3A_1708 : vector<16xf32>
      %mul3A_1710 = arith.mulf %exp3A_1709, %get3A_1388 : vector<16xf32>
      %add3A_1711 = arith.addf %add3A_1705, %mul3A_1710 : vector<16xf32>
      %gather3A_1712 = arith.constant 3200 : i32
      %gather3A_1713 = tpu.memref_slice %arg4[%gather3A_1712] : memref<5120xf32, #tpu.memory_space<vmem>> -> memref<320xf32, #tpu.memory_space<vmem>>
      %gather3A_1714 = tpu.vector_load_idx %gather3A_1713[%add3A_95] : memref<320xf32, #tpu.memory_space<vmem>>[vector<16xi32>], vector<16xf32>,
      %exp3A_1715 = math.exp %gather3A_1714 : vector<16xf32>
      %mul3A_1716 = arith.mulf %exp3A_1715, %get3A_1396 : vector<16xf32>
      %add3A_1717 = arith.addf %add3A_1711, %mul3A_1716 : vector<16xf32>
      %gather3A_1718 = arith.constant 3520 : i32
      %gather3A_1719 = tpu.memref_slice %arg4[%gather3A_1718] : memref<5120xf32, #tpu.memory_space<vmem>> -> memref<320xf32, #tpu.memory_space<vmem>>
      %gather3A_1720 = tpu.vector_load_idx %gather3A_1719[%add3A_83] : memref<320xf32, #tpu.memory_space<vmem>>[vector<16xi32>], vector<16xf32>,
      %exp3A_1721 = math.exp %gather3A_1720 : vector<16xf32>
      %mul3A_1722 = arith.mulf %exp3A_1721, %add3A_1197 : vector<16xf32>
      %gather3A_1723 = arith.constant 3520 : i32
      %gather3A_1724 = tpu.memref_slice %arg4[%gather3A_1723] : memref<5120xf32, #tpu.memory_space<vmem>> -> memref<320xf32, #tpu.memory_space<vmem>>
      %gather3A_1725 = tpu.vector_load_idx %gather3A_1724[%add3A_86] : memref<320xf32, #tpu.memory_space<vmem>>[vector<16xi32>], vector<16xf32>,
      %exp3A_1726 = math.exp %gather3A_1725 : vector<16xf32>
      %mul3A_1727 = arith.mulf %exp3A_1726, %get3A_1374 : vector<16xf32>
      %add3A_1728 = arith.addf %mul3A_1722, %mul3A_1727 : vector<16xf32>
      %gather3A_1729 = arith.constant 3520 : i32
      %gather3A_1730 = tpu.memref_slice %arg4[%gather3A_1729] : memref<5120xf32, #tpu.memory_space<vmem>> -> memref<320xf32, #tpu.memory_space<vmem>>
      %gather3A_1731 = tpu.vector_load_idx %gather3A_1730[%add3A_89] : memref<320xf32, #tpu.memory_space<vmem>>[vector<16xi32>], vector<16xf32>,
      %exp3A_1732 = math.exp %gather3A_1731 : vector<16xf32>
      %mul3A_1733 = arith.mulf %exp3A_1732, %get3A_1382 : vector<16xf32>
      %add3A_1734 = arith.addf %add3A_1728, %mul3A_1733 : vector<16xf32>
      %gather3A_1735 = arith.constant 3520 : i32
      %gather3A_1736 = tpu.memref_slice %arg4[%gather3A_1735] : memref<5120xf32, #tpu.memory_space<vmem>> -> memref<320xf32, #tpu.memory_space<vmem>>
      %gather3A_1737 = tpu.vector_load_idx %gather3A_1736[%add3A_92] : memref<320xf32, #tpu.memory_space<vmem>>[vector<16xi32>], vector<16xf32>,
      %exp3A_1738 = math.exp %gather3A_1737 : vector<16xf32>
      %mul3A_1739 = arith.mulf %exp3A_1738, %get3A_1390 : vector<16xf32>
      %add3A_1740 = arith.addf %add3A_1734, %mul3A_1739 : vector<16xf32>
      %gather3A_1741 = arith.constant 3520 : i32
      %gather3A_1742 = tpu.memref_slice %arg4[%gather3A_1741] : memref<5120xf32, #tpu.memory_space<vmem>> -> memref<320xf32, #tpu.memory_space<vmem>>
      %gather3A_1743 = tpu.vector_load_idx %gather3A_1742[%add3A_95] : memref<320xf32, #tpu.memory_space<vmem>>[vector<16xi32>], vector<16xf32>,
      %exp3A_1744 = math.exp %gather3A_1743 : vector<16xf32>
      %mul3A_1745 = arith.mulf %exp3A_1744, %get3A_1398 : vector<16xf32>
      %add3A_1746 = arith.addf %add3A_1740, %mul3A_1745 : vector<16xf32>
      %gather3A_1747 = arith.constant 2560 : i32
      %gather3A_1748 = tpu.memref_slice %arg4[%gather3A_1747] : memref<5120xf32, #tpu.memory_space<vmem>> -> memref<320xf32, #tpu.memory_space<vmem>>
      %gather3A_1749 = tpu.vector_load_idx %gather3A_1748[%add3A_98] : memref<320xf32, #tpu.memory_space<vmem>>[vector<16xi32>], vector<16xf32>,
      %exp3A_1750 = math.exp %gather3A_1749 : vector<16xf32>
      %mul3A_1751 = arith.mulf %exp3A_1750, %add3A_1226 : vector<16xf32>
      %gather3A_1752 = arith.constant 2560 : i32
      %gather3A_1753 = tpu.memref_slice %arg4[%gather3A_1752] : memref<5120xf32, #tpu.memory_space<vmem>> -> memref<320xf32, #tpu.memory_space<vmem>>
      %gather3A_1754 = tpu.vector_load_idx %gather3A_1753[%add3A_101] : memref<320xf32, #tpu.memory_space<vmem>>[vector<16xi32>], vector<16xf32>,
      %exp3A_1755 = math.exp %gather3A_1754 : vector<16xf32>
      %mul3A_1756 = arith.mulf %exp3A_1755, %get3A_1368 : vector<16xf32>
      %add3A_1757 = arith.addf %mul3A_1751, %mul3A_1756 : vector<16xf32>
      %gather3A_1758 = arith.constant 2560 : i32
      %gather3A_1759 = tpu.memref_slice %arg4[%gather3A_1758] : memref<5120xf32, #tpu.memory_space<vmem>> -> memref<320xf32, #tpu.memory_space<vmem>>
      %gather3A_1760 = tpu.vector_load_idx %gather3A_1759[%add3A_104] : memref<320xf32, #tpu.memory_space<vmem>>[vector<16xi32>], vector<16xf32>,
      %exp3A_1761 = math.exp %gather3A_1760 : vector<16xf32>
      %mul3A_1762 = arith.mulf %exp3A_1761, %get3A_1376 : vector<16xf32>
      %add3A_1763 = arith.addf %add3A_1757, %mul3A_1762 : vector<16xf32>
      %gather3A_1764 = arith.constant 2560 : i32
      %gather3A_1765 = tpu.memref_slice %arg4[%gather3A_1764] : memref<5120xf32, #tpu.memory_space<vmem>> -> memref<320xf32, #tpu.memory_space<vmem>>
      %gather3A_1766 = tpu.vector_load_idx %gather3A_1765[%add3A_107] : memref<320xf32, #tpu.memory_space<vmem>>[vector<16xi32>], vector<16xf32>,
      %exp3A_1767 = math.exp %gather3A_1766 : vector<16xf32>
      %mul3A_1768 = arith.mulf %exp3A_1767, %get3A_1384 : vector<16xf32>
      %add3A_1769 = arith.addf %add3A_1763, %mul3A_1768 : vector<16xf32>
      %gather3A_1770 = arith.constant 2560 : i32
      %gather3A_1771 = tpu.memref_slice %arg4[%gather3A_1770] : memref<5120xf32, #tpu.memory_space<vmem>> -> memref<320xf32, #tpu.memory_space<vmem>>
      %gather3A_1772 = tpu.vector_load_idx %gather3A_1771[%add3A_110] : memref<320xf32, #tpu.memory_space<vmem>>[vector<16xi32>], vector<16xf32>,
      %exp3A_1773 = math.exp %gather3A_1772 : vector<16xf32>
      %mul3A_1774 = arith.mulf %exp3A_1773, %get3A_1392 : vector<16xf32>
      %add3A_1775 = arith.addf %add3A_1769, %mul3A_1774 : vector<16xf32>
      %gather3A_1776 = arith.constant 2880 : i32
      %gather3A_1777 = tpu.memref_slice %arg4[%gather3A_1776] : memref<5120xf32, #tpu.memory_space<vmem>> -> memref<320xf32, #tpu.memory_space<vmem>>
      %gather3A_1778 = tpu.vector_load_idx %gather3A_1777[%add3A_98] : memref<320xf32, #tpu.memory_space<vmem>>[vector<16xi32>], vector<16xf32>,
      %exp3A_1779 = math.exp %gather3A_1778 : vector<16xf32>
      %mul3A_1780 = arith.mulf %exp3A_1779, %add3A_1255 : vector<16xf32>
      %gather3A_1781 = arith.constant 2880 : i32
      %gather3A_1782 = tpu.memref_slice %arg4[%gather3A_1781] : memref<5120xf32, #tpu.memory_space<vmem>> -> memref<320xf32, #tpu.memory_space<vmem>>
      %gather3A_1783 = tpu.vector_load_idx %gather3A_1782[%add3A_101] : memref<320xf32, #tpu.memory_space<vmem>>[vector<16xi32>], vector<16xf32>,
      %exp3A_1784 = math.exp %gather3A_1783 : vector<16xf32>
      %mul3A_1785 = arith.mulf %exp3A_1784, %get3A_1370 : vector<16xf32>
      %add3A_1786 = arith.addf %mul3A_1780, %mul3A_1785 : vector<16xf32>
      %gather3A_1787 = arith.constant 2880 : i32
      %gather3A_1788 = tpu.memref_slice %arg4[%gather3A_1787] : memref<5120xf32, #tpu.memory_space<vmem>> -> memref<320xf32, #tpu.memory_space<vmem>>
      %gather3A_1789 = tpu.vector_load_idx %gather3A_1788[%add3A_104] : memref<320xf32, #tpu.memory_space<vmem>>[vector<16xi32>], vector<16xf32>,
      %exp3A_1790 = math.exp %gather3A_1789 : vector<16xf32>
      %mul3A_1791 = arith.mulf %exp3A_1790, %get3A_1378 : vector<16xf32>
      %add3A_1792 = arith.addf %add3A_1786, %mul3A_1791 : vector<16xf32>
      %gather3A_1793 = arith.constant 2880 : i32
      %gather3A_1794 = tpu.memref_slice %arg4[%gather3A_1793] : memref<5120xf32, #tpu.memory_space<vmem>> -> memref<320xf32, #tpu.memory_space<vmem>>
      %gather3A_1795 = tpu.vector_load_idx %gather3A_1794[%add3A_107] : memref<320xf32, #tpu.memory_space<vmem>>[vector<16xi32>], vector<16xf32>,
      %exp3A_1796 = math.exp %gather3A_1795 : vector<16xf32>
      %mul3A_1797 = arith.mulf %exp3A_1796, %get3A_1386 : vector<16xf32>
      %add3A_1798 = arith.addf %add3A_1792, %mul3A_1797 : vector<16xf32>
      %gather3A_1799 = arith.constant 2880 : i32
      %gather3A_1800 = tpu.memref_slice %arg4[%gather3A_1799] : memref<5120xf32, #tpu.memory_space<vmem>> -> memref<320xf32, #tpu.memory_space<vmem>>
      %gather3A_1801 = tpu.vector_load_idx %gather3A_1800[%add3A_110] : memref<320xf32, #tpu.memory_space<vmem>>[vector<16xi32>], vector<16xf32>,
      %exp3A_1802 = math.exp %gather3A_1801 : vector<16xf32>
      %mul3A_1803 = arith.mulf %exp3A_1802, %get3A_1394 : vector<16xf32>
      %add3A_1804 = arith.addf %add3A_1798, %mul3A_1803 : vector<16xf32>
      %gather3A_1805 = arith.constant 3200 : i32
      %gather3A_1806 = tpu.memref_slice %arg4[%gather3A_1805] : memref<5120xf32, #tpu.memory_space<vmem>> -> memref<320xf32, #tpu.memory_space<vmem>>
      %gather3A_1807 = tpu.vector_load_idx %gather3A_1806[%add3A_98] : memref<320xf32, #tpu.memory_space<vmem>>[vector<16xi32>], vector<16xf32>,
      %exp3A_1808 = math.exp %gather3A_1807 : vector<16xf32>
      %mul3A_1809 = arith.mulf %exp3A_1808, %add3A_1284 : vector<16xf32>
      %gather3A_1810 = arith.constant 3200 : i32
      %gather3A_1811 = tpu.memref_slice %arg4[%gather3A_1810] : memref<5120xf32, #tpu.memory_space<vmem>> -> memref<320xf32, #tpu.memory_space<vmem>>
      %gather3A_1812 = tpu.vector_load_idx %gather3A_1811[%add3A_101] : memref<320xf32, #tpu.memory_space<vmem>>[vector<16xi32>], vector<16xf32>,
      %exp3A_1813 = math.exp %gather3A_1812 : vector<16xf32>
      %mul3A_1814 = arith.mulf %exp3A_1813, %get3A_1372 : vector<16xf32>
      %add3A_1815 = arith.addf %mul3A_1809, %mul3A_1814 : vector<16xf32>
      %gather3A_1816 = arith.constant 3200 : i32
      %gather3A_1817 = tpu.memref_slice %arg4[%gather3A_1816] : memref<5120xf32, #tpu.memory_space<vmem>> -> memref<320xf32, #tpu.memory_space<vmem>>
      %gather3A_1818 = tpu.vector_load_idx %gather3A_1817[%add3A_104] : memref<320xf32, #tpu.memory_space<vmem>>[vector<16xi32>], vector<16xf32>,
      %exp3A_1819 = math.exp %gather3A_1818 : vector<16xf32>
      %mul3A_1820 = arith.mulf %exp3A_1819, %get3A_1380 : vector<16xf32>
      %add3A_1821 = arith.addf %add3A_1815, %mul3A_1820 : vector<16xf32>
      %gather3A_1822 = arith.constant 3200 : i32
      %gather3A_1823 = tpu.memref_slice %arg4[%gather3A_1822] : memref<5120xf32, #tpu.memory_space<vmem>> -> memref<320xf32, #tpu.memory_space<vmem>>
      %gather3A_1824 = tpu.vector_load_idx %gather3A_1823[%add3A_107] : memref<320xf32, #tpu.memory_space<vmem>>[vector<16xi32>], vector<16xf32>,
      %exp3A_1825 = math.exp %gather3A_1824 : vector<16xf32>
      %mul3A_1826 = arith.mulf %exp3A_1825, %get3A_1388 : vector<16xf32>
      %add3A_1827 = arith.addf %add3A_1821, %mul3A_1826 : vector<16xf32>
      %gather3A_1828 = arith.constant 3200 : i32
      %gather3A_1829 = tpu.memref_slice %arg4[%gather3A_1828] : memref<5120xf32, #tpu.memory_space<vmem>> -> memref<320xf32, #tpu.memory_space<vmem>>
      %gather3A_1830 = tpu.vector_load_idx %gather3A_1829[%add3A_110] : memref<320xf32, #tpu.memory_space<vmem>>[vector<16xi32>], vector<16xf32>,
      %exp3A_1831 = math.exp %gather3A_1830 : vector<16xf32>
      %mul3A_1832 = arith.mulf %exp3A_1831, %get3A_1396 : vector<16xf32>
      %add3A_1833 = arith.addf %add3A_1827, %mul3A_1832 : vector<16xf32>
      %gather3A_1834 = arith.constant 3520 : i32
      %gather3A_1835 = tpu.memref_slice %arg4[%gather3A_1834] : memref<5120xf32, #tpu.memory_space<vmem>> -> memref<320xf32, #tpu.memory_space<vmem>>
      %gather3A_1836 = tpu.vector_load_idx %gather3A_1835[%add3A_98] : memref<320xf32, #tpu.memory_space<vmem>>[vector<16xi32>], vector<16xf32>,
      %exp3A_1837 = math.exp %gather3A_1836 : vector<16xf32>
      %mul3A_1838 = arith.mulf %exp3A_1837, %add3A_1313 : vector<16xf32>
      %gather3A_1839 = arith.constant 3520 : i32
      %gather3A_1840 = tpu.memref_slice %arg4[%gather3A_1839] : memref<5120xf32, #tpu.memory_space<vmem>> -> memref<320xf32, #tpu.memory_space<vmem>>
      %gather3A_1841 = tpu.vector_load_idx %gather3A_1840[%add3A_101] : memref<320xf32, #tpu.memory_space<vmem>>[vector<16xi32>], vector<16xf32>,
      %exp3A_1842 = math.exp %gather3A_1841 : vector<16xf32>
      %mul3A_1843 = arith.mulf %exp3A_1842, %get3A_1374 : vector<16xf32>
      %add3A_1844 = arith.addf %mul3A_1838, %mul3A_1843 : vector<16xf32>
      %gather3A_1845 = arith.constant 3520 : i32
      %gather3A_1846 = tpu.memref_slice %arg4[%gather3A_1845] : memref<5120xf32, #tpu.memory_space<vmem>> -> memref<320xf32, #tpu.memory_space<vmem>>
      %gather3A_1847 = tpu.vector_load_idx %gather3A_1846[%add3A_104] : memref<320xf32, #tpu.memory_space<vmem>>[vector<16xi32>], vector<16xf32>,
      %exp3A_1848 = math.exp %gather3A_1847 : vector<16xf32>
      %mul3A_1849 = arith.mulf %exp3A_1848, %get3A_1382 : vector<16xf32>
      %add3A_1850 = arith.addf %add3A_1844, %mul3A_1849 : vector<16xf32>
      %gather3A_1851 = arith.constant 3520 : i32
      %gather3A_1852 = tpu.memref_slice %arg4[%gather3A_1851] : memref<5120xf32, #tpu.memory_space<vmem>> -> memref<320xf32, #tpu.memory_space<vmem>>
      %gather3A_1853 = tpu.vector_load_idx %gather3A_1852[%add3A_107] : memref<320xf32, #tpu.memory_space<vmem>>[vector<16xi32>], vector<16xf32>,
      %exp3A_1854 = math.exp %gather3A_1853 : vector<16xf32>
      %mul3A_1855 = arith.mulf %exp3A_1854, %get3A_1390 : vector<16xf32>
      %add3A_1856 = arith.addf %add3A_1850, %mul3A_1855 : vector<16xf32>
      %gather3A_1857 = arith.constant 3520 : i32
      %gather3A_1858 = tpu.memref_slice %arg4[%gather3A_1857] : memref<5120xf32, #tpu.memory_space<vmem>> -> memref<320xf32, #tpu.memory_space<vmem>>
      %gather3A_1859 = tpu.vector_load_idx %gather3A_1858[%add3A_110] : memref<320xf32, #tpu.memory_space<vmem>>[vector<16xi32>], vector<16xf32>,
      %exp3A_1860 = math.exp %gather3A_1859 : vector<16xf32>
      %mul3A_1861 = arith.mulf %exp3A_1860, %get3A_1398 : vector<16xf32>
      %add3A_1862 = arith.addf %add3A_1856, %mul3A_1861 : vector<16xf32>
      %scatter3A_1863 = arith.constant 0 : i32
      %scatter3A_1864 = tpu.memref_slice %arg6[%scatter3A_1863] : memref<256xf32, #tpu.memory_space<vmem>> -> memref<64xf32, #tpu.memory_space<vmem>>
      tpu.vector_store_idx %scatter3A_1864[%add3A_113], %add3A_1427 : memref<64xf32, #tpu.memory_space<vmem>>[vector<16xi32>], vector<16xf32>,
      %scatter3A_1865 = arith.constant 64 : i32
      %scatter3A_1866 = tpu.memref_slice %arg6[%scatter3A_1865] : memref<256xf32, #tpu.memory_space<vmem>> -> memref<64xf32, #tpu.memory_space<vmem>>
      tpu.vector_store_idx %scatter3A_1866[%add3A_113], %add3A_1456 : memref<64xf32, #tpu.memory_space<vmem>>[vector<16xi32>], vector<16xf32>,
      %scatter3A_1867 = arith.constant 128 : i32
      %scatter3A_1868 = tpu.memref_slice %arg6[%scatter3A_1867] : memref<256xf32, #tpu.memory_space<vmem>> -> memref<64xf32, #tpu.memory_space<vmem>>
      tpu.vector_store_idx %scatter3A_1868[%add3A_113], %add3A_1485 : memref<64xf32, #tpu.memory_space<vmem>>[vector<16xi32>], vector<16xf32>,
      %scatter3A_1869 = arith.constant 192 : i32
      %scatter3A_1870 = tpu.memref_slice %arg6[%scatter3A_1869] : memref<256xf32, #tpu.memory_space<vmem>> -> memref<64xf32, #tpu.memory_space<vmem>>
      tpu.vector_store_idx %scatter3A_1870[%add3A_113], %add3A_1514 : memref<64xf32, #tpu.memory_space<vmem>>[vector<16xi32>], vector<16xf32>,
      %scatter3A_1871 = arith.constant 0 : i32
      %scatter3A_1872 = tpu.memref_slice %arg6[%scatter3A_1871] : memref<256xf32, #tpu.memory_space<vmem>> -> memref<64xf32, #tpu.memory_space<vmem>>
      tpu.vector_store_idx %scatter3A_1872[%add3A_116], %add3A_1543 : memref<64xf32, #tpu.memory_space<vmem>>[vector<16xi32>], vector<16xf32>,
      %scatter3A_1873 = arith.constant 64 : i32
      %scatter3A_1874 = tpu.memref_slice %arg6[%scatter3A_1873] : memref<256xf32, #tpu.memory_space<vmem>> -> memref<64xf32, #tpu.memory_space<vmem>>
      tpu.vector_store_idx %scatter3A_1874[%add3A_116], %add3A_1572 : memref<64xf32, #tpu.memory_space<vmem>>[vector<16xi32>], vector<16xf32>,
      %scatter3A_1875 = arith.constant 128 : i32
      %scatter3A_1876 = tpu.memref_slice %arg6[%scatter3A_1875] : memref<256xf32, #tpu.memory_space<vmem>> -> memref<64xf32, #tpu.memory_space<vmem>>
      tpu.vector_store_idx %scatter3A_1876[%add3A_116], %add3A_1601 : memref<64xf32, #tpu.memory_space<vmem>>[vector<16xi32>], vector<16xf32>,
      %scatter3A_1877 = arith.constant 192 : i32
      %scatter3A_1878 = tpu.memref_slice %arg6[%scatter3A_1877] : memref<256xf32, #tpu.memory_space<vmem>> -> memref<64xf32, #tpu.memory_space<vmem>>
      tpu.vector_store_idx %scatter3A_1878[%add3A_116], %add3A_1630 : memref<64xf32, #tpu.memory_space<vmem>>[vector<16xi32>], vector<16xf32>,
      %scatter3A_1879 = arith.constant 0 : i32
      %scatter3A_1880 = tpu.memref_slice %arg6[%scatter3A_1879] : memref<256xf32, #tpu.memory_space<vmem>> -> memref<64xf32, #tpu.memory_space<vmem>>
      tpu.vector_store_idx %scatter3A_1880[%add3A_119], %add3A_1659 : memref<64xf32, #tpu.memory_space<vmem>>[vector<16xi32>], vector<16xf32>,
      %scatter3A_1881 = arith.constant 64 : i32
      %scatter3A_1882 = tpu.memref_slice %arg6[%scatter3A_1881] : memref<256xf32, #tpu.memory_space<vmem>> -> memref<64xf32, #tpu.memory_space<vmem>>
      tpu.vector_store_idx %scatter3A_1882[%add3A_119], %add3A_1688 : memref<64xf32, #tpu.memory_space<vmem>>[vector<16xi32>], vector<16xf32>,
      %scatter3A_1883 = arith.constant 128 : i32
      %scatter3A_1884 = tpu.memref_slice %arg6[%scatter3A_1883] : memref<256xf32, #tpu.memory_space<vmem>> -> memref<64xf32, #tpu.memory_space<vmem>>
      tpu.vector_store_idx %scatter3A_1884[%add3A_119], %add3A_1717 : memref<64xf32, #tpu.memory_space<vmem>>[vector<16xi32>], vector<16xf32>,
      %scatter3A_1885 = arith.constant 192 : i32
      %scatter3A_1886 = tpu.memref_slice %arg6[%scatter3A_1885] : memref<256xf32, #tpu.memory_space<vmem>> -> memref<64xf32, #tpu.memory_space<vmem>>
      tpu.vector_store_idx %scatter3A_1886[%add3A_119], %add3A_1746 : memref<64xf32, #tpu.memory_space<vmem>>[vector<16xi32>], vector<16xf32>,
      %scatter3A_1887 = arith.constant 0 : i32
      %scatter3A_1888 = tpu.memref_slice %arg6[%scatter3A_1887] : memref<256xf32, #tpu.memory_space<vmem>> -> memref<64xf32, #tpu.memory_space<vmem>>
      tpu.vector_store_idx %scatter3A_1888[%add3A_122], %add3A_1775 : memref<64xf32, #tpu.memory_space<vmem>>[vector<16xi32>], vector<16xf32>,
      %scatter3A_1889 = arith.constant 64 : i32
      %scatter3A_1890 = tpu.memref_slice %arg6[%scatter3A_1889] : memref<256xf32, #tpu.memory_space<vmem>> -> memref<64xf32, #tpu.memory_space<vmem>>
      tpu.vector_store_idx %scatter3A_1890[%add3A_122], %add3A_1804 : memref<64xf32, #tpu.memory_space<vmem>>[vector<16xi32>], vector<16xf32>,
      %scatter3A_1891 = arith.constant 128 : i32
      %scatter3A_1892 = tpu.memref_slice %arg6[%scatter3A_1891] : memref<256xf32, #tpu.memory_space<vmem>> -> memref<64xf32, #tpu.memory_space<vmem>>
      tpu.vector_store_idx %scatter3A_1892[%add3A_122], %add3A_1833 : memref<64xf32, #tpu.memory_space<vmem>>[vector<16xi32>], vector<16xf32>,
      %scatter3A_1893 = arith.constant 192 : i32
      %scatter3A_1894 = tpu.memref_slice %arg6[%scatter3A_1893] : memref<256xf32, #tpu.memory_space<vmem>> -> memref<64xf32, #tpu.memory_space<vmem>>
      tpu.vector_store_idx %scatter3A_1894[%add3A_122], %add3A_1862 : memref<64xf32, #tpu.memory_space<vmem>>[vector<16xi32>], vector<16xf32>,
      %add3A_1895 = arith.constant 4 : i32
      %add3A_1896 = arith.addi %add3A_1356, %add3A_1895 : i32
      %lt3A_1897 = arith.constant 512 : i32
      %lt3A_1898 = arith.cmpi slt, %add3A_1896, %lt3A_1897 : i32
      %convert_element_type3A_1899 = arith.extui %lt3A_1898 : i1 to i32
      %cond3A_1900 = arith.constant 0 : i32
      %cond3A_1901 = arith.cmpi ne, %convert_element_type3A_1899, %cond3A_1900 : i32
      scf.if %cond3A_1901 {
        %add3A_2500 = arith.constant 4 : i32
        %add3A_2501 = arith.addi %add3A_1356, %add3A_2500 : i32
        %dma_start3A_2502 = arith.constant 2560 : i32
        %dma_start3A_2503 = tpu.memref_slice %arg4[%dma_start3A_2502] : memref<5120xf32, #tpu.memory_space<vmem>> -> memref<1280xf32, #tpu.memory_space<vmem>>
        %dma_start3A_2504 = arith.constant 0 : i32
        %dma_start3A_2505 = tpu.memref_slice %arg2[%add3A_2501, %add3A, %dma_start3A_2504] : memref<512x32x1280xf32, #tpu.memory_space<hbm>> -> memref<1x1x1280xf32, #tpu.memory_space<hbm>>
        %dma_start3A_2506 = tpu.memref_squeeze %dma_start3A_2505 : memref<1x1x1280xf32, #tpu.memory_space<hbm>> -> memref<1280xf32, #tpu.memory_space<hbm>>
        %dma_start3A_2507 = arith.constant 2560 : i32
        %dma_start3A_2508 = tpu.memref_slice %arg4[%dma_start3A_2507] : memref<5120xf32, #tpu.memory_space<vmem>> -> memref<1280xf32, #tpu.memory_space<vmem>>
        %dma_start3A_2509 = arith.constant 0 : i32
        %dma_start3A_2510 = tpu.memref_slice %arg2[%add3A_2501, %add3A, %dma_start3A_2509] : memref<512x32x1280xf32, #tpu.memory_space<hbm>> -> memref<1x1x1280xf32, #tpu.memory_space<hbm>>
        %dma_start3A_2511 = tpu.memref_squeeze %dma_start3A_2510 : memref<1x1x1280xf32, #tpu.memory_space<hbm>> -> memref<1280xf32, #tpu.memory_space<hbm>>
        tpu.enqueue_dma source(%dma_start3A_2511 : memref<1280xf32, #tpu.memory_space<hbm>>) target(%dma_start3A_2508 : memref<1280xf32, #tpu.memory_space<vmem>>) target_semaphore(%arg10 : memref<!tpu.dma_semaphore, #tpu.memory_space<semaphore_mem>>)
      } else {
      }
      %mul3A_1902 = arith.constant 4 : i32
      %mul3A_1903 = arith.muli %scan3A_243, %mul3A_1902 : i32
      %add3A_1904 = arith.constant 3 : i32
      %add3A_1905 = arith.addi %mul3A_1903, %add3A_1904 : i32
      %dma_wait3A_1906 = arith.constant 3840 : i32
      %dma_wait3A_1907 = tpu.memref_slice %arg4[%dma_wait3A_1906] : memref<5120xf32, #tpu.memory_space<vmem>> -> memref<1280xf32, #tpu.memory_space<vmem>>
      %dma_wait3A_1908 = arith.constant 0 : i32
      %dma_wait3A_1909 = tpu.memref_slice %arg2[%add3A_1905, %add3A, %dma_wait3A_1908] : memref<512x32x1280xf32, #tpu.memory_space<hbm>> -> memref<1x1x1280xf32, #tpu.memory_space<hbm>>
      %dma_wait3A_1910 = tpu.memref_squeeze %dma_wait3A_1909 : memref<1x1x1280xf32, #tpu.memory_space<hbm>> -> memref<1280xf32, #tpu.memory_space<hbm>>
      %dma_wait3A_1911 = arith.constant 3840 : i32
      %dma_wait3A_1912 = tpu.memref_slice %arg4[%dma_wait3A_1911] : memref<5120xf32, #tpu.memory_space<vmem>> -> memref<1280xf32, #tpu.memory_space<vmem>>
      %dma_wait3A_1913 = arith.constant 0 : i32
      %dma_wait3A_1914 = tpu.memref_slice %arg2[%add3A_1905, %add3A, %dma_wait3A_1913] : memref<512x32x1280xf32, #tpu.memory_space<hbm>> -> memref<1x1x1280xf32, #tpu.memory_space<hbm>>
      %dma_wait3A_1915 = tpu.memref_squeeze %dma_wait3A_1914 : memref<1x1x1280xf32, #tpu.memory_space<hbm>> -> memref<1280xf32, #tpu.memory_space<hbm>>
      tpu.wait_dma2 semaphore(%arg11 : memref<!tpu.dma_semaphore, #tpu.memory_space<semaphore_mem>>) src(%dma_wait3A_1915 : memref<1280xf32, #tpu.memory_space<hbm>>) dst(%dma_wait3A_1912 : memref<1280xf32, #tpu.memory_space<vmem>>)
      %get3A_1916 = arith.constant 0 : index
      %get3A_1917 = tpu.vector_load %arg6[%get3A_1916] {strides = array<i32>} : memref<256xf32, #tpu.memory_space<vmem>>, vector<16xf32>,
      %get3A_1918 = arith.constant 16 : index
      %get3A_1919 = tpu.vector_load %arg6[%get3A_1918] {strides = array<i32>} : memref<256xf32, #tpu.memory_space<vmem>>, vector<16xf32>,
      %get3A_1920 = arith.constant 32 : index
      %get3A_1921 = tpu.vector_load %arg6[%get3A_1920] {strides = array<i32>} : memref<256xf32, #tpu.memory_space<vmem>>, vector<16xf32>,
      %get3A_1922 = arith.constant 48 : index
      %get3A_1923 = tpu.vector_load %arg6[%get3A_1922] {strides = array<i32>} : memref<256xf32, #tpu.memory_space<vmem>>, vector<16xf32>,
      %get3A_1924 = arith.constant 64 : index
      %get3A_1925 = tpu.vector_load %arg6[%get3A_1924] {strides = array<i32>} : memref<256xf32, #tpu.memory_space<vmem>>, vector<16xf32>,
      %get3A_1926 = arith.constant 80 : index
      %get3A_1927 = tpu.vector_load %arg6[%get3A_1926] {strides = array<i32>} : memref<256xf32, #tpu.memory_space<vmem>>, vector<16xf32>,
      %get3A_1928 = arith.constant 96 : index
      %get3A_1929 = tpu.vector_load %arg6[%get3A_1928] {strides = array<i32>} : memref<256xf32, #tpu.memory_space<vmem>>, vector<16xf32>,
      %get3A_1930 = arith.constant 112 : index
      %get3A_1931 = tpu.vector_load %arg6[%get3A_1930] {strides = array<i32>} : memref<256xf32, #tpu.memory_space<vmem>>, vector<16xf32>,
      %get3A_1932 = arith.constant 128 : index
      %get3A_1933 = tpu.vector_load %arg6[%get3A_1932] {strides = array<i32>} : memref<256xf32, #tpu.memory_space<vmem>>, vector<16xf32>,
      %get3A_1934 = arith.constant 144 : index
      %get3A_1935 = tpu.vector_load %arg6[%get3A_1934] {strides = array<i32>} : memref<256xf32, #tpu.memory_space<vmem>>, vector<16xf32>,
      %get3A_1936 = arith.constant 160 : index
      %get3A_1937 = tpu.vector_load %arg6[%get3A_1936] {strides = array<i32>} : memref<256xf32, #tpu.memory_space<vmem>>, vector<16xf32>,
      %get3A_1938 = arith.constant 176 : index
      %get3A_1939 = tpu.vector_load %arg6[%get3A_1938] {strides = array<i32>} : memref<256xf32, #tpu.memory_space<vmem>>, vector<16xf32>,
      %get3A_1940 = arith.constant 192 : index
      %get3A_1941 = tpu.vector_load %arg6[%get3A_1940] {strides = array<i32>} : memref<256xf32, #tpu.memory_space<vmem>>, vector<16xf32>,
      %get3A_1942 = arith.constant 208 : index
      %get3A_1943 = tpu.vector_load %arg6[%get3A_1942] {strides = array<i32>} : memref<256xf32, #tpu.memory_space<vmem>>, vector<16xf32>,
      %get3A_1944 = arith.constant 224 : index
      %get3A_1945 = tpu.vector_load %arg6[%get3A_1944] {strides = array<i32>} : memref<256xf32, #tpu.memory_space<vmem>>, vector<16xf32>,
      %get3A_1946 = arith.constant 240 : index
      %get3A_1947 = tpu.vector_load %arg6[%get3A_1946] {strides = array<i32>} : memref<256xf32, #tpu.memory_space<vmem>>, vector<16xf32>,
      %gather3A_1948 = arith.constant 3840 : i32
      %gather3A_1949 = tpu.memref_slice %arg4[%gather3A_1948] : memref<5120xf32, #tpu.memory_space<vmem>> -> memref<320xf32, #tpu.memory_space<vmem>>
      %gather3A_1950 = tpu.vector_load_idx %gather3A_1949[%add3A_53] : memref<320xf32, #tpu.memory_space<vmem>>[vector<16xi32>], vector<16xf32>,
      %exp3A_1951 = math.exp %gather3A_1950 : vector<16xf32>
      %mul3A_1952 = arith.mulf %exp3A_1951, %add3A_1427 : vector<16xf32>
      %gather3A_1953 = arith.constant 3840 : i32
      %gather3A_1954 = tpu.memref_slice %arg4[%gather3A_1953] : memref<5120xf32, #tpu.memory_space<vmem>> -> memref<320xf32, #tpu.memory_space<vmem>>
      %gather3A_1955 = tpu.vector_load_idx %gather3A_1954[%add3A_56] : memref<320xf32, #tpu.memory_space<vmem>>[vector<16xi32>], vector<16xf32>,
      %exp3A_1956 = math.exp %gather3A_1955 : vector<16xf32>
      %mul3A_1957 = arith.mulf %exp3A_1956, %get3A_1917 : vector<16xf32>
      %add3A_1958 = arith.addf %mul3A_1952, %mul3A_1957 : vector<16xf32>
      %gather3A_1959 = arith.constant 3840 : i32
      %gather3A_1960 = tpu.memref_slice %arg4[%gather3A_1959] : memref<5120xf32, #tpu.memory_space<vmem>> -> memref<320xf32, #tpu.memory_space<vmem>>
      %gather3A_1961 = tpu.vector_load_idx %gather3A_1960[%add3A_59] : memref<320xf32, #tpu.memory_space<vmem>>[vector<16xi32>], vector<16xf32>,
      %exp3A_1962 = math.exp %gather3A_1961 : vector<16xf32>
      %mul3A_1963 = arith.mulf %exp3A_1962, %get3A_1925 : vector<16xf32>
      %add3A_1964 = arith.addf %add3A_1958, %mul3A_1963 : vector<16xf32>
      %gather3A_1965 = arith.constant 3840 : i32
      %gather3A_1966 = tpu.memref_slice %arg4[%gather3A_1965] : memref<5120xf32, #tpu.memory_space<vmem>> -> memref<320xf32, #tpu.memory_space<vmem>>
      %gather3A_1967 = tpu.vector_load_idx %gather3A_1966[%add3A_62] : memref<320xf32, #tpu.memory_space<vmem>>[vector<16xi32>], vector<16xf32>,
      %exp3A_1968 = math.exp %gather3A_1967 : vector<16xf32>
      %mul3A_1969 = arith.mulf %exp3A_1968, %get3A_1933 : vector<16xf32>
      %add3A_1970 = arith.addf %add3A_1964, %mul3A_1969 : vector<16xf32>
      %gather3A_1971 = arith.constant 3840 : i32
      %gather3A_1972 = tpu.memref_slice %arg4[%gather3A_1971] : memref<5120xf32, #tpu.memory_space<vmem>> -> memref<320xf32, #tpu.memory_space<vmem>>
      %gather3A_1973 = tpu.vector_load_idx %gather3A_1972[%add3A_65] : memref<320xf32, #tpu.memory_space<vmem>>[vector<16xi32>], vector<16xf32>,
      %exp3A_1974 = math.exp %gather3A_1973 : vector<16xf32>
      %mul3A_1975 = arith.mulf %exp3A_1974, %get3A_1941 : vector<16xf32>
      %add3A_1976 = arith.addf %add3A_1970, %mul3A_1975 : vector<16xf32>
      %gather3A_1977 = arith.constant 4160 : i32
      %gather3A_1978 = tpu.memref_slice %arg4[%gather3A_1977] : memref<5120xf32, #tpu.memory_space<vmem>> -> memref<320xf32, #tpu.memory_space<vmem>>
      %gather3A_1979 = tpu.vector_load_idx %gather3A_1978[%add3A_53] : memref<320xf32, #tpu.memory_space<vmem>>[vector<16xi32>], vector<16xf32>,
      %exp3A_1980 = math.exp %gather3A_1979 : vector<16xf32>
      %mul3A_1981 = arith.mulf %exp3A_1980, %add3A_1456 : vector<16xf32>
      %gather3A_1982 = arith.constant 4160 : i32
      %gather3A_1983 = tpu.memref_slice %arg4[%gather3A_1982] : memref<5120xf32, #tpu.memory_space<vmem>> -> memref<320xf32, #tpu.memory_space<vmem>>
      %gather3A_1984 = tpu.vector_load_idx %gather3A_1983[%add3A_56] : memref<320xf32, #tpu.memory_space<vmem>>[vector<16xi32>], vector<16xf32>,
      %exp3A_1985 = math.exp %gather3A_1984 : vector<16xf32>
      %mul3A_1986 = arith.mulf %exp3A_1985, %get3A_1919 : vector<16xf32>
      %add3A_1987 = arith.addf %mul3A_1981, %mul3A_1986 : vector<16xf32>
      %gather3A_1988 = arith.constant 4160 : i32
      %gather3A_1989 = tpu.memref_slice %arg4[%gather3A_1988] : memref<5120xf32, #tpu.memory_space<vmem>> -> memref<320xf32, #tpu.memory_space<vmem>>
      %gather3A_1990 = tpu.vector_load_idx %gather3A_1989[%add3A_59] : memref<320xf32, #tpu.memory_space<vmem>>[vector<16xi32>], vector<16xf32>,
      %exp3A_1991 = math.exp %gather3A_1990 : vector<16xf32>
      %mul3A_1992 = arith.mulf %exp3A_1991, %get3A_1927 : vector<16xf32>
      %add3A_1993 = arith.addf %add3A_1987, %mul3A_1992 : vector<16xf32>
      %gather3A_1994 = arith.constant 4160 : i32
      %gather3A_1995 = tpu.memref_slice %arg4[%gather3A_1994] : memref<5120xf32, #tpu.memory_space<vmem>> -> memref<320xf32, #tpu.memory_space<vmem>>
      %gather3A_1996 = tpu.vector_load_idx %gather3A_1995[%add3A_62] : memref<320xf32, #tpu.memory_space<vmem>>[vector<16xi32>], vector<16xf32>,
      %exp3A_1997 = math.exp %gather3A_1996 : vector<16xf32>
      %mul3A_1998 = arith.mulf %exp3A_1997, %get3A_1935 : vector<16xf32>
      %add3A_1999 = arith.addf %add3A_1993, %mul3A_1998 : vector<16xf32>
      %gather3A_2000 = arith.constant 4160 : i32
      %gather3A_2001 = tpu.memref_slice %arg4[%gather3A_2000] : memref<5120xf32, #tpu.memory_space<vmem>> -> memref<320xf32, #tpu.memory_space<vmem>>
      %gather3A_2002 = tpu.vector_load_idx %gather3A_2001[%add3A_65] : memref<320xf32, #tpu.memory_space<vmem>>[vector<16xi32>], vector<16xf32>,
      %exp3A_2003 = math.exp %gather3A_2002 : vector<16xf32>
      %mul3A_2004 = arith.mulf %exp3A_2003, %get3A_1943 : vector<16xf32>
      %add3A_2005 = arith.addf %add3A_1999, %mul3A_2004 : vector<16xf32>
      %gather3A_2006 = arith.constant 4480 : i32
      %gather3A_2007 = tpu.memref_slice %arg4[%gather3A_2006] : memref<5120xf32, #tpu.memory_space<vmem>> -> memref<320xf32, #tpu.memory_space<vmem>>
      %gather3A_2008 = tpu.vector_load_idx %gather3A_2007[%add3A_53] : memref<320xf32, #tpu.memory_space<vmem>>[vector<16xi32>], vector<16xf32>,
      %exp3A_2009 = math.exp %gather3A_2008 : vector<16xf32>
      %mul3A_2010 = arith.mulf %exp3A_2009, %add3A_1485 : vector<16xf32>
      %gather3A_2011 = arith.constant 4480 : i32
      %gather3A_2012 = tpu.memref_slice %arg4[%gather3A_2011] : memref<5120xf32, #tpu.memory_space<vmem>> -> memref<320xf32, #tpu.memory_space<vmem>>
      %gather3A_2013 = tpu.vector_load_idx %gather3A_2012[%add3A_56] : memref<320xf32, #tpu.memory_space<vmem>>[vector<16xi32>], vector<16xf32>,
      %exp3A_2014 = math.exp %gather3A_2013 : vector<16xf32>
      %mul3A_2015 = arith.mulf %exp3A_2014, %get3A_1921 : vector<16xf32>
      %add3A_2016 = arith.addf %mul3A_2010, %mul3A_2015 : vector<16xf32>
      %gather3A_2017 = arith.constant 4480 : i32
      %gather3A_2018 = tpu.memref_slice %arg4[%gather3A_2017] : memref<5120xf32, #tpu.memory_space<vmem>> -> memref<320xf32, #tpu.memory_space<vmem>>
      %gather3A_2019 = tpu.vector_load_idx %gather3A_2018[%add3A_59] : memref<320xf32, #tpu.memory_space<vmem>>[vector<16xi32>], vector<16xf32>,
      %exp3A_2020 = math.exp %gather3A_2019 : vector<16xf32>
      %mul3A_2021 = arith.mulf %exp3A_2020, %get3A_1929 : vector<16xf32>
      %add3A_2022 = arith.addf %add3A_2016, %mul3A_2021 : vector<16xf32>
      %gather3A_2023 = arith.constant 4480 : i32
      %gather3A_2024 = tpu.memref_slice %arg4[%gather3A_2023] : memref<5120xf32, #tpu.memory_space<vmem>> -> memref<320xf32, #tpu.memory_space<vmem>>
      %gather3A_2025 = tpu.vector_load_idx %gather3A_2024[%add3A_62] : memref<320xf32, #tpu.memory_space<vmem>>[vector<16xi32>], vector<16xf32>,
      %exp3A_2026 = math.exp %gather3A_2025 : vector<16xf32>
      %mul3A_2027 = arith.mulf %exp3A_2026, %get3A_1937 : vector<16xf32>
      %add3A_2028 = arith.addf %add3A_2022, %mul3A_2027 : vector<16xf32>
      %gather3A_2029 = arith.constant 4480 : i32
      %gather3A_2030 = tpu.memref_slice %arg4[%gather3A_2029] : memref<5120xf32, #tpu.memory_space<vmem>> -> memref<320xf32, #tpu.memory_space<vmem>>
      %gather3A_2031 = tpu.vector_load_idx %gather3A_2030[%add3A_65] : memref<320xf32, #tpu.memory_space<vmem>>[vector<16xi32>], vector<16xf32>,
      %exp3A_2032 = math.exp %gather3A_2031 : vector<16xf32>
      %mul3A_2033 = arith.mulf %exp3A_2032, %get3A_1945 : vector<16xf32>
      %add3A_2034 = arith.addf %add3A_2028, %mul3A_2033 : vector<16xf32>
      %gather3A_2035 = arith.constant 4800 : i32
      %gather3A_2036 = tpu.memref_slice %arg4[%gather3A_2035] : memref<5120xf32, #tpu.memory_space<vmem>> -> memref<320xf32, #tpu.memory_space<vmem>>
      %gather3A_2037 = tpu.vector_load_idx %gather3A_2036[%add3A_53] : memref<320xf32, #tpu.memory_space<vmem>>[vector<16xi32>], vector<16xf32>,
      %exp3A_2038 = math.exp %gather3A_2037 : vector<16xf32>
      %mul3A_2039 = arith.mulf %exp3A_2038, %add3A_1514 : vector<16xf32>
      %gather3A_2040 = arith.constant 4800 : i32
      %gather3A_2041 = tpu.memref_slice %arg4[%gather3A_2040] : memref<5120xf32, #tpu.memory_space<vmem>> -> memref<320xf32, #tpu.memory_space<vmem>>
      %gather3A_2042 = tpu.vector_load_idx %gather3A_2041[%add3A_56] : memref<320xf32, #tpu.memory_space<vmem>>[vector<16xi32>], vector<16xf32>,
      %exp3A_2043 = math.exp %gather3A_2042 : vector<16xf32>
      %mul3A_2044 = arith.mulf %exp3A_2043, %get3A_1923 : vector<16xf32>
      %add3A_2045 = arith.addf %mul3A_2039, %mul3A_2044 : vector<16xf32>
      %gather3A_2046 = arith.constant 4800 : i32
      %gather3A_2047 = tpu.memref_slice %arg4[%gather3A_2046] : memref<5120xf32, #tpu.memory_space<vmem>> -> memref<320xf32, #tpu.memory_space<vmem>>
      %gather3A_2048 = tpu.vector_load_idx %gather3A_2047[%add3A_59] : memref<320xf32, #tpu.memory_space<vmem>>[vector<16xi32>], vector<16xf32>,
      %exp3A_2049 = math.exp %gather3A_2048 : vector<16xf32>
      %mul3A_2050 = arith.mulf %exp3A_2049, %get3A_1931 : vector<16xf32>
      %add3A_2051 = arith.addf %add3A_2045, %mul3A_2050 : vector<16xf32>
      %gather3A_2052 = arith.constant 4800 : i32
      %gather3A_2053 = tpu.memref_slice %arg4[%gather3A_2052] : memref<5120xf32, #tpu.memory_space<vmem>> -> memref<320xf32, #tpu.memory_space<vmem>>
      %gather3A_2054 = tpu.vector_load_idx %gather3A_2053[%add3A_62] : memref<320xf32, #tpu.memory_space<vmem>>[vector<16xi32>], vector<16xf32>,
      %exp3A_2055 = math.exp %gather3A_2054 : vector<16xf32>
      %mul3A_2056 = arith.mulf %exp3A_2055, %get3A_1939 : vector<16xf32>
      %add3A_2057 = arith.addf %add3A_2051, %mul3A_2056 : vector<16xf32>
      %gather3A_2058 = arith.constant 4800 : i32
      %gather3A_2059 = tpu.memref_slice %arg4[%gather3A_2058] : memref<5120xf32, #tpu.memory_space<vmem>> -> memref<320xf32, #tpu.memory_space<vmem>>
      %gather3A_2060 = tpu.vector_load_idx %gather3A_2059[%add3A_65] : memref<320xf32, #tpu.memory_space<vmem>>[vector<16xi32>], vector<16xf32>,
      %exp3A_2061 = math.exp %gather3A_2060 : vector<16xf32>
      %mul3A_2062 = arith.mulf %exp3A_2061, %get3A_1947 : vector<16xf32>
      %add3A_2063 = arith.addf %add3A_2057, %mul3A_2062 : vector<16xf32>
      %gather3A_2064 = arith.constant 3840 : i32
      %gather3A_2065 = tpu.memref_slice %arg4[%gather3A_2064] : memref<5120xf32, #tpu.memory_space<vmem>> -> memref<320xf32, #tpu.memory_space<vmem>>
      %gather3A_2066 = tpu.vector_load_idx %gather3A_2065[%add3A_68] : memref<320xf32, #tpu.memory_space<vmem>>[vector<16xi32>], vector<16xf32>,
      %exp3A_2067 = math.exp %gather3A_2066 : vector<16xf32>
      %mul3A_2068 = arith.mulf %exp3A_2067, %add3A_1543 : vector<16xf32>
      %gather3A_2069 = arith.constant 3840 : i32
      %gather3A_2070 = tpu.memref_slice %arg4[%gather3A_2069] : memref<5120xf32, #tpu.memory_space<vmem>> -> memref<320xf32, #tpu.memory_space<vmem>>
      %gather3A_2071 = tpu.vector_load_idx %gather3A_2070[%add3A_71] : memref<320xf32, #tpu.memory_space<vmem>>[vector<16xi32>], vector<16xf32>,
      %exp3A_2072 = math.exp %gather3A_2071 : vector<16xf32>
      %mul3A_2073 = arith.mulf %exp3A_2072, %get3A_1917 : vector<16xf32>
      %add3A_2074 = arith.addf %mul3A_2068, %mul3A_2073 : vector<16xf32>
      %gather3A_2075 = arith.constant 3840 : i32
      %gather3A_2076 = tpu.memref_slice %arg4[%gather3A_2075] : memref<5120xf32, #tpu.memory_space<vmem>> -> memref<320xf32, #tpu.memory_space<vmem>>
      %gather3A_2077 = tpu.vector_load_idx %gather3A_2076[%add3A_74] : memref<320xf32, #tpu.memory_space<vmem>>[vector<16xi32>], vector<16xf32>,
      %exp3A_2078 = math.exp %gather3A_2077 : vector<16xf32>
      %mul3A_2079 = arith.mulf %exp3A_2078, %get3A_1925 : vector<16xf32>
      %add3A_2080 = arith.addf %add3A_2074, %mul3A_2079 : vector<16xf32>
      %gather3A_2081 = arith.constant 3840 : i32
      %gather3A_2082 = tpu.memref_slice %arg4[%gather3A_2081] : memref<5120xf32, #tpu.memory_space<vmem>> -> memref<320xf32, #tpu.memory_space<vmem>>
      %gather3A_2083 = tpu.vector_load_idx %gather3A_2082[%add3A_77] : memref<320xf32, #tpu.memory_space<vmem>>[vector<16xi32>], vector<16xf32>,
      %exp3A_2084 = math.exp %gather3A_2083 : vector<16xf32>
      %mul3A_2085 = arith.mulf %exp3A_2084, %get3A_1933 : vector<16xf32>
      %add3A_2086 = arith.addf %add3A_2080, %mul3A_2085 : vector<16xf32>
      %gather3A_2087 = arith.constant 3840 : i32
      %gather3A_2088 = tpu.memref_slice %arg4[%gather3A_2087] : memref<5120xf32, #tpu.memory_space<vmem>> -> memref<320xf32, #tpu.memory_space<vmem>>
      %gather3A_2089 = tpu.vector_load_idx %gather3A_2088[%add3A_80] : memref<320xf32, #tpu.memory_space<vmem>>[vector<16xi32>], vector<16xf32>,
      %exp3A_2090 = math.exp %gather3A_2089 : vector<16xf32>
      %mul3A_2091 = arith.mulf %exp3A_2090, %get3A_1941 : vector<16xf32>
      %add3A_2092 = arith.addf %add3A_2086, %mul3A_2091 : vector<16xf32>
      %gather3A_2093 = arith.constant 4160 : i32
      %gather3A_2094 = tpu.memref_slice %arg4[%gather3A_2093] : memref<5120xf32, #tpu.memory_space<vmem>> -> memref<320xf32, #tpu.memory_space<vmem>>
      %gather3A_2095 = tpu.vector_load_idx %gather3A_2094[%add3A_68] : memref<320xf32, #tpu.memory_space<vmem>>[vector<16xi32>], vector<16xf32>,
      %exp3A_2096 = math.exp %gather3A_2095 : vector<16xf32>
      %mul3A_2097 = arith.mulf %exp3A_2096, %add3A_1572 : vector<16xf32>
      %gather3A_2098 = arith.constant 4160 : i32
      %gather3A_2099 = tpu.memref_slice %arg4[%gather3A_2098] : memref<5120xf32, #tpu.memory_space<vmem>> -> memref<320xf32, #tpu.memory_space<vmem>>
      %gather3A_2100 = tpu.vector_load_idx %gather3A_2099[%add3A_71] : memref<320xf32, #tpu.memory_space<vmem>>[vector<16xi32>], vector<16xf32>,
      %exp3A_2101 = math.exp %gather3A_2100 : vector<16xf32>
      %mul3A_2102 = arith.mulf %exp3A_2101, %get3A_1919 : vector<16xf32>
      %add3A_2103 = arith.addf %mul3A_2097, %mul3A_2102 : vector<16xf32>
      %gather3A_2104 = arith.constant 4160 : i32
      %gather3A_2105 = tpu.memref_slice %arg4[%gather3A_2104] : memref<5120xf32, #tpu.memory_space<vmem>> -> memref<320xf32, #tpu.memory_space<vmem>>
      %gather3A_2106 = tpu.vector_load_idx %gather3A_2105[%add3A_74] : memref<320xf32, #tpu.memory_space<vmem>>[vector<16xi32>], vector<16xf32>,
      %exp3A_2107 = math.exp %gather3A_2106 : vector<16xf32>
      %mul3A_2108 = arith.mulf %exp3A_2107, %get3A_1927 : vector<16xf32>
      %add3A_2109 = arith.addf %add3A_2103, %mul3A_2108 : vector<16xf32>
      %gather3A_2110 = arith.constant 4160 : i32
      %gather3A_2111 = tpu.memref_slice %arg4[%gather3A_2110] : memref<5120xf32, #tpu.memory_space<vmem>> -> memref<320xf32, #tpu.memory_space<vmem>>
      %gather3A_2112 = tpu.vector_load_idx %gather3A_2111[%add3A_77] : memref<320xf32, #tpu.memory_space<vmem>>[vector<16xi32>], vector<16xf32>,
      %exp3A_2113 = math.exp %gather3A_2112 : vector<16xf32>
      %mul3A_2114 = arith.mulf %exp3A_2113, %get3A_1935 : vector<16xf32>
      %add3A_2115 = arith.addf %add3A_2109, %mul3A_2114 : vector<16xf32>
      %gather3A_2116 = arith.constant 4160 : i32
      %gather3A_2117 = tpu.memref_slice %arg4[%gather3A_2116] : memref<5120xf32, #tpu.memory_space<vmem>> -> memref<320xf32, #tpu.memory_space<vmem>>
      %gather3A_2118 = tpu.vector_load_idx %gather3A_2117[%add3A_80] : memref<320xf32, #tpu.memory_space<vmem>>[vector<16xi32>], vector<16xf32>,
      %exp3A_2119 = math.exp %gather3A_2118 : vector<16xf32>
      %mul3A_2120 = arith.mulf %exp3A_2119, %get3A_1943 : vector<16xf32>
      %add3A_2121 = arith.addf %add3A_2115, %mul3A_2120 : vector<16xf32>
      %gather3A_2122 = arith.constant 4480 : i32
      %gather3A_2123 = tpu.memref_slice %arg4[%gather3A_2122] : memref<5120xf32, #tpu.memory_space<vmem>> -> memref<320xf32, #tpu.memory_space<vmem>>
      %gather3A_2124 = tpu.vector_load_idx %gather3A_2123[%add3A_68] : memref<320xf32, #tpu.memory_space<vmem>>[vector<16xi32>], vector<16xf32>,
      %exp3A_2125 = math.exp %gather3A_2124 : vector<16xf32>
      %mul3A_2126 = arith.mulf %exp3A_2125, %add3A_1601 : vector<16xf32>
      %gather3A_2127 = arith.constant 4480 : i32
      %gather3A_2128 = tpu.memref_slice %arg4[%gather3A_2127] : memref<5120xf32, #tpu.memory_space<vmem>> -> memref<320xf32, #tpu.memory_space<vmem>>
      %gather3A_2129 = tpu.vector_load_idx %gather3A_2128[%add3A_71] : memref<320xf32, #tpu.memory_space<vmem>>[vector<16xi32>], vector<16xf32>,
      %exp3A_2130 = math.exp %gather3A_2129 : vector<16xf32>
      %mul3A_2131 = arith.mulf %exp3A_2130, %get3A_1921 : vector<16xf32>
      %add3A_2132 = arith.addf %mul3A_2126, %mul3A_2131 : vector<16xf32>
      %gather3A_2133 = arith.constant 4480 : i32
      %gather3A_2134 = tpu.memref_slice %arg4[%gather3A_2133] : memref<5120xf32, #tpu.memory_space<vmem>> -> memref<320xf32, #tpu.memory_space<vmem>>
      %gather3A_2135 = tpu.vector_load_idx %gather3A_2134[%add3A_74] : memref<320xf32, #tpu.memory_space<vmem>>[vector<16xi32>], vector<16xf32>,
      %exp3A_2136 = math.exp %gather3A_2135 : vector<16xf32>
      %mul3A_2137 = arith.mulf %exp3A_2136, %get3A_1929 : vector<16xf32>
      %add3A_2138 = arith.addf %add3A_2132, %mul3A_2137 : vector<16xf32>
      %gather3A_2139 = arith.constant 4480 : i32
      %gather3A_2140 = tpu.memref_slice %arg4[%gather3A_2139] : memref<5120xf32, #tpu.memory_space<vmem>> -> memref<320xf32, #tpu.memory_space<vmem>>
      %gather3A_2141 = tpu.vector_load_idx %gather3A_2140[%add3A_77] : memref<320xf32, #tpu.memory_space<vmem>>[vector<16xi32>], vector<16xf32>,
      %exp3A_2142 = math.exp %gather3A_2141 : vector<16xf32>
      %mul3A_2143 = arith.mulf %exp3A_2142, %get3A_1937 : vector<16xf32>
      %add3A_2144 = arith.addf %add3A_2138, %mul3A_2143 : vector<16xf32>
      %gather3A_2145 = arith.constant 4480 : i32
      %gather3A_2146 = tpu.memref_slice %arg4[%gather3A_2145] : memref<5120xf32, #tpu.memory_space<vmem>> -> memref<320xf32, #tpu.memory_space<vmem>>
      %gather3A_2147 = tpu.vector_load_idx %gather3A_2146[%add3A_80] : memref<320xf32, #tpu.memory_space<vmem>>[vector<16xi32>], vector<16xf32>,
      %exp3A_2148 = math.exp %gather3A_2147 : vector<16xf32>
      %mul3A_2149 = arith.mulf %exp3A_2148, %get3A_1945 : vector<16xf32>
      %add3A_2150 = arith.addf %add3A_2144, %mul3A_2149 : vector<16xf32>
      %gather3A_2151 = arith.constant 4800 : i32
      %gather3A_2152 = tpu.memref_slice %arg4[%gather3A_2151] : memref<5120xf32, #tpu.memory_space<vmem>> -> memref<320xf32, #tpu.memory_space<vmem>>
      %gather3A_2153 = tpu.vector_load_idx %gather3A_2152[%add3A_68] : memref<320xf32, #tpu.memory_space<vmem>>[vector<16xi32>], vector<16xf32>,
      %exp3A_2154 = math.exp %gather3A_2153 : vector<16xf32>
      %mul3A_2155 = arith.mulf %exp3A_2154, %add3A_1630 : vector<16xf32>
      %gather3A_2156 = arith.constant 4800 : i32
      %gather3A_2157 = tpu.memref_slice %arg4[%gather3A_2156] : memref<5120xf32, #tpu.memory_space<vmem>> -> memref<320xf32, #tpu.memory_space<vmem>>
      %gather3A_2158 = tpu.vector_load_idx %gather3A_2157[%add3A_71] : memref<320xf32, #tpu.memory_space<vmem>>[vector<16xi32>], vector<16xf32>,
      %exp3A_2159 = math.exp %gather3A_2158 : vector<16xf32>
      %mul3A_2160 = arith.mulf %exp3A_2159, %get3A_1923 : vector<16xf32>
      %add3A_2161 = arith.addf %mul3A_2155, %mul3A_2160 : vector<16xf32>
      %gather3A_2162 = arith.constant 4800 : i32
      %gather3A_2163 = tpu.memref_slice %arg4[%gather3A_2162] : memref<5120xf32, #tpu.memory_space<vmem>> -> memref<320xf32, #tpu.memory_space<vmem>>
      %gather3A_2164 = tpu.vector_load_idx %gather3A_2163[%add3A_74] : memref<320xf32, #tpu.memory_space<vmem>>[vector<16xi32>], vector<16xf32>,
      %exp3A_2165 = math.exp %gather3A_2164 : vector<16xf32>
      %mul3A_2166 = arith.mulf %exp3A_2165, %get3A_1931 : vector<16xf32>
      %add3A_2167 = arith.addf %add3A_2161, %mul3A_2166 : vector<16xf32>
      %gather3A_2168 = arith.constant 4800 : i32
      %gather3A_2169 = tpu.memref_slice %arg4[%gather3A_2168] : memref<5120xf32, #tpu.memory_space<vmem>> -> memref<320xf32, #tpu.memory_space<vmem>>
      %gather3A_2170 = tpu.vector_load_idx %gather3A_2169[%add3A_77] : memref<320xf32, #tpu.memory_space<vmem>>[vector<16xi32>], vector<16xf32>,
      %exp3A_2171 = math.exp %gather3A_2170 : vector<16xf32>
      %mul3A_2172 = arith.mulf %exp3A_2171, %get3A_1939 : vector<16xf32>
      %add3A_2173 = arith.addf %add3A_2167, %mul3A_2172 : vector<16xf32>
      %gather3A_2174 = arith.constant 4800 : i32
      %gather3A_2175 = tpu.memref_slice %arg4[%gather3A_2174] : memref<5120xf32, #tpu.memory_space<vmem>> -> memref<320xf32, #tpu.memory_space<vmem>>
      %gather3A_2176 = tpu.vector_load_idx %gather3A_2175[%add3A_80] : memref<320xf32, #tpu.memory_space<vmem>>[vector<16xi32>], vector<16xf32>,
      %exp3A_2177 = math.exp %gather3A_2176 : vector<16xf32>
      %mul3A_2178 = arith.mulf %exp3A_2177, %get3A_1947 : vector<16xf32>
      %add3A_2179 = arith.addf %add3A_2173, %mul3A_2178 : vector<16xf32>
      %gather3A_2180 = arith.constant 3840 : i32
      %gather3A_2181 = tpu.memref_slice %arg4[%gather3A_2180] : memref<5120xf32, #tpu.memory_space<vmem>> -> memref<320xf32, #tpu.memory_space<vmem>>
      %gather3A_2182 = tpu.vector_load_idx %gather3A_2181[%add3A_83] : memref<320xf32, #tpu.memory_space<vmem>>[vector<16xi32>], vector<16xf32>,
      %exp3A_2183 = math.exp %gather3A_2182 : vector<16xf32>
      %mul3A_2184 = arith.mulf %exp3A_2183, %add3A_1659 : vector<16xf32>
      %gather3A_2185 = arith.constant 3840 : i32
      %gather3A_2186 = tpu.memref_slice %arg4[%gather3A_2185] : memref<5120xf32, #tpu.memory_space<vmem>> -> memref<320xf32, #tpu.memory_space<vmem>>
      %gather3A_2187 = tpu.vector_load_idx %gather3A_2186[%add3A_86] : memref<320xf32, #tpu.memory_space<vmem>>[vector<16xi32>], vector<16xf32>,
      %exp3A_2188 = math.exp %gather3A_2187 : vector<16xf32>
      %mul3A_2189 = arith.mulf %exp3A_2188, %get3A_1917 : vector<16xf32>
      %add3A_2190 = arith.addf %mul3A_2184, %mul3A_2189 : vector<16xf32>
      %gather3A_2191 = arith.constant 3840 : i32
      %gather3A_2192 = tpu.memref_slice %arg4[%gather3A_2191] : memref<5120xf32, #tpu.memory_space<vmem>> -> memref<320xf32, #tpu.memory_space<vmem>>
      %gather3A_2193 = tpu.vector_load_idx %gather3A_2192[%add3A_89] : memref<320xf32, #tpu.memory_space<vmem>>[vector<16xi32>], vector<16xf32>,
      %exp3A_2194 = math.exp %gather3A_2193 : vector<16xf32>
      %mul3A_2195 = arith.mulf %exp3A_2194, %get3A_1925 : vector<16xf32>
      %add3A_2196 = arith.addf %add3A_2190, %mul3A_2195 : vector<16xf32>
      %gather3A_2197 = arith.constant 3840 : i32
      %gather3A_2198 = tpu.memref_slice %arg4[%gather3A_2197] : memref<5120xf32, #tpu.memory_space<vmem>> -> memref<320xf32, #tpu.memory_space<vmem>>
      %gather3A_2199 = tpu.vector_load_idx %gather3A_2198[%add3A_92] : memref<320xf32, #tpu.memory_space<vmem>>[vector<16xi32>], vector<16xf32>,
      %exp3A_2200 = math.exp %gather3A_2199 : vector<16xf32>
      %mul3A_2201 = arith.mulf %exp3A_2200, %get3A_1933 : vector<16xf32>
      %add3A_2202 = arith.addf %add3A_2196, %mul3A_2201 : vector<16xf32>
      %gather3A_2203 = arith.constant 3840 : i32
      %gather3A_2204 = tpu.memref_slice %arg4[%gather3A_2203] : memref<5120xf32, #tpu.memory_space<vmem>> -> memref<320xf32, #tpu.memory_space<vmem>>
      %gather3A_2205 = tpu.vector_load_idx %gather3A_2204[%add3A_95] : memref<320xf32, #tpu.memory_space<vmem>>[vector<16xi32>], vector<16xf32>,
      %exp3A_2206 = math.exp %gather3A_2205 : vector<16xf32>
      %mul3A_2207 = arith.mulf %exp3A_2206, %get3A_1941 : vector<16xf32>
      %add3A_2208 = arith.addf %add3A_2202, %mul3A_2207 : vector<16xf32>
      %gather3A_2209 = arith.constant 4160 : i32
      %gather3A_2210 = tpu.memref_slice %arg4[%gather3A_2209] : memref<5120xf32, #tpu.memory_space<vmem>> -> memref<320xf32, #tpu.memory_space<vmem>>
      %gather3A_2211 = tpu.vector_load_idx %gather3A_2210[%add3A_83] : memref<320xf32, #tpu.memory_space<vmem>>[vector<16xi32>], vector<16xf32>,
      %exp3A_2212 = math.exp %gather3A_2211 : vector<16xf32>
      %mul3A_2213 = arith.mulf %exp3A_2212, %add3A_1688 : vector<16xf32>
      %gather3A_2214 = arith.constant 4160 : i32
      %gather3A_2215 = tpu.memref_slice %arg4[%gather3A_2214] : memref<5120xf32, #tpu.memory_space<vmem>> -> memref<320xf32, #tpu.memory_space<vmem>>
      %gather3A_2216 = tpu.vector_load_idx %gather3A_2215[%add3A_86] : memref<320xf32, #tpu.memory_space<vmem>>[vector<16xi32>], vector<16xf32>,
      %exp3A_2217 = math.exp %gather3A_2216 : vector<16xf32>
      %mul3A_2218 = arith.mulf %exp3A_2217, %get3A_1919 : vector<16xf32>
      %add3A_2219 = arith.addf %mul3A_2213, %mul3A_2218 : vector<16xf32>
      %gather3A_2220 = arith.constant 4160 : i32
      %gather3A_2221 = tpu.memref_slice %arg4[%gather3A_2220] : memref<5120xf32, #tpu.memory_space<vmem>> -> memref<320xf32, #tpu.memory_space<vmem>>
      %gather3A_2222 = tpu.vector_load_idx %gather3A_2221[%add3A_89] : memref<320xf32, #tpu.memory_space<vmem>>[vector<16xi32>], vector<16xf32>,
      %exp3A_2223 = math.exp %gather3A_2222 : vector<16xf32>
      %mul3A_2224 = arith.mulf %exp3A_2223, %get3A_1927 : vector<16xf32>
      %add3A_2225 = arith.addf %add3A_2219, %mul3A_2224 : vector<16xf32>
      %gather3A_2226 = arith.constant 4160 : i32
      %gather3A_2227 = tpu.memref_slice %arg4[%gather3A_2226] : memref<5120xf32, #tpu.memory_space<vmem>> -> memref<320xf32, #tpu.memory_space<vmem>>
      %gather3A_2228 = tpu.vector_load_idx %gather3A_2227[%add3A_92] : memref<320xf32, #tpu.memory_space<vmem>>[vector<16xi32>], vector<16xf32>,
      %exp3A_2229 = math.exp %gather3A_2228 : vector<16xf32>
      %mul3A_2230 = arith.mulf %exp3A_2229, %get3A_1935 : vector<16xf32>
      %add3A_2231 = arith.addf %add3A_2225, %mul3A_2230 : vector<16xf32>
      %gather3A_2232 = arith.constant 4160 : i32
      %gather3A_2233 = tpu.memref_slice %arg4[%gather3A_2232] : memref<5120xf32, #tpu.memory_space<vmem>> -> memref<320xf32, #tpu.memory_space<vmem>>
      %gather3A_2234 = tpu.vector_load_idx %gather3A_2233[%add3A_95] : memref<320xf32, #tpu.memory_space<vmem>>[vector<16xi32>], vector<16xf32>,
      %exp3A_2235 = math.exp %gather3A_2234 : vector<16xf32>
      %mul3A_2236 = arith.mulf %exp3A_2235, %get3A_1943 : vector<16xf32>
      %add3A_2237 = arith.addf %add3A_2231, %mul3A_2236 : vector<16xf32>
      %gather3A_2238 = arith.constant 4480 : i32
      %gather3A_2239 = tpu.memref_slice %arg4[%gather3A_2238] : memref<5120xf32, #tpu.memory_space<vmem>> -> memref<320xf32, #tpu.memory_space<vmem>>
      %gather3A_2240 = tpu.vector_load_idx %gather3A_2239[%add3A_83] : memref<320xf32, #tpu.memory_space<vmem>>[vector<16xi32>], vector<16xf32>,
      %exp3A_2241 = math.exp %gather3A_2240 : vector<16xf32>
      %mul3A_2242 = arith.mulf %exp3A_2241, %add3A_1717 : vector<16xf32>
      %gather3A_2243 = arith.constant 4480 : i32
      %gather3A_2244 = tpu.memref_slice %arg4[%gather3A_2243] : memref<5120xf32, #tpu.memory_space<vmem>> -> memref<320xf32, #tpu.memory_space<vmem>>
      %gather3A_2245 = tpu.vector_load_idx %gather3A_2244[%add3A_86] : memref<320xf32, #tpu.memory_space<vmem>>[vector<16xi32>], vector<16xf32>,
      %exp3A_2246 = math.exp %gather3A_2245 : vector<16xf32>
      %mul3A_2247 = arith.mulf %exp3A_2246, %get3A_1921 : vector<16xf32>
      %add3A_2248 = arith.addf %mul3A_2242, %mul3A_2247 : vector<16xf32>
      %gather3A_2249 = arith.constant 4480 : i32
      %gather3A_2250 = tpu.memref_slice %arg4[%gather3A_2249] : memref<5120xf32, #tpu.memory_space<vmem>> -> memref<320xf32, #tpu.memory_space<vmem>>
      %gather3A_2251 = tpu.vector_load_idx %gather3A_2250[%add3A_89] : memref<320xf32, #tpu.memory_space<vmem>>[vector<16xi32>], vector<16xf32>,
      %exp3A_2252 = math.exp %gather3A_2251 : vector<16xf32>
      %mul3A_2253 = arith.mulf %exp3A_2252, %get3A_1929 : vector<16xf32>
      %add3A_2254 = arith.addf %add3A_2248, %mul3A_2253 : vector<16xf32>
      %gather3A_2255 = arith.constant 4480 : i32
      %gather3A_2256 = tpu.memref_slice %arg4[%gather3A_2255] : memref<5120xf32, #tpu.memory_space<vmem>> -> memref<320xf32, #tpu.memory_space<vmem>>
      %gather3A_2257 = tpu.vector_load_idx %gather3A_2256[%add3A_92] : memref<320xf32, #tpu.memory_space<vmem>>[vector<16xi32>], vector<16xf32>,
      %exp3A_2258 = math.exp %gather3A_2257 : vector<16xf32>
      %mul3A_2259 = arith.mulf %exp3A_2258, %get3A_1937 : vector<16xf32>
      %add3A_2260 = arith.addf %add3A_2254, %mul3A_2259 : vector<16xf32>
      %gather3A_2261 = arith.constant 4480 : i32
      %gather3A_2262 = tpu.memref_slice %arg4[%gather3A_2261] : memref<5120xf32, #tpu.memory_space<vmem>> -> memref<320xf32, #tpu.memory_space<vmem>>
      %gather3A_2263 = tpu.vector_load_idx %gather3A_2262[%add3A_95] : memref<320xf32, #tpu.memory_space<vmem>>[vector<16xi32>], vector<16xf32>,
      %exp3A_2264 = math.exp %gather3A_2263 : vector<16xf32>
      %mul3A_2265 = arith.mulf %exp3A_2264, %get3A_1945 : vector<16xf32>
      %add3A_2266 = arith.addf %add3A_2260, %mul3A_2265 : vector<16xf32>
      %gather3A_2267 = arith.constant 4800 : i32
      %gather3A_2268 = tpu.memref_slice %arg4[%gather3A_2267] : memref<5120xf32, #tpu.memory_space<vmem>> -> memref<320xf32, #tpu.memory_space<vmem>>
      %gather3A_2269 = tpu.vector_load_idx %gather3A_2268[%add3A_83] : memref<320xf32, #tpu.memory_space<vmem>>[vector<16xi32>], vector<16xf32>,
      %exp3A_2270 = math.exp %gather3A_2269 : vector<16xf32>
      %mul3A_2271 = arith.mulf %exp3A_2270, %add3A_1746 : vector<16xf32>
      %gather3A_2272 = arith.constant 4800 : i32
      %gather3A_2273 = tpu.memref_slice %arg4[%gather3A_2272] : memref<5120xf32, #tpu.memory_space<vmem>> -> memref<320xf32, #tpu.memory_space<vmem>>
      %gather3A_2274 = tpu.vector_load_idx %gather3A_2273[%add3A_86] : memref<320xf32, #tpu.memory_space<vmem>>[vector<16xi32>], vector<16xf32>,
      %exp3A_2275 = math.exp %gather3A_2274 : vector<16xf32>
      %mul3A_2276 = arith.mulf %exp3A_2275, %get3A_1923 : vector<16xf32>
      %add3A_2277 = arith.addf %mul3A_2271, %mul3A_2276 : vector<16xf32>
      %gather3A_2278 = arith.constant 4800 : i32
      %gather3A_2279 = tpu.memref_slice %arg4[%gather3A_2278] : memref<5120xf32, #tpu.memory_space<vmem>> -> memref<320xf32, #tpu.memory_space<vmem>>
      %gather3A_2280 = tpu.vector_load_idx %gather3A_2279[%add3A_89] : memref<320xf32, #tpu.memory_space<vmem>>[vector<16xi32>], vector<16xf32>,
      %exp3A_2281 = math.exp %gather3A_2280 : vector<16xf32>
      %mul3A_2282 = arith.mulf %exp3A_2281, %get3A_1931 : vector<16xf32>
      %add3A_2283 = arith.addf %add3A_2277, %mul3A_2282 : vector<16xf32>
      %gather3A_2284 = arith.constant 4800 : i32
      %gather3A_2285 = tpu.memref_slice %arg4[%gather3A_2284] : memref<5120xf32, #tpu.memory_space<vmem>> -> memref<320xf32, #tpu.memory_space<vmem>>
      %gather3A_2286 = tpu.vector_load_idx %gather3A_2285[%add3A_92] : memref<320xf32, #tpu.memory_space<vmem>>[vector<16xi32>], vector<16xf32>,
      %exp3A_2287 = math.exp %gather3A_2286 : vector<16xf32>
      %mul3A_2288 = arith.mulf %exp3A_2287, %get3A_1939 : vector<16xf32>
      %add3A_2289 = arith.addf %add3A_2283, %mul3A_2288 : vector<16xf32>
      %gather3A_2290 = arith.constant 4800 : i32
      %gather3A_2291 = tpu.memref_slice %arg4[%gather3A_2290] : memref<5120xf32, #tpu.memory_space<vmem>> -> memref<320xf32, #tpu.memory_space<vmem>>
      %gather3A_2292 = tpu.vector_load_idx %gather3A_2291[%add3A_95] : memref<320xf32, #tpu.memory_space<vmem>>[vector<16xi32>], vector<16xf32>,
      %exp3A_2293 = math.exp %gather3A_2292 : vector<16xf32>
      %mul3A_2294 = arith.mulf %exp3A_2293, %get3A_1947 : vector<16xf32>
      %add3A_2295 = arith.addf %add3A_2289, %mul3A_2294 : vector<16xf32>
      %gather3A_2296 = arith.constant 3840 : i32
      %gather3A_2297 = tpu.memref_slice %arg4[%gather3A_2296] : memref<5120xf32, #tpu.memory_space<vmem>> -> memref<320xf32, #tpu.memory_space<vmem>>
      %gather3A_2298 = tpu.vector_load_idx %gather3A_2297[%add3A_98] : memref<320xf32, #tpu.memory_space<vmem>>[vector<16xi32>], vector<16xf32>,
      %exp3A_2299 = math.exp %gather3A_2298 : vector<16xf32>
      %mul3A_2300 = arith.mulf %exp3A_2299, %add3A_1775 : vector<16xf32>
      %gather3A_2301 = arith.constant 3840 : i32
      %gather3A_2302 = tpu.memref_slice %arg4[%gather3A_2301] : memref<5120xf32, #tpu.memory_space<vmem>> -> memref<320xf32, #tpu.memory_space<vmem>>
      %gather3A_2303 = tpu.vector_load_idx %gather3A_2302[%add3A_101] : memref<320xf32, #tpu.memory_space<vmem>>[vector<16xi32>], vector<16xf32>,
      %exp3A_2304 = math.exp %gather3A_2303 : vector<16xf32>
      %mul3A_2305 = arith.mulf %exp3A_2304, %get3A_1917 : vector<16xf32>
      %add3A_2306 = arith.addf %mul3A_2300, %mul3A_2305 : vector<16xf32>
      %gather3A_2307 = arith.constant 3840 : i32
      %gather3A_2308 = tpu.memref_slice %arg4[%gather3A_2307] : memref<5120xf32, #tpu.memory_space<vmem>> -> memref<320xf32, #tpu.memory_space<vmem>>
      %gather3A_2309 = tpu.vector_load_idx %gather3A_2308[%add3A_104] : memref<320xf32, #tpu.memory_space<vmem>>[vector<16xi32>], vector<16xf32>,
      %exp3A_2310 = math.exp %gather3A_2309 : vector<16xf32>
      %mul3A_2311 = arith.mulf %exp3A_2310, %get3A_1925 : vector<16xf32>
      %add3A_2312 = arith.addf %add3A_2306, %mul3A_2311 : vector<16xf32>
      %gather3A_2313 = arith.constant 3840 : i32
      %gather3A_2314 = tpu.memref_slice %arg4[%gather3A_2313] : memref<5120xf32, #tpu.memory_space<vmem>> -> memref<320xf32, #tpu.memory_space<vmem>>
      %gather3A_2315 = tpu.vector_load_idx %gather3A_2314[%add3A_107] : memref<320xf32, #tpu.memory_space<vmem>>[vector<16xi32>], vector<16xf32>,
      %exp3A_2316 = math.exp %gather3A_2315 : vector<16xf32>
      %mul3A_2317 = arith.mulf %exp3A_2316, %get3A_1933 : vector<16xf32>
      %add3A_2318 = arith.addf %add3A_2312, %mul3A_2317 : vector<16xf32>
      %gather3A_2319 = arith.constant 3840 : i32
      %gather3A_2320 = tpu.memref_slice %arg4[%gather3A_2319] : memref<5120xf32, #tpu.memory_space<vmem>> -> memref<320xf32, #tpu.memory_space<vmem>>
      %gather3A_2321 = tpu.vector_load_idx %gather3A_2320[%add3A_110] : memref<320xf32, #tpu.memory_space<vmem>>[vector<16xi32>], vector<16xf32>,
      %exp3A_2322 = math.exp %gather3A_2321 : vector<16xf32>
      %mul3A_2323 = arith.mulf %exp3A_2322, %get3A_1941 : vector<16xf32>
      %add3A_2324 = arith.addf %add3A_2318, %mul3A_2323 : vector<16xf32>
      %gather3A_2325 = arith.constant 4160 : i32
      %gather3A_2326 = tpu.memref_slice %arg4[%gather3A_2325] : memref<5120xf32, #tpu.memory_space<vmem>> -> memref<320xf32, #tpu.memory_space<vmem>>
      %gather3A_2327 = tpu.vector_load_idx %gather3A_2326[%add3A_98] : memref<320xf32, #tpu.memory_space<vmem>>[vector<16xi32>], vector<16xf32>,
      %exp3A_2328 = math.exp %gather3A_2327 : vector<16xf32>
      %mul3A_2329 = arith.mulf %exp3A_2328, %add3A_1804 : vector<16xf32>
      %gather3A_2330 = arith.constant 4160 : i32
      %gather3A_2331 = tpu.memref_slice %arg4[%gather3A_2330] : memref<5120xf32, #tpu.memory_space<vmem>> -> memref<320xf32, #tpu.memory_space<vmem>>
      %gather3A_2332 = tpu.vector_load_idx %gather3A_2331[%add3A_101] : memref<320xf32, #tpu.memory_space<vmem>>[vector<16xi32>], vector<16xf32>,
      %exp3A_2333 = math.exp %gather3A_2332 : vector<16xf32>
      %mul3A_2334 = arith.mulf %exp3A_2333, %get3A_1919 : vector<16xf32>
      %add3A_2335 = arith.addf %mul3A_2329, %mul3A_2334 : vector<16xf32>
      %gather3A_2336 = arith.constant 4160 : i32
      %gather3A_2337 = tpu.memref_slice %arg4[%gather3A_2336] : memref<5120xf32, #tpu.memory_space<vmem>> -> memref<320xf32, #tpu.memory_space<vmem>>
      %gather3A_2338 = tpu.vector_load_idx %gather3A_2337[%add3A_104] : memref<320xf32, #tpu.memory_space<vmem>>[vector<16xi32>], vector<16xf32>,
      %exp3A_2339 = math.exp %gather3A_2338 : vector<16xf32>
      %mul3A_2340 = arith.mulf %exp3A_2339, %get3A_1927 : vector<16xf32>
      %add3A_2341 = arith.addf %add3A_2335, %mul3A_2340 : vector<16xf32>
      %gather3A_2342 = arith.constant 4160 : i32
      %gather3A_2343 = tpu.memref_slice %arg4[%gather3A_2342] : memref<5120xf32, #tpu.memory_space<vmem>> -> memref<320xf32, #tpu.memory_space<vmem>>
      %gather3A_2344 = tpu.vector_load_idx %gather3A_2343[%add3A_107] : memref<320xf32, #tpu.memory_space<vmem>>[vector<16xi32>], vector<16xf32>,
      %exp3A_2345 = math.exp %gather3A_2344 : vector<16xf32>
      %mul3A_2346 = arith.mulf %exp3A_2345, %get3A_1935 : vector<16xf32>
      %add3A_2347 = arith.addf %add3A_2341, %mul3A_2346 : vector<16xf32>
      %gather3A_2348 = arith.constant 4160 : i32
      %gather3A_2349 = tpu.memref_slice %arg4[%gather3A_2348] : memref<5120xf32, #tpu.memory_space<vmem>> -> memref<320xf32, #tpu.memory_space<vmem>>
      %gather3A_2350 = tpu.vector_load_idx %gather3A_2349[%add3A_110] : memref<320xf32, #tpu.memory_space<vmem>>[vector<16xi32>], vector<16xf32>,
      %exp3A_2351 = math.exp %gather3A_2350 : vector<16xf32>
      %mul3A_2352 = arith.mulf %exp3A_2351, %get3A_1943 : vector<16xf32>
      %add3A_2353 = arith.addf %add3A_2347, %mul3A_2352 : vector<16xf32>
      %gather3A_2354 = arith.constant 4480 : i32
      %gather3A_2355 = tpu.memref_slice %arg4[%gather3A_2354] : memref<5120xf32, #tpu.memory_space<vmem>> -> memref<320xf32, #tpu.memory_space<vmem>>
      %gather3A_2356 = tpu.vector_load_idx %gather3A_2355[%add3A_98] : memref<320xf32, #tpu.memory_space<vmem>>[vector<16xi32>], vector<16xf32>,
      %exp3A_2357 = math.exp %gather3A_2356 : vector<16xf32>
      %mul3A_2358 = arith.mulf %exp3A_2357, %add3A_1833 : vector<16xf32>
      %gather3A_2359 = arith.constant 4480 : i32
      %gather3A_2360 = tpu.memref_slice %arg4[%gather3A_2359] : memref<5120xf32, #tpu.memory_space<vmem>> -> memref<320xf32, #tpu.memory_space<vmem>>
      %gather3A_2361 = tpu.vector_load_idx %gather3A_2360[%add3A_101] : memref<320xf32, #tpu.memory_space<vmem>>[vector<16xi32>], vector<16xf32>,
      %exp3A_2362 = math.exp %gather3A_2361 : vector<16xf32>
      %mul3A_2363 = arith.mulf %exp3A_2362, %get3A_1921 : vector<16xf32>
      %add3A_2364 = arith.addf %mul3A_2358, %mul3A_2363 : vector<16xf32>
      %gather3A_2365 = arith.constant 4480 : i32
      %gather3A_2366 = tpu.memref_slice %arg4[%gather3A_2365] : memref<5120xf32, #tpu.memory_space<vmem>> -> memref<320xf32, #tpu.memory_space<vmem>>
      %gather3A_2367 = tpu.vector_load_idx %gather3A_2366[%add3A_104] : memref<320xf32, #tpu.memory_space<vmem>>[vector<16xi32>], vector<16xf32>,
      %exp3A_2368 = math.exp %gather3A_2367 : vector<16xf32>
      %mul3A_2369 = arith.mulf %exp3A_2368, %get3A_1929 : vector<16xf32>
      %add3A_2370 = arith.addf %add3A_2364, %mul3A_2369 : vector<16xf32>
      %gather3A_2371 = arith.constant 4480 : i32
      %gather3A_2372 = tpu.memref_slice %arg4[%gather3A_2371] : memref<5120xf32, #tpu.memory_space<vmem>> -> memref<320xf32, #tpu.memory_space<vmem>>
      %gather3A_2373 = tpu.vector_load_idx %gather3A_2372[%add3A_107] : memref<320xf32, #tpu.memory_space<vmem>>[vector<16xi32>], vector<16xf32>,
      %exp3A_2374 = math.exp %gather3A_2373 : vector<16xf32>
      %mul3A_2375 = arith.mulf %exp3A_2374, %get3A_1937 : vector<16xf32>
      %add3A_2376 = arith.addf %add3A_2370, %mul3A_2375 : vector<16xf32>
      %gather3A_2377 = arith.constant 4480 : i32
      %gather3A_2378 = tpu.memref_slice %arg4[%gather3A_2377] : memref<5120xf32, #tpu.memory_space<vmem>> -> memref<320xf32, #tpu.memory_space<vmem>>
      %gather3A_2379 = tpu.vector_load_idx %gather3A_2378[%add3A_110] : memref<320xf32, #tpu.memory_space<vmem>>[vector<16xi32>], vector<16xf32>,
      %exp3A_2380 = math.exp %gather3A_2379 : vector<16xf32>
      %mul3A_2381 = arith.mulf %exp3A_2380, %get3A_1945 : vector<16xf32>
      %add3A_2382 = arith.addf %add3A_2376, %mul3A_2381 : vector<16xf32>
      %gather3A_2383 = arith.constant 4800 : i32
      %gather3A_2384 = tpu.memref_slice %arg4[%gather3A_2383] : memref<5120xf32, #tpu.memory_space<vmem>> -> memref<320xf32, #tpu.memory_space<vmem>>
      %gather3A_2385 = tpu.vector_load_idx %gather3A_2384[%add3A_98] : memref<320xf32, #tpu.memory_space<vmem>>[vector<16xi32>], vector<16xf32>,
      %exp3A_2386 = math.exp %gather3A_2385 : vector<16xf32>
      %mul3A_2387 = arith.mulf %exp3A_2386, %add3A_1862 : vector<16xf32>
      %gather3A_2388 = arith.constant 4800 : i32
      %gather3A_2389 = tpu.memref_slice %arg4[%gather3A_2388] : memref<5120xf32, #tpu.memory_space<vmem>> -> memref<320xf32, #tpu.memory_space<vmem>>
      %gather3A_2390 = tpu.vector_load_idx %gather3A_2389[%add3A_101] : memref<320xf32, #tpu.memory_space<vmem>>[vector<16xi32>], vector<16xf32>,
      %exp3A_2391 = math.exp %gather3A_2390 : vector<16xf32>
      %mul3A_2392 = arith.mulf %exp3A_2391, %get3A_1923 : vector<16xf32>
      %add3A_2393 = arith.addf %mul3A_2387, %mul3A_2392 : vector<16xf32>
      %gather3A_2394 = arith.constant 4800 : i32
      %gather3A_2395 = tpu.memref_slice %arg4[%gather3A_2394] : memref<5120xf32, #tpu.memory_space<vmem>> -> memref<320xf32, #tpu.memory_space<vmem>>
      %gather3A_2396 = tpu.vector_load_idx %gather3A_2395[%add3A_104] : memref<320xf32, #tpu.memory_space<vmem>>[vector<16xi32>], vector<16xf32>,
      %exp3A_2397 = math.exp %gather3A_2396 : vector<16xf32>
      %mul3A_2398 = arith.mulf %exp3A_2397, %get3A_1931 : vector<16xf32>
      %add3A_2399 = arith.addf %add3A_2393, %mul3A_2398 : vector<16xf32>
      %gather3A_2400 = arith.constant 4800 : i32
      %gather3A_2401 = tpu.memref_slice %arg4[%gather3A_2400] : memref<5120xf32, #tpu.memory_space<vmem>> -> memref<320xf32, #tpu.memory_space<vmem>>
      %gather3A_2402 = tpu.vector_load_idx %gather3A_2401[%add3A_107] : memref<320xf32, #tpu.memory_space<vmem>>[vector<16xi32>], vector<16xf32>,
      %exp3A_2403 = math.exp %gather3A_2402 : vector<16xf32>
      %mul3A_2404 = arith.mulf %exp3A_2403, %get3A_1939 : vector<16xf32>
      %add3A_2405 = arith.addf %add3A_2399, %mul3A_2404 : vector<16xf32>
      %gather3A_2406 = arith.constant 4800 : i32
      %gather3A_2407 = tpu.memref_slice %arg4[%gather3A_2406] : memref<5120xf32, #tpu.memory_space<vmem>> -> memref<320xf32, #tpu.memory_space<vmem>>
      %gather3A_2408 = tpu.vector_load_idx %gather3A_2407[%add3A_110] : memref<320xf32, #tpu.memory_space<vmem>>[vector<16xi32>], vector<16xf32>,
      %exp3A_2409 = math.exp %gather3A_2408 : vector<16xf32>
      %mul3A_2410 = arith.mulf %exp3A_2409, %get3A_1947 : vector<16xf32>
      %add3A_2411 = arith.addf %add3A_2405, %mul3A_2410 : vector<16xf32>
      %max3A = arith.maximumf %add3A_1976, %add3A_2005 : vector<16xf32>
      %max3A_2412 = arith.maximumf %max3A, %add3A_2034 : vector<16xf32>
      %max3A_2413 = arith.maximumf %max3A_2412, %add3A_2063 : vector<16xf32>
      %max3A_2414 = arith.maximumf %max3A_2413, %add3A_2092 : vector<16xf32>
      %max3A_2415 = arith.maximumf %max3A_2414, %add3A_2121 : vector<16xf32>
      %max3A_2416 = arith.maximumf %max3A_2415, %add3A_2150 : vector<16xf32>
      %max3A_2417 = arith.maximumf %max3A_2416, %add3A_2179 : vector<16xf32>
      %max3A_2418 = arith.maximumf %max3A_2417, %add3A_2208 : vector<16xf32>
      %max3A_2419 = arith.maximumf %max3A_2418, %add3A_2237 : vector<16xf32>
      %max3A_2420 = arith.maximumf %max3A_2419, %add3A_2266 : vector<16xf32>
      %max3A_2421 = arith.maximumf %max3A_2420, %add3A_2295 : vector<16xf32>
      %max3A_2422 = arith.maximumf %max3A_2421, %add3A_2324 : vector<16xf32>
      %max3A_2423 = arith.maximumf %max3A_2422, %add3A_2353 : vector<16xf32>
      %max3A_2424 = arith.maximumf %max3A_2423, %add3A_2382 : vector<16xf32>
      %max3A_2425 = arith.maximumf %max3A_2424, %add3A_2411 : vector<16xf32>
      %bitcast_convert_type3A_2426 = tpu.bitcast %max3A_2425 : vector<16xf32> -> vector<16xi32>
      %shift_right_logical3A_2427 = arith.constant 23 : i32
      %shift_right_logical3A_2428 = vector.broadcast %shift_right_logical3A_2427 : i32 to vector<16xi32>
      %shift_right_logical3A_2429 = arith.shrui %bitcast_convert_type3A_2426, %shift_right_logical3A_2428 : vector<16xi32>
      %reduce_max3A = arith.constant true
      %reduce_max3A_2430 = vector.broadcast %reduce_max3A : i1 to vector<16xi1>
      %reduce_max3A_2431 = arith.constant -2147483648 : i32
      %reduce_max3A_2432 = vector.broadcast %reduce_max3A_2431 : i32 to vector<16xi32>
      %reduce_max3A_2433 = arith.xori %shift_right_logical3A_2429, %reduce_max3A_2432 : vector<16xi32>
      %reduce_max3A_2434 = tpu.scan <max>, %reduce_max3A_2433 masked %reduce_max3A_2430 : vector<16xi32>, vector<16xi1> -> vector<16xi32>
      %reduce_max3A_2435 = arith.xori %reduce_max3A_2434, %reduce_max3A_2432 : vector<16xi32>
      %reduce_max3A_2436 = vector.extract %reduce_max3A_2435[15] : i32 from vector<16xi32>
      %sub3A_2437 = arith.constant 254 : i32
      %sub3A_2438 = arith.subi %sub3A_2437, %reduce_max3A_2436 : i32
      %shift_left3A = arith.constant 23 : i32
      %shift_left3A_2439 = arith.shli %sub3A_2438, %shift_left3A : i32
      %broadcast_in_dim3A_2440 = vector.broadcast %shift_left3A_2439 : i32 to vector<16xi32>
      %bitcast_convert_type3A_2441 = tpu.bitcast %broadcast_in_dim3A_2440 : vector<16xi32> -> vector<16xf32>
      %mul3A_2442 = arith.mulf %add3A_1976, %bitcast_convert_type3A_2441 : vector<16xf32>
      %mul3A_2443 = arith.mulf %add3A_2005, %bitcast_convert_type3A_2441 : vector<16xf32>
      %mul3A_2444 = arith.mulf %add3A_2034, %bitcast_convert_type3A_2441 : vector<16xf32>
      %mul3A_2445 = arith.mulf %add3A_2063, %bitcast_convert_type3A_2441 : vector<16xf32>
      %mul3A_2446 = arith.mulf %add3A_2092, %bitcast_convert_type3A_2441 : vector<16xf32>
      %mul3A_2447 = arith.mulf %add3A_2121, %bitcast_convert_type3A_2441 : vector<16xf32>
      %mul3A_2448 = arith.mulf %add3A_2150, %bitcast_convert_type3A_2441 : vector<16xf32>
      %mul3A_2449 = arith.mulf %add3A_2179, %bitcast_convert_type3A_2441 : vector<16xf32>
      %mul3A_2450 = arith.mulf %add3A_2208, %bitcast_convert_type3A_2441 : vector<16xf32>
      %mul3A_2451 = arith.mulf %add3A_2237, %bitcast_convert_type3A_2441 : vector<16xf32>
      %mul3A_2452 = arith.mulf %add3A_2266, %bitcast_convert_type3A_2441 : vector<16xf32>
      %mul3A_2453 = arith.mulf %add3A_2295, %bitcast_convert_type3A_2441 : vector<16xf32>
      %mul3A_2454 = arith.mulf %add3A_2324, %bitcast_convert_type3A_2441 : vector<16xf32>
      %mul3A_2455 = arith.mulf %add3A_2353, %bitcast_convert_type3A_2441 : vector<16xf32>
      %mul3A_2456 = arith.mulf %add3A_2382, %bitcast_convert_type3A_2441 : vector<16xf32>
      %mul3A_2457 = arith.mulf %add3A_2411, %bitcast_convert_type3A_2441 : vector<16xf32>
      %sub3A_2458 = arith.constant 127 : i32
      %sub3A_2459 = arith.subi %reduce_max3A_2436, %sub3A_2458 : i32
      %add3A_2460 = arith.addi %scan3A_244, %sub3A_2459 : i32
      %scatter3A_2461 = arith.constant 0 : i32
      %scatter3A_2462 = tpu.memref_slice %arg5[%scatter3A_2461] : memref<256xf32, #tpu.memory_space<vmem>> -> memref<64xf32, #tpu.memory_space<vmem>>
      tpu.vector_store_idx %scatter3A_2462[%add3A_113], %mul3A_2442 : memref<64xf32, #tpu.memory_space<vmem>>[vector<16xi32>], vector<16xf32>,
      %scatter3A_2463 = arith.constant 64 : i32
      %scatter3A_2464 = tpu.memref_slice %arg5[%scatter3A_2463] : memref<256xf32, #tpu.memory_space<vmem>> -> memref<64xf32, #tpu.memory_space<vmem>>
      tpu.vector_store_idx %scatter3A_2464[%add3A_113], %mul3A_2443 : memref<64xf32, #tpu.memory_space<vmem>>[vector<16xi32>], vector<16xf32>,
      %scatter3A_2465 = arith.constant 128 : i32
      %scatter3A_2466 = tpu.memref_slice %arg5[%scatter3A_2465] : memref<256xf32, #tpu.memory_space<vmem>> -> memref<64xf32, #tpu.memory_space<vmem>>
      tpu.vector_store_idx %scatter3A_2466[%add3A_113], %mul3A_2444 : memref<64xf32, #tpu.memory_space<vmem>>[vector<16xi32>], vector<16xf32>,
      %scatter3A_2467 = arith.constant 192 : i32
      %scatter3A_2468 = tpu.memref_slice %arg5[%scatter3A_2467] : memref<256xf32, #tpu.memory_space<vmem>> -> memref<64xf32, #tpu.memory_space<vmem>>
      tpu.vector_store_idx %scatter3A_2468[%add3A_113], %mul3A_2445 : memref<64xf32, #tpu.memory_space<vmem>>[vector<16xi32>], vector<16xf32>,
      %scatter3A_2469 = arith.constant 0 : i32
      %scatter3A_2470 = tpu.memref_slice %arg5[%scatter3A_2469] : memref<256xf32, #tpu.memory_space<vmem>> -> memref<64xf32, #tpu.memory_space<vmem>>
      tpu.vector_store_idx %scatter3A_2470[%add3A_116], %mul3A_2446 : memref<64xf32, #tpu.memory_space<vmem>>[vector<16xi32>], vector<16xf32>,
      %scatter3A_2471 = arith.constant 64 : i32
      %scatter3A_2472 = tpu.memref_slice %arg5[%scatter3A_2471] : memref<256xf32, #tpu.memory_space<vmem>> -> memref<64xf32, #tpu.memory_space<vmem>>
      tpu.vector_store_idx %scatter3A_2472[%add3A_116], %mul3A_2447 : memref<64xf32, #tpu.memory_space<vmem>>[vector<16xi32>], vector<16xf32>,
      %scatter3A_2473 = arith.constant 128 : i32
      %scatter3A_2474 = tpu.memref_slice %arg5[%scatter3A_2473] : memref<256xf32, #tpu.memory_space<vmem>> -> memref<64xf32, #tpu.memory_space<vmem>>
      tpu.vector_store_idx %scatter3A_2474[%add3A_116], %mul3A_2448 : memref<64xf32, #tpu.memory_space<vmem>>[vector<16xi32>], vector<16xf32>,
      %scatter3A_2475 = arith.constant 192 : i32
      %scatter3A_2476 = tpu.memref_slice %arg5[%scatter3A_2475] : memref<256xf32, #tpu.memory_space<vmem>> -> memref<64xf32, #tpu.memory_space<vmem>>
      tpu.vector_store_idx %scatter3A_2476[%add3A_116], %mul3A_2449 : memref<64xf32, #tpu.memory_space<vmem>>[vector<16xi32>], vector<16xf32>,
      %scatter3A_2477 = arith.constant 0 : i32
      %scatter3A_2478 = tpu.memref_slice %arg5[%scatter3A_2477] : memref<256xf32, #tpu.memory_space<vmem>> -> memref<64xf32, #tpu.memory_space<vmem>>
      tpu.vector_store_idx %scatter3A_2478[%add3A_119], %mul3A_2450 : memref<64xf32, #tpu.memory_space<vmem>>[vector<16xi32>], vector<16xf32>,
      %scatter3A_2479 = arith.constant 64 : i32
      %scatter3A_2480 = tpu.memref_slice %arg5[%scatter3A_2479] : memref<256xf32, #tpu.memory_space<vmem>> -> memref<64xf32, #tpu.memory_space<vmem>>
      tpu.vector_store_idx %scatter3A_2480[%add3A_119], %mul3A_2451 : memref<64xf32, #tpu.memory_space<vmem>>[vector<16xi32>], vector<16xf32>,
      %scatter3A_2481 = arith.constant 128 : i32
      %scatter3A_2482 = tpu.memref_slice %arg5[%scatter3A_2481] : memref<256xf32, #tpu.memory_space<vmem>> -> memref<64xf32, #tpu.memory_space<vmem>>
      tpu.vector_store_idx %scatter3A_2482[%add3A_119], %mul3A_2452 : memref<64xf32, #tpu.memory_space<vmem>>[vector<16xi32>], vector<16xf32>,
      %scatter3A_2483 = arith.constant 192 : i32
      %scatter3A_2484 = tpu.memref_slice %arg5[%scatter3A_2483] : memref<256xf32, #tpu.memory_space<vmem>> -> memref<64xf32, #tpu.memory_space<vmem>>
      tpu.vector_store_idx %scatter3A_2484[%add3A_119], %mul3A_2453 : memref<64xf32, #tpu.memory_space<vmem>>[vector<16xi32>], vector<16xf32>,
      %scatter3A_2485 = arith.constant 0 : i32
      %scatter3A_2486 = tpu.memref_slice %arg5[%scatter3A_2485] : memref<256xf32, #tpu.memory_space<vmem>> -> memref<64xf32, #tpu.memory_space<vmem>>
      tpu.vector_store_idx %scatter3A_2486[%add3A_122], %mul3A_2454 : memref<64xf32, #tpu.memory_space<vmem>>[vector<16xi32>], vector<16xf32>,
      %scatter3A_2487 = arith.constant 64 : i32
      %scatter3A_2488 = tpu.memref_slice %arg5[%scatter3A_2487] : memref<256xf32, #tpu.memory_space<vmem>> -> memref<64xf32, #tpu.memory_space<vmem>>
      tpu.vector_store_idx %scatter3A_2488[%add3A_122], %mul3A_2455 : memref<64xf32, #tpu.memory_space<vmem>>[vector<16xi32>], vector<16xf32>,
      %scatter3A_2489 = arith.constant 128 : i32
      %scatter3A_2490 = tpu.memref_slice %arg5[%scatter3A_2489] : memref<256xf32, #tpu.memory_space<vmem>> -> memref<64xf32, #tpu.memory_space<vmem>>
      tpu.vector_store_idx %scatter3A_2490[%add3A_122], %mul3A_2456 : memref<64xf32, #tpu.memory_space<vmem>>[vector<16xi32>], vector<16xf32>,
      %scatter3A_2491 = arith.constant 192 : i32
      %scatter3A_2492 = tpu.memref_slice %arg5[%scatter3A_2491] : memref<256xf32, #tpu.memory_space<vmem>> -> memref<64xf32, #tpu.memory_space<vmem>>
      tpu.vector_store_idx %scatter3A_2492[%add3A_122], %mul3A_2457 : memref<64xf32, #tpu.memory_space<vmem>>[vector<16xi32>], vector<16xf32>,
      %add3A_2493 = arith.constant 4 : i32
      %add3A_2494 = arith.addi %add3A_1905, %add3A_2493 : i32
      %lt3A_2495 = arith.constant 512 : i32
      %lt3A_2496 = arith.cmpi slt, %add3A_2494, %lt3A_2495 : i32
      %convert_element_type3A_2497 = arith.extui %lt3A_2496 : i1 to i32
      %cond3A_2498 = arith.constant 0 : i32
      %cond3A_2499 = arith.cmpi ne, %convert_element_type3A_2497, %cond3A_2498 : i32
      scf.if %cond3A_2499 {
        %add3A_2500 = arith.constant 4 : i32
        %add3A_2501 = arith.addi %add3A_1905, %add3A_2500 : i32
        %dma_start3A_2502 = arith.constant 3840 : i32
        %dma_start3A_2503 = tpu.memref_slice %arg4[%dma_start3A_2502] : memref<5120xf32, #tpu.memory_space<vmem>> -> memref<1280xf32, #tpu.memory_space<vmem>>
        %dma_start3A_2504 = arith.constant 0 : i32
        %dma_start3A_2505 = tpu.memref_slice %arg2[%add3A_2501, %add3A, %dma_start3A_2504] : memref<512x32x1280xf32, #tpu.memory_space<hbm>> -> memref<1x1x1280xf32, #tpu.memory_space<hbm>>
        %dma_start3A_2506 = tpu.memref_squeeze %dma_start3A_2505 : memref<1x1x1280xf32, #tpu.memory_space<hbm>> -> memref<1280xf32, #tpu.memory_space<hbm>>
        %dma_start3A_2507 = arith.constant 3840 : i32
        %dma_start3A_2508 = tpu.memref_slice %arg4[%dma_start3A_2507] : memref<5120xf32, #tpu.memory_space<vmem>> -> memref<1280xf32, #tpu.memory_space<vmem>>
        %dma_start3A_2509 = arith.constant 0 : i32
        %dma_start3A_2510 = tpu.memref_slice %arg2[%add3A_2501, %add3A, %dma_start3A_2509] : memref<512x32x1280xf32, #tpu.memory_space<hbm>> -> memref<1x1x1280xf32, #tpu.memory_space<hbm>>
        %dma_start3A_2511 = tpu.memref_squeeze %dma_start3A_2510 : memref<1x1x1280xf32, #tpu.memory_space<hbm>> -> memref<1280xf32, #tpu.memory_space<hbm>>
        tpu.enqueue_dma source(%dma_start3A_2511 : memref<1280xf32, #tpu.memory_space<hbm>>) target(%dma_start3A_2508 : memref<1280xf32, #tpu.memory_space<vmem>>) target_semaphore(%arg11 : memref<!tpu.dma_semaphore, #tpu.memory_space<semaphore_mem>>)
      } else {
      }
      scf.yield %add3A_2460, %mul3A_2442, %mul3A_2443, %mul3A_2444, %mul3A_2445, %mul3A_2446, %mul3A_2447, %mul3A_2448, %mul3A_2449, %mul3A_2450, %mul3A_2451, %mul3A_2452, %mul3A_2453, %mul3A_2454, %mul3A_2455, %mul3A_2456, %mul3A_2457 : i32, vector<16xf32>, vector<16xf32>, vector<16xf32>, vector<16xf32>, vector<16xf32>, vector<16xf32>, vector<16xf32>, vector<16xf32>, vector<16xf32>, vector<16xf32>, vector<16xf32>, vector<16xf32>, vector<16xf32>, vector<16xf32>, vector<16xf32>, vector<16xf32>
    }
    %scan3A_159 = arith.constant 128 : i32
    %add3A_160 = arith.addf %scan3A_158#1, %scan3A_158#2 : vector<16xf32>
    %add3A_161 = arith.addf %add3A_160, %scan3A_158#3 : vector<16xf32>
    %add3A_162 = arith.addf %add3A_161, %scan3A_158#4 : vector<16xf32>
    %add3A_163 = arith.addf %add3A_162, %scan3A_158#5 : vector<16xf32>
    %add3A_164 = arith.addf %add3A_163, %scan3A_158#6 : vector<16xf32>
    %add3A_165 = arith.addf %add3A_164, %scan3A_158#7 : vector<16xf32>
    %add3A_166 = arith.addf %add3A_165, %scan3A_158#8 : vector<16xf32>
    %add3A_167 = arith.addf %add3A_166, %scan3A_158#9 : vector<16xf32>
    %add3A_168 = arith.addf %add3A_167, %scan3A_158#10 : vector<16xf32>
    %add3A_169 = arith.addf %add3A_168, %scan3A_158#11 : vector<16xf32>
    %add3A_170 = arith.addf %add3A_169, %scan3A_158#12 : vector<16xf32>
    %add3A_171 = arith.addf %add3A_170, %scan3A_158#13 : vector<16xf32>
    %add3A_172 = arith.addf %add3A_171, %scan3A_158#14 : vector<16xf32>
    %add3A_173 = arith.addf %add3A_172, %scan3A_158#15 : vector<16xf32>
    %add3A_174 = arith.addf %add3A_173, %scan3A_158#16 : vector<16xf32>
    %reduce_sum3A = arith.constant true
    %reduce_sum3A_175 = vector.broadcast %reduce_sum3A : i1 to vector<16xi1>
    %reduce_sum3A_176 = tpu.scan <sum>, %add3A_174 masked %reduce_sum3A_175 : vector<16xf32>, vector<16xi1> -> vector<16xf32>
    %reduce_sum3A_177 = vector.extract %reduce_sum3A_176[15] : f32 from vector<16xf32>
    %broadcast_in_dim3A_178 = vector.broadcast %reduce_sum3A_177 : f32 to vector<16xf32>
    %bitcast_convert_type3A = tpu.bitcast %broadcast_in_dim3A_178 : vector<16xf32> -> vector<16xi32>
    %shift_right_logical3A = arith.constant 23 : i32
    %shift_right_logical3A_179 = vector.broadcast %shift_right_logical3A : i32 to vector<16xi32>
    %shift_right_logical3A_180 = arith.shrui %bitcast_convert_type3A, %shift_right_logical3A_179 : vector<16xi32>
    %sub3A = arith.constant 127 : i32
    %sub3A_181 = vector.broadcast %sub3A : i32 to vector<16xi32>
    %sub3A_182 = arith.subi %shift_right_logical3A_180, %sub3A_181 : vector<16xi32>
    %and3A = arith.constant 8388607 : i32
    %and3A_183 = vector.broadcast %and3A : i32 to vector<16xi32>
    %and3A_184 = arith.andi %bitcast_convert_type3A, %and3A_183 : vector<16xi32>
    %or3A = arith.constant 1065353216 : i32
    %or3A_185 = vector.broadcast %or3A : i32 to vector<16xi32>
    %or3A_186 = arith.ori %and3A_184, %or3A_185 : vector<16xi32>
    %bitcast_convert_type3A_187 = tpu.bitcast %or3A_186 : vector<16xi32> -> vector<16xf32>
    %gt3A = arith.constant 1.41421354 : f32
    %gt3A_188 = vector.broadcast %gt3A : f32 to vector<16xf32>
    %gt3A_189 = arith.cmpf ogt, %bitcast_convert_type3A_187, %gt3A_188 : vector<16xf32>
    %mul3A_190 = arith.constant 5.000000e-01 : f32
    %mul3A_191 = vector.broadcast %mul3A_190 : f32 to vector<16xf32>
    %mul3A_192 = arith.mulf %bitcast_convert_type3A_187, %mul3A_191 : vector<16xf32>
    %select_n3A = arith.select %gt3A_189, %mul3A_192, %bitcast_convert_type3A_187 : vector<16xi1>, vector<16xf32>
    %jit3A = arith.constant 1 : i32
    %jit3A_193 = arith.constant 0 : i32
    %broadcast_in_dim3A_194 = vector.broadcast %jit3A : i32 to vector<16xi32>
    %broadcast_in_dim3A_195 = vector.broadcast %jit3A_193 : i32 to vector<16xi32>
    %select_n3A_196 = arith.select %gt3A_189, %broadcast_in_dim3A_194, %broadcast_in_dim3A_195 : vector<16xi1>, vector<16xi32>
    %add3A_197 = arith.addi %sub3A_182, %select_n3A_196 : vector<16xi32>
    %sub3A_198 = arith.constant 1.000000e+00 : f32
    %sub3A_199 = vector.broadcast %sub3A_198 : f32 to vector<16xf32>
    %sub3A_200 = arith.subf %select_n3A, %sub3A_199 : vector<16xf32>
    %add3A_201 = arith.constant 1.000000e+00 : f32
    %add3A_202 = vector.broadcast %add3A_201 : f32 to vector<16xf32>
    %add3A_203 = arith.addf %select_n3A, %add3A_202 : vector<16xf32>
    %div3A = arith.divf %sub3A_200, %add3A_203 : vector<16xf32>
    %mul3A_204 = arith.mulf %div3A, %div3A : vector<16xf32>
    %mul3A_205 = arith.constant 0.222222224 : f32
    %mul3A_206 = vector.broadcast %mul3A_205 : f32 to vector<16xf32>
    %mul3A_207 = arith.mulf %mul3A_204, %mul3A_206 : vector<16xf32>
    %add3A_208 = arith.constant 0.285714298 : f32
    %add3A_209 = vector.broadcast %add3A_208 : f32 to vector<16xf32>
    %add3A_210 = arith.addf %add3A_209, %mul3A_207 : vector<16xf32>
    %mul3A_211 = arith.mulf %mul3A_204, %add3A_210 : vector<16xf32>
    %add3A_212 = arith.constant 4.000000e-01 : f32
    %add3A_213 = vector.broadcast %add3A_212 : f32 to vector<16xf32>
    %add3A_214 = arith.addf %add3A_213, %mul3A_211 : vector<16xf32>
    %mul3A_215 = arith.mulf %mul3A_204, %add3A_214 : vector<16xf32>
    %add3A_216 = arith.constant 0.666666686 : f32
    %add3A_217 = vector.broadcast %add3A_216 : f32 to vector<16xf32>
    %add3A_218 = arith.addf %add3A_217, %mul3A_215 : vector<16xf32>
    %mul3A_219 = arith.mulf %mul3A_204, %add3A_218 : vector<16xf32>
    %add3A_220 = arith.constant 2.000000e+00 : f32
    %add3A_221 = vector.broadcast %add3A_220 : f32 to vector<16xf32>
    %add3A_222 = arith.addf %add3A_221, %mul3A_219 : vector<16xf32>
    %mul3A_223 = arith.mulf %div3A, %add3A_222 : vector<16xf32>
    %broadcast_in_dim3A_224 = vector.broadcast %scan3A_158#0 : i32 to vector<16xi32>
    %add3A_225 = arith.addi %add3A_197, %broadcast_in_dim3A_224 : vector<16xi32>
    %convert_element_type3A = arith.sitofp %add3A_225 : vector<16xi32> to vector<16xf32>
    %mul3A_226 = arith.constant 0.693147182 : f32
    %mul3A_227 = vector.broadcast %mul3A_226 : f32 to vector<16xf32>
    %mul3A_228 = arith.mulf %convert_element_type3A, %mul3A_227 : vector<16xf32>
    %add3A_229 = arith.addf %mul3A_223, %mul3A_228 : vector<16xf32>
    %swap3A_230 = arith.constant 0 : index
    %swap3A_231 = tpu.vector_load %arg7[%swap3A_230] {strides = array<i32>} : memref<16xf32, #tpu.memory_space<vmem>>, vector<16xf32>,
    tpu.vector_store %arg7[%swap3A_230], %add3A_229 {strides = array<i32>} : memref<16xf32, #tpu.memory_space<vmem>>, vector<16xf32>,
    %dma_start3A_232 = arith.constant 0 : i32
    %dma_start3A_233 = tpu.memref_slice %arg3[%add3A, %dma_start3A_232] : memref<32x16xf32, #tpu.memory_space<hbm>> -> memref<1x16xf32, #tpu.memory_space<hbm>>
    %dma_start3A_234 = tpu.memref_squeeze %dma_start3A_233 : memref<1x16xf32, #tpu.memory_space<hbm>> -> memref<16xf32, #tpu.memory_space<hbm>>
    %dma_start3A_235 = arith.constant 0 : i32
    %dma_start3A_236 = tpu.memref_slice %arg3[%add3A, %dma_start3A_235] : memref<32x16xf32, #tpu.memory_space<hbm>> -> memref<1x16xf32, #tpu.memory_space<hbm>>
    %dma_start3A_237 = tpu.memref_squeeze %dma_start3A_236 : memref<1x16xf32, #tpu.memory_space<hbm>> -> memref<16xf32, #tpu.memory_space<hbm>>
    tpu.enqueue_dma source(%arg7 : memref<16xf32, #tpu.memory_space<vmem>>) target(%dma_start3A_237 : memref<16xf32, #tpu.memory_space<hbm>>) target_semaphore(%arg8 : memref<!tpu.dma_semaphore, #tpu.memory_space<semaphore_mem>>)
    %dma_wait3A = arith.constant 0 : i32
    %dma_wait3A_238 = tpu.memref_slice %arg3[%add3A, %dma_wait3A] : memref<32x16xf32, #tpu.memory_space<hbm>> -> memref<1x16xf32, #tpu.memory_space<hbm>>
    %dma_wait3A_239 = tpu.memref_squeeze %dma_wait3A_238 : memref<1x16xf32, #tpu.memory_space<hbm>> -> memref<16xf32, #tpu.memory_space<hbm>>
    %dma_wait3A_240 = arith.constant 0 : i32
    %dma_wait3A_241 = tpu.memref_slice %arg3[%add3A, %dma_wait3A_240] : memref<32x16xf32, #tpu.memory_space<hbm>> -> memref<1x16xf32, #tpu.memory_space<hbm>>
    %dma_wait3A_242 = tpu.memref_squeeze %dma_wait3A_241 : memref<1x16xf32, #tpu.memory_space<hbm>> -> memref<16xf32, #tpu.memory_space<hbm>>
    tpu.wait_dma2 semaphore(%arg8 : memref<!tpu.dma_semaphore, #tpu.memory_space<semaphore_mem>>) src(%arg7 : memref<16xf32, #tpu.memory_space<vmem>>) dst(%dma_wait3A_242 : memref<16xf32, #tpu.memory_space<hbm>>)
    return
  }
}

</mosaic_0001>

<sc_bundles>
// kernel: kernel.3.cloned.1.call-start
scs
__scs_entry_jumppad:
0x0: {  	(pc) =	sbr.rel $0x88, $3  }
0x1: {  	(tag) =	ssettag $0x0;
	lr =	simm.s32 $0x1  }
0x2: {  	[smem:$0x3FA0] =	sst lr;
	_ =	strace $0xD0000000  }
0x3: {  	_ = 	snop  }
0x4: {  	_ = 	snop  }
0x5: {  	_ = 	snop  }
0x6: {  	_ = 	snop  }
0x7: {  	_ = 	snop  }
__scs_overlays_trampoline_lowered:
0x8: {  	[smem:$0x3FAF] =	sst s0  }
0x9: {  	[smem:$0x3FB0] =	sst s1  }
0xa: {  	[smem:$0x3FB1] =	sst s2  }
0xb: {  	[smem:$0x3FB2] =	sst s3  }
0xc: {  	[smem:$0x3FB3] =	sst s4  }
0xd: {  	[smem:$0x3FB4] =	sst s5  }
0xe: {  	[smem:$0x3FB5] =	sst s6  }
0xf: {  	[smem:$0x3FB6] =	sst s7  }
0x10: {  	[smem:$0x3FB7] =	sst s8  }
0x11: {  	[smem:$0x3FB8] =	sst s9;
	s0 =	simm.s32 @!p0 $0x0  }
0x12: {  	s1 =	sld [smem:$0x3F9E];
	s0 =	simm.s32 @p0 $0x1  }
0x13: {  	[smem:$0x3FB9] =	sst s0;
	s0 =	simm.s32 @!p1 $0x0  }
0x14: {  	s2 =	sld [smem:$0x3F9D];
	s0 =	simm.s32 @p1 $0x1  }
0x15: {  	[smem:$0x3FBA] =	sst s0;
	s0 =	simm.s32 @!p2 $0x0  }
0x16: {  	s3 =	sld [smem:$0x3FDB];
	s0 =	simm.s32 @p2 $0x1  }
0x17: {  	s4 =	simm.s32 $0x1BF5;
	[smem:$0x3FBC] =	sst s0  }
0x18: {  	s0 =	sld [smem:$0x3F9F];
	_ =	swait.ge [sflag:s4], $0x0  }
0x19: {  	s7 =	sld [smem:$0x3FA0]  }
0x1a: {  	s8 =	sadd.s32 $0xFFFFE003, lr  }
0x1b: {  	s9 =	sadd.s32 $0xFFFFFEF7, lr;
	s5 =	simm.s32 $0xFFFFFFFF;
	p2 =	slt.u32 s8, $0xFFFFF086  }
0x1c: {  	p1 =	slt.u32 s9, $0xF7A;
	s5 =	simm.s32 @!p2 $0x0  }
0x1d: {  	s5 =	simm.s32 @p1 $0x1;
	p0 =	seq.s32 s7, s2  }
0x1e: {  	s7 =	smul.u32 @!p0 $0xF7A, s2;
	p2 =	seq.s32 @!p0 s5, $0x0  }
0x1f: {  	s9 =	smul.u32 $0xF7A, s1;
	s8 =	simm.s32 @!p0 $0x1BF5;
	p2 =	por !p2, p0  }
0x20: {  	[sflag:s8] =	ssyncset.s32 @!p0 $0xFFFFF086;
	s6 =	sadd.s32 @!p0 s3, s7;
	s7 =	simm.s32 @!p0 $0x108  }
0x21: {  	s3 =	sadd.s32 s3, s9;
	s6 =	sadd.s32 @!p0 $0x88, s6;
	s7 =	simm.s32 @p2 $0x1082  }
0x22: {  	[simem:s7], [sflag:s8] =	dma.local @!p0 [hbm:s6], $0xF7A  }
0x23: {  	s9 =	sor.u32 $0xD0000000, s2;
	s6 =	simm.s32 $0x108;
	_ =	swait.ge @!p0 [sflag:s8], $0x0  }
0x24: {  	s3 =	sadd.s32 $0x88, s3;
	s6 =	simm.s32 @!p1 $0x1082;
	[sflag:s4] =	ssyncset.s32 $0xFFFFF086  }
0x25: {  	[simem:s6], [sflag:s4] =	dma.local [hbm:s3], $0xF7A  }
0x26: {  	[smem:$0x3FA0] =	sst s1;
	(tag) =	ssettag s2;
	_ =	strace s9  }
0x27: {  	s1 =	sld [smem:$0x3FB0]  }
0x28: {  	s2 =	sld [smem:$0x3FB1]  }
0x29: {  	s4 =	sld [smem:$0x3FB3]  }
0x2a: {  	p0 =	seq.s32 s5, $0x0;
	s5 =	sld [smem:$0x3FB4]  }
0x2b: {  	s6 =	sld [smem:$0x3FB5]  }
0x2c: {  	s7 =	sld [smem:$0x3FB6]  }
0x2d: {  	s3 =	simm.s32 $0x108;
	s8 =	sld [smem:$0x3FB7]  }
0x2e: {  	s3 =	simm.s32 @!p0 $0x1082;
	s9 =	sld [smem:$0x3FB8]  }
0x2f: {  	lr =	sadd.s32 s0, s3;
	s0 =	sld [smem:$0x3FAF]  }
0x30: {  	s3 =	sld [smem:$0x3FB2]  }
0x31: {  	[smem:$0x3FBB] =	sst s10  }
0x32: {  	s10 =	sld [smem:$0x3FB9];
	_ =	sdelay $0x3  }
0x33: {  	p0 =	seq.s32 s10, $0x1;
	s10 =	sld [smem:$0x3FBB];
	_ =	sdelay $0x3  }
0x34: {  	[smem:$0x3FBB] =	sst s10  }
0x35: {  	s10 =	sld [smem:$0x3FBA];
	_ =	sdelay $0x3  }
0x36: {  	p1 =	seq.s32 s10, $0x1;
	s10 =	sld [smem:$0x3FBB];
	_ =	sdelay $0x3  }
0x37: {  	[smem:$0x3FBB] =	sst s10  }
0x38: {  	s10 =	sld [smem:$0x3FBC]  }
0x39: {  	_ = 	snop;
	(pc) =	sbr.ind lr, $3  }
0x3a: {  	_ = 	snop  }
0x3b: {  	_ = 	snop  }
0x3c: {  	p2 =	seq.s32 s10, $0x1;
	s10 =	sld [smem:$0x3FBB]  }
0x3d: {  	_ =	shalt  }
0x3e: {  	_ =	shalt  }
0x3f: {  	_ =	shalt  }
0x40: {  	_ =	shalt  }
0x41: {  	_ =	shalt  }
0x42: {  	_ =	shalt  }
0x43: {  	_ =	shalt  }
0x44: {  	_ =	shalt  }
0x45: {  	_ =	shalt  }
0x46: {  	_ =	shalt  }
0x47: {  	_ =	shalt  }
0x48: {  	_ =	shalt  }
0x49: {  	_ =	shalt  }
0x4a: {  	_ =	shalt  }
0x4b: {  	_ =	shalt  }
0x4c: {  	_ =	shalt  }
0x4d: {  	_ =	shalt  }
0x4e: {  	_ =	shalt  }
0x4f: {  	_ =	shalt  }
0x50: {  	_ =	shalt  }
0x51: {  	_ =	shalt  }
0x52: {  	_ =	shalt  }
0x53: {  	_ =	shalt  }
0x54: {  	_ =	shalt  }
0x55: {  	_ =	shalt  }
0x56: {  	_ =	shalt  }
0x57: {  	_ =	shalt  }
0x58: {  	_ =	shalt  }
0x59: {  	_ =	shalt  }
0x5a: {  	_ =	shalt  }
0x5b: {  	_ =	shalt  }
0x5c: {  	_ =	shalt  }
0x5d: {  	_ =	shalt  }
0x5e: {  	_ =	shalt  }
0x5f: {  	_ =	shalt  }
0x60: {  	_ =	shalt  }
0x61: {  	_ =	shalt  }
0x62: {  	_ =	shalt  }
0x63: {  	_ =	shalt  }
0x64: {  	_ =	shalt  }
0x65: {  	_ =	shalt  }
0x66: {  	_ =	shalt  }
0x67: {  	_ =	shalt  }
0x68: {  	_ =	shalt  }
0x69: {  	_ =	shalt  }
0x6a: {  	_ =	shalt  }
0x6b: {  	_ =	shalt  }
0x6c: {  	_ =	shalt  }
0x6d: {  	_ =	shalt  }
0x6e: {  	_ =	shalt  }
0x6f: {  	_ =	shalt  }
0x70: {  	_ =	shalt  }
0x71: {  	_ =	shalt  }
0x72: {  	_ =	shalt  }
0x73: {  	_ =	shalt  }
0x74: {  	_ =	shalt  }
0x75: {  	_ =	shalt  }
0x76: {  	_ =	shalt  }
0x77: {  	_ =	shalt  }
0x78: {  	_ =	shalt  }
0x79: {  	_ =	shalt  }
0x7a: {  	_ =	shalt  }
0x7b: {  	_ =	shalt  }
0x7c: {  	_ =	shalt  }
0x7d: {  	_ =	shalt  }
0x7e: {  	_ =	shalt  }
0x7f: {  	_ =	shalt  }
0x80: {  	_ =	shalt  }
0x81: {  	_ =	shalt  }
0x82: {  	_ =	shalt  }
0x83: {  	_ =	shalt  }
0x84: {  	_ =	shalt  }
0x85: {  	_ =	shalt  }
0x86: {  	_ =	shalt  }
0x87: {  	_ =	shalt  }
.Lfunc_end0:
.L_simem_size_0:
called_computation_lowered:
.L_overlay_start_0:
0x88: {  	s2 =	sld [smem:$0x3FD9]  }
0x89: {  	s3 =	sld [smem:$0x3FFE];
	_ =	sdelay $0x1  }
0x8a: {  	s1 =	srdreg.scid  }
0x8b: {  	s0 =	sand.u32 $0x1, s1  }
0x8c: {  	s17 =	sshll.u32 s0, $0xA;
	s2 =	sadd.s32 s3, s2  }
0x8d: {  	s2 =	sadd.s32 s2, s17  }
0x8e: {  	[smem:$0x3FC7] =	sst s2  }
0x8f: {  	_ = 	snop  }
0x90: {  	s2 =	sld [smem:$0x3FC9];
	(tm) =	ssettm $0x1  }
0x91: {  	s18 =	sld [smem:$0x3FFB];
	_ =	sdelay $0x3  }
0x92: {  	_ =	strace s18  }
0x93: {  	s3 =	sld [smem:$0x3FFC];
	_ =	sdelay $0x3  }
0x94: {  	_ =	strace s3  }
0x95: {  	s3 =	sld [smem:$0x3FFD];
	_ =	sdelay $0x3  }
0x96: {  	_ =	strace s3  }
0x97: {  	_ =	strace $0x8FFFFFFF  }
0x98: {  	s19 =	sld [smem:$0x3FDB];
	_ =	sdelay $0x1  }
0x99: {  	s4 =	simm.s32 $_scs_section_size  }
0x9a: {  	s5 =	simm.s32 $_size__tile_overlayer_lowered;
	s6 =	simm.s32 $_tile_overlayer_lowered  }
0x9b: {  	s22 =	simm.s32 $0x1BFF;
	s21 =	sshll.u32 s6, $0x1;
	s3 =	sadd.s32 s4, s19  }
0x9c: {  	s7 =	simm.s32 $0x0;
	s20 =	sshll.u32 s5, $0x1;
	s5 =	sadd.s32 s21, s3  }
0x9d: {  	[timem:s7], [sflag:s22] =	dma.local [hbm:s5], s20  }
0x9e: {  	_ =	swait.ge [sflag:s22], s20  }
0x9f: {  	s4 =	ssub.s32 $0x0, s20;
	[sflag:s22] =	ssyncset.done $0x0  }
0xa0: {  	[sflag:s22] =	ssyncadd.s32 s4;
	_ =	sdelay $0x1  }
0xa1: {  	s23 =	simm.s32 $0x1B8B  }
0xa2: {  	_ =	swait.ge [sflag:s23], $0x1  }
0xa3: {  	[sflag:s23] =	ssyncset.done $0x0  }
0xa4: {  	s25 =	simm.s32 $0x1B8E;
	s24 =	sld [smem:$0x3FFE];
	[sflag:s23] =	ssyncadd.s32 $0xFFFFFFFF  }
0xa5: {  	s26 =	simm.s32 $execute0_lowered;
	[smem:$0x3FD2] =	sst s25  }
0xa6: {  	s5 =	sshll.u32 s26, $0x1;
	_ =	strace $0x80000046;
	[dreg:$0x1] =	wrdreg $0xFFFFFFFF  }
0xa7: {  	s28 =	simm.s32 $_size_execute0_lowered;
	s3 =	sadd.s32 s3, s5;
	[dreg:$0x0] =	wrdreg $0x0  }
0xa8: {  	s5 =	sshll.u32 s28, $0x1;
	[dreg:$0x2] =	wrdreg s3  }
0xa9: {  	[dreg:$0x3] =	wrdreg s5  }
0xaa: {  	[dreg:$0x4] =	wrdreg $0xC0  }
0xab: {  	_ =	task [dreg:s7], $0x5FFFF  }
0xac: {  	[dreg:$0x1] =	wrdreg $0xFFFFFFFF  }
0xad: {  	[dreg:$0x0] =	wrdreg $0x60  }
0xae: {  	[dreg:$0x2] =	wrdreg s2  }
0xaf: {  	[dreg:$0x3] =	wrdreg s24  }
0xb0: {  	[dreg:$0x4] =	wrdreg $0x9  }
0xb1: {  	_ =	task.clear_ibuf [dreg:s7], $0x5FFFF;
	_ =	strace $0x90000046  }
0xb2: {  	s29 =	simm.s32 $0x9;
	_ =	strace $0x80000048  }
0xb3: {  	_ =	swait.ge [sflag:s29], $0x1  }
0xb4: {  	[sflag:s29] =	ssyncadd.s32 $0xFFFFFFFF  }
0xb5: {  	_ =	strace $0x90000048  }
0xb6: {  	_ =	sfence  }
0xb7: {  	s30 =	sld [smem:$0x0];
	_ =	sdelay $0x2  }
0xb8: {  	s31 =	sshll.u32 s1, $0xD;
	s1 =	sshrl.u32 s1, $0x2  }
0xb9: {  	s3 =	sand.u32 $0x4000, s31;
	s1 =	sadd.s32 s1, s30  }
0xba: {  	s0 =	sor.u32 s3, s0;
	s1 =	sshll.u32 s1, $0x11  }
0xbb: {  	s0 =	sor.u32 s1, s0  }
0xbc: {  	s0 =	sadd.s32 $0x8F2B, s0  }
0xbd: {  	[sflag:s0] =	ssyncadd.remote.s32 $0x1  }
0xbe: {  	_ =	sfence.sel $0xFFFF  }
0xbf: {  	[dreg:$0x0] =	wrdreg $0xFFFFFFFF;
	(pc) =	sbr.abs _section_cstart, $3  }
0xc0: {  	[dreg:$0x1] =	wrdreg $0xFFFFFFFF  }
0xc1: {  	_ =	task.clear_ibuf [dreg:s7], $0x2FFFF;
	_ =	strace $0x9FFFFFFF  }
0xc2: {  	(tm) =	ssettm $0x7FFFFFFF  }
0xc3: {  	_ =	shalt  }
tec
execute0_lowered:
.L_overlay_start_1:
0x0: {  	(tag) =	ssettag $0x1  }
0x1: {  	s0 =	srdreg.scid  }
0x2: {  	v0 =	vlaneseq.u32;
	s0 =	sand.u32 $0x1, s0  }
0x3: {  	s3 =	stileid.u32;
	s8 =	rddreg [dreg:$0x0];
	v1 =	vmul.u32 $0x14, v0;
	s1 =	sshll.u32 s0, $0x4  }
0x4: {  	s5 =	sshll.u32 s3, $0x7;
	s1 =	sor.u32 s3, s1;
	s3 =	simm.s32 $0x0  }
0x5: {  	v2 =	vor.u32 $0x1, v1;
	[smem:$0x7FF] =	sst s3  }
0x6: {  	s2 =	rddreg [dreg:$0x1];
	v45 =	vor.u32 $0x2, v1;
	_ =	strace $0x80000047;
	[tilespmem:$0x1FE80] =	vst v2  }
0x7: {  	s29 =	simm.s32 $0x640;
	s30 =	simm.s32 $0x780;
	v46 =	vor.u32 $0x3, v1;
	[tilespmem:$0x1FE90] =	vst v45  }
0x8: {  	s31 =	simm.s32 $0x8C0;
	s9 =	simm.s32 $0xDC0;
	s0 =	ssub.s32 $0x2, s0;
	v47 =	vadd.s32 $0x4, v1;
	[tilespmem:$0x1FEA0] =	vst v46  }
0x9: {  	s14 =	simm.s32 $0x1180;
	s6 =	sshrl.u32 s0, $0x1;
	v48 =	vadd.s32 $0x5, v1;
	s1 =	sshrl.u32 s1, $0x3;
	[tilespmem:$0x1FEB0] =	vst v47  }
0xa: {  	s11 =	simm.s32 $0x0;
	v49 =	vadd.s32 $0x6, v1;
	s0 =	ssub.s32 s0, s6;
	s4 =	smul.u32 $0x2800, s1;
	[tilespmem:$0x1FEC0] =	vst v48  }
0xb: {  	s5 =	sand.u32 $0x380, s5;
	v50 =	vadd.s32 $0x7, v1;
	s1 =	sshll.u32 s1, $0xA;
	s0 =	smax.u32 s0, $0x1;
	[tilespmem:$0x1FED0] =	vst v49  }
0xc: {  	v51 =	vadd.s32 $0x8, v1;
	[tilespmem:$0x1FEE0] =	vst v50;
	s1 =	sor.u32 s5, s1;
	[dreg:$0x8] =	wrdreg s0;
	s4 =	sor.u32 s5, s4  }
0xd: {  	v52 =	vadd.s32 $0x9, v1;
	[tilespmem:$0x1FEF0] =	vst v51;
	s1 =	sshrl.u32 s1, $0x3;
	s7 =	sadd.s32 $0xA000, s4;
	s15 =	sshrl.u32 s4, $0x3  }
0xe: {  	v53 =	vadd.s32 $0xA, v1;
	[tilespmem:$0x1FF00] =	vst v52;
	s17 =	sadd.s32 $0x14000, s4;
	s18 =	sadd.s32 $0x1E000, s4;
	s1 =	sadd.s32 s2, s1  }
0xf: {  	v54 =	vadd.s32 $0xB, v1;
	[tilespmem:$0x1FF10] =	vst v53;
	s22 =	sadd.s32 $0x46000, s4;
	s23 =	sadd.s32 $0x3C000, s4;
	s24 =	sadd.s32 $0x32000, s4  }
0x10: {  	v55 =	vadd.s32 $0xC, v1;
	[tilespmem:$0x1FF20] =	vst v54;
	s28 =	sor.u32 $0x28000, s4;
	s4 =	simm.s32 $0x1480;
	s2 =	simm.s32 $0x1040  }
0x11: {  	v56 =	vadd.s32 $0xD, v1;
	[tilespmem:$0x1FF30] =	vst v55;
	s7 =	sshrl.u32 s7, $0x3;
	s6 =	sadd.s32 s8, s15;
	s19 =	sshrl.u32 s17, $0x3  }
0x12: {  	v57 =	vadd.s32 $0xE, v1;
	[tilespmem:$0x1FF40] =	vst v56;
	s20 =	sshrl.u32 s18, $0x3;
	[dreg:$0x7] =	wrdreg s1;
	s0 =	sshrl.u32 s22, $0x3  }
0x13: {  	v58 =	vadd.s32 $0xF, v1;
	[tilespmem:$0x1FF50] =	vst v57;
	s1 =	sshrl.u32 s23, $0x3;
	s26 =	sshrl.u32 s24, $0x3;
	[dreg:$0xc] =	wrdreg s28  }
0x14: {  	v59 =	vadd.s32 $0x10, v1;
	[tilespmem:$0x1FF60] =	vst v58;
	s17 =	simm.s32 $0xA00;
	s18 =	simm.s32 $0xF00;
	s22 =	simm.s32 $0x3C0  }
0x15: {  	v60 =	vadd.s32 $0x11, v1;
	[tilespmem:$0x1FF70] =	vst v59;
	s23 =	simm.s32 $0x1500;
	[dreg:$0x3] =	wrdreg s6;
	s16 =	sadd.s32 s8, s7  }
0x16: {  	v0 =	vmul.u32 $0x4, v0;
	v61 =	vadd.s32 $0x12, v1;
	[tilespmem:$0x1FF80] =	vst v60;
	s24 =	simm.s32 $0x1540;
	s5 =	sadd.s32 s8, s19;
	[dreg:$0x4] =	wrdreg s16  }
0x17: {  	[tilespmem:$0x1FF90] =	vst v61;
	s15 =	simm.s32 $0x12C0;
	s21 =	sadd.s32 s8, s20;
	[dreg:$0x5] =	wrdreg s5  }
0x18: {  	v62 =	vor.u32 $0x1, v0;
	[tilespmem:$0x1FFA0] =	vst v1;
	s0 =	sadd.s32 s0, s8;
	s25 =	sadd.s32 s1, s8;
	[dreg:$0x6] =	wrdreg s21  }
.Ltmp0:
0x19: {  	v63 =	vor.u32 $0x2, v0;
	[tilespmem:$0x1FFC0] =	vst v62;
	s20 =	simm.s32 $0x140;
	[dreg:$0x9] =	wrdreg s0;
	(pc) =	sbr.rel .LBB2_1-.Ltmp0, $4  }
0x1a: {  	[tilespmem:$0x1FFD0] =	vst v63;
	s1 =	simm.s32 $0x1400;
	s7 =	simm.s32 $0xB40;
	[dreg:$0xa] =	wrdreg s25  }
0x1b: {  	v1 =	vadd.s32 $0x13, v1;
	[tilespmem:$0x1FFE0] =	vst v0;
	s0 =	sadd.s32 s26, s8;
	s16 =	simm.s32 $0x500;
	s21 =	simm.s32 $0x280  }
0x1c: {  	v0 =	vor.u32 $0x3, v0;
	[tilespmem:$0x1FFB0] =	vst v1;
	s25 =	simm.s32 $0x1580;
	s26 =	simm.s32 $0x15C0;
	s5 =	simm.s32 $0x14C0  }
0x1d: {  	[tilespmem:$0x1FFF0] =	vst v0;
	s8 =	simm.s32 $0xC80;
	[dreg:$0xb] =	wrdreg s0;
	s0 =	simm.s32 $0x1440  }
.LBB2_4:
0x1e: {  	v0 =	vadd.f32 v54, v56;
	_ =	sdelay $0x1  }
0x1f: {  	v0 =	vadd.f32 v52, v0;
	_ =	sdelay $0x1  }
0x20: {  	v0 =	vadd.f32 v46, v0;
	_ =	sdelay $0x1  }
0x21: {  	v0 =	vadd.f32 v45, v0;
	_ =	sdelay $0x1  }
0x22: {  	v0 =	vadd.f32 v35, v0;
	_ =	sdelay $0x1  }
0x23: {  	v0 =	vadd.f32 v34, v0;
	_ =	sdelay $0x1  }
0x24: {  	v0 =	vadd.f32 v31, v0;
	_ =	sdelay $0x1  }
0x25: {  	v0 =	vadd.f32 v30, v0;
	_ =	sdelay $0x1  }
0x26: {  	v0 =	vadd.f32 v12, v0;
	_ =	sdelay $0x1  }
0x27: {  	v0 =	vadd.f32 v6, v0;
	_ =	sdelay $0x1  }
0x28: {  	v0 =	vadd.f32 v5, v0;
	_ =	sdelay $0x1  }
0x29: {  	v0 =	vadd.f32 v4, v0;
	_ =	sdelay $0x1  }
0x2a: {  	v0 =	vadd.f32 v3, v0;
	_ =	sdelay $0x1  }
0x2b: {  	v0 =	vadd.f32 v2, v0;
	_ =	sdelay $0x1  }
0x2c: {  	v0 =	vadd.f32 v1, v0;
	_ =	sdelay $0x1  }
0x2d: {  	(xrf2) =	vadd.scan.msk.f32 $0xffff, v0;
	_ =	sdelay $0x9  }
0x2e: {  	v0, _, _ =	vpop (xrf2)  }
0x2f: {  	v0 =	vbroadcast v0, $0xF;
	_ =	sdelay $0x1  }
0x30: {  	v59 =	vand.u32 $0x7FFFFF, v0  }
0x31: {  	v1 =	vor.u32 $0x3F800000, v59  }
0x32: {  	v60 =	vmul.f32 $5.000000000e-01, v1  }
0x33: {  	vm0 =	vgt.f32 v1, $1.414213540e+00  }
0x34: {  	v1 =	vsel vm0, v60, v1  }
0x35: {  	v2 =	vadd.f32 $1.000000000e+00, v1;
	_ =	sdelay $0x1  }
0x36: {  	(erf) = vrcp.f32 v2;
	_ =	sdelay $0x7  }
0x37: {  	v1 =	vadd.f32 $-1.000000000e+00, v1  }
0x38: {  	v2 =	vpop (erf)  }
0x39: {  	v1 =	vmul.f32 v2, v1;
	_ =	sdelay $0x1  }
0x3a: {  	v2 =	vmul.f32 v1, v1;
	_ =	sdelay $0x1  }
0x3b: {  	v61 =	vmul.f32 $2.222222240e-01, v2;
	_ =	sdelay $0x1  }
0x3c: {  	v3 =	vadd.f32 $2.857142980e-01, v61;
	_ =	sdelay $0x1  }
0x3d: {  	v3 =	vmul.f32 v3, v2;
	_ =	sdelay $0x1  }
0x3e: {  	v3 =	vadd.f32 $4.000000060e-01, v3;
	_ =	sdelay $0x1  }
0x3f: {  	v62 =	vmov s10;
	v3 =	vmul.f32 v3, v2  }
0x40: {  	v4 =	vadd.s32 $0xFFFFFF81, v62  }
0x41: {  	v4 =	vbroadcast v4, $0x0;
	v3 =	vadd.f32 $6.666666860e-01, v3  }
0x42: {  	v63 =	vimm.s32 $0x0;
	v0 =	vshrl.u32 v0, $0x17  }
0x43: {  	v0 =	vadd.s32 v0, v4;
	v5 =	vsel vm0, $0x1, v63;
	v2 =	vmul.f32 v3, v2  }
0x44: {  	v0 =	vadd.s32 v5, v0  }
0x45: {  	v0 =	vcvt.s32.f32 v0;
	v2 =	vadd.f32 $2.000000000e+00, v2;
	_ =	sdelay $0x1  }
0x46: {  	v0 =	vmul.f32 $6.931471820e-01, v0;
	v1 =	vmul.f32 v2, v1;
	_ =	sdelay $0x1  }
0x47: {  	v0 =	vadd.f32 v1, v0;
	_ =	sdelay $0x1  }
0x48: {  	s6 =	rddreg [dreg:$0x7];
	s13 =	simm.s32 $0x1600;
	s19 =	simm.s32 $0x1;
	[tilespmem:$0x1600] =	vst v0  }
0x49: {  	[hbm4b:s6+s3] =	stream.linear.scatter [tilespmem:s13], [sflag:$0x1], $0x80, $0x38;
	[tilespmem:$0x1680] =	vst v63  }
0x4a: {  	_ =	swait.ge [sflag:s19], $0x80  }
0x4b: {  	s11 =	rddreg [dreg:$0xd]  }
0x4c: {  	s28 =	rddreg [dreg:$0x8];
	s11 =	sadd.s32 $0x1, s11  }
0x4d: {  	p0 =	sne.s32 s11, s28  }
.Ltmp1:
0x4e: {  	_ = 	snop;
	(pc) =	sbr.rel @!p0 .LBB2_5-.Ltmp1, $3  }
0x4f: {  	_ =	sdelay $0x1  }
0x50: {  	[sflag:s19] =	ssyncset.done $0x0  }
0x51: {  	[sflag:s19] =	ssyncadd.s32 $0xFFFFFF80  }
.LBB2_1:
0x52: {  	s6 =	rddreg [dreg:$0x3];
	s10 =	simm.s32 $0x80;
	s12 =	simm.s32 $0x400  }
0x53: {  	v0 =	vimm.f32 $1.000000000e+00;
	[tilespmem:s3], [sflag:$0x1] =	stream.strided.gather [hbm4b:s6+s10], $0x500, s12, s10, $0x38;
	[tilespmem:$0x1680] =	vst v63  }
0x54: {  	v58 =	vimm.f32 $1.000000000e+00;
	[tilespmem:$0x1FE10] =	vst v0  }
0x55: {  	v59 =	vimm.f32 $1.000000000e+00;
	[tilespmem:$0x1FE20] =	vst v58  }
0x56: {  	v60 =	vimm.f32 $1.000000000e+00;
	[tilespmem:$0x1FE30] =	vst v59  }
0x57: {  	v61 =	vimm.f32 $1.000000000e+00;
	[tilespmem:$0x1FE40] =	vst v60  }
0x58: {  	s13 =	rddreg [dreg:$0x4];
	[tilespmem:$0x1FE50] =	vst v61  }
0x59: {  	v62 =	vimm.f32 $1.000000000e+00;
	[tilespmem:s16], [sflag:$0x2] =	stream.strided.gather [hbm4b:s13+s10], $0x500, s12, s10, $0x38;
	[tilespmem:$0x1680] =	vst v63  }
0x5a: {  	s19 =	rddreg [dreg:$0x5];
	[tilespmem:$0x1FE60] =	vst v62  }
0x5b: {  	v63 =	vimm.f32 $1.000000000e+00;
	[tilespmem:s17], [sflag:$0x3] =	stream.strided.gather [hbm4b:s19+s10], $0x500, s12, s10, $0x38;
	[tilespmem:$0x1680] =	vst v63  }
0x5c: {  	s28 =	rddreg [dreg:$0x6];
	[tilespmem:$0x1FE70] =	vst v63  }
0x5d: {  	v1 =	vimm.f32 $1.000000000e+00;
	[tilespmem:s18], [sflag:$0x4] =	stream.strided.gather [hbm4b:s28+s10], $0x500, s12, s10, $0x38;
	[tilespmem:$0x1680] =	vst v63  }
0x5e: {  	[tilespmem:$0x1400] =	vst v1  }
0x5f: {  	[tilespmem:$0x1410] =	vst v1  }
0x60: {  	[tilespmem:$0x1420] =	vst v1  }
0x61: {  	[tilespmem:$0x1430] =	vst v1  }
0x62: {  	[tilespmem:$0x1440] =	vst v1  }
0x63: {  	[tilespmem:$0x1450] =	vst v1  }
0x64: {  	[tilespmem:$0x1460] =	vst v1  }
0x65: {  	[tilespmem:$0x1470] =	vst v1  }
0x66: {  	[tilespmem:$0x1480] =	vst v1  }
0x67: {  	[tilespmem:$0x1490] =	vst v1  }
0x68: {  	[tilespmem:$0x14A0] =	vst v1  }
0x69: {  	[tilespmem:$0x14B0] =	vst v1  }
0x6a: {  	[tilespmem:$0x14C0] =	vst v1  }
0x6b: {  	v30 =	vimm.f32 $1.000000000e+00;
	v31 =	vimm.f32 $1.000000000e+00;
	v34 =	vimm.f32 $1.000000000e+00;
	[tilespmem:$0x14D0] =	vst v1  }
0x6c: {  	[dreg:$0xd] =	wrdreg s11;
	v35 =	vimm.f32 $1.000000000e+00;
	v45 =	vimm.f32 $1.000000000e+00;
	v46 =	vimm.f32 $1.000000000e+00;
	[tilespmem:$0x14E0] =	vst v1  }
0x6d: {  	s11 =	rddreg [dreg:$0xc];
	v52 =	vimm.f32 $1.000000000e+00;
	v54 =	vimm.f32 $1.000000000e+00;
	v56 =	vimm.f32 $1.000000000e+00;
	s12 =	simm.s32 $0x0;
	s10 =	simm.s32 $0x0;
	[tilespmem:$0x14F0] =	vst v1  }
.LBB2_2:
0x6e: {  	s6 =	simm.s32 $0x1  }
0x6f: {  	_ =	swait.ge [sflag:s6], $0x500  }
0x70: {  	v11 =	vld [tilespmem:$0x1FFA0]  }
0x71: {  	v12 =	vld [tilespmem:$0x1FE80]  }
0x72: {  	v13 =	vld [tilespmem:$0x1FE90]  }
0x73: {  	v14 =	vld [tilespmem:$0x1FEA0]  }
0x74: {  	v15 =	vld [tilespmem:$0x1FEB0]  }
0x75: {  	v21 =	vld [tilespmem:$0x1FEC0]  }
0x76: {  	v22 =	vld [tilespmem:$0x1FED0]  }
0x77: {  	[sflag:s6] =	ssyncset.done $0x0;
	v23 =	vld [tilespmem:$0x1FEE0]  }
0x78: {  	v16 =	vld [tilespmem:$0x1FEF0];
	[sflag:s6] =	ssyncadd.s32 $0xFFFFFB00  }
0x79: {  	v0 =	vld.idx.msk [tilespmem:v11+s3+$0x0], $0xffff  }
0x7a: {  	v1 =	vld.idx.msk [tilespmem:v12+s3+$0x0], $0xffff  }
0x7b: {  	v2 =	vld.idx.msk [tilespmem:v13+s3+$0x0], $0xffff  }
0x7c: {  	v3 =	vld.idx.msk [tilespmem:v14+s3+$0x0], $0xffff  }
0x7d: {  	v4 =	vld.idx.msk [tilespmem:v15+s3+$0x0], $0xffff  }
0x7e: {  	v5 =	vld.idx.msk [tilespmem:v11+s20+$0x0], $0xffff;
	v0 =	vmul.f32 $1.442695020e+00, v0  }
0x7f: {  	v6 =	vld.idx.msk [tilespmem:v12+s20+$0x0], $0xffff;
	v1 =	vmul.f32 $1.442695020e+00, v1  }
0x80: {  	(erf) = vpow2.f32 v0;
	v0 =	vmul.f32 $1.442695020e+00, v2;
	v2 =	vld.idx.msk [tilespmem:v13+s20+$0x0], $0xffff  }
0x81: {  	(erf) = vpow2.f32 v1;
	v1 =	vmul.f32 $1.442695020e+00, v3;
	v3 =	vld.idx.msk [tilespmem:v14+s20+$0x0], $0xffff  }
0x82: {  	(erf) = vpow2.f32 v0;
	v0 =	vmul.f32 $1.442695020e+00, v4;
	v4 =	vld.idx.msk [tilespmem:v15+s20+$0x0], $0xffff  }
0x83: {  	v32 =	vld [tilespmem:$0x1FF00];
	(erf) = vpow2.f32 v1;
	v1 =	vmul.f32 $1.442695020e+00, v5  }
0x84: {  	v5 =	vld.idx.msk [tilespmem:v11+s21+$0x0], $0xffff;
	(erf) = vpow2.f32 v0;
	v0 =	vmul.f32 $1.442695020e+00, v6  }
0x85: {  	v6 =	vld.idx.msk [tilespmem:v12+s21+$0x0], $0xffff;
	(erf) = vpow2.f32 v1;
	v1 =	vmul.f32 $1.442695020e+00, v2  }
0x86: {  	v2 =	vld.idx.msk [tilespmem:v13+s21+$0x0], $0xffff;
	(erf) = vpow2.f32 v0;
	v0 =	vmul.f32 $1.442695020e+00, v3  }
0x87: {  	v3 =	vld.idx.msk [tilespmem:v14+s21+$0x0], $0xffff;
	(erf) = vpow2.f32 v1;
	v1 =	vmul.f32 $1.442695020e+00, v4  }
0x88: {  	v4 =	vld.idx.msk [tilespmem:v15+s21+$0x0], $0xffff  }
0x89: {  	v7 =	vld.idx.msk [tilespmem:v11+s22+$0x0], $0xffff;
	(erf) = vpow2.f32 v0;
	v5 =	vmul.f32 $1.442695020e+00, v5  }
0x8a: {  	v8 =	vld.idx.msk [tilespmem:v12+s22+$0x0], $0xffff;
	(erf) = vpow2.f32 v1;
	v6 =	vmul.f32 $1.442695020e+00, v6;
	v0 =	vpop (erf)  }
0x8b: {  	v9 =	vld.idx.msk [tilespmem:v13+s22+$0x0], $0xffff;
	v1 =	vpop (erf);
	(erf) = vpow2.f32 v5;
	v5 =	vmul.f32 $1.442695020e+00, v2  }
0x8c: {  	v2 =	vpop (erf);
	(erf) = vpow2.f32 v6;
	v6 =	vmul.f32 $1.442695020e+00, v3  }
0x8d: {  	v10 =	vld.idx.msk [tilespmem:v14+s22+$0x0], $0xffff;
	v3 =	vpop (erf);
	(erf) = vpow2.f32 v5;
	v5 =	vmul.f32 $1.442695020e+00, v4  }
0x8e: {  	v62 =	vld.idx.msk [tilespmem:v15+s22+$0x0], $0xffff;
	(erf) = vpow2.f32 v6;
	v6 =	vmul.f32 $1.442695020e+00, v7  }
0x8f: {  	v4 =	vpop (erf);
	v7 =	vld.idx.msk [tilespmem:v21+s3+$0x0], $0xffff;
	(erf) = vpow2.f32 v5;
	v5 =	vmul.f32 $1.442695020e+00, v8  }
0x90: {  	v12 =	vpop (erf);
	v8 =	vld.idx.msk [tilespmem:v22+s3+$0x0], $0xffff;
	(erf) = vpow2.f32 v6;
	v6 =	vmul.f32 $1.442695020e+00, v9  }
0x91: {  	v63 =	vld.idx.msk [tilespmem:v23+s3+$0x0], $0xffff;
	v57 =	vpop (erf)  }
0x92: {  	v10 =	vmul.f32 $1.442695020e+00, v10;
	v13 =	vld.idx.msk [tilespmem:v16+s3+$0x0], $0xffff;
	v58 =	vpop (erf);
	(erf) = vpow2.f32 v5  }
0x93: {  	v11 =	vmul.f32 $1.442695020e+00, v62;
	v14 =	vld.idx.msk [tilespmem:v32+s3+$0x0], $0xffff;
	(erf) = vpow2.f32 v6;
	v5 =	vpop (erf)  }
0x94: {  	v15 =	vld.idx.msk [tilespmem:v21+s20+$0x0], $0xffff;
	v19 =	vmul.f32 $1.442695020e+00, v7;
	v6 =	vpop (erf);
	(erf) = vpow2.f32 v10  }
0x95: {  	v8 =	vmul.f32 $1.442695020e+00, v8;
	v24 =	vpop (erf);
	(erf) = vpow2.f32 v11  }
0x96: {  	v25 =	vld.idx.msk [tilespmem:v23+s20+$0x0], $0xffff;
	v9 =	vmul.f32 $1.442695020e+00, v63;
	v7 =	vpop (erf);
	(erf) = vpow2.f32 v19  }
0x97: {  	v20 =	vld.idx.msk [tilespmem:v22+s20+$0x0], $0xffff;
	v59 =	vpop (erf);
	(erf) = vpow2.f32 v8;
	v8 =	vmul.f32 $1.442695020e+00, v13  }
0x98: {  	v26 =	vmul.f32 $1.442695020e+00, v14;
	v13 =	vpop (erf);
	(erf) = vpow2.f32 v9  }
0x99: {  	v43 =	vld.idx.msk [tilespmem:v16+s20+$0x0], $0xffff;
	v14 =	vpop (erf);
	(erf) = vpow2.f32 v8;
	v8 =	vmul.f32 $1.442695020e+00, v15  }
0x9a: {  	v15 =	vpop (erf);
	(erf) = vpow2.f32 v26  }
0x9b: {  	v11 =	vpop (erf);
	(erf) = vpow2.f32 v8;
	v8 =	vmul.f32 $1.442695020e+00, v25  }
0x9c: {  	v27 =	vmul.f32 $1.442695020e+00, v20  }
0x9d: {  	v10 =	vpop (erf)  }
0x9e: {  	v19 =	vmul.f32 $1.442695020e+00, v43;
	(erf) = vpow2.f32 v27;
	v9 =	vpop (erf)  }
0x9f: {  	v25 =	vmov v16;
	(erf) = vpow2.f32 v8;
	v8 =	vpop (erf)  }
0xa0: {  	v60 =	vpop (erf);
	(erf) = vpow2.f32 v19;
	v19 =	vld.idx.msk [tilespmem:v32+s20+$0x0], $0xffff  }
0xa1: {  	[tilespmem:$0x1FAA0] =	vst v1;
	v1 =	vmov v21;
	v21 =	vld.idx.msk [tilespmem:v21+s21+$0x0], $0xffff  }
0xa2: {  	v28 =	vld.idx.msk [tilespmem:v22+s21+$0x0], $0xffff  }
0xa3: {  	v29 =	vmov v23;
	v23 =	vld.idx.msk [tilespmem:v23+s21+$0x0], $0xffff  }
0xa4: {  	v33 =	vmov v25;
	v26 =	vld.idx.msk [tilespmem:v25+s21+$0x0], $0xffff  }
0xa5: {  	v25 =	vld.idx.msk [tilespmem:v32+s21+$0x0], $0xffff;
	v19 =	vmul.f32 $1.442695020e+00, v19  }
0xa6: {  	v21 =	vmul.f32 $1.442695020e+00, v21;
	v27 =	vld.idx.msk [tilespmem:v1+s22+$0x0], $0xffff  }
0xa7: {  	v1 =	vld.idx.msk [tilespmem:v22+s22+$0x0], $0xffff;
	v61 =	vpop (erf);
	(erf) = vpow2.f32 v19;
	v19 =	vmul.f32 $1.442695020e+00, v28  }
0xa8: {  	(erf) = vpow2.f32 v21;
	v21 =	vmul.f32 $1.442695020e+00, v23;
	v23 =	vld.idx.msk [tilespmem:v29+s22+$0x0], $0xffff  }
0xa9: {  	(erf) = vpow2.f32 v19;
	v19 =	vmul.f32 $1.442695020e+00, v26;
	v26 =	vld.idx.msk [tilespmem:v33+s22+$0x0], $0xffff  }
0xaa: {  	(erf) = vpow2.f32 v21;
	v21 =	vmul.f32 $1.442695020e+00, v25;
	v25 =	vld.idx.msk [tilespmem:v32+s22+$0x0], $0xffff  }
0xab: {  	v62 =	vpop (erf);
	v33 =	vld [tilespmem:$0x1FF10];
	(erf) = vpow2.f32 v19;
	v19 =	vmul.f32 $1.442695020e+00, v27  }
0xac: {  	v63 =	vpop (erf);
	(erf) = vpow2.f32 v21;
	v21 =	vmul.f32 $1.442695020e+00, v1  }
0xad: {  	v16 =	vpop (erf);
	(erf) = vpow2.f32 v19;
	v32 =	vmul.f32 $1.442695020e+00, v23  }
0xae: {  	v17 =	vpop (erf);
	(erf) = vpow2.f32 v21;
	v26 =	vmul.f32 $1.442695020e+00, v26  }
0xaf: {  	(erf) = vpow2.f32 v32;
	v32 =	vmul.f32 $1.442695020e+00, v25  }
0xb0: {  	v18 =	vpop (erf);
	v28 =	vld [tilespmem:$0x1FF40];
	(erf) = vpow2.f32 v26  }
0xb1: {  	v20 =	vpop (erf);
	(erf) = vpow2.f32 v32;
	v32 =	vld [tilespmem:$0x1FF20]  }
0xb2: {  	v29 =	vld [tilespmem:$0x1FF30]  }
0xb3: {  	v27 =	vld.idx.msk [tilespmem:v33+s3+$0x0], $0xffff  }
0xb4: {  	v36 =	vld [tilespmem:$0x1400]  }
0xb5: {  	v47 =	vld [tilespmem:$0x1410]  }
0xb6: {  	v37 =	vld [tilespmem:$0x1420]  }
0xb7: {  	v12 =	vmul.f32 v12, v54;
	v54 =	vmul.f32 v24, v52;
	v24 =	vld [tilespmem:$0x1FF50]  }
0xb8: {  	v48 =	vld [tilespmem:$0x1440];
	v23 =	vmul.f32 $1.442695020e+00, v27  }
0xb9: {  	v19 =	vpop (erf);
	v25 =	vld.idx.msk [tilespmem:v32+s3+$0x0], $0xffff  }
0xba: {  	v21 =	vpop (erf);
	v26 =	vld.idx.msk [tilespmem:v29+s3+$0x0], $0xffff  }
0xbb: {  	v22 =	vpop (erf);
	v27 =	vmul.f32 v0, v56;
	v0 =	vld.idx.msk [tilespmem:v28+s3+$0x0], $0xffff  }
0xbc: {  	v50 =	vld [tilespmem:$0x1480];
	(erf) = vpow2.f32 v23;
	v23 =	vpop (erf)  }
0xbd: {  	v55 =	vld [tilespmem:$0x14C0];
	v56 =	vpop (erf)  }
0xbe: {  	v38 =	vld [tilespmem:$0x1430];
	v15 =	vmul.f32 v15, v46;
	v1 =	vpop (erf);
	v25 =	vmul.f32 $1.442695020e+00, v25  }
0xbf: {  	v52 =	vld.idx.msk [tilespmem:v24+s3+$0x0], $0xffff;
	v22 =	vmul.f32 v22, v34;
	v34 =	vmul.f32 $1.442695020e+00, v26;
	v46 =	vpop (erf)  }
0xc0: {  	v53 =	vld [tilespmem:$0x1490];
	v17 =	vmul.f32 v17, v35;
	v0 =	vmul.f32 $1.442695020e+00, v0;
	v35 =	vpop (erf)  }
0xc1: {  	v49 =	vld [tilespmem:$0x1450];
	v2 =	vmul.f32 v2, v48;
	v3 =	vmul.f32 v3, v50;
	v26 =	vpop (erf)  }
0xc2: {  	v51 =	vld [tilespmem:$0x14D0];
	v4 =	vmul.f32 v4, v55;
	(erf) = vpow2.f32 v25;
	v25 =	vpop (erf)  }
0xc3: {  	v45 =	vmul.f32 v60, v45;
	v60 =	vld.idx.msk [tilespmem:v33+s20+$0x0], $0xffff;
	(erf) = vpow2.f32 v34;
	v34 =	vpop (erf)  }
0xc4: {  	v40 =	vld [tilespmem:$0x1460];
	[tilespmem:$0x1FAB0] =	vst v22;
	v22 =	vmul.f32 $1.442695020e+00, v52;
	(erf) = vpow2.f32 v0;
	v0 =	vpop (erf)  }
0xc5: {  	v42 =	vld [tilespmem:$0x14A0];
	v5 =	vmul.f32 v5, v53;
	v52 =	vmul.f32 v35, v31;
	v35 =	vpop (erf)  }
0xc6: {  	(erf) = vpow2.f32 v22;
	v22 =	vmul.f32 v35, v30;
	v30 =	vld [tilespmem:$0x1FAA0]  }
0xc7: {  	v41 =	vld [tilespmem:$0x14B0];
	v6 =	vmul.f32 v6, v51;
	v7 =	vmul.f32 v7, v37  }
0xc8: {  	v44 =	vld [tilespmem:$0x14E0];
	v60 =	vmul.f32 $1.442695020e+00, v60;
	v31 =	vmul.f32 v57, v47  }
0xc9: {  	v35 =	vmul.f32 v58, v49;
	v58 =	vmul.f32 v61, v36;
	v61 =	vld.idx.msk [tilespmem:v32+s20+$0x0], $0xffff  }
0xca: {  	v57 =	vmul.f32 v59, v40;
	v59 =	vmul.f32 v62, v48;
	v62 =	vld.idx.msk [tilespmem:v29+s20+$0x0], $0xffff  }
0xcb: {  	v39 =	vld [tilespmem:$0x1470];
	v13 =	vmul.f32 v13, v42;
	v30 =	vmul.f32 v30, v36  }
0xcc: {  	v12 =	vadd.f32 v31, v12;
	(erf) = vpow2.f32 v60;
	v60 =	vmul.f32 v63, v50;
	v63 =	vld.idx.msk [tilespmem:v28+s20+$0x0], $0xffff  }
0xcd: {  	v43 =	vld [tilespmem:$0x14F0];
	v14 =	vmul.f32 v14, v44;
	v11 =	vmul.f32 v11, v38;
	v27 =	vadd.f32 v30, v27  }
0xce: {  	v12 =	vadd.f32 v35, v12;
	v31 =	vmul.f32 $1.442695020e+00, v61;
	v30 =	vmul.f32 v46, v44;
	v46 =	vld.idx.msk [tilespmem:v24+s20+$0x0], $0xffff  }
0xcf: {  	v35 =	vld.idx.msk [tilespmem:v33+s21+$0x0], $0xffff;
	v2 =	vadd.f32 v2, v27;
	v27 =	vmul.f32 v34, v41;
	v34 =	vmul.f32 $1.442695020e+00, v62  }
0xd0: {  	v10 =	vmul.f32 v10, v39;
	v9 =	vmul.f32 v9, v41;
	v5 =	vadd.f32 v5, v12;
	v62 =	vld.idx.msk [tilespmem:v32+s21+$0x0], $0xffff  }
0xd1: {  	v61 =	vmul.f32 $1.442695020e+00, v63;
	v63 =	vld.idx.msk [tilespmem:v29+s21+$0x0], $0xffff;
	(erf) = vpow2.f32 v31;
	v2 =	vadd.f32 v3, v2  }
0xd2: {  	v8 =	vmul.f32 v8, v43;
	v31 =	vadd.f32 v6, v5;
	v6 =	vld.idx.msk [tilespmem:v24+s21+$0x0], $0xffff;
	v3 =	vpop (erf);
	(erf) = vpow2.f32 v34  }
0xd3: {  	(erf) = vpow2.f32 v61;
	v34 =	vpop (erf);
	v2 =	vadd.f32 v4, v2;
	v4 =	vmul.f32 $1.442695020e+00, v46;
	v46 =	vld.idx.msk [tilespmem:v28+s21+$0x0], $0xffff  }
0xd4: {  	v5 =	vmul.f32 v34, v48;
	v34 =	vmul.f32 $1.442695020e+00, v35;
	v35 =	vld.idx.msk [tilespmem:v33+s22+$0x0], $0xffff  }
0xd5: {  	v11 =	vadd.f32 v11, v15;
	v61 =	vld.idx.msk [tilespmem:v32+s22+$0x0], $0xffff;
	v15 =	vmul.f32 $1.442695020e+00, v62;
	(erf) = vpow2.f32 v4  }
0xd6: {  	v7 =	vadd.f32 v7, v54;
	v62 =	vmul.f32 $1.442695020e+00, v63;
	v63 =	vld.idx.msk [tilespmem:v29+s22+$0x0], $0xffff;
	(erf) = vpow2.f32 v34  }
0xd7: {  	v16 =	vmul.f32 v16, v55;
	[tilespmem:$0x1FAC0] =	vst v2;
	v2 =	vpop (erf);
	(erf) = vpow2.f32 v15;
	v15 =	vld.idx.msk [tilespmem:v28+s22+$0x0], $0xffff  }
0xd8: {  	v18 =	vmul.f32 v18, v47;
	v20 =	vmul.f32 v20, v49;
	v7 =	vadd.f32 v57, v7;
	v28 =	vld [tilespmem:$0x1FF60]  }
0xd9: {  	v32 =	vmul.f32 $1.442695020e+00, v46;
	v46 =	vmul.f32 $1.442695020e+00, v35;
	v35 =	vld [tilespmem:$0x1FF70]  }
0xda: {  	v19 =	vmul.f32 v19, v53;
	v21 =	vmul.f32 v21, v51;
	v7 =	vadd.f32 v13, v7;
	v13 =	vld.idx.msk [tilespmem:v24+s22+$0x0], $0xffff  }
0xdb: {  	v23 =	vmul.f32 v23, v37;
	v57 =	vmul.f32 $1.442695020e+00, v63;
	v63 =	vld [tilespmem:$0x1FF80]  }
0xdc: {  	v10 =	vadd.f32 v10, v11;
	v56 =	vmul.f32 v56, v40;
	(erf) = vpow2.f32 v62;
	v62 =	vld [tilespmem:$0x1FF90]  }
0xdd: {  	v1 =	vmul.f32 v1, v42;
	v6 =	vmul.f32 $1.442695020e+00, v6  }
0xde: {  	v9 =	vadd.f32 v9, v10;
	v26 =	vmul.f32 v26, v38;
	v12 =	vld [tilespmem:$0x1FE60];
	v4 =	vpop (erf);
	(erf) = vpow2.f32 v32  }
0xdf: {  	v34 =	vadd.f32 v14, v7;
	v7 =	vpop (erf);
	(erf) = vpow2.f32 v6;
	v6 =	vmul.f32 $1.442695020e+00, v61;
	v61 =	vld [tilespmem:$0x1FFB0]  }
0xe0: {  	v17 =	vadd.f32 v18, v17;
	v25 =	vmul.f32 v25, v39;
	v0 =	vmul.f32 v0, v43;
	v11 =	vld.idx.msk [tilespmem:v28+s3+$0x0], $0xffff  }
0xe1: {  	v24 =	vmul.f32 $1.442695020e+00, v13;
	v3 =	vmul.f32 v3, v36;
	v32 =	vadd.f32 v8, v9;
	v8 =	vpop (erf);
	v14 =	vld.idx.msk [tilespmem:v35+s3+$0x0], $0xffff  }
0xe2: {  	v45 =	vadd.f32 v58, v45;
	v2 =	vmul.f32 v2, v50;
	v54 =	vpop (erf);
	(erf) = vpow2.f32 v46  }
0xe3: {  	v17 =	vadd.f32 v20, v17;
	v18 =	vpop (erf);
	(erf) = vpow2.f32 v6;
	v6 =	vmul.f32 $1.442695020e+00, v15;
	v10 =	vld.idx.msk [tilespmem:v63+s3+$0x0], $0xffff  }
0xe4: {  	v45 =	vadd.f32 v59, v45;
	v7 =	vmul.f32 v7, v12;
	(erf) = vpow2.f32 v57;
	v57 =	vpop (erf);
	v15 =	vld.idx.msk [tilespmem:v62+s3+$0x0], $0xffff  }
0xe5: {  	v3 =	vadd.f32 v3, v22;
	(erf) = vpow2.f32 v6;
	v20 =	vpop (erf);
	v6 =	vmul.f32 $1.442695020e+00, v11;
	v11 =	vld.idx.msk [tilespmem:v28+s20+$0x0], $0xffff  }
0xe6: {  	v8 =	vmul.f32 v8, v47;
	v58 =	vpop (erf);
	v46 =	vmul.f32 $1.442695020e+00, v14;
	v14 =	vadd.f32 v60, v45;
	v45 =	vld [tilespmem:$0x1FAB0]  }
0xe7: {  	(erf) = vpow2.f32 v24;
	v9 =	vmul.f32 v58, v37;
	v13 =	vld.idx.msk [tilespmem:v61+s3+$0x0], $0xffff;
	v60 =	vadd.f32 v19, v17  }
0xe8: {  	(erf) = vpow2.f32 v6;
	v6 =	vmul.f32 $1.442695020e+00, v10  }
0xe9: {  	v3 =	vadd.f32 v5, v3;
	v12 =	vld [tilespmem:$0x1FE50];
	v24 =	vmul.f32 $1.442695020e+00, v15;
	v17 =	vpop (erf);
	(erf) = vpow2.f32 v46  }
0xea: {  	v46 =	vadd.f32 v16, v14;
	v59 =	vadd.f32 v21, v60;
	v14 =	vpop (erf);
	(erf) = vpow2.f32 v6  }
0xeb: {  	v58 =	vld.idx.msk [tilespmem:v61+s20+$0x0], $0xffff;
	v60 =	vpop (erf);
	(erf) = vpow2.f32 v24;
	v24 =	vmul.f32 $1.442695020e+00, v11;
	v11 =	vadd.f32 v23, v45  }
0xec: {  	v4 =	vmul.f32 v4, v55;
	v2 =	vadd.f32 v2, v3;
	v29 =	vld.idx.msk [tilespmem:v28+s21+$0x0], $0xffff;
	v6 =	vmul.f32 $1.442695020e+00, v13  }
0xed: {  	v7 =	vadd.f32 v8, v7;
	v19 =	vmul.f32 v57, v51;
	v57 =	vld.idx.msk [tilespmem:v62+s20+$0x0], $0xffff;
	v56 =	vadd.f32 v56, v11  }
0xee: {  	v20 =	vmul.f32 v20, v12;
	v23 =	vld.idx.msk [tilespmem:v35+s20+$0x0], $0xffff;
	v13 =	vpop (erf);
	(erf) = vpow2.f32 v6;
	v6 =	vadd.f32 v26, v52  }
0xef: {  	v8 =	vld [tilespmem:$0x1FE30];
	v17 =	vmul.f32 v17, v40;
	v16 =	vmul.f32 v18, v53;
	v1 =	vadd.f32 v1, v56  }
0xf0: {  	v3 =	vmul.f32 $1.442695020e+00, v58;
	v14 =	vmul.f32 v14, v42;
	v15 =	vpop (erf);
	v6 =	vadd.f32 v25, v6;
	v56 =	vld.idx.msk [tilespmem:v63+s20+$0x0], $0xffff  }
0xf1: {  	v10 =	vmul.f32 v60, v44;
	(erf) = vpow2.f32 v24;
	v18 =	vpop (erf);
	v52 =	vadd.f32 v30, v1;
	v1 =	vld [tilespmem:$0x1FE40]  }
0xf2: {  	v11 =	vmul.f32 v54, v49;
	v54 =	vmul.f32 $1.442695020e+00, v57;
	v21 =	vpop (erf);
	v6 =	vadd.f32 v27, v6  }
0xf3: {  	v12 =	vmov v28;
	v28 =	vld.idx.msk [tilespmem:v35+s21+$0x0], $0xffff;
	v57 =	vmul.f32 $1.442695020e+00, v29;
	v24 =	vpop (erf);
	v23 =	vmul.f32 $1.442695020e+00, v23  }
0xf4: {  	v26 =	vld.idx.msk [tilespmem:v63+s21+$0x0], $0xffff;
	v60 =	vpop (erf);
	v22 =	vmul.f32 v24, v43;
	v45 =	vadd.f32 v0, v6;
	v0 =	vmul.f32 v18, v39  }
0xf5: {  	v8 =	vmul.f32 v60, v8;
	v60 =	vmul.f32 $1.442695020e+00, v56  }
0xf6: {  	v30 =	vld.idx.msk [tilespmem:v62+s21+$0x0], $0xffff;
	(erf) = vpow2.f32 v23;
	v1 =	vmul.f32 v13, v1  }
0xf7: {  	v7 =	vadd.f32 v11, v7;
	v56 =	vld.idx.msk [tilespmem:v61+s21+$0x0], $0xffff;
	v13 =	vmul.f32 v15, v38;
	(erf) = vpow2.f32 v60  }
0xf8: {  	v58 =	vld.idx.msk [tilespmem:v12+s22+$0x0], $0xffff;
	v60 =	vadd.f32 v4, v2;
	v2 =	vmul.f32 $1.442695020e+00, v28;
	(erf) = vpow2.f32 v54  }
0xf9: {  	v7 =	vadd.f32 v16, v7;
	v15 =	vpop (erf);
	v4 =	vmul.f32 $1.442695020e+00, v26;
	(erf) = vpow2.f32 v3  }
0xfa: {  	v15 =	vmul.f32 v15, v36;
	v3 =	vld.idx.msk [tilespmem:v35+s22+$0x0], $0xffff;
	(erf) = vpow2.f32 v57  }
0xfb: {  	v19 =	vadd.f32 v19, v7;
	v36 =	vld [tilespmem:$0x1FE20];
	(erf) = vpow2.f32 v2;
	v2 =	vmul.f32 $1.442695020e+00, v30  }
0xfc: {  	v63 =	vld.idx.msk [tilespmem:v63+s22+$0x0], $0xffff;
	v18 =	vpop (erf);
	v1 =	vadd.f32 v13, v1;
	(erf) = vpow2.f32 v4;
	v4 =	vmul.f32 $1.442695020e+00, v56  }
0xfd: {  	v12 =	vld [tilespmem:$0x1FFE0];
	v7 =	vadd.f32 v9, v20;
	v24 =	vpop (erf);
	(erf) = vpow2.f32 v2;
	v2 =	vmul.f32 $1.442695020e+00, v58  }
0xfe: {  	v6 =	vmul.f32 v21, v41;
	v20 =	vld.idx.msk [tilespmem:v62+s22+$0x0], $0xffff;
	v25 =	vpop (erf);
	v0 =	vadd.f32 v0, v1;
	(erf) = vpow2.f32 v4  }
0xff: {  	v7 =	vadd.f32 v17, v7;
	v5 =	vpop (erf);
	v3 =	vmul.f32 $1.442695020e+00, v3;
	(erf) = vpow2.f32 v2;
	v2 =	vld.idx.msk [tilespmem:v61+s22+$0x0], $0xffff  }
0x100: {  	v5 =	vmul.f32 v5, v36;
	v0 =	vadd.f32 v6, v0  }
0x101: {  	[tilespmem:$0x1FAD0] =	vst v32;
	v1 =	vpop (erf);
	v4 =	vadd.f32 v14, v7;
	(erf) = vpow2.f32 v3;
	v3 =	vmul.f32 $1.442695020e+00, v63  }
0x102: {  	[tilespmem:$0x1FAE0] =	vst v46;
	v1 =	vmul.f32 v1, v47;
	v7 =	vadd.f32 v15, v8;
	v8 =	vmul.f32 v18, v48;
	v48 =	vld [tilespmem:$0x1FAC0]  }
0x103: {  	[tilespmem:$0x1FB20] =	vst v19;
	v56 =	vld [tilespmem:$0x1FFC0];
	v13 =	vadd.f32 v22, v0;
	v6 =	vpop (erf);
	(erf) = vpow2.f32 v3;
	v3 =	vmul.f32 $1.442695020e+00, v20  }
0x104: {  	[tilespmem:$0x1FAF0] =	vst v60;
	v14 =	vadd.f32 v10, v4;
	v6 =	vmul.f32 v6, v49;
	v2 =	vmul.f32 $1.442695020e+00, v2  }
0x105: {  	v7 =	vadd.f32 v8, v7;
	v8 =	vmul.f32 v24, v50;
	v21 =	vpop (erf);
	[tilespmem:$0x1FB50] =	vst v13;
	(erf) = vpow2.f32 v3  }
0x106: {  	v1 =	vadd.f32 v1, v5;
	v5 =	vpop (erf);
	[tilespmem:$0x1FB40] =	vst v14;
	(erf) = vpow2.f32 v2;
	v2 =	vld [tilespmem:$0x1FE10]  }
0x107: {  	v26 =	vpop (erf);
	[tilespmem:v12+s23+$0x0] =	vst.idx.msk $0xffff, v48;
	v3 =	vadd.f32 v8, v7;
	v7 =	vmul.f32 v25, v55  }
0x108: {  	v9 =	vmul.f32 v21, v53;
	v1 =	vadd.f32 v6, v1;
	[tilespmem:v12+s24+$0x0] =	vst.idx.msk $0xffff, v31;
	v6 =	vpop (erf)  }
0x109: {  	[tilespmem:v12+s25+$0x0] =	vst.idx.msk $0xffff, v34;
	v36 =	vadd.f32 v7, v3;
	v3 =	vmul.f32 v6, v37;
	v6 =	vld [tilespmem:$0x1FFD0]  }
0x10a: {  	v5 =	vmul.f32 v5, v51;
	v1 =	vadd.f32 v9, v1;
	[tilespmem:v12+s26+$0x0] =	vst.idx.msk $0xffff, v32  }
0x10b: {  	[tilespmem:v56+s23+$0x0] =	vst.idx.msk $0xffff, v46;
	v2 =	vmul.f32 v26, v2  }
0x10c: {  	v8 =	vpop (erf);
	v7 =	vadd.f32 v5, v1;
	[tilespmem:$0x1FB70] =	vst v36  }
0x10d: {  	v5 =	vld [tilespmem:$0x1FE70];
	[tilespmem:v56+s24+$0x0] =	vst.idx.msk $0xffff, v59;
	v2 =	vadd.f32 v3, v2;
	v3 =	vmul.f32 v8, v40  }
0x10e: {  	v27 =	vpop (erf);
	[tilespmem:$0x1FB80] =	vst v7  }
0x10f: {  	v0 =	vpop (erf);
	[tilespmem:v56+s25+$0x0] =	vst.idx.msk $0xffff, v52;
	v2 =	vadd.f32 v3, v2;
	v3 =	vmul.f32 v27, v42  }
0x110: {  	v1 =	vpop (erf);
	[tilespmem:v56+s26+$0x0] =	vst.idx.msk $0xffff, v45  }
0x111: {  	v0 =	vmul.f32 v0, v44;
	v4 =	vpop (erf);
	[tilespmem:v6+s23+$0x0] =	vst.idx.msk $0xffff, v60;
	v2 =	vadd.f32 v3, v2  }
0x112: {  	v4 =	vmul.f32 v4, v38;
	v1 =	vmul.f32 v1, v5;
	[tilespmem:v6+s24+$0x0] =	vst.idx.msk $0xffff, v19  }
0x113: {  	v5 =	vpop (erf);
	[tilespmem:v6+s25+$0x0] =	vst.idx.msk $0xffff, v14;
	v2 =	vadd.f32 v0, v2  }
0x114: {  	v1 =	vadd.f32 v4, v1;
	v4 =	vmul.f32 v5, v39;
	v5 =	vpop (erf);
	[tilespmem:v6+s26+$0x0] =	vst.idx.msk $0xffff, v13  }
0x115: {  	v3 =	vpop (erf);
	[tilespmem:$0x1FB90] =	vst v2  }
0x116: {  	v0 =	vld [tilespmem:$0x1FFF0];
	_ =	sdelay $0x4  }
0x117: {  	v1 =	vadd.f32 v4, v1;
	v4 =	vmul.f32 v5, v41;
	_ =	sdelay $0x1  }
0x118: {  	v1 =	vadd.f32 v4, v1;
	v3 =	vmul.f32 v3, v43  }
0x119: {  	[tilespmem:v0+s23+$0x0] =	vst.idx.msk $0xffff, v36  }
0x11a: {  	p0 =	seq.s32 s12, $0x27B000;
	v1 =	vadd.f32 v3, v1;
	[tilespmem:v0+s24+$0x0] =	vst.idx.msk $0xffff, v7  }
0x11b: {  	s28 =	simm.s32 @!p0 $0x80;
	s6 =	sshrl.u32 @!p0 s11, $0x3;
	s13 =	rddreg [dreg:$0x0];
	[tilespmem:v0+s25+$0x0] =	vst.idx.msk $0xffff, v2  }
0x11c: {  	s19 =	simm.s32 @!p0 $0x0;
	s13 =	sadd.s32 @!p0 s13, s6;
	s6 =	simm.s32 @!p0 $0x400;
	[tilespmem:v0+s26+$0x0] =	vst.idx.msk $0xffff, v1  }
0x11d: {  	[tilespmem:s19], [sflag:$0x1] =	stream.strided.gather @!p0 [hbm4b:s13+s28], $0x500, s6, s28, $0x38;
	[tilespmem:$0x1680] =	vst v63  }
0x11e: {  	[tilespmem:$0x1FBA0] =	vst v1;
	s19 =	simm.s32 $0x2  }
0x11f: {  	_ =	swait.ge [sflag:s19], $0x500  }
0x120: {  	v37 =	vld [tilespmem:$0x1FFA0]  }
0x121: {  	v7 =	vld [tilespmem:$0x1FE80]  }
0x122: {  	v8 =	vld [tilespmem:$0x1FE90]  }
0x123: {  	v13 =	vld [tilespmem:$0x1FEA0]  }
0x124: {  	v14 =	vld [tilespmem:$0x1FEB0]  }
0x125: {  	v42 =	vld [tilespmem:$0x1FEC0]  }
0x126: {  	v43 =	vld [tilespmem:$0x1FED0]  }
0x127: {  	[sflag:s19] =	ssyncset.done $0x0;
	v47 =	vld [tilespmem:$0x1FEF0]  }
0x128: {  	v28 =	vld [tilespmem:$0x1FF00];
	[sflag:s19] =	ssyncadd.s32 $0xFFFFFB00  }
0x129: {  	v0 =	vld.idx.msk [tilespmem:v37+s16+$0x0], $0xffff  }
0x12a: {  	v1 =	vld.idx.msk [tilespmem:v7+s16+$0x0], $0xffff  }
0x12b: {  	v2 =	vld.idx.msk [tilespmem:v8+s16+$0x0], $0xffff  }
0x12c: {  	v3 =	vld.idx.msk [tilespmem:v13+s16+$0x0], $0xffff  }
0x12d: {  	v4 =	vld.idx.msk [tilespmem:v14+s16+$0x0], $0xffff  }
0x12e: {  	v5 =	vld.idx.msk [tilespmem:v37+s29+$0x0], $0xffff  }
0x12f: {  	v6 =	vld.idx.msk [tilespmem:v7+s29+$0x0], $0xffff;
	v0 =	vmul.f32 $1.442695020e+00, v0  }
0x130: {  	v41 =	vld.idx.msk [tilespmem:v13+s31+$0x0], $0xffff;
	v1 =	vmul.f32 $1.442695020e+00, v1  }
0x131: {  	(erf) = vpow2.f32 v0;
	v0 =	vmul.f32 $1.442695020e+00, v2;
	v2 =	vld.idx.msk [tilespmem:v8+s29+$0x0], $0xffff  }
0x132: {  	(erf) = vpow2.f32 v1;
	v1 =	vmul.f32 $1.442695020e+00, v3;
	v3 =	vld.idx.msk [tilespmem:v13+s29+$0x0], $0xffff  }
0x133: {  	(erf) = vpow2.f32 v0;
	v0 =	vmul.f32 $1.442695020e+00, v4;
	v4 =	vld.idx.msk [tilespmem:v14+s29+$0x0], $0xffff  }
0x134: {  	(erf) = vpow2.f32 v1;
	v1 =	vmul.f32 $1.442695020e+00, v5;
	v5 =	vld.idx.msk [tilespmem:v37+s30+$0x0], $0xffff  }
0x135: {  	(erf) = vpow2.f32 v0;
	v0 =	vmul.f32 $1.442695020e+00, v6;
	v6 =	vld.idx.msk [tilespmem:v7+s30+$0x0], $0xffff  }
0x136: {  	v51 =	vld.idx.msk [tilespmem:v47+s16+$0x0], $0xffff;
	(erf) = vpow2.f32 v1;
	v1 =	vmul.f32 $1.442695020e+00, v2  }
0x137: {  	(erf) = vpow2.f32 v0;
	v0 =	vmul.f32 $1.442695020e+00, v3;
	v3 =	vld.idx.msk [tilespmem:v13+s30+$0x0], $0xffff  }
0x138: {  	v15 =	vld.idx.msk [tilespmem:v28+s16+$0x0], $0xffff;
	(erf) = vpow2.f32 v1;
	v2 =	vmul.f32 $1.442695020e+00, v4  }
0x139: {  	v38 =	vmov v7;
	v57 =	vld.idx.msk [tilespmem:v42+s29+$0x0], $0xffff;
	(erf) = vpow2.f32 v0;
	v0 =	vmul.f32 $1.442695020e+00, v5  }
0x13a: {  	v39 =	vmov v8;
	v7 =	vld.idx.msk [tilespmem:v8+s30+$0x0], $0xffff;
	(erf) = vpow2.f32 v2;
	v6 =	vmul.f32 $1.442695020e+00, v6  }
0x13b: {  	v4 =	vld.idx.msk [tilespmem:v14+s30+$0x0], $0xffff;
	(erf) = vpow2.f32 v0  }
0x13c: {  	(erf) = vpow2.f32 v6;
	v6 =	vmul.f32 $1.442695020e+00, v3;
	v3 =	vld [tilespmem:$0x1FEE0]  }
0x13d: {  	v5 =	vld.idx.msk [tilespmem:v37+s31+$0x0], $0xffff  }
0x13e: {  	v8 =	vld.idx.msk [tilespmem:v38+s31+$0x0], $0xffff;
	v29 =	vpop (erf)  }
0x13f: {  	v40 =	vld.idx.msk [tilespmem:v39+s31+$0x0], $0xffff;
	v7 =	vmul.f32 $1.442695020e+00, v7;
	v26 =	vpop (erf)  }
0x140: {  	v58 =	vld.idx.msk [tilespmem:v43+s29+$0x0], $0xffff;
	v11 =	vmul.f32 $1.442695020e+00, v51;
	v10 =	vpop (erf);
	v4 =	vmul.f32 $1.442695020e+00, v4  }
0x141: {  	v60 =	vmul.f32 $1.442695020e+00, v57;
	v25 =	vpop (erf);
	(erf) = vpow2.f32 v7;
	v7 =	vld.idx.msk [tilespmem:v14+s31+$0x0], $0xffff  }
0x142: {  	v2 =	vmov v43;
	v0 =	vpop (erf);
	(erf) = vpow2.f32 v6;
	v5 =	vmul.f32 $1.442695020e+00, v5;
	v6 =	vld.idx.msk [tilespmem:v42+s16+$0x0], $0xffff  }
0x143: {  	v8 =	vmul.f32 $1.442695020e+00, v8;
	v14 =	vld.idx.msk [tilespmem:v43+s16+$0x0], $0xffff;
	v13 =	vpop (erf);
	(erf) = vpow2.f32 v4  }
0x144: {  	(erf) = vpow2.f32 v5;
	v5 =	vmul.f32 $1.442695020e+00, v40;
	v4 =	vpop (erf);
	v44 =	vld.idx.msk [tilespmem:v3+s16+$0x0], $0xffff  }
0x145: {  	v62 =	vld.idx.msk [tilespmem:v43+s30+$0x0], $0xffff;
	(erf) = vpow2.f32 v8;
	v8 =	vmul.f32 $1.442695020e+00, v41;
	v24 =	vpop (erf)  }
0x146: {  	v61 =	vld.idx.msk [tilespmem:v42+s30+$0x0], $0xffff;
	v7 =	vmul.f32 $1.442695020e+00, v7;
	v38 =	vpop (erf);
	(erf) = vpow2.f32 v5  }
0x147: {  	[tilespmem:$0x1FB00] =	vst v0;
	v0 =	vmov v42;
	v42 =	vld.idx.msk [tilespmem:v2+s31+$0x0], $0xffff;
	v54 =	vpop (erf);
	(erf) = vpow2.f32 v8;
	v8 =	vmul.f32 $1.442695020e+00, v6  }
0x148: {  	v46 =	vmov v59;
	v14 =	vmul.f32 $1.442695020e+00, v14;
	v59 =	vld.idx.msk [tilespmem:v3+s29+$0x0], $0xffff;
	v17 =	vpop (erf);
	(erf) = vpow2.f32 v7  }
0x149: {  	v63 =	vld.idx.msk [tilespmem:v3+s30+$0x0], $0xffff;
	v32 =	vpop (erf);
	(erf) = vpow2.f32 v8;
	v8 =	vmul.f32 $1.442695020e+00, v44  }
0x14a: {  	v41 =	vmul.f32 $1.442695020e+00, v62;
	v12 =	vpop (erf);
	(erf) = vpow2.f32 v14;
	v14 =	vld.idx.msk [tilespmem:v47+s29+$0x0], $0xffff  }
0x14b: {  	v35 =	vmov v31;
	v19 =	vpop (erf);
	(erf) = vpow2.f32 v8;
	v8 =	vmul.f32 $1.442695020e+00, v15;
	v15 =	vld.idx.msk [tilespmem:v28+s29+$0x0], $0xffff  }
0x14c: {  	v43 =	vld.idx.msk [tilespmem:v3+s31+$0x0], $0xffff;
	v3 =	vmul.f32 v13, v35;
	v20 =	vpop (erf);
	(erf) = vpow2.f32 v11  }
0x14d: {  	v5 =	vld [tilespmem:$0x1FAD0];
	v21 =	vpop (erf);
	(erf) = vpow2.f32 v8;
	v8 =	vmul.f32 $1.442695020e+00, v58  }
0x14e: {  	v40 =	vld.idx.msk [tilespmem:v0+s31+$0x0], $0xffff;
	v9 =	vmul.f32 $1.442695020e+00, v59;
	v22 =	vpop (erf);
	(erf) = vpow2.f32 v60  }
0x14f: {  	v6 =	vmov v33;
	v23 =	vpop (erf);
	(erf) = vpow2.f32 v8;
	v8 =	vmul.f32 $1.442695020e+00, v14;
	v14 =	vld.idx.msk [tilespmem:v47+s30+$0x0], $0xffff  }
0x150: {  	v39 =	vpop (erf);
	(erf) = vpow2.f32 v9;
	v37 =	vmul.f32 $1.442695020e+00, v15;
	v15 =	vld.idx.msk [tilespmem:v28+s30+$0x0], $0xffff  }
0x151: {  	v0 =	vld [tilespmem:$0x1FF20];
	v49 =	vpop (erf);
	(erf) = vpow2.f32 v8;
	v8 =	vmul.f32 $1.442695020e+00, v61  }
0x152: {  	v62 =	vmul.f32 $1.442695020e+00, v43;
	v44 =	vld [tilespmem:$0x1550];
	v30 =	vpop (erf);
	(erf) = vpow2.f32 v37  }
0x153: {  	v43 =	vld [tilespmem:$0x1560];
	v50 =	vpop (erf);
	(erf) = vpow2.f32 v8;
	v8 =	vmul.f32 $1.442695020e+00, v63  }
0x154: {  	v35 =	vld.idx.msk [tilespmem:v6+s29+$0x0], $0xffff;
	v53 =	vpop (erf);
	(erf) = vpow2.f32 v41;
	v51 =	vmul.f32 $1.442695020e+00, v14  }
0x155: {  	v14 =	vld.idx.msk [tilespmem:v47+s31+$0x0], $0xffff;
	v55 =	vpop (erf);
	(erf) = vpow2.f32 v8;
	v8 =	vmul.f32 $1.442695020e+00, v15  }
0x156: {  	v60 =	vmul.f32 $1.442695020e+00, v40;
	v15 =	vld.idx.msk [tilespmem:v28+s31+$0x0], $0xffff;
	v57 =	vpop (erf);
	(erf) = vpow2.f32 v51  }
0x157: {  	v21 =	vmul.f32 v21, v5;
	v5 =	vld [tilespmem:$0x1FAE0];
	v47 =	vpop (erf);
	(erf) = vpow2.f32 v8  }
0x158: {  	v61 =	vld.idx.msk [tilespmem:v33+s16+$0x0], $0xffff;
	v8 =	vmul.f32 $1.442695020e+00, v42;
	v18 =	vpop (erf);
	(erf) = vpow2.f32 v60  }
0x159: {  	v51 =	vld [tilespmem:$0x1500];
	v1 =	vpop (erf)  }
0x15a: {  	v40 =	vld [tilespmem:$0x1510];
	(erf) = vpow2.f32 v8;
	v8 =	vmul.f32 $1.442695020e+00, v14;
	v14 =	vpop (erf)  }
0x15b: {  	v37 =	vld [tilespmem:$0x1530];
	v63 =	vmul.f32 $1.442695020e+00, v15;
	v15 =	vpop (erf)  }
0x15c: {  	v41 =	vld [tilespmem:$0x1540];
	v60 =	vmul.f32 v29, v48;
	(erf) = vpow2.f32 v62;
	v16 =	vpop (erf)  }
0x15d: {  	v62 =	vld [tilespmem:$0x1FF30];
	(erf) = vpow2.f32 v8;
	v8 =	vmul.f32 $1.442695020e+00, v61;
	v33 =	vpop (erf)  }
0x15e: {  	v29 =	vmul.f32 v26, v51;
	v61 =	vld [tilespmem:$0x1FF40];
	(erf) = vpow2.f32 v63;
	v2 =	vpop (erf)  }
0x15f: {  	v26 =	vmul.f32 v30, v5;
	v5 =	vld [tilespmem:$0x1FF50];
	(erf) = vpow2.f32 v8;
	v58 =	vpop (erf)  }
0x160: {  	v42 =	vld [tilespmem:$0x1570];
	v59 =	vpop (erf)  }
0x161: {  	v48 =	vld.idx.msk [tilespmem:v0+s16+$0x0], $0xffff;
	v31 =	vpop (erf)  }
0x162: {  	v11 =	vmov v6;
	v27 =	vmul.f32 v47, v46;
	v47 =	vld [tilespmem:$0x1580];
	v6 =	vmul.f32 v31, v45  }
0x163: {  	v46 =	vld [tilespmem:$0x15D0]  }
0x164: {  	v28 =	vpop (erf);
	[tilespmem:$0x1FB30] =	vst v6;
	v6 =	vld [tilespmem:$0x1FAF0]  }
0x165: {  	v13 =	vmul.f32 v17, v34;
	v24 =	vmul.f32 v24, v44;
	v63 =	vld.idx.msk [tilespmem:v62+s16+$0x0], $0xffff;
	v17 =	vpop (erf)  }
0x166: {  	v7 =	vmul.f32 v16, v52;
	v16 =	vmul.f32 $1.442695020e+00, v48;
	v34 =	vld.idx.msk [tilespmem:v61+s16+$0x0], $0xffff;
	v8 =	vpop (erf)  }
0x167: {  	v12 =	vmul.f32 v12, v43;
	v4 =	vmul.f32 v4, v40;
	v30 =	vld.idx.msk [tilespmem:v5+s16+$0x0], $0xffff;
	v52 =	vpop (erf)  }
0x168: {  	v22 =	vmul.f32 v22, v37;
	v48 =	vld [tilespmem:$0x1590];
	(erf) = vpow2.f32 v16;
	v31 =	vpop (erf)  }
0x169: {  	v16 =	vmul.f32 $1.442695020e+00, v35;
	v35 =	vld [tilespmem:$0x15B0];
	v6 =	vmul.f32 v31, v6  }
0x16a: {  	v10 =	vmul.f32 v10, v41;
	v45 =	vld [tilespmem:$0x15C0];
	v31 =	vmul.f32 $1.442695020e+00, v63  }
0x16b: {  	v4 =	vadd.f32 v4, v3;
	v23 =	vmul.f32 v23, v42;
	v9 =	vmul.f32 $1.442695020e+00, v34;
	[tilespmem:$0x1FB60] =	vst v6;
	v6 =	vld [tilespmem:$0x1FB00]  }
0x16c: {  	v60 =	vadd.f32 v29, v60;
	v3 =	vld.idx.msk [tilespmem:v5+s29+$0x0], $0xffff;
	(erf) = vpow2.f32 v31;
	v31 =	vmul.f32 $1.442695020e+00, v30  }
0x16d: {  	v36 =	vld [tilespmem:$0x1520];
	v25 =	vmul.f32 v25, v47;
	(erf) = vpow2.f32 v9  }
0x16e: {  	v38 =	vmul.f32 v38, v48;
	(erf) = vpow2.f32 v31;
	v31 =	vld [tilespmem:$0x15F0]  }
0x16f: {  	v10 =	vadd.f32 v10, v60;
	(erf) = vpow2.f32 v16;
	v16 =	vmul.f32 v1, v44;
	v1 =	vld.idx.msk [tilespmem:v62+s29+$0x0], $0xffff  }
0x170: {  	[tilespmem:$0x1FB10] =	vst v7;
	v60 =	vmov v11;
	v7 =	vmul.f32 v6, v45;
	v6 =	vmul.f32 v54, v46;
	v54 =	vld.idx.msk [tilespmem:v0+s29+$0x0], $0xffff  }
0x171: {  	v29 =	vmul.f32 v8, v35;
	v34 =	vld [tilespmem:$0x15A0];
	v3 =	vmul.f32 $1.442695020e+00, v3  }
0x172: {  	v63 =	vmul.f32 v39, v35;
	v30 =	vld [tilespmem:$0x15E0];
	v9 =	vmul.f32 v32, v36  }
0x173: {  	v32 =	vmul.f32 v33, v36;
	v33 =	vmul.f32 v2, v43;
	v2 =	vld.idx.msk [tilespmem:v61+s29+$0x0], $0xffff  }
0x174: {  	v4 =	vadd.f32 v24, v4;
	v39 =	vmul.f32 v49, v31;
	v49 =	vmul.f32 v50, v51  }
0x175: {  	v60 =	vld.idx.msk [tilespmem:v60+s31+$0x0], $0xffff;
	v8 =	vmul.f32 $1.442695020e+00, v1;
	v50 =	vmul.f32 $1.442695020e+00, v54  }
0x176: {  	v4 =	vadd.f32 v38, v4;
	v19 =	vmul.f32 v19, v34;
	v24 =	vmul.f32 v52, v31;
	v52 =	vld.idx.msk [tilespmem:v11+s30+$0x0], $0xffff  }
0x177: {  	v10 =	vadd.f32 v25, v10;
	v20 =	vmul.f32 v20, v30;
	(erf) = vpow2.f32 v50;
	v50 =	vld.idx.msk [tilespmem:v0+s30+$0x0], $0xffff  }
0x178: {  	v11 =	vmovc v0;
	v38 =	vadd.f32 v6, v4;
	v6 =	vadd.f32 v9, v13;
	v1 =	vmul.f32 $1.442695020e+00, v2;
	v2 =	vld.idx.msk [tilespmem:v62+s30+$0x0], $0xffff  }
0x179: {  	v54 =	vpop (erf);
	(erf) = vpow2.f32 v8;
	v8 =	vmov v62;
	v62 =	vadd.f32 v7, v10;
	v10 =	vld.idx.msk [tilespmem:v61+s30+$0x0], $0xffff  }
0x17a: {  	v21 =	vadd.f32 v22, v21;
	v4 =	vld.idx.msk [tilespmem:v5+s30+$0x0], $0xffff;
	v25 =	vmul.f32 v54, v51;
	v54 =	vmul.f32 $1.442695020e+00, v60  }
0x17b: {  	v6 =	vadd.f32 v12, v6;
	v13 =	vmul.f32 $1.442695020e+00, v52;
	(erf) = vpow2.f32 v1  }
0x17c: {  	v21 =	vadd.f32 v23, v21;
	v22 =	vld.idx.msk [tilespmem:v61+s31+$0x0], $0xffff;
	(erf) = vpow2.f32 v3;
	v9 =	vmul.f32 $1.442695020e+00, v50  }
0x17d: {  	v6 =	vadd.f32 v19, v6;
	v7 =	vmul.f32 $1.442695020e+00, v2;
	(erf) = vpow2.f32 v13;
	v50 =	vld.idx.msk [tilespmem:v11+s31+$0x0], $0xffff  }
0x17e: {  	v19 =	vadd.f32 v63, v21;
	v60 =	vld [tilespmem:$0x1FF60];
	v0 =	vpop (erf);
	v10 =	vmul.f32 $1.442695020e+00, v10;
	(erf) = vpow2.f32 v9  }
0x17f: {  	v4 =	vmul.f32 $1.442695020e+00, v4;
	v2 =	vld [tilespmem:$0x1FF70];
	v1 =	vpop (erf);
	(erf) = vpow2.f32 v7  }
0x180: {  	v3 =	vpop (erf);
	v7 =	vld.idx.msk [tilespmem:v5+s31+$0x0], $0xffff;
	(erf) = vpow2.f32 v10  }
0x181: {  	v5 =	vadd.f32 v20, v6;
	v20 =	vpop (erf);
	v6 =	vld [tilespmem:$0x1FF80];
	(erf) = vpow2.f32 v4  }
0x182: {  	v4 =	vmul.f32 $1.442695020e+00, v50;
	v50 =	vadd.f32 v39, v19;
	v19 =	vpop (erf);
	(erf) = vpow2.f32 v54;
	v54 =	vld [tilespmem:$0x1FF90]  }
0x183: {  	v61 =	vld [tilespmem:$0x1FFB0]  }
0x184: {  	v13 =	vld.idx.msk [tilespmem:v8+s31+$0x0], $0xffff;
	_ =	sdelay $0x1  }
0x185: {  	v53 =	vmul.f32 v53, v41;
	v8 =	vld [tilespmem:$0x1FB10]  }
0x186: {  	v18 =	vmul.f32 v18, v40;
	v55 =	vmul.f32 v55, v47;
	v21 =	vld.idx.msk [tilespmem:v60+s16+$0x0], $0xffff  }
0x187: {  	v15 =	vmul.f32 v15, v46;
	v14 =	vmul.f32 v14, v48;
	v26 =	vadd.f32 v49, v26;
	v23 =	vld.idx.msk [tilespmem:v2+s16+$0x0], $0xffff  }
0x188: {  	v57 =	vmul.f32 v57, v45;
	v63 =	vmul.f32 $1.442695020e+00, v13;
	v13 =	vld.idx.msk [tilespmem:v6+s16+$0x0], $0xffff  }
0x189: {  	v26 =	vadd.f32 v53, v26;
	v39 =	vpop (erf);
	(erf) = vpow2.f32 v4;
	v4 =	vmul.f32 $1.442695020e+00, v22;
	v52 =	vld.idx.msk [tilespmem:v54+s16+$0x0], $0xffff  }
0x18a: {  	v18 =	vadd.f32 v18, v27;
	v10 =	vld.idx.msk [tilespmem:v61+s16+$0x0], $0xffff;
	v27 =	vpop (erf);
	(erf) = vpow2.f32 v63;
	v7 =	vmul.f32 $1.442695020e+00, v7  }
0x18b: {  	v49 =	vpop (erf);
	(erf) = vpow2.f32 v4;
	v4 =	vmul.f32 $1.442695020e+00, v21  }
0x18c: {  	v53 =	vadd.f32 v16, v18;
	v63 =	vpop (erf);
	(erf) = vpow2.f32 v7;
	v7 =	vmul.f32 $1.442695020e+00, v23  }
0x18d: {  	v55 =	vadd.f32 v55, v26;
	v26 =	vpop (erf);
	(erf) = vpow2.f32 v4;
	v4 =	vmul.f32 $1.442695020e+00, v13  }
0x18e: {  	v11 =	vadd.f32 v14, v53;
	v13 =	vpop (erf);
	(erf) = vpow2.f32 v7;
	v7 =	vmul.f32 $1.442695020e+00, v52  }
0x18f: {  	v32 =	vadd.f32 v32, v8;
	v8 =	vld [tilespmem:$0x1FB20];
	v14 =	vpop (erf);
	(erf) = vpow2.f32 v4;
	v4 =	vmul.f32 $1.442695020e+00, v10  }
0x190: {  	v21 =	vld.idx.msk [tilespmem:v60+s29+$0x0], $0xffff;
	v52 =	vadd.f32 v57, v55;
	v57 =	vpop (erf);
	(erf) = vpow2.f32 v7  }
0x191: {  	v53 =	vadd.f32 v15, v11;
	v15 =	vpop (erf);
	(erf) = vpow2.f32 v4;
	v4 =	vld [tilespmem:$0x1FB30]  }
0x192: {  	v28 =	vmul.f32 v28, v37;
	v9 =	vmul.f32 v27, v48;
	v27 =	vld [tilespmem:$0x1FB40]  }
0x193: {  	v17 =	vmul.f32 v17, v42;
	v58 =	vmul.f32 v58, v34  }
0x194: {  	v59 =	vmul.f32 v59, v30;
	v0 =	vmul.f32 v0, v41  }
0x195: {  	v1 =	vmul.f32 v1, v47;
	v11 =	vmul.f32 v20, v8  }
0x196: {  	v8 =	vmul.f32 v39, v44;
	v39 =	vld.idx.msk [tilespmem:v6+s29+$0x0], $0xffff;
	v7 =	vmul.f32 $1.442695020e+00, v21;
	v55 =	vpop (erf);
	v4 =	vadd.f32 v28, v4  }
0x197: {  	v12 =	vmul.f32 v19, v40;
	v18 =	vmul.f32 v63, v27;
	v63 =	vld.idx.msk [tilespmem:v2+s29+$0x0], $0xffff;
	v19 =	vpop (erf)  }
0x198: {  	(erf) = vpow2.f32 v7;
	v7 =	vadd.f32 v33, v32;
	v28 =	vmovc v6;
	v6 =	vld [tilespmem:$0x1FB50];
	v4 =	vadd.f32 v17, v4  }
0x199: {  	v3 =	vmul.f32 v3, v45;
	v22 =	vmul.f32 v26, v36;
	v11 =	vadd.f32 v12, v11;
	v12 =	vld [tilespmem:$0x1FB70];
	v32 =	vpop (erf)  }
0x19a: {  	v7 =	vadd.f32 v58, v7;
	v17 =	vmul.f32 v49, v46;
	v49 =	vmovc v2;
	v2 =	vadd.f32 v29, v4;
	v29 =	vld [tilespmem:$0x1FB60]  }
0x19b: {  	v39 =	vmul.f32 $1.442695020e+00, v39;
	v13 =	vmul.f32 v13, v43;
	v33 =	vpop (erf)  }
0x19c: {  	v10 =	vmul.f32 v57, v30;
	v57 =	vadd.f32 v59, v7;
	v59 =	vld.idx.msk [tilespmem:v54+s29+$0x0], $0xffff;
	v4 =	vmul.f32 v14, v34;
	v14 =	vpop (erf)  }
0x19d: {  	v7 =	vmul.f32 v15, v6;
	v15 =	vmul.f32 v55, v37;
	v58 =	vpop (erf);
	v55 =	vadd.f32 v24, v2;
	v24 =	vld.idx.msk [tilespmem:v61+s29+$0x0], $0xffff  }
0x19e: {  	v8 =	vadd.f32 v8, v11;
	v12 =	vmul.f32 v14, v12;
	v14 =	vmul.f32 v58, v51;
	v58 =	vld [tilespmem:$0x1FB80]  }
0x19f: {  	v21 =	vmul.f32 $1.442695020e+00, v63;
	v23 =	vmul.f32 v33, v31;
	v33 =	vld.idx.msk [tilespmem:v60+s30+$0x0], $0xffff;
	v20 =	vpop (erf);
	v25 =	vadd.f32 v25, v29  }
0x1a0: {  	v2 =	vmul.f32 v19, v42;
	v19 =	vmul.f32 v32, v35;
	v32 =	vpop (erf);
	v29 =	vld.idx.msk [tilespmem:v49+s30+$0x0], $0xffff  }
0x1a1: {  	v8 =	vadd.f32 v9, v8;
	(erf) = vpow2.f32 v21;
	v26 =	vld.idx.msk [tilespmem:v28+s30+$0x0], $0xffff;
	v16 =	vpop (erf);
	v0 =	vadd.f32 v0, v25  }
0x1a2: {  	(erf) = vpow2.f32 v39;
	v59 =	vmul.f32 $1.442695020e+00, v59;
	v51 =	vmov v28;
	v28 =	vld.idx.msk [tilespmem:v54+s30+$0x0], $0xffff;
	v63 =	vpop (erf)  }
0x1a3: {  	v11 =	vmul.f32 v63, v58;
	v63 =	vld.idx.msk [tilespmem:v61+s30+$0x0], $0xffff;
	v0 =	vadd.f32 v1, v0;
	v1 =	vmul.f32 $1.442695020e+00, v24  }
0x1a4: {  	v39 =	vmul.f32 $1.442695020e+00, v33;
	v17 =	vadd.f32 v17, v8;
	(erf) = vpow2.f32 v59;
	v58 =	vld.idx.msk [tilespmem:v60+s31+$0x0], $0xffff  }
0x1a5: {  	v59 =	vadd.f32 v3, v0;
	(erf) = vpow2.f32 v1;
	v0 =	vmul.f32 $1.442695020e+00, v29;
	v1 =	vld.idx.msk [tilespmem:v49+s31+$0x0], $0xffff  }
0x1a6: {  	v7 =	vadd.f32 v15, v7;
	v3 =	vmul.f32 $1.442695020e+00, v26;
	(erf) = vpow2.f32 v39  }
0x1a7: {  	v21 =	vld [tilespmem:$0x1FFE0];
	v8 =	vadd.f32 v22, v18;
	(erf) = vpow2.f32 v0;
	v0 =	vmul.f32 $1.442695020e+00, v28  }
0x1a8: {  	v2 =	vadd.f32 v2, v7;
	v60 =	vld.idx.msk [tilespmem:v51+s31+$0x0], $0xffff;
	(erf) = vpow2.f32 v3;
	v3 =	vmul.f32 $1.442695020e+00, v63  }
0x1a9: {  	v8 =	vadd.f32 v13, v8;
	(erf) = vpow2.f32 v0;
	v0 =	vmul.f32 $1.442695020e+00, v58  }
0x1aa: {  	v13 =	vld.idx.msk [tilespmem:v54+s31+$0x0], $0xffff;
	v7 =	vpop (erf);
	v2 =	vadd.f32 v19, v2;
	(erf) = vpow2.f32 v3;
	v1 =	vmul.f32 $1.442695020e+00, v1  }
0x1ab: {  	v3 =	vadd.f32 v4, v8;
	v4 =	vmul.f32 v7, v40;
	v7 =	vpop (erf);
	(erf) = vpow2.f32 v0;
	v0 =	vld.idx.msk [tilespmem:v61+s31+$0x0], $0xffff  }
0x1ac: {  	v63 =	vmul.f32 v20, v41;
	v8 =	vadd.f32 v14, v12;
	v7 =	vmul.f32 v7, v44  }
0x1ad: {  	[tilespmem:$0x1FBB0] =	vst v57;
	v14 =	vadd.f32 v23, v2;
	v2 =	vld [tilespmem:$0x1FB90];
	v12 =	vpop (erf);
	(erf) = vpow2.f32 v1;
	v1 =	vmul.f32 $1.442695020e+00, v60  }
0x1ae: {  	[tilespmem:$0x1FC30] =	vst v17;
	v19 =	vmul.f32 v32, v47;
	v4 =	vadd.f32 v4, v11;
	v12 =	vmul.f32 v12, v48  }
0x1af: {  	[tilespmem:$0x1FBC0] =	vst v55;
	v8 =	vadd.f32 v63, v8;
	v18 =	vpop (erf);
	(erf) = vpow2.f32 v1;
	v1 =	vmul.f32 $1.442695020e+00, v13  }
0x1b0: {  	[tilespmem:v21+s1+$0x0] =	vst.idx.msk $0xffff, v62;
	v13 =	vpop (erf);
	v0 =	vmul.f32 $1.442695020e+00, v0  }
0x1b1: {  	v6 =	vld [tilespmem:$0x1FBA0];
	[tilespmem:v21+s0+$0x0] =	vst.idx.msk $0xffff, v38;
	v4 =	vadd.f32 v7, v4;
	v7 =	vpop (erf);
	(erf) = vpow2.f32 v1;
	v1 =	vadd.f32 v19, v8  }
0x1b2: {  	[tilespmem:$0x1FBD0] =	vst v59;
	v15 =	vadd.f32 v10, v3;
	v2 =	vmul.f32 v13, v2;
	v20 =	vpop (erf);
	v3 =	vmul.f32 v7, v36  }
0x1b3: {  	[tilespmem:$0x1FCB0] =	vst v14;
	v8 =	vmul.f32 v16, v45;
	v4 =	vadd.f32 v12, v4;
	v12 =	vpop (erf)  }
0x1b4: {  	[tilespmem:v21+s4+$0x0] =	vst.idx.msk $0xffff, v5;
	(erf) = vpow2.f32 v0;
	v2 =	vadd.f32 v3, v2;
	v3 =	vmul.f32 v20, v43;
	v0 =	vpop (erf)  }
0x1b5: {  	[tilespmem:v21+s5+$0x0] =	vst.idx.msk $0xffff, v50;
	v22 =	vadd.f32 v8, v1;
	v1 =	vpop (erf)  }
0x1b6: {  	[tilespmem:$0x1FC80] =	vst v15;
	v2 =	vadd.f32 v3, v2;
	v3 =	vmul.f32 v12, v34;
	v1 =	vmul.f32 v1, v6;
	v6 =	vld [tilespmem:$0x1FFD0]  }
0x1b7: {  	v11 =	vmul.f32 v18, v46;
	[tilespmem:v56+s1+$0x0] =	vst.idx.msk $0xffff, v52  }
0x1b8: {  	[tilespmem:v56+s0+$0x0] =	vst.idx.msk $0xffff, v53;
	v0 =	vmul.f32 v0, v30;
	v2 =	vadd.f32 v3, v2  }
0x1b9: {  	[tilespmem:v56+s4+$0x0] =	vst.idx.msk $0xffff, v57  }
0x1ba: {  	v8 =	vadd.f32 v11, v4;
	[tilespmem:v56+s5+$0x0] =	vst.idx.msk $0xffff, v55;
	v4 =	vpop (erf);
	v2 =	vadd.f32 v0, v2;
	v0 =	vld [tilespmem:$0x1FFF0]  }
0x1bb: {  	[tilespmem:$0x1FCE0] =	vst v22;
	v4 =	vmul.f32 v4, v37  }
0x1bc: {  	[tilespmem:$0x1FCF0] =	vst v8;
	v7 =	vpop (erf)  }
0x1bd: {  	v1 =	vadd.f32 v4, v1;
	v4 =	vmul.f32 v7, v42;
	[tilespmem:$0x1FD20] =	vst v2  }
0x1be: {  	v7 =	vpop (erf);
	[tilespmem:v6+s1+$0x0] =	vst.idx.msk $0xffff, v59  }
0x1bf: {  	v1 =	vadd.f32 v4, v1;
	v4 =	vmul.f32 v7, v35;
	[tilespmem:v6+s0+$0x0] =	vst.idx.msk $0xffff, v17  }
0x1c0: {  	v3 =	vpop (erf);
	[tilespmem:v6+s4+$0x0] =	vst.idx.msk $0xffff, v15  }
0x1c1: {  	v3 =	vmul.f32 v3, v31;
	v1 =	vadd.f32 v4, v1;
	[tilespmem:v6+s5+$0x0] =	vst.idx.msk $0xffff, v14  }
0x1c2: {  	[tilespmem:v0+s1+$0x0] =	vst.idx.msk $0xffff, v22  }
0x1c3: {  	v1 =	vadd.f32 v3, v1;
	[tilespmem:v0+s0+$0x0] =	vst.idx.msk $0xffff, v8  }
0x1c4: {  	s13 =	rddreg [dreg:$0xb];
	[tilespmem:v0+s4+$0x0] =	vst.idx.msk $0xffff, v2  }
0x1c5: {  	s13 =	sadd.s32 @!p0 s12, s13;
	s19 =	simm.s32 @!p0 $0x500;
	[tilespmem:v0+s5+$0x0] =	vst.idx.msk $0xffff, v1  }
0x1c6: {  	[tilespmem:s19], [sflag:$0x2] =	stream.strided.gather @!p0 [hbm4b:s13+s28], $0x500, s6, s28, $0x38;
	[tilespmem:$0x1680] =	vst v63  }
0x1c7: {  	[tilespmem:$0x1FD30] =	vst v1;
	s19 =	simm.s32 $0x3  }
0x1c8: {  	_ =	swait.ge [sflag:s19], $0x500  }
0x1c9: {  	v12 =	vld [tilespmem:$0x1FFA0]  }
0x1ca: {  	v6 =	vld [tilespmem:$0x1FE80]  }
0x1cb: {  	v23 =	vld [tilespmem:$0x1FE90]  }
0x1cc: {  	v36 =	vld [tilespmem:$0x1FEA0]  }
0x1cd: {  	v37 =	vld [tilespmem:$0x1FEB0];
	_ =	sdelay $0x1  }
0x1ce: {  	[sflag:s19] =	ssyncset.done $0x0  }
0x1cf: {  	[sflag:s19] =	ssyncadd.s32 $0xFFFFFB00  }
0x1d0: {  	v0 =	vld.idx.msk [tilespmem:v12+s17+$0x0], $0xffff  }
0x1d1: {  	v1 =	vld.idx.msk [tilespmem:v6+s17+$0x0], $0xffff  }
0x1d2: {  	v2 =	vld.idx.msk [tilespmem:v23+s17+$0x0], $0xffff  }
0x1d3: {  	v3 =	vld.idx.msk [tilespmem:v36+s17+$0x0], $0xffff  }
0x1d4: {  	v4 =	vld.idx.msk [tilespmem:v37+s17+$0x0], $0xffff  }
0x1d5: {  	v7 =	vld.idx.msk [tilespmem:v12+s7+$0x0], $0xffff;
	v0 =	vmul.f32 $1.442695020e+00, v0  }
0x1d6: {  	v8 =	vld.idx.msk [tilespmem:v6+s7+$0x0], $0xffff;
	v1 =	vmul.f32 $1.442695020e+00, v1  }
0x1d7: {  	(erf) = vpow2.f32 v0;
	v0 =	vmul.f32 $1.442695020e+00, v2;
	v2 =	vld.idx.msk [tilespmem:v23+s7+$0x0], $0xffff  }
0x1d8: {  	(erf) = vpow2.f32 v1;
	v1 =	vmul.f32 $1.442695020e+00, v3;
	v3 =	vld.idx.msk [tilespmem:v36+s7+$0x0], $0xffff  }
0x1d9: {  	v41 =	vld [tilespmem:$0x1FED0];
	(erf) = vpow2.f32 v0;
	v0 =	vmul.f32 $1.442695020e+00, v4  }
0x1da: {  	v28 =	vld [tilespmem:$0x1FEE0];
	(erf) = vpow2.f32 v1;
	v1 =	vmul.f32 $1.442695020e+00, v7  }
0x1db: {  	v48 =	vld [tilespmem:$0x1400];
	(erf) = vpow2.f32 v0;
	v0 =	vmul.f32 $1.442695020e+00, v8  }
0x1dc: {  	v42 =	vld [tilespmem:$0x1410];
	(erf) = vpow2.f32 v1;
	v1 =	vmul.f32 $1.442695020e+00, v2  }
0x1dd: {  	v43 =	vld [tilespmem:$0x1440];
	(erf) = vpow2.f32 v0;
	v0 =	vmul.f32 $1.442695020e+00, v3  }
0x1de: {  	v4 =	vld.idx.msk [tilespmem:v37+s7+$0x0], $0xffff;
	(erf) = vpow2.f32 v1  }
0x1df: {  	(erf) = vpow2.f32 v0;
	v0 =	vld [tilespmem:$0x14B0]  }
0x1e0: {  	v19 =	vld.idx.msk [tilespmem:v37+s8+$0x0], $0xffff  }
0x1e1: {  	v21 =	vld.idx.msk [tilespmem:v37+s9+$0x0], $0xffff  }
0x1e2: {  	v37 =	vld [tilespmem:$0x1FEC0]  }
0x1e3: {  	v7 =	vld.idx.msk [tilespmem:v12+s8+$0x0], $0xffff;
	v1 =	vmul.f32 $1.442695020e+00, v4  }
0x1e4: {  	[tilespmem:$0x1FC00] =	vst v0;
	v0 =	vld [tilespmem:$0x14F0]  }
0x1e5: {  	v2 =	vld [tilespmem:$0x1420]  }
0x1e6: {  	v12 =	vld.idx.msk [tilespmem:v12+s9+$0x0], $0xffff  }
0x1e7: {  	v9 =	vld.idx.msk [tilespmem:v23+s8+$0x0], $0xffff;
	(erf) = vpow2.f32 v1;
	v1 =	vmov v23  }
0x1e8: {  	v10 =	vld.idx.msk [tilespmem:v36+s8+$0x0], $0xffff  }
0x1e9: {  	v8 =	vld.idx.msk [tilespmem:v6+s8+$0x0], $0xffff;
	[tilespmem:$0x1FC10] =	vst v0;
	v0 =	vmov v36  }
0x1ea: {  	[tilespmem:$0x1FBE0] =	vst v2;
	v2 =	vld [tilespmem:$0x1430]  }
0x1eb: {  	v22 =	vmul.f32 $1.442695020e+00, v12;
	v12 =	vld.idx.msk [tilespmem:v37+s17+$0x0], $0xffff  }
0x1ec: {  	v14 =	vld.idx.msk [tilespmem:v1+s9+$0x0], $0xffff  }
0x1ed: {  	v1 =	vld [tilespmem:$0x1FF00]  }
0x1ee: {  	v15 =	vld.idx.msk [tilespmem:v0+s9+$0x0], $0xffff  }
0x1ef: {  	[tilespmem:$0x1FBF0] =	vst v2;
	v2 =	vmul.f32 $1.442695020e+00, v7;
	v0 =	vld [tilespmem:$0x1FEF0]  }
0x1f0: {  	v13 =	vld.idx.msk [tilespmem:v6+s9+$0x0], $0xffff;
	v9 =	vmul.f32 $1.442695020e+00, v9;
	v4 =	vpop (erf);
	v3 =	vmul.f32 $1.442695020e+00, v8  }
0x1f1: {  	v44 =	vld [tilespmem:$0x1450];
	v10 =	vmul.f32 $1.442695020e+00, v10;
	v27 =	vpop (erf);
	(erf) = vpow2.f32 v2  }
0x1f2: {  	v51 =	vld [tilespmem:$0x1460];
	v20 =	vmul.f32 $1.442695020e+00, v19;
	v26 =	vpop (erf);
	(erf) = vpow2.f32 v3  }
0x1f3: {  	v25 =	vpop (erf);
	(erf) = vpow2.f32 v9;
	v32 =	vmul.f32 $1.442695020e+00, v14;
	v14 =	vld.idx.msk [tilespmem:v28+s17+$0x0], $0xffff  }
0x1f4: {  	v54 =	vpop (erf);
	v45 =	vmul.f32 $1.442695020e+00, v12;
	v12 =	vld.idx.msk [tilespmem:v37+s7+$0x0], $0xffff;
	(erf) = vpow2.f32 v10  }
0x1f5: {  	v23 =	vmul.f32 $1.442695020e+00, v13;
	v13 =	vld.idx.msk [tilespmem:v41+s17+$0x0], $0xffff;
	v31 =	vpop (erf);
	(erf) = vpow2.f32 v20  }
0x1f6: {  	v24 =	vpop (erf);
	v36 =	vmul.f32 $1.442695020e+00, v21;
	(erf) = vpow2.f32 v22;
	v39 =	vld.idx.msk [tilespmem:v1+s17+$0x0], $0xffff  }
0x1f7: {  	v57 =	vpop (erf);
	(erf) = vpow2.f32 v23;
	v33 =	vmul.f32 $1.442695020e+00, v15;
	v15 =	vld.idx.msk [tilespmem:v0+s17+$0x0], $0xffff  }
0x1f8: {  	v58 =	vpop (erf);
	(erf) = vpow2.f32 v32;
	v56 =	vmul.f32 $1.442695020e+00, v14;
	v14 =	vld.idx.msk [tilespmem:v28+s7+$0x0], $0xffff  }
0x1f9: {  	v59 =	vpop (erf);
	v17 =	vmul.f32 $1.442695020e+00, v12;
	v12 =	vld.idx.msk [tilespmem:v37+s8+$0x0], $0xffff;
	(erf) = vpow2.f32 v33  }
0x1fa: {  	v49 =	vmul.f32 $1.442695020e+00, v13;
	v13 =	vld.idx.msk [tilespmem:v41+s7+$0x0], $0xffff;
	v8 =	vpop (erf);
	(erf) = vpow2.f32 v36  }
0x1fb: {  	v29 =	vmov v62;
	v63 =	vld.idx.msk [tilespmem:v1+s7+$0x0], $0xffff;
	v60 =	vpop (erf);
	v62 =	vmul.f32 $1.442695020e+00, v39;
	(erf) = vpow2.f32 v45  }
0x1fc: {  	v16 =	vpop (erf);
	(erf) = vpow2.f32 v49;
	v61 =	vmul.f32 $1.442695020e+00, v15;
	v15 =	vld.idx.msk [tilespmem:v0+s7+$0x0], $0xffff  }
0x1fd: {  	v32 =	vpop (erf);
	v39 =	vmul.f32 $1.442695020e+00, v14;
	v14 =	vld.idx.msk [tilespmem:v28+s8+$0x0], $0xffff;
	(erf) = vpow2.f32 v56  }
0x1fe: {  	v19 =	vmul.f32 $1.442695020e+00, v12;
	v33 =	vpop (erf);
	v56 =	vld.idx.msk [tilespmem:v1+s8+$0x0], $0xffff;
	(erf) = vpow2.f32 v61  }
0x1ff: {  	v36 =	vmul.f32 $1.442695020e+00, v13;
	v13 =	vld.idx.msk [tilespmem:v41+s8+$0x0], $0xffff;
	v6 =	vpop (erf);
	(erf) = vpow2.f32 v62  }
0x200: {  	v12 =	vld.idx.msk [tilespmem:v37+s9+$0x0], $0xffff;
	v49 =	vmul.f32 $1.442695020e+00, v63;
	v20 =	vpop (erf);
	(erf) = vpow2.f32 v17  }
0x201: {  	v21 =	vpop (erf);
	(erf) = vpow2.f32 v36;
	v45 =	vmul.f32 $1.442695020e+00, v15;
	v15 =	vld.idx.msk [tilespmem:v0+s8+$0x0], $0xffff  }
0x202: {  	v37 =	vmul.f32 $1.442695020e+00, v14;
	v14 =	vld.idx.msk [tilespmem:v28+s9+$0x0], $0xffff;
	v22 =	vpop (erf);
	(erf) = vpow2.f32 v39  }
0x203: {  	v23 =	vpop (erf);
	(erf) = vpow2.f32 v45;
	v45 =	vmul.f32 $1.442695020e+00, v56;
	v56 =	vld.idx.msk [tilespmem:v1+s9+$0x0], $0xffff  }
0x204: {  	v28 =	vld [tilespmem:$0x1FF10];
	v36 =	vmul.f32 $1.442695020e+00, v13;
	v39 =	vpop (erf);
	(erf) = vpow2.f32 v49  }
0x205: {  	v3 =	vld [tilespmem:$0x1FF20];
	v49 =	vpop (erf);
	(erf) = vpow2.f32 v19  }
0x206: {  	v13 =	vld.idx.msk [tilespmem:v41+s9+$0x0], $0xffff;
	v61 =	vpop (erf);
	(erf) = vpow2.f32 v36;
	v41 =	vmul.f32 $1.442695020e+00, v15  }
0x207: {  	v15 =	vld.idx.msk [tilespmem:v0+s9+$0x0], $0xffff;
	v36 =	vmul.f32 $1.442695020e+00, v12;
	v62 =	vpop (erf);
	(erf) = vpow2.f32 v37  }
0x208: {  	(erf) = vpow2.f32 v41;
	v11 =	vmul.f32 $1.442695020e+00, v56;
	v56 =	vld [tilespmem:$0x1FF30]  }
0x209: {  	v55 =	vld [tilespmem:$0x1470];
	v63 =	vpop (erf);
	(erf) = vpow2.f32 v45  }
0x20a: {  	v9 =	vpop (erf);
	(erf) = vpow2.f32 v36;
	v36 =	vld [tilespmem:$0x1FF40]  }
0x20b: {  	v46 =	vld [tilespmem:$0x1480];
	v13 =	vmul.f32 $1.442695020e+00, v13  }
0x20c: {  	v14 =	vmul.f32 $1.442695020e+00, v14;
	v12 =	vld.idx.msk [tilespmem:v28+s17+$0x0], $0xffff;
	v30 =	vpop (erf)  }
0x20d: {  	v0 =	vld.idx.msk [tilespmem:v3+s17+$0x0], $0xffff;
	(erf) = vpow2.f32 v13;
	v41 =	vpop (erf);
	v15 =	vmul.f32 $1.442695020e+00, v15  }
0x20e: {  	v45 =	vmul.f32 v6, v50;
	v6 =	vld [tilespmem:$0x1FBB0];
	(erf) = vpow2.f32 v14;
	v19 =	vpop (erf)  }
0x20f: {  	v14 =	vmul.f32 v31, v38;
	v31 =	vld [tilespmem:$0x1FF50];
	(erf) = vpow2.f32 v15;
	v17 =	vpop (erf)  }
0x210: {  	(erf) = vpow2.f32 v11;
	v11 =	vpop (erf);
	v1 =	vld.idx.msk [tilespmem:v56+s17+$0x0], $0xffff  }
0x211: {  	v47 =	vld [tilespmem:$0x1490];
	v27 =	vmul.f32 v27, v48;
	v26 =	vmul.f32 v26, v43;
	v7 =	vpop (erf)  }
0x212: {  	v25 =	vmul.f32 v25, v46;
	v13 =	vmul.f32 v4, v29;
	v4 =	vpop (erf);
	v2 =	vld.idx.msk [tilespmem:v36+s17+$0x0], $0xffff  }
0x213: {  	v40 =	vld [tilespmem:$0x14A0];
	v24 =	vmul.f32 v24, v42;
	v12 =	vmul.f32 $1.442695020e+00, v12;
	v38 =	vpop (erf)  }
0x214: {  	v18 =	vld [tilespmem:$0x14C0];
	v0 =	vmul.f32 $1.442695020e+00, v0;
	v6 =	vmul.f32 v11, v6;
	v50 =	vpop (erf)  }
0x215: {  	v35 =	vld [tilespmem:$0x14E0];
	(erf) = vpow2.f32 v12;
	v37 =	vpop (erf);
	v1 =	vmul.f32 $1.442695020e+00, v1  }
0x216: {  	v39 =	vmul.f32 v39, v52;
	v52 =	vld.idx.msk [tilespmem:v28+s7+$0x0], $0xffff;
	v15 =	vmov v28;
	(erf) = vpow2.f32 v0;
	v28 =	vpop (erf)  }
0x217: {  	v34 =	vld [tilespmem:$0x14D0];
	[tilespmem:$0x1FC20] =	vst v6;
	v10 =	vpop (erf);
	v0 =	vmul.f32 $1.442695020e+00, v2;
	(erf) = vpow2.f32 v1  }
0x218: {  	v16 =	vmul.f32 v16, v51;
	v29 =	vmul.f32 v8, v5;
	v5 =	vld.idx.msk [tilespmem:v31+s17+$0x0], $0xffff;
	v6 =	vpop (erf)  }
0x219: {  	v32 =	vmul.f32 v32, v40;
	(erf) = vpow2.f32 v0;
	v0 =	vld [tilespmem:$0x1FBC0]  }
0x21a: {  	v33 =	vmul.f32 v33, v35;
	v21 =	vmul.f32 v21, v55  }
0x21b: {  	v52 =	vmul.f32 $1.442695020e+00, v52;
	v53 =	vmul.f32 v9, v53  }
0x21c: {  	v9 =	vmul.f32 v54, v18;
	v54 =	vmul.f32 v58, v47  }
0x21d: {  	v58 =	vmul.f32 v61, v43;
	v30 =	vmul.f32 v30, v42  }
0x21e: {  	v1 =	vmul.f32 $1.442695020e+00, v5;
	v0 =	vmul.f32 v37, v0;
	v37 =	vld [tilespmem:$0x1FBE0]  }
0x21f: {  	v41 =	vmul.f32 v41, v44;
	v12 =	vmul.f32 v59, v34;
	[tilespmem:$0x1FC70] =	vst v34  }
0x220: {  	v11 =	vmovc v18;
	v18 =	vmov v35;
	v59 =	vmul.f32 v62, v46;
	(erf) = vpow2.f32 v1;
	[tilespmem:$0x1FC40] =	vst v0;
	v0 =	vld [tilespmem:$0x1FBD0]  }
0x221: {  	[tilespmem:$0x1FC90] =	vst v51;
	v5 =	vmovc v34;
	v34 =	vmovc v51;
	v35 =	vld [tilespmem:$0x1FC10];
	v51 =	vmov v42;
	v42 =	vmul.f32 v19, v47;
	(erf) = vpow2.f32 v52  }
0x222: {  	v2 =	vmov v3;
	[tilespmem:$0x1FC50] =	vst v44;
	v61 =	vld.idx.msk [tilespmem:v3+s7+$0x0], $0xffff;
	v52 =	vmul.f32 v57, v44;
	v44 =	vmul.f32 v17, v5  }
0x223: {  	v8 =	vpop (erf);
	v3 =	vld.idx.msk [tilespmem:v36+s7+$0x0], $0xffff;
	v17 =	vmov v36;
	v36 =	vmul.f32 v38, v40;
	v57 =	vmul.f32 v60, v37  }
0x224: {  	v62 =	vld.idx.msk [tilespmem:v56+s7+$0x0], $0xffff;
	v1 =	vpop (erf);
	v60 =	vmul.f32 v63, v11;
	v63 =	vmul.f32 v4, v34  }
0x225: {  	v4 =	vadd.f32 v27, v13;
	v27 =	vmul.f32 v10, v55;
	v10 =	vld.idx.msk [tilespmem:v31+s7+$0x0], $0xffff;
	v0 =	vmul.f32 v1, v0  }
0x226: {  	[tilespmem:$0x1FC60] =	vst v47;
	v5 =	vmov v56;
	v47 =	vmul.f32 v7, v37;
	v7 =	vmul.f32 v50, v18;
	v1 =	vld [tilespmem:$0x1FC00]  }
0x227: {  	v56 =	vmovc v31;
	v23 =	vmul.f32 v23, v35;
	v19 =	vmul.f32 $1.442695020e+00, v61;
	v4 =	vadd.f32 v26, v4;
	[tilespmem:$0x1FCD0] =	vst v0;
	v0 =	vld [tilespmem:$0x1FBF0]  }
0x228: {  	v3 =	vmul.f32 $1.442695020e+00, v3;
	v34 =	vmovc v40;
	v40 =	vmov v18;
	v18 =	vld.idx.msk [tilespmem:v15+s8+$0x0], $0xffff;
	[tilespmem:$0x1FCA0] =	vst v7;
	v7 =	vadd.f32 v24, v14  }
0x229: {  	v31 =	vmul.f32 v8, v35;
	v26 =	vld.idx.msk [tilespmem:v2+s8+$0x0], $0xffff;
	v8 =	vadd.f32 v57, v29;
	v4 =	vadd.f32 v25, v4  }
0x22a: {  	(erf) = vpow2.f32 v19;
	v57 =	vld.idx.msk [tilespmem:v15+s9+$0x0], $0xffff;
	v7 =	vadd.f32 v52, v7;
	v52 =	vmovc v35;
	v35 =	vmul.f32 $1.442695020e+00, v62  }
0x22b: {  	[tilespmem:$0x1FCC0] =	vst v55;
	v29 =	vld [tilespmem:$0x1FF80];
	v8 =	vadd.f32 v16, v8;
	v4 =	vadd.f32 v9, v4;
	v22 =	vmul.f32 v22, v1  }
0x22c: {  	v62 =	vld.idx.msk [tilespmem:v5+s8+$0x0], $0xffff;
	v55 =	vmovc v1;
	v24 =	vmul.f32 v28, v0;
	v28 =	vmul.f32 v6, v1;
	v1 =	vmov v5  }
0x22d: {  	v7 =	vadd.f32 v54, v7;
	(erf) = vpow2.f32 v35;
	v54 =	vld.idx.msk [tilespmem:v56+s8+$0x0], $0xffff;
	[tilespmem:$0x1FD00] =	vst v4;
	v4 =	vmul.f32 $1.442695020e+00, v10  }
0x22e: {  	v19 =	vpop (erf);
	v61 =	vmul.f32 $1.442695020e+00, v18;
	v8 =	vadd.f32 v32, v8;
	v32 =	vld.idx.msk [tilespmem:v56+s9+$0x0], $0xffff;
	(erf) = vpow2.f32 v3  }
0x22f: {  	v35 =	vpop (erf);
	v6 =	vld.idx.msk [tilespmem:v17+s8+$0x0], $0xffff;
	(erf) = vpow2.f32 v4  }
0x230: {  	v20 =	vmul.f32 v20, v0;
	v3 =	vpop (erf);
	(erf) = vpow2.f32 v61;
	v61 =	vld [tilespmem:$0x1FF60]  }
0x231: {  	v38 =	vmov v0;
	v5 =	vadd.f32 v12, v7;
	v7 =	vmul.f32 v35, v43;
	v4 =	vpop (erf);
	v0 =	vld.idx.msk [tilespmem:v1+s9+$0x0], $0xffff  }
0x232: {  	v35 =	vmovc v43;
	v43 =	vadd.f32 v20, v45;
	v20 =	vmul.f32 v4, v11;
	v4 =	vmul.f32 $1.442695020e+00, v26;
	v26 =	vld.idx.msk [tilespmem:v2+s9+$0x0], $0xffff  }
0x233: {  	v2 =	vld [tilespmem:$0x1FC20]  }
0x234: {  	v25 =	vmul.f32 v19, v48;
	v3 =	vmul.f32 v3, v46;
	v1 =	vld [tilespmem:$0x1FF70]  }
0x235: {  	(erf) = vpow2.f32 v4;
	v4 =	vmul.f32 $1.442695020e+00, v6;
	v6 =	vld.idx.msk [tilespmem:v17+s9+$0x0], $0xffff  }
0x236: {  	v19 =	vadd.f32 v21, v43;
	v43 =	vmul.f32 $1.442695020e+00, v57;
	v57 =	vmul.f32 $1.442695020e+00, v0;
	v0 =	vld [tilespmem:$0x1FF90]  }
0x237: {  	v50 =	vmov v46;
	v46 =	vmul.f32 $1.442695020e+00, v62;
	v17 =	vmul.f32 $1.442695020e+00, v32;
	v32 =	vld [tilespmem:$0x1FFB0]  }
0x238: {  	v19 =	vadd.f32 v22, v19  }
0x239: {  	v54 =	vmul.f32 $1.442695020e+00, v54;
	(erf) = vpow2.f32 v46  }
0x23a: {  	v49 =	vmul.f32 v49, v48;
	(erf) = vpow2.f32 v4;
	v47 =	vadd.f32 v47, v2;
	v2 =	vld [tilespmem:$0x1FC30]  }
0x23b: {  	v4 =	vadd.f32 v33, v8;
	v8 =	vpop (erf);
	(erf) = vpow2.f32 v54;
	v46 =	vmul.f32 $1.442695020e+00, v26;
	v22 =	vld.idx.msk [tilespmem:v61+s17+$0x0], $0xffff  }
0x23c: {  	v62 =	vadd.f32 v49, v39;
	v54 =	vadd.f32 v23, v19;
	v19 =	vpop (erf);
	(erf) = vpow2.f32 v43;
	v18 =	vld.idx.msk [tilespmem:v1+s17+$0x0], $0xffff  }
0x23d: {  	v56 =	vadd.f32 v30, v53;
	v23 =	vld.idx.msk [tilespmem:v29+s17+$0x0], $0xffff;
	v39 =	vpop (erf);
	(erf) = vpow2.f32 v46;
	v6 =	vmul.f32 $1.442695020e+00, v6  }
0x23e: {  	v26 =	vadd.f32 v58, v62;
	(erf) = vpow2.f32 v57;
	v43 =	vld.idx.msk [tilespmem:v0+s17+$0x0], $0xffff  }
0x23f: {  	v10 =	vadd.f32 v41, v56;
	v49 =	vpop (erf);
	(erf) = vpow2.f32 v6;
	v57 =	vld.idx.msk [tilespmem:v32+s17+$0x0], $0xffff  }
0x240: {  	v53 =	vpop (erf);
	(erf) = vpow2.f32 v17;
	v6 =	vmul.f32 $1.442695020e+00, v22  }
0x241: {  	v10 =	vadd.f32 v42, v10;
	v13 =	vpop (erf);
	v8 =	vmul.f32 v8, v2;
	v2 =	vld [tilespmem:$0x1FC40];
	v58 =	vmul.f32 $1.442695020e+00, v18  }
0x242: {  	v62 =	vadd.f32 v59, v26;
	v26 =	vpop (erf);
	(erf) = vpow2.f32 v6;
	v6 =	vmul.f32 $1.442695020e+00, v23  }
0x243: {  	v56 =	vadd.f32 v44, v10;
	v44 =	vld [tilespmem:$0x1FC70];
	v14 =	vpop (erf);
	(erf) = vpow2.f32 v58;
	v16 =	vmul.f32 $1.442695020e+00, v43  }
0x244: {  	v33 =	vpop (erf);
	(erf) = vpow2.f32 v6;
	v6 =	vmul.f32 $1.442695020e+00, v57  }
0x245: {  	v10 =	vpop (erf);
	(erf) = vpow2.f32 v16  }
0x246: {  	v12 =	vpop (erf);
	(erf) = vpow2.f32 v6;
	v6 =	vadd.f32 v24, v2  }
0x247: {  	v22 =	vld.idx.msk [tilespmem:v1+s7+$0x0], $0xffff  }
0x248: {  	v2 =	vadd.f32 v27, v6;
	v6 =	vmul.f32 v53, v44;
	v53 =	vmov v1;
	v1 =	vld [tilespmem:$0x1FCA0]  }
0x249: {  	v45 =	vmov v11;
	v46 =	vld.idx.msk [tilespmem:v61+s7+$0x0], $0xffff;
	v11 =	vadd.f32 v63, v47  }
0x24a: {  	[tilespmem:$0x1FD10] =	vst v5;
	v5 =	vld [tilespmem:$0x1FC80]  }
0x24b: {  	v47 =	vld [tilespmem:$0x1FC60];
	v11 =	vadd.f32 v36, v11  }
0x24c: {  	v57 =	vld [tilespmem:$0x1FC50]  }
0x24d: {  	v42 =	vadd.f32 v1, v11;
	v1 =	vld [tilespmem:$0x1FCB0]  }
0x24e: {  	v15 =	vmul.f32 $1.442695020e+00, v46  }
0x24f: {  	v9 =	vmul.f32 v19, v51;
	v41 =	vadd.f32 v60, v62;
	v36 =	vmovc v37;
	v23 =	vmul.f32 v26, v37;
	v37 =	vld [tilespmem:$0x1FC90]  }
0x250: {  	v13 =	vmul.f32 v13, v5;
	v60 =	vpop (erf);
	v58 =	vmov v51;
	v51 =	vld.idx.msk [tilespmem:v29+s7+$0x0], $0xffff;
	(erf) = vpow2.f32 v15  }
0x251: {  	v46 =	vld [tilespmem:$0x1FCC0];
	v18 =	vmul.f32 v49, v47;
	v5 =	vmul.f32 v33, v34;
	v19 =	vpop (erf)  }
0x252: {  	v8 =	vadd.f32 v9, v8;
	v62 =	vpop (erf);
	v15 =	vmul.f32 v39, v57;
	v11 =	vmul.f32 v12, v1;
	v1 =	vld [tilespmem:$0x1FCD0]  }
0x253: {  	v33 =	vmov v40;
	v10 =	vmul.f32 v10, v40;
	v40 =	vld [tilespmem:$0x1FCE0];
	v22 =	vmul.f32 $1.442695020e+00, v22;
	v63 =	vpop (erf)  }
0x254: {  	v14 =	vmul.f32 v14, v37;
	v49 =	vpop (erf);
	v8 =	vadd.f32 v15, v8;
	v15 =	vld [tilespmem:$0x1FCF0];
	v2 =	vadd.f32 v28, v2  }
0x255: {  	v51 =	vmul.f32 $1.442695020e+00, v51;
	v27 =	vmov v0;
	v59 =	vpop (erf);
	v12 =	vmul.f32 v60, v38;
	v60 =	vld.idx.msk [tilespmem:v0+s7+$0x0], $0xffff  }
0x256: {  	v30 =	vadd.f32 v31, v2;
	v2 =	vmul.f32 v62, v55;
	v62 =	vld.idx.msk [tilespmem:v32+s7+$0x0], $0xffff;
	v0 =	vmul.f32 v19, v46;
	v19 =	vpop (erf)  }
0x257: {  	v24 =	vmul.f32 v63, v52;
	v63 =	vld.idx.msk [tilespmem:v61+s8+$0x0], $0xffff;
	(erf) = vpow2.f32 v22;
	v1 =	vadd.f32 v25, v1;
	v25 =	vpop (erf)  }
0x258: {  	v43 =	vmov v38;
	v9 =	vmul.f32 v49, v40;
	(erf) = vpow2.f32 v51;
	v49 =	vld.idx.msk [tilespmem:v53+s8+$0x0], $0xffff;
	v17 =	vpop (erf)  }
0x259: {  	v26 =	vld.idx.msk [tilespmem:v29+s8+$0x0], $0xffff;
	v16 =	vmul.f32 v59, v48;
	v38 =	vmul.f32 v19, v35;
	v1 =	vadd.f32 v7, v1;
	v7 =	vpop (erf)  }
0x25a: {  	v8 =	vadd.f32 v18, v8;
	v59 =	vld.idx.msk [tilespmem:v27+s8+$0x0], $0xffff;
	v7 =	vmul.f32 v7, v15;
	v15 =	vmul.f32 $1.442695020e+00, v60  }
0x25b: {  	v40 =	vmul.f32 v25, v50;
	v60 =	vld.idx.msk [tilespmem:v32+s8+$0x0], $0xffff;
	v1 =	vadd.f32 v3, v1;
	v3 =	vmul.f32 $1.442695020e+00, v62  }
0x25c: {  	v11 =	vadd.f32 v12, v11;
	v62 =	vld.idx.msk [tilespmem:v61+s9+$0x0], $0xffff;
	(erf) = vpow2.f32 v15;
	v15 =	vmul.f32 $1.442695020e+00, v63  }
0x25d: {  	v28 =	vadd.f32 v20, v1;
	(erf) = vpow2.f32 v3;
	v1 =	vmul.f32 $1.442695020e+00, v49;
	v3 =	vld.idx.msk [tilespmem:v53+s9+$0x0], $0xffff  }
0x25e: {  	v63 =	vadd.f32 v6, v8;
	v6 =	vmul.f32 $1.442695020e+00, v26;
	(erf) = vpow2.f32 v15  }
0x25f: {  	v8 =	vadd.f32 v23, v13;
	v13 =	vld.idx.msk [tilespmem:v29+s9+$0x0], $0xffff;
	(erf) = vpow2.f32 v1;
	v1 =	vmul.f32 $1.442695020e+00, v59  }
0x260: {  	(erf) = vpow2.f32 v6;
	v6 =	vmul.f32 $1.442695020e+00, v60  }
0x261: {  	v12 =	vld.idx.msk [tilespmem:v27+s9+$0x0], $0xffff;
	v0 =	vadd.f32 v0, v11;
	(erf) = vpow2.f32 v1;
	v1 =	vmul.f32 $1.442695020e+00, v62  }
0x262: {  	v27 =	vpop (erf);
	v8 =	vadd.f32 v14, v8;
	(erf) = vpow2.f32 v6;
	v3 =	vmul.f32 $1.442695020e+00, v3  }
0x263: {  	v0 =	vadd.f32 v2, v0;
	v6 =	vmul.f32 v27, v58;
	(erf) = vpow2.f32 v1  }
0x264: {  	v2 =	vpop (erf);
	v5 =	vadd.f32 v5, v8;
	(erf) = vpow2.f32 v3;
	v3 =	vmul.f32 $1.442695020e+00, v13  }
0x265: {  	v2 =	vmul.f32 v2, v57;
	v8 =	vadd.f32 v16, v9;
	v6 =	vadd.f32 v6, v7  }
0x266: {  	v39 =	vpop (erf);
	(erf) = vpow2.f32 v3;
	v3 =	vmul.f32 $1.442695020e+00, v12  }
0x267: {  	v8 =	vadd.f32 v38, v8;
	v13 =	vld [tilespmem:$0x1FFE0];
	v7 =	vpop (erf);
	v11 =	vmul.f32 v39, v47;
	v2 =	vadd.f32 v2, v6  }
0x268: {  	v7 =	vmul.f32 v7, v44;
	(erf) = vpow2.f32 v3  }
0x269: {  	v51 =	vmovc v53;
	v53 =	vld [tilespmem:$0x1FD10];
	v3 =	vadd.f32 v40, v8;
	v8 =	vmul.f32 v17, v45;
	v2 =	vadd.f32 v11, v2  }
0x26a: {  	v17 =	vld [tilespmem:$0x1FD00]  }
0x26b: {  	v14 =	vadd.f32 v8, v3;
	v8 =	vadd.f32 v7, v2;
	v7 =	vld [tilespmem:$0x1FFC0];
	_ =	sdelay $0x1  }
0x26c: {  	v2 =	vld [tilespmem:$0x1FD20]  }
0x26d: {  	[tilespmem:$0x1FD70] =	vst v30  }
0x26e: {  	v1 =	vld.idx.msk [tilespmem:v32+s9+$0x0], $0xffff;
	[tilespmem:v13+s23+$0x0] =	vst.idx.msk $0xffff, v17  }
0x26f: {  	v12 =	vpop (erf);
	[tilespmem:v13+s24+$0x0] =	vst.idx.msk $0xffff, v53  }
0x270: {  	v6 =	vpop (erf);
	[tilespmem:v13+s25+$0x0] =	vst.idx.msk $0xffff, v4  }
0x271: {  	v3 =	vmul.f32 v6, v36;
	v2 =	vmul.f32 v12, v2;
	[tilespmem:v13+s26+$0x0] =	vst.idx.msk $0xffff, v54  }
0x272: {  	v45 =	vpop (erf);
	[tilespmem:v7+s23+$0x0] =	vst.idx.msk $0xffff, v41  }
0x273: {  	v2 =	vadd.f32 v3, v2;
	v3 =	vmul.f32 v45, v37;
	[tilespmem:v7+s24+$0x0] =	vst.idx.msk $0xffff, v56  }
0x274: {  	v1 =	vmul.f32 $1.442695020e+00, v1;
	v47 =	vpop (erf);
	v6 =	vld [tilespmem:$0x1FD30];
	[tilespmem:v7+s25+$0x0] =	vst.idx.msk $0xffff, v42  }
0x275: {  	v2 =	vadd.f32 v3, v2;
	v3 =	vmul.f32 v47, v34;
	[tilespmem:v7+s26+$0x0] =	vst.idx.msk $0xffff, v30;
	v7 =	vld [tilespmem:$0x1FFD0]  }
0x276: {  	[tilespmem:$0x1FD90] =	vst v63;
	v16 =	vadd.f32 v24, v0;
	(erf) = vpow2.f32 v1;
	v0 =	vpop (erf)  }
0x277: {  	[tilespmem:$0x1FD80] =	vst v28;
	v15 =	vadd.f32 v10, v5;
	v0 =	vmul.f32 v0, v33;
	v2 =	vadd.f32 v3, v2  }
0x278: {  	[tilespmem:$0x1FDB0] =	vst v16;
	v1 =	vpop (erf)  }
0x279: {  	[tilespmem:$0x1FDA0] =	vst v15;
	v5 =	vpop (erf);
	v2 =	vadd.f32 v0, v2;
	v0 =	vld [tilespmem:$0x1FFF0]  }
0x27a: {  	[tilespmem:$0x1FDC0] =	vst v14;
	v5 =	vmul.f32 v5, v43;
	v1 =	vmul.f32 v1, v6  }
0x27b: {  	[tilespmem:$0x1FDD0] =	vst v8;
	v6 =	vpop (erf)  }
0x27c: {  	v1 =	vadd.f32 v5, v1;
	v5 =	vmul.f32 v6, v46;
	[tilespmem:$0x1FDF0] =	vst v2  }
0x27d: {  	v6 =	vpop (erf);
	[tilespmem:v7+s23+$0x0] =	vst.idx.msk $0xffff, v28  }
0x27e: {  	v1 =	vadd.f32 v5, v1;
	v5 =	vmul.f32 v6, v55;
	[tilespmem:v7+s24+$0x0] =	vst.idx.msk $0xffff, v63  }
0x27f: {  	v3 =	vpop (erf);
	[tilespmem:v7+s25+$0x0] =	vst.idx.msk $0xffff, v15  }
0x280: {  	v1 =	vadd.f32 v5, v1;
	v3 =	vmul.f32 v3, v52;
	[tilespmem:v7+s26+$0x0] =	vst.idx.msk $0xffff, v16  }
0x281: {  	[tilespmem:v0+s23+$0x0] =	vst.idx.msk $0xffff, v14  }
0x282: {  	v1 =	vadd.f32 v3, v1;
	[tilespmem:v0+s24+$0x0] =	vst.idx.msk $0xffff, v8  }
0x283: {  	s13 =	rddreg [dreg:$0xa];
	[tilespmem:v0+s25+$0x0] =	vst.idx.msk $0xffff, v2  }
0x284: {  	s19 =	simm.s32 @!p0 $0xA00;
	s13 =	sadd.s32 @!p0 s12, s13;
	[tilespmem:v0+s26+$0x0] =	vst.idx.msk $0xffff, v1  }
0x285: {  	[tilespmem:s19], [sflag:$0x3] =	stream.strided.gather @!p0 [hbm4b:s13+s28], $0x500, s6, s28, $0x38;
	[tilespmem:$0x1680] =	vst v63  }
0x286: {  	[tilespmem:$0x1FE00] =	vst v1;
	s13 =	simm.s32 $0x4  }
0x287: {  	_ =	swait.ge [sflag:s13], $0x500  }
0x288: {  	v18 =	vld [tilespmem:$0x1FFA0]  }
0x289: {  	v19 =	vld [tilespmem:$0x1FE80]  }
0x28a: {  	v13 =	vld [tilespmem:$0x1FE90]  }
0x28b: {  	v12 =	vld [tilespmem:$0x1FEA0]  }
0x28c: {  	v20 =	vld [tilespmem:$0x1FEB0];
	_ =	sdelay $0x1  }
0x28d: {  	[sflag:s13] =	ssyncset.done $0x0  }
0x28e: {  	v15 =	vld [tilespmem:$0x1FEC0];
	[sflag:s13] =	ssyncadd.s32 $0xFFFFFB00  }
0x28f: {  	v0 =	vld.idx.msk [tilespmem:v18+s18+$0x0], $0xffff  }
0x290: {  	v1 =	vld.idx.msk [tilespmem:v19+s18+$0x0], $0xffff  }
0x291: {  	v2 =	vld.idx.msk [tilespmem:v13+s18+$0x0], $0xffff  }
0x292: {  	v3 =	vld.idx.msk [tilespmem:v12+s18+$0x0], $0xffff  }
0x293: {  	v5 =	vld.idx.msk [tilespmem:v20+s18+$0x0], $0xffff  }
0x294: {  	v6 =	vld.idx.msk [tilespmem:v18+s2+$0x0], $0xffff;
	v0 =	vmul.f32 $1.442695020e+00, v0  }
0x295: {  	v7 =	vld.idx.msk [tilespmem:v19+s2+$0x0], $0xffff;
	v1 =	vmul.f32 $1.442695020e+00, v1  }
0x296: {  	(erf) = vpow2.f32 v0;
	v0 =	vmul.f32 $1.442695020e+00, v2;
	v2 =	vld.idx.msk [tilespmem:v13+s2+$0x0], $0xffff  }
0x297: {  	(erf) = vpow2.f32 v1;
	v1 =	vmul.f32 $1.442695020e+00, v3;
	v3 =	vld.idx.msk [tilespmem:v12+s2+$0x0], $0xffff  }
0x298: {  	(erf) = vpow2.f32 v0;
	v0 =	vmul.f32 $1.442695020e+00, v5;
	v5 =	vld.idx.msk [tilespmem:v20+s2+$0x0], $0xffff  }
0x299: {  	(erf) = vpow2.f32 v1;
	v1 =	vmul.f32 $1.442695020e+00, v6;
	v6 =	vld.idx.msk [tilespmem:v18+s14+$0x0], $0xffff  }
0x29a: {  	(erf) = vpow2.f32 v0;
	v0 =	vmul.f32 $1.442695020e+00, v7;
	v7 =	vld.idx.msk [tilespmem:v19+s14+$0x0], $0xffff  }
0x29b: {  	(erf) = vpow2.f32 v1;
	v1 =	vmul.f32 $1.442695020e+00, v2;
	v2 =	vld.idx.msk [tilespmem:v13+s14+$0x0], $0xffff  }
0x29c: {  	(erf) = vpow2.f32 v0;
	v0 =	vmul.f32 $1.442695020e+00, v3;
	v3 =	vld.idx.msk [tilespmem:v12+s14+$0x0], $0xffff  }
0x29d: {  	v14 =	vld [tilespmem:$0x1FEF0];
	(erf) = vpow2.f32 v1;
	v1 =	vmul.f32 $1.442695020e+00, v5  }
0x29e: {  	v23 =	vld [tilespmem:$0x1FF00];
	(erf) = vpow2.f32 v0;
	v0 =	vmul.f32 $1.442695020e+00, v6  }
0x29f: {  	v5 =	vld.idx.msk [tilespmem:v20+s14+$0x0], $0xffff;
	v8 =	vpop (erf);
	(erf) = vpow2.f32 v1;
	v1 =	vmul.f32 $1.442695020e+00, v7  }
0x2a0: {  	v49 =	vpop (erf);
	(erf) = vpow2.f32 v0;
	v0 =	vmul.f32 $1.442695020e+00, v2;
	v2 =	vld.idx.msk [tilespmem:v13+s15+$0x0], $0xffff  }
0x2a1: {  	v43 =	vpop (erf);
	(erf) = vpow2.f32 v1;
	v1 =	vmul.f32 $1.442695020e+00, v3;
	v3 =	vld.idx.msk [tilespmem:v12+s15+$0x0], $0xffff  }
0x2a2: {  	v12 =	vld [tilespmem:$0x1FED0]  }
0x2a3: {  	v13 =	vld [tilespmem:$0x1FEE0]  }
0x2a4: {  	v6 =	vld.idx.msk [tilespmem:v18+s15+$0x0], $0xffff  }
0x2a5: {  	v7 =	vld.idx.msk [tilespmem:v19+s15+$0x0], $0xffff;
	_ =	sdelay $0x1  }
0x2a6: {  	v29 =	vld [tilespmem:$0x1FF20];
	v45 =	vpop (erf);
	(erf) = vpow2.f32 v0;
	v0 =	vmul.f32 $1.442695020e+00, v5  }
0x2a7: {  	v5 =	vld.idx.msk [tilespmem:v20+s15+$0x0], $0xffff;
	v46 =	vpop (erf);
	(erf) = vpow2.f32 v1  }
0x2a8: {  	v21 =	vld.idx.msk [tilespmem:v15+s18+$0x0], $0xffff;
	v6 =	vmul.f32 $1.442695020e+00, v6;
	v22 =	vpop (erf);
	(erf) = vpow2.f32 v0  }
0x2a9: {  	v0 =	vmul.f32 $1.442695020e+00, v7;
	v26 =	vpop (erf);
	v7 =	vld.idx.msk [tilespmem:v12+s18+$0x0], $0xffff  }
0x2aa: {  	(erf) = vpow2.f32 v6;
	v2 =	vmul.f32 $1.442695020e+00, v2;
	v1 =	vpop (erf);
	v6 =	vld.idx.msk [tilespmem:v13+s18+$0x0], $0xffff  }
0x2ab: {  	(erf) = vpow2.f32 v0;
	v0 =	vmul.f32 $1.442695020e+00, v3;
	v3 =	vld.idx.msk [tilespmem:v14+s18+$0x0], $0xffff;
	v57 =	vpop (erf)  }
0x2ac: {  	(erf) = vpow2.f32 v2;
	v2 =	vmul.f32 $1.442695020e+00, v5;
	v5 =	vld.idx.msk [tilespmem:v23+s18+$0x0], $0xffff;
	v47 =	vpop (erf)  }
0x2ad: {  	v40 =	vld.idx.msk [tilespmem:v15+s2+$0x0], $0xffff;
	(erf) = vpow2.f32 v0;
	v0 =	vmul.f32 $1.442695020e+00, v21;
	v44 =	vpop (erf)  }
0x2ae: {  	v28 =	vld [tilespmem:$0x1FF30];
	(erf) = vpow2.f32 v2;
	v58 =	vpop (erf);
	v2 =	vmul.f32 $1.442695020e+00, v7  }
0x2af: {  	v34 =	vld [tilespmem:$0x1500];
	(erf) = vpow2.f32 v0;
	v0 =	vmul.f32 $1.442695020e+00, v6;
	v6 =	vpop (erf)  }
0x2b0: {  	v32 =	vld [tilespmem:$0x1510];
	(erf) = vpow2.f32 v2;
	v2 =	vmul.f32 $1.442695020e+00, v3;
	v3 =	vpop (erf)  }
0x2b1: {  	v37 =	vld [tilespmem:$0x1520];
	[tilespmem:$0x1FD50] =	vst v3;
	(erf) = vpow2.f32 v0;
	v0 =	vmul.f32 $1.442695020e+00, v5;
	v3 =	vpop (erf)  }
0x2b2: {  	v31 =	vld [tilespmem:$0x1530];
	[tilespmem:$0x1FD60] =	vst v3;
	(erf) = vpow2.f32 v2;
	v3 =	vmul.f32 $1.442695020e+00, v40  }
0x2b3: {  	v48 =	vld.idx.msk [tilespmem:v13+s2+$0x0], $0xffff;
	v5 =	vpop (erf);
	(erf) = vpow2.f32 v0  }
0x2b4: {  	v7 =	vld.idx.msk [tilespmem:v12+s2+$0x0], $0xffff;
	v38 =	vpop (erf);
	(erf) = vpow2.f32 v3;
	v2 =	vmov v13  }
0x2b5: {  	v27 =	vmul.f32 v5, v54;
	v5 =	vld.idx.msk [tilespmem:v15+s14+$0x0], $0xffff;
	v62 =	vpop (erf);
	v0 =	vmov v12  }
0x2b6: {  	v13 =	vld.idx.msk [tilespmem:v14+s2+$0x0], $0xffff;
	v59 =	vpop (erf);
	v3 =	vmov v14  }
0x2b7: {  	v12 =	vmul.f32 v22, v53;
	v22 =	vld.idx.msk [tilespmem:v28+s18+$0x0], $0xffff;
	v60 =	vpop (erf)  }
0x2b8: {  	[tilespmem:$0x1FD40] =	vst v6;
	v14 =	vmul.f32 v8, v17;
	v8 =	vld.idx.msk [tilespmem:v23+s2+$0x0], $0xffff;
	v6 =	vpop (erf)  }
0x2b9: {  	v63 =	vpop (erf);
	v19 =	vld.idx.msk [tilespmem:v2+s15+$0x0], $0xffff  }
0x2ba: {  	v40 =	vpop (erf);
	v50 =	vld.idx.msk [tilespmem:v0+s14+$0x0], $0xffff  }
0x2bb: {  	v7 =	vmul.f32 $1.442695020e+00, v7;
	v39 =	vpop (erf);
	v17 =	vld.idx.msk [tilespmem:v3+s14+$0x0], $0xffff  }
0x2bc: {  	v20 =	vld.idx.msk [tilespmem:v3+s15+$0x0], $0xffff;
	v53 =	vpop (erf)  }
0x2bd: {  	(erf) = vpow2.f32 v7;
	v54 =	vmul.f32 v6, v41;
	v3 =	vld [tilespmem:$0x1FF10];
	v6 =	vpop (erf)  }
0x2be: {  	v55 =	vmul.f32 v6, v56;
	v6 =	vmul.f32 $1.442695020e+00, v48;
	v56 =	vld.idx.msk [tilespmem:v2+s14+$0x0], $0xffff  }
0x2bf: {  	v5 =	vmul.f32 $1.442695020e+00, v5;
	v7 =	vmul.f32 $1.442695020e+00, v13;
	v18 =	vld.idx.msk [tilespmem:v0+s15+$0x0], $0xffff  }
0x2c0: {  	(erf) = vpow2.f32 v6;
	v6 =	vmul.f32 $1.442695020e+00, v8;
	v8 =	vld.idx.msk [tilespmem:v23+s14+$0x0], $0xffff  }
0x2c1: {  	v9 =	vmul.f32 $1.442695020e+00, v22;
	(erf) = vpow2.f32 v7;
	v7 =	vld.idx.msk [tilespmem:v15+s15+$0x0], $0xffff  }
0x2c2: {  	v0 =	vld [tilespmem:$0x1FF40];
	(erf) = vpow2.f32 v6;
	v6 =	vmul.f32 $1.442695020e+00, v50  }
0x2c3: {  	v2 =	vld [tilespmem:$0x1FF50];
	(erf) = vpow2.f32 v5;
	v5 =	vmul.f32 $1.442695020e+00, v56  }
0x2c4: {  	v35 =	vld [tilespmem:$0x1540];
	(erf) = vpow2.f32 v6;
	v6 =	vmul.f32 $1.442695020e+00, v17  }
0x2c5: {  	(erf) = vpow2.f32 v5;
	v5 =	vmul.f32 $1.442695020e+00, v8;
	v8 =	vld.idx.msk [tilespmem:v23+s15+$0x0], $0xffff  }
0x2c6: {  	v13 =	vld.idx.msk [tilespmem:v3+s18+$0x0], $0xffff;
	(erf) = vpow2.f32 v6;
	v6 =	vmul.f32 $1.442695020e+00, v7  }
0x2c7: {  	v21 =	vld.idx.msk [tilespmem:v29+s18+$0x0], $0xffff;
	(erf) = vpow2.f32 v5;
	v5 =	vmul.f32 $1.442695020e+00, v18  }
0x2c8: {  	v33 =	vld [tilespmem:$0x1550];
	v7 =	vmul.f32 $1.442695020e+00, v19;
	(erf) = vpow2.f32 v6  }
0x2c9: {  	v22 =	vld.idx.msk [tilespmem:v29+s15+$0x0], $0xffff;
	(erf) = vpow2.f32 v5;
	v5 =	vmul.f32 $1.442695020e+00, v20  }
0x2ca: {  	v23 =	vld.idx.msk [tilespmem:v0+s18+$0x0], $0xffff;
	(erf) = vpow2.f32 v7;
	v8 =	vmul.f32 $1.442695020e+00, v8  }
0x2cb: {  	v15 =	vld.idx.msk [tilespmem:v2+s18+$0x0], $0xffff;
	v13 =	vmul.f32 $1.442695020e+00, v13;
	v6 =	vpop (erf);
	(erf) = vpow2.f32 v5  }
0x2cc: {  	v36 =	vld.idx.msk [tilespmem:v3+s2+$0x0], $0xffff;
	v7 =	vpop (erf);
	(erf) = vpow2.f32 v8;
	v8 =	vmul.f32 $1.442695020e+00, v21  }
0x2cd: {  	v43 =	vmul.f32 v43, v35;
	v48 =	vld.idx.msk [tilespmem:v29+s2+$0x0], $0xffff;
	v41 =	vpop (erf)  }
0x2ce: {  	v25 =	vmul.f32 v44, v4;
	v24 =	vpop (erf);
	(erf) = vpow2.f32 v13;
	v13 =	vld.idx.msk [tilespmem:v28+s2+$0x0], $0xffff  }
0x2cf: {  	v50 =	vld.idx.msk [tilespmem:v0+s2+$0x0], $0xffff;
	v11 =	vmul.f32 $1.442695020e+00, v23;
	v18 =	vpop (erf);
	(erf) = vpow2.f32 v8  }
0x2d0: {  	v44 =	vld.idx.msk [tilespmem:v2+s2+$0x0], $0xffff;
	v15 =	vmul.f32 $1.442695020e+00, v15;
	(erf) = vpow2.f32 v9;
	v8 =	vpop (erf)  }
0x2d1: {  	v16 =	vmul.f32 $1.442695020e+00, v36;
	v36 =	vld.idx.msk [tilespmem:v3+s14+$0x0], $0xffff;
	(erf) = vpow2.f32 v11;
	v10 =	vpop (erf)  }
0x2d2: {  	v17 =	vld.idx.msk [tilespmem:v29+s14+$0x0], $0xffff;
	(erf) = vpow2.f32 v15;
	v15 =	vmul.f32 $1.442695020e+00, v48;
	v9 =	vpop (erf)  }
0x2d3: {  	v56 =	vld.idx.msk [tilespmem:v28+s14+$0x0], $0xffff;
	v52 =	vmul.f32 $1.442695020e+00, v13;
	v11 =	vpop (erf);
	(erf) = vpow2.f32 v16  }
0x2d4: {  	v29 =	vld.idx.msk [tilespmem:v51+s18+$0x0], $0xffff;
	v19 =	vmul.f32 $1.442695020e+00, v50;
	v23 =	vpop (erf);
	(erf) = vpow2.f32 v15  }
0x2d5: {  	v44 =	vmul.f32 $1.442695020e+00, v44;
	v48 =	vld.idx.msk [tilespmem:v0+s14+$0x0], $0xffff;
	v13 =	vpop (erf);
	(erf) = vpow2.f32 v52  }
0x2d6: {  	v20 =	vld.idx.msk [tilespmem:v2+s14+$0x0], $0xffff;
	v50 =	vmul.f32 $1.442695020e+00, v36;
	v15 =	vpop (erf);
	(erf) = vpow2.f32 v19  }
0x2d7: {  	v21 =	vld.idx.msk [tilespmem:v3+s15+$0x0], $0xffff;
	v52 =	vmul.f32 $1.442695020e+00, v17;
	v5 =	vpop (erf);
	(erf) = vpow2.f32 v44  }
0x2d8: {  	v26 =	vmul.f32 v26, v32;
	v0 =	vld.idx.msk [tilespmem:v0+s15+$0x0], $0xffff;
	(erf) = vpow2.f32 v50  }
0x2d9: {  	v56 =	vmul.f32 $1.442695020e+00, v56;
	v17 =	vpop (erf);
	(erf) = vpow2.f32 v52;
	v52 =	vld.idx.msk [tilespmem:v28+s15+$0x0], $0xffff  }
0x2da: {  	v18 =	vmul.f32 v18, v42;
	v16 =	vld [tilespmem:$0x15D0];
	v44 =	vmul.f32 $1.442695020e+00, v48  }
0x2db: {  	v48 =	vld [tilespmem:$0x1590];
	v4 =	vpop (erf);
	(erf) = vpow2.f32 v56;
	v56 =	vmul.f32 $1.442695020e+00, v20  }
0x2dc: {  	v50 =	vld [tilespmem:$0x1580];
	v30 =	vpop (erf);
	v20 =	vmul.f32 v49, v34;
	(erf) = vpow2.f32 v44  }
0x2dd: {  	v49 =	vld.idx.msk [tilespmem:v61+s18+$0x0], $0xffff;
	v44 =	vmul.f32 $1.442695020e+00, v21;
	v21 =	vpop (erf);
	(erf) = vpow2.f32 v56  }
0x2de: {  	v56 =	vmul.f32 $1.442695020e+00, v22;
	v14 =	vadd.f32 v20, v14;
	v42 =	vmul.f32 $1.442695020e+00, v52;
	v52 =	vld [tilespmem:$0x15C0]  }
0x2df: {  	v12 =	vadd.f32 v26, v12;
	v26 =	vmul.f32 v1, v33;
	v19 =	vpop (erf);
	v22 =	vld.idx.msk [tilespmem:v2+s15+$0x0], $0xffff;
	(erf) = vpow2.f32 v44  }
0x2e0: {  	v0 =	vmul.f32 $1.442695020e+00, v0;
	v3 =	vpop (erf);
	(erf) = vpow2.f32 v56;
	v14 =	vadd.f32 v43, v14;
	v43 =	vld [tilespmem:$0x1570]  }
0x2e1: {  	v1 =	vmov v51;
	v51 =	vld [tilespmem:$0x1FD60];
	v2 =	vpop (erf);
	v56 =	vmul.f32 v45, v50;
	(erf) = vpow2.f32 v42  }
0x2e2: {  	v12 =	vadd.f32 v26, v12;
	v36 =	vld [tilespmem:$0x1560];
	v20 =	vpop (erf);
	(erf) = vpow2.f32 v0;
	v0 =	vmul.f32 v57, v48  }
0x2e3: {  	v44 =	vld [tilespmem:$0x15A0];
	v14 =	vadd.f32 v56, v14;
	v57 =	vmul.f32 v46, v52  }
0x2e4: {  	v56 =	vld [tilespmem:$0x1FF80];
	v22 =	vmul.f32 $1.442695020e+00, v22;
	v0 =	vadd.f32 v0, v12;
	v12 =	vmul.f32 v47, v16  }
0x2e5: {  	v49 =	vmul.f32 $1.442695020e+00, v49;
	v28 =	vmul.f32 v62, v43;
	v62 =	vld [tilespmem:$0x1FF90];
	v14 =	vadd.f32 v57, v14  }
0x2e6: {  	v26 =	vpop (erf);
	(erf) = vpow2.f32 v22;
	v42 =	vadd.f32 v12, v0;
	v0 =	vmul.f32 v38, v31;
	v38 =	vld [tilespmem:$0x1FD40]  }
0x2e7: {  	v57 =	vmul.f32 v63, v34;
	v63 =	vld [tilespmem:$0x1FFB0];
	[tilespmem:$0x1FDE0] =	vst v14;
	v14 =	vmul.f32 v58, v37  }
0x2e8: {  	v58 =	vmul.f32 $1.442695020e+00, v29;
	v29 =	vpop (erf);
	(erf) = vpow2.f32 v49;
	v49 =	vld [tilespmem:$0x1FD50]  }
0x2e9: {  	v45 =	vld [tilespmem:$0x15B0]  }
0x2ea: {  	v46 =	vld [tilespmem:$0x15E0]  }
0x2eb: {  	v47 =	vld [tilespmem:$0x15F0]  }
0x2ec: {  	v14 =	vadd.f32 v14, v25;
	v25 =	vld.idx.msk [tilespmem:v56+s18+$0x0], $0xffff;
	v22 =	vmul.f32 v38, v36  }
0x2ed: {  	v0 =	vadd.f32 v0, v27;
	v27 =	vmul.f32 v49, v44;
	v49 =	vld.idx.msk [tilespmem:v62+s18+$0x0], $0xffff  }
0x2ee: {  	v6 =	vmul.f32 v6, v32;
	v12 =	vpop (erf);
	(erf) = vpow2.f32 v58;
	v14 =	vadd.f32 v22, v14  }
0x2ef: {  	v0 =	vadd.f32 v28, v0;
	v22 =	vmul.f32 v51, v46;
	v51 =	vmul.f32 v59, v45;
	v58 =	vld.idx.msk [tilespmem:v63+s18+$0x0], $0xffff  }
0x2f0: {  	v57 =	vadd.f32 v57, v54;
	v28 =	vmul.f32 v60, v47;
	v14 =	vadd.f32 v27, v14  }
0x2f1: {  	v59 =	vmul.f32 v53, v52;
	v0 =	vadd.f32 v51, v0;
	v25 =	vmul.f32 $1.442695020e+00, v25  }
0x2f2: {  	v27 =	vmul.f32 v40, v35;
	v51 =	vadd.f32 v22, v14;
	v14 =	vmul.f32 $1.442695020e+00, v49  }
0x2f3: {  	v22 =	vpop (erf);
	v53 =	vadd.f32 v28, v0;
	v0 =	vmul.f32 v7, v33;
	(erf) = vpow2.f32 v25  }
0x2f4: {  	v7 =	vpop (erf);
	(erf) = vpow2.f32 v14;
	v14 =	vmul.f32 $1.442695020e+00, v58;
	v58 =	vadd.f32 v6, v55  }
0x2f5: {  	v38 =	vmul.f32 v39, v50;
	v39 =	vmul.f32 v41, v48;
	v41 =	vadd.f32 v27, v57;
	v57 =	vld [tilespmem:$0x1FD70]  }
0x2f6: {  	v0 =	vadd.f32 v0, v58;
	v58 =	vld [tilespmem:$0x1FD80]  }
0x2f7: {  	v60 =	vld.idx.msk [tilespmem:v61+s2+$0x0], $0xffff  }
0x2f8: {  	v40 =	vmul.f32 v24, v16;
	v24 =	vadd.f32 v38, v41;
	_ =	sdelay $0x1  }
0x2f9: {  	v8 =	vmul.f32 v8, v37;
	v13 =	vmul.f32 v13, v31;
	v24 =	vadd.f32 v59, v24;
	v59 =	vld.idx.msk [tilespmem:v1+s2+$0x0], $0xffff  }
0x2fa: {  	v23 =	vmul.f32 v23, v57;
	v4 =	vmul.f32 v4, v58;
	v58 =	vmov v1;
	v1 =	vld [tilespmem:$0x1FD90]  }
0x2fb: {  	v28 =	vpop (erf);
	(erf) = vpow2.f32 v14;
	v14 =	vmul.f32 $1.442695020e+00, v60  }
0x2fc: {  	v15 =	vmul.f32 v15, v43;
	v25 =	vpop (erf);
	v13 =	vadd.f32 v13, v23  }
0x2fd: {  	v10 =	vmul.f32 v10, v36;
	v8 =	vadd.f32 v8, v18;
	v6 =	vpop (erf)  }
0x2fe: {  	v18 =	vmul.f32 v30, v34;
	v5 =	vmul.f32 v5, v45;
	v27 =	vpop (erf);
	v13 =	vadd.f32 v15, v13  }
0x2ff: {  	v8 =	vadd.f32 v10, v8;
	(erf) = vpow2.f32 v14;
	v14 =	vpop (erf);
	v10 =	vmul.f32 v2, v1;
	v1 =	vld [tilespmem:$0x1FDA0]  }
0x300: {  	v21 =	vmul.f32 v21, v35;
	v19 =	vmul.f32 v19, v50;
	v38 =	vpop (erf);
	v5 =	vadd.f32 v5, v13;
	v13 =	vld [tilespmem:$0x1FDC0]  }
0x301: {  	v9 =	vmul.f32 v9, v44;
	v3 =	vmul.f32 v3, v52;
	v0 =	vadd.f32 v39, v0;
	v49 =	vpop (erf)  }
0x302: {  	v11 =	vmul.f32 v11, v46;
	v17 =	vmul.f32 v17, v47;
	v55 =	vld.idx.msk [tilespmem:v56+s2+$0x0], $0xffff;
	v30 =	vpop (erf)  }
0x303: {  	v12 =	vmul.f32 v12, v16;
	v7 =	vmul.f32 v7, v37;
	v0 =	vadd.f32 v40, v0;
	v40 =	vld [tilespmem:$0x1FDB0];
	v23 =	vpop (erf)  }
0x304: {  	v41 =	vld [tilespmem:$0x1FDD0];
	v15 =	vmul.f32 v20, v32;
	v2 =	vpop (erf);
	v22 =	vmul.f32 v22, v1;
	v1 =	vadd.f32 v9, v8  }
0x305: {  	v60 =	vpop (erf);
	v13 =	vmul.f32 v23, v13;
	v23 =	vmul.f32 v2, v34;
	v34 =	vld.idx.msk [tilespmem:v62+s2+$0x0], $0xffff  }
0x306: {  	v59 =	vmul.f32 $1.442695020e+00, v59;
	v1 =	vadd.f32 v11, v1;
	v11 =	vmul.f32 v60, v35;
	v60 =	vld.idx.msk [tilespmem:v63+s2+$0x0], $0xffff  }
0x307: {  	v2 =	vadd.f32 v17, v5;
	v5 =	vmul.f32 v29, v48;
	v29 =	vld.idx.msk [tilespmem:v61+s14+$0x0], $0xffff;
	v8 =	vmul.f32 v26, v33;
	v26 =	vpop (erf)  }
0x308: {  	v54 =	vmul.f32 $1.442695020e+00, v55;
	v4 =	vadd.f32 v18, v4;
	v55 =	vld.idx.msk [tilespmem:v58+s14+$0x0], $0xffff;
	v9 =	vmul.f32 v27, v40;
	v27 =	vpop (erf)  }
0x309: {  	v6 =	vmul.f32 v6, v46;
	(erf) = vpow2.f32 v59;
	v10 =	vadd.f32 v15, v10;
	v57 =	vpop (erf)  }
0x30a: {  	v4 =	vadd.f32 v21, v4;
	v15 =	vmul.f32 $1.442695020e+00, v34;
	v17 =	vmul.f32 v57, v41;
	v57 =	vld.idx.msk [tilespmem:v56+s14+$0x0], $0xffff  }
0x30b: {  	(erf) = vpow2.f32 v54;
	v8 =	vadd.f32 v8, v10;
	v60 =	vmul.f32 $1.442695020e+00, v60  }
0x30c: {  	v4 =	vadd.f32 v19, v4;
	v34 =	vld.idx.msk [tilespmem:v62+s14+$0x0], $0xffff;
	(erf) = vpow2.f32 v15;
	v15 =	vmul.f32 $1.442695020e+00, v29  }
0x30d: {  	v35 =	vld.idx.msk [tilespmem:v63+s14+$0x0], $0xffff;
	v5 =	vadd.f32 v5, v8;
	v8 =	vmul.f32 $1.442695020e+00, v55;
	(erf) = vpow2.f32 v60  }
0x30e: {  	v3 =	vadd.f32 v3, v4;
	v4 =	vmul.f32 v14, v31;
	v14 =	vld.idx.msk [tilespmem:v61+s15+$0x0], $0xffff;
	(erf) = vpow2.f32 v15  }
0x30f: {  	v5 =	vadd.f32 v12, v5;
	v12 =	vld.idx.msk [tilespmem:v58+s15+$0x0], $0xffff;
	(erf) = vpow2.f32 v8;
	v8 =	vmul.f32 $1.442695020e+00, v57  }
0x310: {  	v59 =	vmul.f32 v28, v36;
	v7 =	vadd.f32 v7, v22;
	v15 =	vmul.f32 v25, v44  }
0x311: {  	v39 =	vld.idx.msk [tilespmem:v56+s15+$0x0], $0xffff;
	(erf) = vpow2.f32 v8;
	v8 =	vmul.f32 $1.442695020e+00, v34  }
0x312: {  	v40 =	vmul.f32 v49, v45;
	v7 =	vadd.f32 v59, v7;
	v41 =	vmul.f32 $1.442695020e+00, v35  }
0x313: {  	(erf) = vpow2.f32 v8;
	v8 =	vmul.f32 $1.442695020e+00, v14  }
0x314: {  	v12 =	vmul.f32 $1.442695020e+00, v12;
	v7 =	vadd.f32 v15, v7;
	v15 =	vpop (erf);
	v14 =	vld.idx.msk [tilespmem:v62+s15+$0x0], $0xffff;
	(erf) = vpow2.f32 v41  }
0x315: {  	v13 =	vadd.f32 v23, v13;
	v49 =	vmul.f32 v15, v32;
	(erf) = vpow2.f32 v8;
	v8 =	vld.idx.msk [tilespmem:v63+s15+$0x0], $0xffff  }
0x316: {  	v38 =	vmul.f32 v38, v43;
	v4 =	vadd.f32 v4, v9;
	v9 =	vmul.f32 $1.442695020e+00, v39;
	v15 =	vpop (erf)  }
0x317: {  	v59 =	vld [tilespmem:$0x1FDE0];
	v15 =	vmul.f32 v15, v33;
	v10 =	vadd.f32 v49, v17;
	(erf) = vpow2.f32 v12  }
0x318: {  	v4 =	vadd.f32 v38, v4;
	v11 =	vadd.f32 v11, v13;
	v12 =	vpop (erf);
	(erf) = vpow2.f32 v9  }
0x319: {  	v13 =	vpop (erf);
	v10 =	vadd.f32 v15, v10;
	v12 =	vmul.f32 v12, v48;
	v55 =	vmul.f32 $1.442695020e+00, v14  }
0x31a: {  	v61 =	vld [tilespmem:$0x1FDF0];
	v54 =	vmul.f32 v26, v50;
	v4 =	vadd.f32 v40, v4;
	v14 =	vpop (erf);
	v8 =	vmul.f32 $1.442695020e+00, v8  }
0x31b: {  	v58 =	vmul.f32 v30, v47;
	v15 =	vpop (erf);
	v10 =	vadd.f32 v12, v10;
	(erf) = vpow2.f32 v55  }
0x31c: {  	v62 =	vld [tilespmem:$0x1FE00];
	v12 =	vmul.f32 v13, v16;
	v57 =	vpop (erf);
	(erf) = vpow2.f32 v8;
	v8 =	vmax.f32 v59, v42  }
0x31d: {  	v56 =	vmul.f32 v27, v52;
	v11 =	vadd.f32 v54, v11;
	v13 =	vpop (erf)  }
0x31e: {  	v4 =	vadd.f32 v58, v4;
	v6 =	vadd.f32 v6, v7;
	v60 =	vpop (erf);
	v7 =	vmax.f32 v8, v51  }
0x31f: {  	v11 =	vadd.f32 v56, v11;
	v14 =	vmul.f32 v14, v61;
	v7 =	vmax.f32 v7, v53;
	v8 =	vpop (erf)  }
0x320: {  	v15 =	vmul.f32 v15, v37;
	v10 =	vadd.f32 v12, v10;
	v7 =	vmax.f32 v7, v24;
	v12 =	vpop (erf)  }
0x321: {  	v8 =	vmul.f32 v8, v62;
	v7 =	vmax.f32 v7, v0;
	v12 =	vmul.f32 v12, v31  }
0x322: {  	v9 =	vmul.f32 v57, v36;
	v14 =	vadd.f32 v15, v14;
	v63 =	vpop (erf);
	v7 =	vmax.f32 v7, v1  }
0x323: {  	v7 =	vmax.f32 v7, v2;
	v8 =	vadd.f32 v12, v8;
	v12 =	vmul.f32 v63, v43  }
0x324: {  	v13 =	vmul.f32 v13, v44;
	v9 =	vadd.f32 v9, v14;
	v15 =	vpop (erf);
	v7 =	vmax.f32 v7, v3  }
0x325: {  	v7 =	vmax.f32 v7, v5;
	v8 =	vadd.f32 v12, v8;
	v12 =	vmul.f32 v15, v45  }
0x326: {  	v9 =	vadd.f32 v13, v9;
	v13 =	vmul.f32 v60, v46;
	v14 =	vpop (erf);
	v7 =	vmax.f32 v7, v6  }
0x327: {  	v7 =	vmax.f32 v7, v4;
	v8 =	vadd.f32 v12, v8;
	v12 =	vmul.f32 v14, v47  }
0x328: {  	v9 =	vadd.f32 v13, v9;
	v7 =	vmax.f32 v7, v11  }
0x329: {  	v7 =	vmax.f32 v7, v10;
	v8 =	vadd.f32 v12, v8  }
0x32a: {  	v7 =	vmax.f32 v7, v9  }
0x32b: {  	v7 =	vmax.f32 v7, v8  }
0x32c: {  	v7 =	vshrl.u32 v7, $0x17  }
0x32d: {  	v7 =	vor.u32 $0x80000000, v7  }
0x32e: {  	(xrf0) =	vmax.scan.msk.u32 $0xffff, v7;
	_ =	sdelay $0x5  }
0x32f: {  	v7, _, _ =	vpop (xrf0)  }
0x330: {  	(v2sf) =	vpush v7, $0xF;
	_ =	sdelay $0xe  }
0x331: {  	s19 =	spop (v2sf)  }
0x332: {  	s28 =	sshll.u32 s19, $0x17  }
0x333: {  	v12 =	vld [tilespmem:$0x1FFE0];
	s13 =	ssub.s32 $0x7F000000, s28  }
0x334: {  	v7 =	vmov s13  }
0x335: {  	v7 =	vbroadcast v7, $0x0;
	_ =	sdelay $0x1  }
0x336: {  	v35 =	vmul.f32 v7, v0;
	v0 =	vld [tilespmem:$0x1FFC0];
	_ =	sdelay $0x1  }
0x337: {  	v56 =	vmul.f32 v7, v59  }
0x338: {  	v54 =	vmul.f32 v7, v42  }
0x339: {  	v52 =	vmul.f32 v7, v51;
	[tilespmem:v12+s1+$0x0] =	vst.idx.msk $0xffff, v56  }
0x33a: {  	v46 =	vmul.f32 v7, v53;
	[tilespmem:v12+s0+$0x0] =	vst.idx.msk $0xffff, v54  }
0x33b: {  	v45 =	vmul.f32 v7, v24;
	[tilespmem:v12+s4+$0x0] =	vst.idx.msk $0xffff, v52  }
0x33c: {  	[tilespmem:v12+s5+$0x0] =	vst.idx.msk $0xffff, v46  }
0x33d: {  	v34 =	vmul.f32 v7, v1;
	[tilespmem:v0+s1+$0x0] =	vst.idx.msk $0xffff, v45  }
0x33e: {  	v31 =	vmul.f32 v7, v2;
	[tilespmem:v0+s0+$0x0] =	vst.idx.msk $0xffff, v35  }
0x33f: {  	[tilespmem:v0+s4+$0x0] =	vst.idx.msk $0xffff, v34  }
0x340: {  	[tilespmem:v0+s5+$0x0] =	vst.idx.msk $0xffff, v31;
	v0 =	vld [tilespmem:$0x1FFD0];
	_ =	sdelay $0x5  }
0x341: {  	v30 =	vmul.f32 v7, v3  }
0x342: {  	v12 =	vmul.f32 v7, v5  }
0x343: {  	v6 =	vmul.f32 v7, v6;
	[tilespmem:v0+s1+$0x0] =	vst.idx.msk $0xffff, v30  }
0x344: {  	v5 =	vmul.f32 v7, v4;
	[tilespmem:v0+s0+$0x0] =	vst.idx.msk $0xffff, v12  }
0x345: {  	[tilespmem:v0+s4+$0x0] =	vst.idx.msk $0xffff, v6  }
0x346: {  	[tilespmem:v0+s5+$0x0] =	vst.idx.msk $0xffff, v5;
	v0 =	vld [tilespmem:$0x1FFF0];
	_ =	sdelay $0x5  }
0x347: {  	v4 =	vmul.f32 v7, v11  }
.Ltmp2:
0x348: {  	v3 =	vmul.f32 v7, v10;
	(pc) =	sbr.rel @p0 .LBB2_4-.Ltmp2, $4  }
0x349: {  	v2 =	vmul.f32 v7, v9;
	[tilespmem:v0+s1+$0x0] =	vst.idx.msk $0xffff, v4  }
0x34a: {  	v1 =	vmul.f32 v7, v8;
	[tilespmem:v0+s0+$0x0] =	vst.idx.msk $0xffff, v3  }
0x34b: {  	s6 =	sadd.s32 s19, s10;
	[tilespmem:v0+s4+$0x0] =	vst.idx.msk $0xffff, v2  }
0x34c: {  	s10 =	sadd.s32 $0x7FFFFF81, s6;
	[tilespmem:v0+s5+$0x0] =	vst.idx.msk $0xffff, v1  }
0x34d: {  	[tilespmem:$0x1FE60] =	vst v12  }
0x34e: {  	[tilespmem:$0x1FE50] =	vst v6  }
0x34f: {  	[tilespmem:$0x1FE40] =	vst v5  }
.Ltmp3:
0x350: {  	[tilespmem:$0x1FE30] =	vst v4;
	(pc) =	sbr.rel .LBB2_2-.Ltmp3, $4  }
0x351: {  	[tilespmem:$0x1FE20] =	vst v3  }
0x352: {  	[tilespmem:$0x1FE10] =	vst v2;
	s6 =	rddreg [dreg:$0x9];
	s13 =	simm.s32 $0x80;
	s19 =	simm.s32 $0x400  }
0x353: {  	[tilespmem:$0x1FE70] =	vst v1;
	s11 =	sadd.s32 $0x28000, s11;
	s6 =	sadd.s32 s12, s6;
	s12 =	sadd.s32 $0x5000, s12  }
0x354: {  	[tilespmem:s18], [sflag:$0x4] =	stream.strided.gather [hbm4b:s6+s13], $0x500, s19, s13, $0x38;
	[tilespmem:$0x1680] =	vst v63  }
.LBB2_5:
0x355: {  	_ =	sfence.sel $0x180000  }
0x356: {  	[bflag:$0x0] =	sbarrier.arrive $0xFFFF  }
0x357: {  	_ =	strace $0x90000047  }
0x358: {  	s0 =	stileid.u32;
	[bflag:$0x2] =	sbarrier.arrive $0xFFFF  }
0x359: {  	p0 =	sne.s32 s0, $0x0;
	s0 =	rddreg [dreg:$0x2]  }
0x35a: {  	s0 =	sadd.s32 @!p0 $0x100000, s0  }
0x35b: {  	[sflag:s0] =	ssyncadd.tile.s32 @!p0 $0x1;
	_ =	shalt  }
.Lfunc_end2:
_tile_overlayer_lowered:
.L_overlay_start_2:
0x35c: {  	(tag) =	ssettag $0x2  }
0x35d: {  	s0 =	rddreg [dreg:$0x0];
	s2 =	stileid.u32  }
0x35e: {  	s1 =	rddreg [dreg:$0x1];
	p0 =	sne.s32 s2, $0x0  }
0x35f: {  	s3 =	rddreg [dreg:$0x2];
	[bflag:$0x3] =	sbarrier.arrive $0xFFFF;
	s2 =	simm.s32 @!p0 $0x1C05  }
0x360: {  	[timem:s3], [sflag:s2] =	dma.local @!p0 [hbm:s0], s1  }
0x361: {  	s0 =	simm.s32 @!p0 $0x5  }
0x362: {  	_ =	swait.ge @!p0 [sflag:s0], s1  }
0x363: {  	s1 =	ssub.s32 @!p0 $0x0, s1;
	[sflag:s0] =	ssyncset.done @!p0 $0x0  }
0x364: {  	[sflag:s0] =	ssyncadd.s32 @!p0 s1  }
0x365: {  	[bflag:$0x3] =	sbarrier.arrive $0xFFFF  }
0x366: {  	_ =	shalt  }

</sc_bundles>
